<compile_context>
chip_gen: v7x
topology: tpu7x:2x2x1
jax: 0.10.2.dev20260603
libtpu: 0.0.44.dev20260713+nightly
codegen_flags: <defaults>
</compile_context>

<pallas_src>
import functools

import jax
import jax.numpy as jnp
from jax import lax
from jax.experimental import pallas as pl
from jax.experimental.pallas import tpu as pltpu
from jax.experimental.pallas import tpu_sc as plsc

_E = 8
_K = 2
_N = 2048
_D = 1024
_H = 512
_TBG = 256
_NP = 4096 + _E * _TBG
_NB = _NP // _TBG
_NBP = 64
_CH = 512
_RW = 128


def _silu(v):
    return v / (1.0 + jnp.exp(-v))


def _as_bf16(v_i32):
    return lax.bitcast_convert_type(v_i32, jnp.bfloat16).reshape(
        v_i32.shape[0], v_i32.shape[1] * 2)


def _dot_t(a, b):
    return lax.dot_general(a, b, (((1,), (1,)), ((), ())),
                           preferred_element_type=jnp.float32)


def _routing_body(lg_ref, bias_ref, pos_ref, rec_ref, meta_ref):
    lg = lg_ref[...]
    lb = lg + bias_ref[...]
    ii = lax.broadcasted_iota(jnp.int32, lb.shape, 1)
    m1 = jnp.max(lb, axis=1, keepdims=True)
    i1 = jnp.min(jnp.where(lb == m1, ii, _E), axis=1, keepdims=True)
    lb2 = jnp.where(ii == i1, -jnp.inf, lb)
    m2 = jnp.max(lb2, axis=1, keepdims=True)
    i2 = jnp.min(jnp.where(lb2 == m2, ii, _E), axis=1, keepdims=True)
    ex = jnp.exp(lg - jnp.max(lg, axis=1, keepdims=True))
    sc = ex / jnp.sum(ex, axis=1, keepdims=True)
    s1 = jnp.sum(jnp.where(ii == i1, sc, 0.0), axis=1, keepdims=True)
    s2 = jnp.sum(jnp.where(ii == i2, sc, 0.0), axis=1, keepdims=True)
    tot = s1 + s2
    lane16 = lax.broadcasted_iota(jnp.int32, (_N, _RW), 1)
    ti = lax.broadcasted_iota(jnp.int32, (_N, _RW), 0).astype(jnp.float32)
    rec_ref[pl.ds(0, _N), :] = jnp.where(
        lane16 == 0, ti, jnp.where(lane16 == 1, s1 / tot, 0.0))
    rec_ref[pl.ds(_N, _N), :] = jnp.where(
        lane16 == 0, ti, jnp.where(lane16 == 1, s2 / tot, 0.0))

    tri = (lax.broadcasted_iota(jnp.int32, (_CH, _CH), 0)
           > lax.broadcasted_iota(jnp.int32, (_CH, _CH), 1)).astype(jnp.bfloat16)
    lane = lax.broadcasted_iota(jnp.int32, (_CH, _E), 1)
    ohs, ranks = [], []
    run = jnp.zeros((1, _E), jnp.float32)
    ng = (_K * _N) // _CH
    for g in range(ng):
        src = i1 if g < ng // 2 else i2
        r0 = (g % (ng // 2)) * _CH
        e_blk = lax.slice(src, (r0, 0), (r0 + _CH, 1))
        oh = (lane == e_blk).astype(jnp.float32)
        rank = lax.dot_general(tri, oh.astype(jnp.bfloat16),
                               (((1,), (0,)), ((), ())),
                               preferred_element_type=jnp.float32) + run
        ohs.append(oh)
        ranks.append(rank)
        run = run + jnp.sum(oh, axis=0, keepdims=True)

    cnt = run
    nblk = jnp.floor((cnt + (_TBG - 1)) * (1.0 / _TBG))
    mlt = (lax.broadcasted_iota(jnp.int32, (_E, _E), 0)
           < lax.broadcasted_iota(jnp.int32, (_E, _E), 1)).astype(jnp.bfloat16)
    cumblk = lax.dot_general(nblk.astype(jnp.bfloat16), mlt,
                             (((1,), (0,)), ((), ())),
                             preferred_element_type=jnp.float32)
    offpad = cumblk * float(_TBG)

    for g in range(ng):
        posf = jnp.sum(ohs[g] * (ranks[g] + offpad), axis=1, keepdims=True)
        pos_ref[pl.ds(g * _CH, _CH), :] = posf.astype(jnp.int32)

    bi = lax.broadcasted_iota(jnp.int32, (_NBP, _E), 0).astype(jnp.float32)
    ind = (bi >= cumblk).astype(jnp.float32)
    be = jnp.sum(ind, axis=1, keepdims=True) - 1.0
    totblk = jnp.sum(nblk)
    act = (bi[:, :1] < totblk).astype(jnp.float32)
    meta_ref[pl.ds(0, _NBP), :] = be.astype(jnp.int32)
    meta_ref[pl.ds(_NBP, _NBP), :] = act.astype(jnp.int32)


def _routing(logits, router_bias):
    return pl.pallas_call(
        _routing_body,
        in_specs=[
            pl.BlockSpec((_N, _E), lambda: (0, 0)),
            pl.BlockSpec((1, _E), lambda: (0, 0)),
        ],
        out_specs=[
            pl.BlockSpec((_K * _N, 1), lambda: (0, 0)),
            pl.BlockSpec((_K * _N, _RW), lambda: (0, 0)),
            pl.BlockSpec((2 * _NBP, 1), lambda: (0, 0)),
        ],
        out_shape=[
            jax.ShapeDtypeStruct((_K * _N, 1), jnp.int32),
            jax.ShapeDtypeStruct((_K * _N, _RW), jnp.float32),
            jax.ShapeDtypeStruct((2 * _NBP, 1), jnp.int32),
        ],
    )(logits, router_bias.reshape(1, _E))


def _dispatch_body(pos_hbm, rec_hbm, recs_hbm, idx_v, rec_v, semr):
    wid = lax.axis_index("s") * 2 + lax.axis_index("c")
    npa = _K * _N // 32
    a0 = wid * npa
    pltpu.sync_copy(pos_hbm.at[pl.ds(a0, npa)], idx_v)
    pltpu.sync_copy(rec_hbm.at[pl.ds(a0, npa)], rec_v)
    pltpu.async_copy(rec_v, recs_hbm.at[idx_v], semr).wait()


def _dispatch_sc(pos_flat, rec):
    npa = _K * _N // 32
    mesh = plsc.VectorSubcoreMesh(core_axis_name="c", subcore_axis_name="s")
    f = functools.partial(
        pl.kernel,
        out_type=jax.ShapeDtypeStruct((_NP, _RW), jnp.float32),
        mesh=mesh,
        scratch_types=[
            pltpu.VMEM((npa,), jnp.int32),
            pltpu.VMEM((npa, _RW), jnp.float32),
            pltpu.SemaphoreType.DMA,
        ],
        compiler_params=pltpu.CompilerParams(use_tc_tiling_on_sc=True),
    )(_dispatch_body)
    return f(pos_flat, rec)


def _ffn_triple(x_blk, wu, wg, wd):
    up = _dot_t(x_blk, wu)
    gate = _dot_t(x_blk, wg)
    hid = _silu(up) * gate
    return lax.dot_general(hid.astype(jnp.bfloat16), wd,
                           (((1,), (0,)), ((), ())),
                           preferred_element_type=jnp.float32)


def _grouped_body(sp_ref, xbf_ref, rec_ref, wu_ref, wg_ref, wd_ref,
                  su_ref, sg_ref, sd_ref, eo_ref, sh_ref):
    b = pl.program_id(0)
    act = sp_ref[_NBP + b]

    @pl.when(b < _NB)
    def _():
        @pl.when(act == 1)
        def _():
            st_blk = rec_ref[:, 0:1]
            ws_blk = rec_ref[:, 1:2]
            toks = lax.broadcasted_iota(
                jnp.int32, (_TBG, _N), 1).astype(jnp.float32)
            p = (toks == st_blk).astype(jnp.bfloat16)
            xg = lax.dot_general(p, xbf_ref[...],
                                 (((1,), (0,)), ((), ())),
                                 preferred_element_type=jnp.float32)
            x_blk = xg.astype(jnp.bfloat16)
            eo = _ffn_triple(x_blk, wu_ref[0], wg_ref[0], wd_ref[0])
            eo_ref[...] = eo * ws_blk

        @pl.when(act == 0)
        def _():
            eo_ref[...] = jnp.zeros_like(eo_ref)

    @pl.when(b >= _NB)
    def _():
        tb = b - _NB
        x_blk = xbf_ref[pl.ds(tb * _TBG, _TBG), :]
        acc = None
        for s in range(su_ref.shape[0]):
            eo = _ffn_triple(x_blk, su_ref[s], sg_ref[s], sd_ref[s])
            acc = eo if acc is None else acc + eo
        sh_ref[...] = acc


def _grouped(meta, xbf, recs, up_r, gate_r, down_r,
             s_up, s_gate, s_down):
    nbt = _NB + _N // _TBG
    grid_spec = pltpu.PrefetchScalarGridSpec(
        num_scalar_prefetch=1,
        grid=(nbt,),
        in_specs=[
            pl.BlockSpec((_N, _D), lambda b, sp: (0, 0)),
            pl.BlockSpec((_TBG, _RW),
                         lambda b, sp: (jnp.minimum(b, _NB - 1), 0)),
            pl.BlockSpec((1, _H, _D), lambda b, sp: (sp[b], 0, 0)),
            pl.BlockSpec((1, _H, _D), lambda b, sp: (sp[b], 0, 0)),
            pl.BlockSpec((1, _H, _D), lambda b, sp: (sp[b], 0, 0)),
            pl.BlockSpec((2, _H, _D), lambda b, sp: (0, 0, 0)),
            pl.BlockSpec((2, _H, _D), lambda b, sp: (0, 0, 0)),
            pl.BlockSpec((2, _H, _D), lambda b, sp: (0, 0, 0)),
        ],
        out_specs=[
            pl.BlockSpec((_TBG, _D),
                         lambda b, sp: (jnp.minimum(b, _NB - 1), 0)),
            pl.BlockSpec((_TBG, _D),
                         lambda b, sp: (jnp.maximum(b - _NB, 0), 0)),
        ],
    )
    return pl.pallas_call(
        _grouped_body,
        grid_spec=grid_spec,
        out_shape=[
            jax.ShapeDtypeStruct((_NP, _D), jnp.float32),
            jax.ShapeDtypeStruct((_N, _D), jnp.float32),
        ],
        compiler_params=pltpu.CompilerParams(
            dimension_semantics=("arbitrary",)),
    )(meta.reshape(-1), xbf, recs, up_r, gate_r, down_r,
      s_up, s_gate, s_down)


_CSZ = 8


def _combine_body(eo_hbm, sh_hbm, pos_hbm, out_hbm,
                  idx0a, idx1a, g0a, g1a, sha,
                  idx0b, idx1b, g0b, g1b, shb,
                  o_v, sem0a, sem1a, semsa, sem0b, sem1b, semsb):
    wid = lax.axis_index("s") * 2 + lax.axis_index("c")
    tpw = _N // 32
    nch = tpw // _CSZ
    bufs = [(idx0a, idx1a, g0a, g1a, sha, sem0a, sem1a, semsa),
            (idx0b, idx1b, g0b, g1b, shb, sem0b, sem1b, semsb)]

    def start(ch):
        i0, i1, g0, g1, sh, s0, s1, ss = bufs[ch % 2]
        t0 = wid * tpw + ch * _CSZ
        pltpu.sync_copy(pos_hbm.at[pl.ds(t0, _CSZ)], i0)
        pltpu.sync_copy(pos_hbm.at[pl.ds(_N + t0, _CSZ)], i1)
        c0 = pltpu.async_copy(eo_hbm.at[i0], g0, s0)
        c1 = pltpu.async_copy(eo_hbm.at[i1], g1, s1)
        cs = pltpu.async_copy(sh_hbm.at[pl.ds(t0, _CSZ)], sh, ss)
        return c0, c1, cs

    pend = start(0)
    for ch in range(nch):
        nxt = start(ch + 1) if ch + 1 < nch else None
        for c in pend:
            c.wait()
        _, _, g0, g1, sh, _, _, _ = bufs[ch % 2]

        def body(c, carry):
            for r in range(_CSZ):
                sl = pl.ds(c * 16, 16)
                o_v[r, sl] = g0[r, sl] + g1[r, sl] + sh[r, sl]
            return carry

        lax.fori_loop(0, _D // 16, body, 0)
        t0 = wid * tpw + ch * _CSZ
        pltpu.sync_copy(o_v, out_hbm.at[pl.ds(t0, _CSZ)])
        pend = nxt


def _combine_sc(eo, shared_out, pos_flat):
    mesh = plsc.VectorSubcoreMesh(core_axis_name="c", subcore_axis_name="s")
    buf = lambda: pltpu.VMEM((_CSZ, _D), jnp.float32)
    idx = lambda: pltpu.VMEM((_CSZ,), jnp.int32)
    f = functools.partial(
        pl.kernel,
        out_type=jax.ShapeDtypeStruct((_N, _D), jnp.float32),
        mesh=mesh,
        scratch_types=[
            idx(), idx(), buf(), buf(), buf(),
            idx(), idx(), buf(), buf(), buf(),
            buf(),
            pltpu.SemaphoreType.DMA, pltpu.SemaphoreType.DMA,
            pltpu.SemaphoreType.DMA, pltpu.SemaphoreType.DMA,
            pltpu.SemaphoreType.DMA, pltpu.SemaphoreType.DMA,
        ],
        compiler_params=pltpu.CompilerParams(use_tc_tiling_on_sc=True),
    )(_combine_body)
    return f(eo, shared_out, pos_flat)


@jax.jit
def kernel(x, Wr, router_bias, W_up, W_gate, W_down, Ws_up, Ws_gate, Ws_down):
    Bn, Tn, Dn = x.shape
    bf = jnp.bfloat16
    flat = x.reshape(_N, _D)
    logits = flat @ Wr.T
    xbf = flat.astype(bf)

    up_r = W_up.astype(bf)
    gate_r = W_gate.astype(bf)
    down_r = W_down.astype(bf).transpose(0, 2, 1)
    s_up = Ws_up[0].astype(bf).reshape(2, _H, _D)
    s_gate = Ws_gate[0].astype(bf).reshape(2, _H, _D)
    s_down = Ws_down[0].astype(bf).T.reshape(2, _H, _D)

    pos, rec, meta = _routing(logits, router_bias)
    pos_flat = pos.reshape(-1)

    recs = _dispatch_sc(pos_flat, rec)
    eo, sh = _grouped(meta, xbf, recs,
                      up_r, gate_r, down_r, s_up, s_gate, s_down)
    out = _combine_sc(eo, sh, pos_flat)
    return out.reshape(Bn, Tn, Dn)

# --- scband reference (transcript-rebuilt; emitter-appended) ---
"""Pipeline reference for scband-mo-effn-72198400246395 (READ-ONLY COPY).

The authoritative reference and input builder live on the scoring server;
editing this copy changes nothing except your own understanding.
"""

import jax, jax.numpy as jnp
import numpy as np

E = 8
K = 2
D = 1024
H = 512
NS = 1
HS = H * K
B, T = 1, 2048


def setup_inputs(seed: int = 0) -> dict:
    key = jax.random.key(seed)
    ks = jax.random.split(key, 9)
    x = jax.random.normal(ks[0], (B, T, D), dtype=jnp.float32)
    Wr = jax.random.normal(ks[1], (E, D), dtype=jnp.float32) * 0.02
    router_bias = jnp.zeros((E,), dtype=jnp.float32)
    W_up = jax.random.normal(ks[2], (E, H, D), dtype=jnp.float32) * 0.02
    W_gate = jax.random.normal(ks[3], (E, H, D), dtype=jnp.float32) * 0.02
    W_down = jax.random.normal(ks[4], (E, D, H), dtype=jnp.float32) * 0.02
    Ws_up = jax.random.normal(ks[5], (NS, HS, D), dtype=jnp.float32) * 0.02
    Ws_gate = jax.random.normal(ks[6], (NS, HS, D), dtype=jnp.float32) * 0.02
    Ws_down = jax.random.normal(ks[7], (NS, D, HS), dtype=jnp.float32) * 0.02
    return {"x": x, "Wr": Wr, "router_bias": router_bias, "W_up": W_up,
            "W_gate": W_gate, "W_down": W_down, "Ws_up": Ws_up,
            "Ws_gate": Ws_gate, "Ws_down": Ws_down}


def reference(x, Wr, router_bias, W_up, W_gate, W_down, Ws_up, Ws_gate, Ws_down):
    Bn, Tn, Dn = x.shape
    flat = x.reshape(Bn * Tn, Dn)
    N = flat.shape[0]
    logits = flat @ Wr.T                      # [N, E]
    scores = jax.nn.softmax(logits, axis=-1)  # [N, E]
    _, topk_idx = jax.lax.top_k(logits + router_bias, K)   # [N, K] (bias shifts selection only)
    topk_scores = jnp.take_along_axis(scores, topk_idx, axis=-1)  # [N, K]
    topk_scores = topk_scores / topk_scores.sum(axis=-1, keepdims=True)
    # combine weights per expert (scatter-add of gate weights): [N, E]
    comb = jnp.zeros((N, E), dtype=flat.dtype).at[jnp.arange(N)[:, None], topk_idx].add(topk_scores)
    # routed experts, computed densely; zero combine-weight zeroes unrouted contributions
    up = jnp.einsum('nd,ehd->neh', flat, W_up)
    gate = jnp.einsum('nd,ehd->neh', flat, W_gate)
    hid = jax.nn.silu(up) * gate
    eo = jnp.einsum('neh,edh->ned', hid, W_down)   # [N, E, D]
    out = jnp.einsum('ned,ne->nd', eo, comb)
    # shared experts always active
    for i in range(Ws_up.shape[0]):
        h = jax.nn.silu(flat @ Ws_up[i].T) * (flat @ Ws_gate[i].T)
        out = out + h @ Ws_down[i].T
    return out.reshape(Bn, Tn, Dn)

if __name__ == "__main__":
    import jax
    _d = setup_inputs()
    print(jax.jit(kernel)(*tuple(_d.values())))

</pallas_src>

<mosaic_0001>
#map = affine_map<(d0, d1) -> (0)>
#map1 = affine_map<(d0, d1) -> (0, 0)>
module attributes {stable_mosaic.version = 14 : i64} {
  func.func @_dispatch_body(%arg0: i32, %arg1: i32, %arg2: memref<4096xi32, #tpu.memory_space<hbm>>, %arg3: memref<4096x128xf32, #tpu.memory_space<hbm>>, %arg4: memref<6144x128xf32, #tpu.memory_space<hbm>>, %arg5: memref<128xi32, #tpu.memory_space<vmem>>, %arg6: memref<128x128xf32, #tpu.memory_space<vmem>>, %arg7: memref<!tpu.dma_semaphore, #tpu.memory_space<semaphore_mem>>) attributes {dimension_semantics = [#tpu.dimension_semantics<core_parallel>, #tpu.dimension_semantics<subcore_parallel>], iteration_bounds = array<i64: 2, 16>, scalar_prefetch = 0 : i64, scratch_operands = 3 : i64, tpu.core_type = #tpu.core_type<sc_vector_subcore>, window_params = [{transform_indices = #map}, {transform_indices = #map1}, {transform_indices = #map1}]} {
    %mul3A = arith.constant 2 : i32
    %mul3A_0 = arith.muli %arg1, %mul3A : i32
    %add3A = arith.addi %mul3A_0, %arg0 : i32
    %mul3A_1 = arith.constant 128 : i32
    %mul3A_2 = arith.muli %add3A, %mul3A_1 : i32
    "tpu.region"() ({
      %run_scoped3A = tpu.sem_alloc : memref<!tpu.dma_semaphore, #tpu.memory_space<semaphore_mem>>
      %dma_start3A_7 = tpu.memref_slice %arg2[%mul3A_2] : memref<4096xi32, #tpu.memory_space<hbm>> -> memref<128xi32, #tpu.memory_space<hbm>>
      %dma_start3A_8 = tpu.memref_slice %arg2[%mul3A_2] : memref<4096xi32, #tpu.memory_space<hbm>> -> memref<128xi32, #tpu.memory_space<hbm>>
      tpu.enqueue_dma source(%dma_start3A_8 : memref<128xi32, #tpu.memory_space<hbm>>) target(%arg5 : memref<128xi32, #tpu.memory_space<vmem>>) target_semaphore(%run_scoped3A : memref<!tpu.dma_semaphore, #tpu.memory_space<semaphore_mem>>)
      %dma_wait3A_9 = tpu.memref_slice %arg2[%mul3A_2] : memref<4096xi32, #tpu.memory_space<hbm>> -> memref<128xi32, #tpu.memory_space<hbm>>
      %dma_wait3A_10 = tpu.memref_slice %arg2[%mul3A_2] : memref<4096xi32, #tpu.memory_space<hbm>> -> memref<128xi32, #tpu.memory_space<hbm>>
      tpu.wait_dma2 semaphore(%run_scoped3A : memref<!tpu.dma_semaphore, #tpu.memory_space<semaphore_mem>>) src(%dma_wait3A_10 : memref<128xi32, #tpu.memory_space<hbm>>) dst(%arg5 : memref<128xi32, #tpu.memory_space<vmem>>)
      tpu.yield
    }) : () -> ()
    "tpu.region"() ({
      %run_scoped3A = tpu.sem_alloc : memref<!tpu.dma_semaphore, #tpu.memory_space<semaphore_mem>>
      %dma_start3A_7 = arith.constant 0 : i32
      %dma_start3A_8 = tpu.memref_slice %arg3[%mul3A_2, %dma_start3A_7] : memref<4096x128xf32, #tpu.memory_space<hbm>> -> memref<128x128xf32, #tpu.memory_space<hbm>>
      %dma_start3A_9 = arith.constant 0 : i32
      %dma_start3A_10 = tpu.memref_slice %arg3[%mul3A_2, %dma_start3A_9] : memref<4096x128xf32, #tpu.memory_space<hbm>> -> memref<128x128xf32, #tpu.memory_space<hbm>>
      tpu.enqueue_dma source(%dma_start3A_10 : memref<128x128xf32, #tpu.memory_space<hbm>>) target(%arg6 : memref<128x128xf32, #tpu.memory_space<vmem>>) target_semaphore(%run_scoped3A : memref<!tpu.dma_semaphore, #tpu.memory_space<semaphore_mem>>)
      %dma_wait3A_11 = arith.constant 0 : i32
      %dma_wait3A_12 = tpu.memref_slice %arg3[%mul3A_2, %dma_wait3A_11] : memref<4096x128xf32, #tpu.memory_space<hbm>> -> memref<128x128xf32, #tpu.memory_space<hbm>>
      %dma_wait3A_13 = arith.constant 0 : i32
      %dma_wait3A_14 = tpu.memref_slice %arg3[%mul3A_2, %dma_wait3A_13] : memref<4096x128xf32, #tpu.memory_space<hbm>> -> memref<128x128xf32, #tpu.memory_space<hbm>>
      tpu.wait_dma2 semaphore(%run_scoped3A : memref<!tpu.dma_semaphore, #tpu.memory_space<semaphore_mem>>) src(%dma_wait3A_14 : memref<128x128xf32, #tpu.memory_space<hbm>>) dst(%arg6 : memref<128x128xf32, #tpu.memory_space<vmem>>)
      tpu.yield
    }) : () -> ()
    %dma_start3A = arith.constant 0 : i32
    %dma_start3A_3 = arith.constant 0 : i32
    %dma_start3A_4 = tpu.memref_slice %arg4[%dma_start3A, %dma_start3A_3] : memref<6144x128xf32, #tpu.memory_space<hbm>> -> memref<6144x128xf32, #tpu.memory_space<hbm>>
    tpu.enqueue_indirect_dma source(%arg6 : memref<128x128xf32, #tpu.memory_space<vmem>>) target(%dma_start3A_4 : memref<6144x128xf32, #tpu.memory_space<hbm>>) offsets(%arg5 : memref<128xi32, #tpu.memory_space<vmem>>) semaphore(%arg7 : memref<!tpu.dma_semaphore, #tpu.memory_space<semaphore_mem>>)
    %dma_wait3A = arith.constant 0 : i32
    %dma_wait3A_5 = arith.constant 0 : i32
    %dma_wait3A_6 = tpu.memref_slice %arg4[%dma_wait3A, %dma_wait3A_5] : memref<6144x128xf32, #tpu.memory_space<hbm>> -> memref<6144x128xf32, #tpu.memory_space<hbm>>
    tpu.wait_indirect_dma semaphore(%arg7 : memref<!tpu.dma_semaphore, #tpu.memory_space<semaphore_mem>>) src(%arg6 : memref<128x128xf32, #tpu.memory_space<vmem>>) dst(%dma_wait3A_6 : memref<6144x128xf32, #tpu.memory_space<hbm>>)
    return
  }
}

#map = affine_map<(d0, d1) -> (0, 0)>
#map1 = affine_map<(d0, d1) -> (0)>
module attributes {stable_mosaic.version = 14 : i64} {
  func.func @_combine_body(%arg0: i32, %arg1: i32, %arg2: memref<6144x1024xf32, #tpu.memory_space<hbm>>, %arg3: memref<2048x1024xf32, #tpu.memory_space<hbm>>, %arg4: memref<4096xi32, #tpu.memory_space<hbm>>, %arg5: memref<2048x1024xf32, #tpu.memory_space<hbm>>, %arg6: memref<8xi32, #tpu.memory_space<vmem>>, %arg7: memref<8xi32, #tpu.memory_space<vmem>>, %arg8: memref<8x1024xf32, #tpu.memory_space<vmem>>, %arg9: memref<8x1024xf32, #tpu.memory_space<vmem>>, %arg10: memref<8x1024xf32, #tpu.memory_space<vmem>>, %arg11: memref<8xi32, #tpu.memory_space<vmem>>, %arg12: memref<8xi32, #tpu.memory_space<vmem>>, %arg13: memref<8x1024xf32, #tpu.memory_space<vmem>>, %arg14: memref<8x1024xf32, #tpu.memory_space<vmem>>, %arg15: memref<8x1024xf32, #tpu.memory_space<vmem>>, %arg16: memref<8x1024xf32, #tpu.memory_space<vmem>>, %arg17: memref<!tpu.dma_semaphore, #tpu.memory_space<semaphore_mem>>, %arg18: memref<!tpu.dma_semaphore, #tpu.memory_space<semaphore_mem>>, %arg19: memref<!tpu.dma_semaphore, #tpu.memory_space<semaphore_mem>>, %arg20: memref<!tpu.dma_semaphore, #tpu.memory_space<semaphore_mem>>, %arg21: memref<!tpu.dma_semaphore, #tpu.memory_space<semaphore_mem>>, %arg22: memref<!tpu.dma_semaphore, #tpu.memory_space<semaphore_mem>>) attributes {dimension_semantics = [#tpu.dimension_semantics<core_parallel>, #tpu.dimension_semantics<subcore_parallel>], iteration_bounds = array<i64: 2, 16>, scalar_prefetch = 0 : i64, scratch_operands = 17 : i64, tpu.core_type = #tpu.core_type<sc_vector_subcore>, window_params = [{transform_indices = #map}, {transform_indices = #map}, {transform_indices = #map1}, {transform_indices = #map}]} {
    %mul3A = arith.constant 2 : i32
    %mul3A_0 = arith.muli %arg1, %mul3A : i32
    %add3A = arith.addi %mul3A_0, %arg0 : i32
    %mul3A_1 = arith.constant 64 : i32
    %mul3A_2 = arith.muli %add3A, %mul3A_1 : i32
    %add3A_3 = arith.constant 0 : i32
    %add3A_4 = arith.addi %mul3A_2, %add3A_3 : i32
    "tpu.region"() ({
      %run_scoped3A = tpu.sem_alloc : memref<!tpu.dma_semaphore, #tpu.memory_space<semaphore_mem>>
      %dma_start3A_286 = tpu.memref_slice %arg4[%add3A_4] : memref<4096xi32, #tpu.memory_space<hbm>> -> memref<8xi32, #tpu.memory_space<hbm>>
      %dma_start3A_287 = tpu.memref_slice %arg4[%add3A_4] : memref<4096xi32, #tpu.memory_space<hbm>> -> memref<8xi32, #tpu.memory_space<hbm>>
      tpu.enqueue_dma source(%dma_start3A_287 : memref<8xi32, #tpu.memory_space<hbm>>) target(%arg6 : memref<8xi32, #tpu.memory_space<vmem>>) target_semaphore(%run_scoped3A : memref<!tpu.dma_semaphore, #tpu.memory_space<semaphore_mem>>)
      %dma_wait3A_288 = tpu.memref_slice %arg4[%add3A_4] : memref<4096xi32, #tpu.memory_space<hbm>> -> memref<8xi32, #tpu.memory_space<hbm>>
      %dma_wait3A_289 = tpu.memref_slice %arg4[%add3A_4] : memref<4096xi32, #tpu.memory_space<hbm>> -> memref<8xi32, #tpu.memory_space<hbm>>
      tpu.wait_dma2 semaphore(%run_scoped3A : memref<!tpu.dma_semaphore, #tpu.memory_space<semaphore_mem>>) src(%dma_wait3A_289 : memref<8xi32, #tpu.memory_space<hbm>>) dst(%arg6 : memref<8xi32, #tpu.memory_space<vmem>>)
      tpu.yield
    }) : () -> ()
    %add3A_5 = arith.constant 2048 : i32
    %add3A_6 = arith.addi %add3A_5, %add3A_4 : i32
    "tpu.region"() ({
      %run_scoped3A = tpu.sem_alloc : memref<!tpu.dma_semaphore, #tpu.memory_space<semaphore_mem>>
      %dma_start3A_286 = tpu.memref_slice %arg4[%add3A_6] : memref<4096xi32, #tpu.memory_space<hbm>> -> memref<8xi32, #tpu.memory_space<hbm>>
      %dma_start3A_287 = tpu.memref_slice %arg4[%add3A_6] : memref<4096xi32, #tpu.memory_space<hbm>> -> memref<8xi32, #tpu.memory_space<hbm>>
      tpu.enqueue_dma source(%dma_start3A_287 : memref<8xi32, #tpu.memory_space<hbm>>) target(%arg7 : memref<8xi32, #tpu.memory_space<vmem>>) target_semaphore(%run_scoped3A : memref<!tpu.dma_semaphore, #tpu.memory_space<semaphore_mem>>)
      %dma_wait3A_288 = tpu.memref_slice %arg4[%add3A_6] : memref<4096xi32, #tpu.memory_space<hbm>> -> memref<8xi32, #tpu.memory_space<hbm>>
      %dma_wait3A_289 = tpu.memref_slice %arg4[%add3A_6] : memref<4096xi32, #tpu.memory_space<hbm>> -> memref<8xi32, #tpu.memory_space<hbm>>
      tpu.wait_dma2 semaphore(%run_scoped3A : memref<!tpu.dma_semaphore, #tpu.memory_space<semaphore_mem>>) src(%dma_wait3A_289 : memref<8xi32, #tpu.memory_space<hbm>>) dst(%arg7 : memref<8xi32, #tpu.memory_space<vmem>>)
      tpu.yield
    }) : () -> ()
    %dma_start3A = arith.constant 0 : i32
    %dma_start3A_7 = arith.constant 0 : i32
    %dma_start3A_8 = tpu.memref_slice %arg2[%dma_start3A, %dma_start3A_7] : memref<6144x1024xf32, #tpu.memory_space<hbm>> -> memref<6144x1024xf32, #tpu.memory_space<hbm>>
    tpu.enqueue_indirect_dma source(%dma_start3A_8 : memref<6144x1024xf32, #tpu.memory_space<hbm>>) target(%arg8 : memref<8x1024xf32, #tpu.memory_space<vmem>>) offsets(%arg6 : memref<8xi32, #tpu.memory_space<vmem>>) semaphore(%arg17 : memref<!tpu.dma_semaphore, #tpu.memory_space<semaphore_mem>>)
    %dma_start3A_9 = arith.constant 0 : i32
    %dma_start3A_10 = arith.constant 0 : i32
    %dma_start3A_11 = tpu.memref_slice %arg2[%dma_start3A_9, %dma_start3A_10] : memref<6144x1024xf32, #tpu.memory_space<hbm>> -> memref<6144x1024xf32, #tpu.memory_space<hbm>>
    tpu.enqueue_indirect_dma source(%dma_start3A_11 : memref<6144x1024xf32, #tpu.memory_space<hbm>>) target(%arg9 : memref<8x1024xf32, #tpu.memory_space<vmem>>) offsets(%arg7 : memref<8xi32, #tpu.memory_space<vmem>>) semaphore(%arg18 : memref<!tpu.dma_semaphore, #tpu.memory_space<semaphore_mem>>)
    %dma_start3A_12 = arith.constant 0 : i32
    %dma_start3A_13 = tpu.memref_slice %arg3[%add3A_4, %dma_start3A_12] : memref<2048x1024xf32, #tpu.memory_space<hbm>> -> memref<8x1024xf32, #tpu.memory_space<hbm>>
    %dma_start3A_14 = arith.constant 0 : i32
    %dma_start3A_15 = tpu.memref_slice %arg3[%add3A_4, %dma_start3A_14] : memref<2048x1024xf32, #tpu.memory_space<hbm>> -> memref<8x1024xf32, #tpu.memory_space<hbm>>
    tpu.enqueue_dma source(%dma_start3A_15 : memref<8x1024xf32, #tpu.memory_space<hbm>>) target(%arg10 : memref<8x1024xf32, #tpu.memory_space<vmem>>) target_semaphore(%arg19 : memref<!tpu.dma_semaphore, #tpu.memory_space<semaphore_mem>>)
    %mul3A_16 = arith.constant 64 : i32
    %mul3A_17 = arith.muli %add3A, %mul3A_16 : i32
    %add3A_18 = arith.constant 8 : i32
    %add3A_19 = arith.addi %mul3A_17, %add3A_18 : i32
    "tpu.region"() ({
      %run_scoped3A = tpu.sem_alloc : memref<!tpu.dma_semaphore, #tpu.memory_space<semaphore_mem>>
      %dma_start3A_286 = tpu.memref_slice %arg4[%add3A_19] : memref<4096xi32, #tpu.memory_space<hbm>> -> memref<8xi32, #tpu.memory_space<hbm>>
      %dma_start3A_287 = tpu.memref_slice %arg4[%add3A_19] : memref<4096xi32, #tpu.memory_space<hbm>> -> memref<8xi32, #tpu.memory_space<hbm>>
      tpu.enqueue_dma source(%dma_start3A_287 : memref<8xi32, #tpu.memory_space<hbm>>) target(%arg11 : memref<8xi32, #tpu.memory_space<vmem>>) target_semaphore(%run_scoped3A : memref<!tpu.dma_semaphore, #tpu.memory_space<semaphore_mem>>)
      %dma_wait3A_288 = tpu.memref_slice %arg4[%add3A_19] : memref<4096xi32, #tpu.memory_space<hbm>> -> memref<8xi32, #tpu.memory_space<hbm>>
      %dma_wait3A_289 = tpu.memref_slice %arg4[%add3A_19] : memref<4096xi32, #tpu.memory_space<hbm>> -> memref<8xi32, #tpu.memory_space<hbm>>
      tpu.wait_dma2 semaphore(%run_scoped3A : memref<!tpu.dma_semaphore, #tpu.memory_space<semaphore_mem>>) src(%dma_wait3A_289 : memref<8xi32, #tpu.memory_space<hbm>>) dst(%arg11 : memref<8xi32, #tpu.memory_space<vmem>>)
      tpu.yield
    }) : () -> ()
    %add3A_20 = arith.constant 2048 : i32
    %add3A_21 = arith.addi %add3A_20, %add3A_19 : i32
    "tpu.region"() ({
      %run_scoped3A = tpu.sem_alloc : memref<!tpu.dma_semaphore, #tpu.memory_space<semaphore_mem>>
      %dma_start3A_286 = tpu.memref_slice %arg4[%add3A_21] : memref<4096xi32, #tpu.memory_space<hbm>> -> memref<8xi32, #tpu.memory_space<hbm>>
      %dma_start3A_287 = tpu.memref_slice %arg4[%add3A_21] : memref<4096xi32, #tpu.memory_space<hbm>> -> memref<8xi32, #tpu.memory_space<hbm>>
      tpu.enqueue_dma source(%dma_start3A_287 : memref<8xi32, #tpu.memory_space<hbm>>) target(%arg12 : memref<8xi32, #tpu.memory_space<vmem>>) target_semaphore(%run_scoped3A : memref<!tpu.dma_semaphore, #tpu.memory_space<semaphore_mem>>)
      %dma_wait3A_288 = tpu.memref_slice %arg4[%add3A_21] : memref<4096xi32, #tpu.memory_space<hbm>> -> memref<8xi32, #tpu.memory_space<hbm>>
      %dma_wait3A_289 = tpu.memref_slice %arg4[%add3A_21] : memref<4096xi32, #tpu.memory_space<hbm>> -> memref<8xi32, #tpu.memory_space<hbm>>
      tpu.wait_dma2 semaphore(%run_scoped3A : memref<!tpu.dma_semaphore, #tpu.memory_space<semaphore_mem>>) src(%dma_wait3A_289 : memref<8xi32, #tpu.memory_space<hbm>>) dst(%arg12 : memref<8xi32, #tpu.memory_space<vmem>>)
      tpu.yield
    }) : () -> ()
    %dma_start3A_22 = arith.constant 0 : i32
    %dma_start3A_23 = arith.constant 0 : i32
    %dma_start3A_24 = tpu.memref_slice %arg2[%dma_start3A_22, %dma_start3A_23] : memref<6144x1024xf32, #tpu.memory_space<hbm>> -> memref<6144x1024xf32, #tpu.memory_space<hbm>>
    tpu.enqueue_indirect_dma source(%dma_start3A_24 : memref<6144x1024xf32, #tpu.memory_space<hbm>>) target(%arg13 : memref<8x1024xf32, #tpu.memory_space<vmem>>) offsets(%arg11 : memref<8xi32, #tpu.memory_space<vmem>>) semaphore(%arg20 : memref<!tpu.dma_semaphore, #tpu.memory_space<semaphore_mem>>)
    %dma_start3A_25 = arith.constant 0 : i32
    %dma_start3A_26 = arith.constant 0 : i32
    %dma_start3A_27 = tpu.memref_slice %arg2[%dma_start3A_25, %dma_start3A_26] : memref<6144x1024xf32, #tpu.memory_space<hbm>> -> memref<6144x1024xf32, #tpu.memory_space<hbm>>
    tpu.enqueue_indirect_dma source(%dma_start3A_27 : memref<6144x1024xf32, #tpu.memory_space<hbm>>) target(%arg14 : memref<8x1024xf32, #tpu.memory_space<vmem>>) offsets(%arg12 : memref<8xi32, #tpu.memory_space<vmem>>) semaphore(%arg21 : memref<!tpu.dma_semaphore, #tpu.memory_space<semaphore_mem>>)
    %dma_start3A_28 = arith.constant 0 : i32
    %dma_start3A_29 = tpu.memref_slice %arg3[%add3A_19, %dma_start3A_28] : memref<2048x1024xf32, #tpu.memory_space<hbm>> -> memref<8x1024xf32, #tpu.memory_space<hbm>>
    %dma_start3A_30 = arith.constant 0 : i32
    %dma_start3A_31 = tpu.memref_slice %arg3[%add3A_19, %dma_start3A_30] : memref<2048x1024xf32, #tpu.memory_space<hbm>> -> memref<8x1024xf32, #tpu.memory_space<hbm>>
    tpu.enqueue_dma source(%dma_start3A_31 : memref<8x1024xf32, #tpu.memory_space<hbm>>) target(%arg15 : memref<8x1024xf32, #tpu.memory_space<vmem>>) target_semaphore(%arg22 : memref<!tpu.dma_semaphore, #tpu.memory_space<semaphore_mem>>)
    %dma_wait3A = arith.constant 0 : i32
    %dma_wait3A_32 = arith.constant 0 : i32
    %dma_wait3A_33 = tpu.memref_slice %arg2[%dma_wait3A, %dma_wait3A_32] : memref<6144x1024xf32, #tpu.memory_space<hbm>> -> memref<6144x1024xf32, #tpu.memory_space<hbm>>
    tpu.wait_indirect_dma semaphore(%arg17 : memref<!tpu.dma_semaphore, #tpu.memory_space<semaphore_mem>>) src(%dma_wait3A_33 : memref<6144x1024xf32, #tpu.memory_space<hbm>>) dst(%arg8 : memref<8x1024xf32, #tpu.memory_space<vmem>>)
    %dma_wait3A_34 = arith.constant 0 : i32
    %dma_wait3A_35 = arith.constant 0 : i32
    %dma_wait3A_36 = tpu.memref_slice %arg2[%dma_wait3A_34, %dma_wait3A_35] : memref<6144x1024xf32, #tpu.memory_space<hbm>> -> memref<6144x1024xf32, #tpu.memory_space<hbm>>
    tpu.wait_indirect_dma semaphore(%arg18 : memref<!tpu.dma_semaphore, #tpu.memory_space<semaphore_mem>>) src(%dma_wait3A_36 : memref<6144x1024xf32, #tpu.memory_space<hbm>>) dst(%arg9 : memref<8x1024xf32, #tpu.memory_space<vmem>>)
    %dma_wait3A_37 = arith.constant 0 : i32
    %dma_wait3A_38 = tpu.memref_slice %arg3[%add3A_4, %dma_wait3A_37] : memref<2048x1024xf32, #tpu.memory_space<hbm>> -> memref<8x1024xf32, #tpu.memory_space<hbm>>
    %dma_wait3A_39 = arith.constant 0 : i32
    %dma_wait3A_40 = tpu.memref_slice %arg3[%add3A_4, %dma_wait3A_39] : memref<2048x1024xf32, #tpu.memory_space<hbm>> -> memref<8x1024xf32, #tpu.memory_space<hbm>>
    tpu.wait_dma2 semaphore(%arg19 : memref<!tpu.dma_semaphore, #tpu.memory_space<semaphore_mem>>) src(%dma_wait3A_40 : memref<8x1024xf32, #tpu.memory_space<hbm>>) dst(%arg10 : memref<8x1024xf32, #tpu.memory_space<vmem>>)
    %scan3A = arith.constant 0 : i32
    %scan3A_41 = arith.constant 0 : i32
    %scan3A_42 = arith.constant 64 : i32
    %scan3A_43 = arith.addi %scan3A_41, %scan3A_42 : i32
    %scan3A_44 = arith.constant 1 : i32
    scf.for %scan3A_286 = %scan3A_41 to %scan3A_43 step %scan3A_44  : i32 {
      %mul3A_287 = arith.constant 16 : i32
      %mul3A_288 = arith.muli %scan3A_286, %mul3A_287 : i32
      %get3A = arith.constant 0 : i32
      %get3A_289 = arith.index_cast %get3A : i32 to index
      %get3A_290 = arith.index_cast %mul3A_288 : i32 to index
      %get3A_291 = tpu.vector_load %arg8[%get3A_289, %get3A_290] {strides = array<i32>} : memref<8x1024xf32, #tpu.memory_space<vmem>>, vector<1x16xf32>,
      %get3A_292 = vector.shape_cast %get3A_291 : vector<1x16xf32> to vector<16xf32>
      %get3A_293 = arith.constant 0 : i32
      %get3A_294 = arith.index_cast %get3A_293 : i32 to index
      %get3A_295 = arith.index_cast %mul3A_288 : i32 to index
      %get3A_296 = tpu.vector_load %arg9[%get3A_294, %get3A_295] {strides = array<i32>} : memref<8x1024xf32, #tpu.memory_space<vmem>>, vector<1x16xf32>,
      %get3A_297 = vector.shape_cast %get3A_296 : vector<1x16xf32> to vector<16xf32>
      %add3A_298 = arith.addf %get3A_292, %get3A_297 : vector<16xf32>
      %get3A_299 = arith.constant 0 : i32
      %get3A_300 = arith.index_cast %get3A_299 : i32 to index
      %get3A_301 = arith.index_cast %mul3A_288 : i32 to index
      %get3A_302 = tpu.vector_load %arg10[%get3A_300, %get3A_301] {strides = array<i32>} : memref<8x1024xf32, #tpu.memory_space<vmem>>, vector<1x16xf32>,
      %get3A_303 = vector.shape_cast %get3A_302 : vector<1x16xf32> to vector<16xf32>
      %add3A_304 = arith.addf %add3A_298, %get3A_303 : vector<16xf32>
      %swap3A = arith.constant 0 : i32
      %swap3A_305 = arith.index_cast %swap3A : i32 to index
      %swap3A_306 = arith.index_cast %mul3A_288 : i32 to index
      %swap3A_307 = tpu.vector_load %arg16[%swap3A_305, %swap3A_306] {strides = array<i32>} : memref<8x1024xf32, #tpu.memory_space<vmem>>, vector<1x16xf32>,
      %swap3A_308 = vector.shape_cast %swap3A_307 : vector<1x16xf32> to vector<16xf32>
      %swap3A_309 = vector.shape_cast %add3A_304 : vector<16xf32> to vector<1x16xf32>
      tpu.vector_store %arg16[%swap3A_305, %swap3A_306], %swap3A_309 {strides = array<i32>} : memref<8x1024xf32, #tpu.memory_space<vmem>>, vector<1x16xf32>,
      %mul3A_310 = arith.constant 16 : i32
      %mul3A_311 = arith.muli %scan3A_286, %mul3A_310 : i32
      %get3A_312 = arith.constant 1 : i32
      %get3A_313 = arith.index_cast %get3A_312 : i32 to index
      %get3A_314 = arith.index_cast %mul3A_311 : i32 to index
      %get3A_315 = tpu.vector_load %arg8[%get3A_313, %get3A_314] {strides = array<i32>} : memref<8x1024xf32, #tpu.memory_space<vmem>>, vector<1x16xf32>,
      %get3A_316 = vector.shape_cast %get3A_315 : vector<1x16xf32> to vector<16xf32>
      %get3A_317 = arith.constant 1 : i32
      %get3A_318 = arith.index_cast %get3A_317 : i32 to index
      %get3A_319 = arith.index_cast %mul3A_311 : i32 to index
      %get3A_320 = tpu.vector_load %arg9[%get3A_318, %get3A_319] {strides = array<i32>} : memref<8x1024xf32, #tpu.memory_space<vmem>>, vector<1x16xf32>,
      %get3A_321 = vector.shape_cast %get3A_320 : vector<1x16xf32> to vector<16xf32>
      %add3A_322 = arith.addf %get3A_316, %get3A_321 : vector<16xf32>
      %get3A_323 = arith.constant 1 : i32
      %get3A_324 = arith.index_cast %get3A_323 : i32 to index
      %get3A_325 = arith.index_cast %mul3A_311 : i32 to index
      %get3A_326 = tpu.vector_load %arg10[%get3A_324, %get3A_325] {strides = array<i32>} : memref<8x1024xf32, #tpu.memory_space<vmem>>, vector<1x16xf32>,
      %get3A_327 = vector.shape_cast %get3A_326 : vector<1x16xf32> to vector<16xf32>
      %add3A_328 = arith.addf %add3A_322, %get3A_327 : vector<16xf32>
      %swap3A_329 = arith.constant 1 : i32
      %swap3A_330 = arith.index_cast %swap3A_329 : i32 to index
      %swap3A_331 = arith.index_cast %mul3A_311 : i32 to index
      %swap3A_332 = tpu.vector_load %arg16[%swap3A_330, %swap3A_331] {strides = array<i32>} : memref<8x1024xf32, #tpu.memory_space<vmem>>, vector<1x16xf32>,
      %swap3A_333 = vector.shape_cast %swap3A_332 : vector<1x16xf32> to vector<16xf32>
      %swap3A_334 = vector.shape_cast %add3A_328 : vector<16xf32> to vector<1x16xf32>
      tpu.vector_store %arg16[%swap3A_330, %swap3A_331], %swap3A_334 {strides = array<i32>} : memref<8x1024xf32, #tpu.memory_space<vmem>>, vector<1x16xf32>,
      %mul3A_335 = arith.constant 16 : i32
      %mul3A_336 = arith.muli %scan3A_286, %mul3A_335 : i32
      %get3A_337 = arith.constant 2 : i32
      %get3A_338 = arith.index_cast %get3A_337 : i32 to index
      %get3A_339 = arith.index_cast %mul3A_336 : i32 to index
      %get3A_340 = tpu.vector_load %arg8[%get3A_338, %get3A_339] {strides = array<i32>} : memref<8x1024xf32, #tpu.memory_space<vmem>>, vector<1x16xf32>,
      %get3A_341 = vector.shape_cast %get3A_340 : vector<1x16xf32> to vector<16xf32>
      %get3A_342 = arith.constant 2 : i32
      %get3A_343 = arith.index_cast %get3A_342 : i32 to index
      %get3A_344 = arith.index_cast %mul3A_336 : i32 to index
      %get3A_345 = tpu.vector_load %arg9[%get3A_343, %get3A_344] {strides = array<i32>} : memref<8x1024xf32, #tpu.memory_space<vmem>>, vector<1x16xf32>,
      %get3A_346 = vector.shape_cast %get3A_345 : vector<1x16xf32> to vector<16xf32>
      %add3A_347 = arith.addf %get3A_341, %get3A_346 : vector<16xf32>
      %get3A_348 = arith.constant 2 : i32
      %get3A_349 = arith.index_cast %get3A_348 : i32 to index
      %get3A_350 = arith.index_cast %mul3A_336 : i32 to index
      %get3A_351 = tpu.vector_load %arg10[%get3A_349, %get3A_350] {strides = array<i32>} : memref<8x1024xf32, #tpu.memory_space<vmem>>, vector<1x16xf32>,
      %get3A_352 = vector.shape_cast %get3A_351 : vector<1x16xf32> to vector<16xf32>
      %add3A_353 = arith.addf %add3A_347, %get3A_352 : vector<16xf32>
      %swap3A_354 = arith.constant 2 : i32
      %swap3A_355 = arith.index_cast %swap3A_354 : i32 to index
      %swap3A_356 = arith.index_cast %mul3A_336 : i32 to index
      %swap3A_357 = tpu.vector_load %arg16[%swap3A_355, %swap3A_356] {strides = array<i32>} : memref<8x1024xf32, #tpu.memory_space<vmem>>, vector<1x16xf32>,
      %swap3A_358 = vector.shape_cast %swap3A_357 : vector<1x16xf32> to vector<16xf32>
      %swap3A_359 = vector.shape_cast %add3A_353 : vector<16xf32> to vector<1x16xf32>
      tpu.vector_store %arg16[%swap3A_355, %swap3A_356], %swap3A_359 {strides = array<i32>} : memref<8x1024xf32, #tpu.memory_space<vmem>>, vector<1x16xf32>,
      %mul3A_360 = arith.constant 16 : i32
      %mul3A_361 = arith.muli %scan3A_286, %mul3A_360 : i32
      %get3A_362 = arith.constant 3 : i32
      %get3A_363 = arith.index_cast %get3A_362 : i32 to index
      %get3A_364 = arith.index_cast %mul3A_361 : i32 to index
      %get3A_365 = tpu.vector_load %arg8[%get3A_363, %get3A_364] {strides = array<i32>} : memref<8x1024xf32, #tpu.memory_space<vmem>>, vector<1x16xf32>,
      %get3A_366 = vector.shape_cast %get3A_365 : vector<1x16xf32> to vector<16xf32>
      %get3A_367 = arith.constant 3 : i32
      %get3A_368 = arith.index_cast %get3A_367 : i32 to index
      %get3A_369 = arith.index_cast %mul3A_361 : i32 to index
      %get3A_370 = tpu.vector_load %arg9[%get3A_368, %get3A_369] {strides = array<i32>} : memref<8x1024xf32, #tpu.memory_space<vmem>>, vector<1x16xf32>,
      %get3A_371 = vector.shape_cast %get3A_370 : vector<1x16xf32> to vector<16xf32>
      %add3A_372 = arith.addf %get3A_366, %get3A_371 : vector<16xf32>
      %get3A_373 = arith.constant 3 : i32
      %get3A_374 = arith.index_cast %get3A_373 : i32 to index
      %get3A_375 = arith.index_cast %mul3A_361 : i32 to index
      %get3A_376 = tpu.vector_load %arg10[%get3A_374, %get3A_375] {strides = array<i32>} : memref<8x1024xf32, #tpu.memory_space<vmem>>, vector<1x16xf32>,
      %get3A_377 = vector.shape_cast %get3A_376 : vector<1x16xf32> to vector<16xf32>
      %add3A_378 = arith.addf %add3A_372, %get3A_377 : vector<16xf32>
      %swap3A_379 = arith.constant 3 : i32
      %swap3A_380 = arith.index_cast %swap3A_379 : i32 to index
      %swap3A_381 = arith.index_cast %mul3A_361 : i32 to index
      %swap3A_382 = tpu.vector_load %arg16[%swap3A_380, %swap3A_381] {strides = array<i32>} : memref<8x1024xf32, #tpu.memory_space<vmem>>, vector<1x16xf32>,
      %swap3A_383 = vector.shape_cast %swap3A_382 : vector<1x16xf32> to vector<16xf32>
      %swap3A_384 = vector.shape_cast %add3A_378 : vector<16xf32> to vector<1x16xf32>
      tpu.vector_store %arg16[%swap3A_380, %swap3A_381], %swap3A_384 {strides = array<i32>} : memref<8x1024xf32, #tpu.memory_space<vmem>>, vector<1x16xf32>,
      %mul3A_385 = arith.constant 16 : i32
      %mul3A_386 = arith.muli %scan3A_286, %mul3A_385 : i32
      %get3A_387 = arith.constant 4 : i32
      %get3A_388 = arith.index_cast %get3A_387 : i32 to index
      %get3A_389 = arith.index_cast %mul3A_386 : i32 to index
      %get3A_390 = tpu.vector_load %arg8[%get3A_388, %get3A_389] {strides = array<i32>} : memref<8x1024xf32, #tpu.memory_space<vmem>>, vector<1x16xf32>,
      %get3A_391 = vector.shape_cast %get3A_390 : vector<1x16xf32> to vector<16xf32>
      %get3A_392 = arith.constant 4 : i32
      %get3A_393 = arith.index_cast %get3A_392 : i32 to index
      %get3A_394 = arith.index_cast %mul3A_386 : i32 to index
      %get3A_395 = tpu.vector_load %arg9[%get3A_393, %get3A_394] {strides = array<i32>} : memref<8x1024xf32, #tpu.memory_space<vmem>>, vector<1x16xf32>,
      %get3A_396 = vector.shape_cast %get3A_395 : vector<1x16xf32> to vector<16xf32>
      %add3A_397 = arith.addf %get3A_391, %get3A_396 : vector<16xf32>
      %get3A_398 = arith.constant 4 : i32
      %get3A_399 = arith.index_cast %get3A_398 : i32 to index
      %get3A_400 = arith.index_cast %mul3A_386 : i32 to index
      %get3A_401 = tpu.vector_load %arg10[%get3A_399, %get3A_400] {strides = array<i32>} : memref<8x1024xf32, #tpu.memory_space<vmem>>, vector<1x16xf32>,
      %get3A_402 = vector.shape_cast %get3A_401 : vector<1x16xf32> to vector<16xf32>
      %add3A_403 = arith.addf %add3A_397, %get3A_402 : vector<16xf32>
      %swap3A_404 = arith.constant 4 : i32
      %swap3A_405 = arith.index_cast %swap3A_404 : i32 to index
      %swap3A_406 = arith.index_cast %mul3A_386 : i32 to index
      %swap3A_407 = tpu.vector_load %arg16[%swap3A_405, %swap3A_406] {strides = array<i32>} : memref<8x1024xf32, #tpu.memory_space<vmem>>, vector<1x16xf32>,
      %swap3A_408 = vector.shape_cast %swap3A_407 : vector<1x16xf32> to vector<16xf32>
      %swap3A_409 = vector.shape_cast %add3A_403 : vector<16xf32> to vector<1x16xf32>
      tpu.vector_store %arg16[%swap3A_405, %swap3A_406], %swap3A_409 {strides = array<i32>} : memref<8x1024xf32, #tpu.memory_space<vmem>>, vector<1x16xf32>,
      %mul3A_410 = arith.constant 16 : i32
      %mul3A_411 = arith.muli %scan3A_286, %mul3A_410 : i32
      %get3A_412 = arith.constant 5 : i32
      %get3A_413 = arith.index_cast %get3A_412 : i32 to index
      %get3A_414 = arith.index_cast %mul3A_411 : i32 to index
      %get3A_415 = tpu.vector_load %arg8[%get3A_413, %get3A_414] {strides = array<i32>} : memref<8x1024xf32, #tpu.memory_space<vmem>>, vector<1x16xf32>,
      %get3A_416 = vector.shape_cast %get3A_415 : vector<1x16xf32> to vector<16xf32>
      %get3A_417 = arith.constant 5 : i32
      %get3A_418 = arith.index_cast %get3A_417 : i32 to index
      %get3A_419 = arith.index_cast %mul3A_411 : i32 to index
      %get3A_420 = tpu.vector_load %arg9[%get3A_418, %get3A_419] {strides = array<i32>} : memref<8x1024xf32, #tpu.memory_space<vmem>>, vector<1x16xf32>,
      %get3A_421 = vector.shape_cast %get3A_420 : vector<1x16xf32> to vector<16xf32>
      %add3A_422 = arith.addf %get3A_416, %get3A_421 : vector<16xf32>
      %get3A_423 = arith.constant 5 : i32
      %get3A_424 = arith.index_cast %get3A_423 : i32 to index
      %get3A_425 = arith.index_cast %mul3A_411 : i32 to index
      %get3A_426 = tpu.vector_load %arg10[%get3A_424, %get3A_425] {strides = array<i32>} : memref<8x1024xf32, #tpu.memory_space<vmem>>, vector<1x16xf32>,
      %get3A_427 = vector.shape_cast %get3A_426 : vector<1x16xf32> to vector<16xf32>
      %add3A_428 = arith.addf %add3A_422, %get3A_427 : vector<16xf32>
      %swap3A_429 = arith.constant 5 : i32
      %swap3A_430 = arith.index_cast %swap3A_429 : i32 to index
      %swap3A_431 = arith.index_cast %mul3A_411 : i32 to index
      %swap3A_432 = tpu.vector_load %arg16[%swap3A_430, %swap3A_431] {strides = array<i32>} : memref<8x1024xf32, #tpu.memory_space<vmem>>, vector<1x16xf32>,
      %swap3A_433 = vector.shape_cast %swap3A_432 : vector<1x16xf32> to vector<16xf32>
      %swap3A_434 = vector.shape_cast %add3A_428 : vector<16xf32> to vector<1x16xf32>
      tpu.vector_store %arg16[%swap3A_430, %swap3A_431], %swap3A_434 {strides = array<i32>} : memref<8x1024xf32, #tpu.memory_space<vmem>>, vector<1x16xf32>,
      %mul3A_435 = arith.constant 16 : i32
      %mul3A_436 = arith.muli %scan3A_286, %mul3A_435 : i32
      %get3A_437 = arith.constant 6 : i32
      %get3A_438 = arith.index_cast %get3A_437 : i32 to index
      %get3A_439 = arith.index_cast %mul3A_436 : i32 to index
      %get3A_440 = tpu.vector_load %arg8[%get3A_438, %get3A_439] {strides = array<i32>} : memref<8x1024xf32, #tpu.memory_space<vmem>>, vector<1x16xf32>,
      %get3A_441 = vector.shape_cast %get3A_440 : vector<1x16xf32> to vector<16xf32>
      %get3A_442 = arith.constant 6 : i32
      %get3A_443 = arith.index_cast %get3A_442 : i32 to index
      %get3A_444 = arith.index_cast %mul3A_436 : i32 to index
      %get3A_445 = tpu.vector_load %arg9[%get3A_443, %get3A_444] {strides = array<i32>} : memref<8x1024xf32, #tpu.memory_space<vmem>>, vector<1x16xf32>,
      %get3A_446 = vector.shape_cast %get3A_445 : vector<1x16xf32> to vector<16xf32>
      %add3A_447 = arith.addf %get3A_441, %get3A_446 : vector<16xf32>
      %get3A_448 = arith.constant 6 : i32
      %get3A_449 = arith.index_cast %get3A_448 : i32 to index
      %get3A_450 = arith.index_cast %mul3A_436 : i32 to index
      %get3A_451 = tpu.vector_load %arg10[%get3A_449, %get3A_450] {strides = array<i32>} : memref<8x1024xf32, #tpu.memory_space<vmem>>, vector<1x16xf32>,
      %get3A_452 = vector.shape_cast %get3A_451 : vector<1x16xf32> to vector<16xf32>
      %add3A_453 = arith.addf %add3A_447, %get3A_452 : vector<16xf32>
      %swap3A_454 = arith.constant 6 : i32
      %swap3A_455 = arith.index_cast %swap3A_454 : i32 to index
      %swap3A_456 = arith.index_cast %mul3A_436 : i32 to index
      %swap3A_457 = tpu.vector_load %arg16[%swap3A_455, %swap3A_456] {strides = array<i32>} : memref<8x1024xf32, #tpu.memory_space<vmem>>, vector<1x16xf32>,
      %swap3A_458 = vector.shape_cast %swap3A_457 : vector<1x16xf32> to vector<16xf32>
      %swap3A_459 = vector.shape_cast %add3A_453 : vector<16xf32> to vector<1x16xf32>
      tpu.vector_store %arg16[%swap3A_455, %swap3A_456], %swap3A_459 {strides = array<i32>} : memref<8x1024xf32, #tpu.memory_space<vmem>>, vector<1x16xf32>,
      %mul3A_460 = arith.constant 16 : i32
      %mul3A_461 = arith.muli %scan3A_286, %mul3A_460 : i32
      %get3A_462 = arith.constant 7 : i32
      %get3A_463 = arith.index_cast %get3A_462 : i32 to index
      %get3A_464 = arith.index_cast %mul3A_461 : i32 to index
      %get3A_465 = tpu.vector_load %arg8[%get3A_463, %get3A_464] {strides = array<i32>} : memref<8x1024xf32, #tpu.memory_space<vmem>>, vector<1x16xf32>,
      %get3A_466 = vector.shape_cast %get3A_465 : vector<1x16xf32> to vector<16xf32>
      %get3A_467 = arith.constant 7 : i32
      %get3A_468 = arith.index_cast %get3A_467 : i32 to index
      %get3A_469 = arith.index_cast %mul3A_461 : i32 to index
      %get3A_470 = tpu.vector_load %arg9[%get3A_468, %get3A_469] {strides = array<i32>} : memref<8x1024xf32, #tpu.memory_space<vmem>>, vector<1x16xf32>,
      %get3A_471 = vector.shape_cast %get3A_470 : vector<1x16xf32> to vector<16xf32>
      %add3A_472 = arith.addf %get3A_466, %get3A_471 : vector<16xf32>
      %get3A_473 = arith.constant 7 : i32
      %get3A_474 = arith.index_cast %get3A_473 : i32 to index
      %get3A_475 = arith.index_cast %mul3A_461 : i32 to index
      %get3A_476 = tpu.vector_load %arg10[%get3A_474, %get3A_475] {strides = array<i32>} : memref<8x1024xf32, #tpu.memory_space<vmem>>, vector<1x16xf32>,
      %get3A_477 = vector.shape_cast %get3A_476 : vector<1x16xf32> to vector<16xf32>
      %add3A_478 = arith.addf %add3A_472, %get3A_477 : vector<16xf32>
      %swap3A_479 = arith.constant 7 : i32
      %swap3A_480 = arith.index_cast %swap3A_479 : i32 to index
      %swap3A_481 = arith.index_cast %mul3A_461 : i32 to index
      %swap3A_482 = tpu.vector_load %arg16[%swap3A_480, %swap3A_481] {strides = array<i32>} : memref<8x1024xf32, #tpu.memory_space<vmem>>, vector<1x16xf32>,
      %swap3A_483 = vector.shape_cast %swap3A_482 : vector<1x16xf32> to vector<16xf32>
      %swap3A_484 = vector.shape_cast %add3A_478 : vector<16xf32> to vector<1x16xf32>
      tpu.vector_store %arg16[%swap3A_480, %swap3A_481], %swap3A_484 {strides = array<i32>} : memref<8x1024xf32, #tpu.memory_space<vmem>>, vector<1x16xf32>,
    }
    %scan3A_45 = arith.constant 64 : i32
    %mul3A_46 = arith.constant 64 : i32
    %mul3A_47 = arith.muli %add3A, %mul3A_46 : i32
    %add3A_48 = arith.constant 0 : i32
    %add3A_49 = arith.addi %mul3A_47, %add3A_48 : i32
    "tpu.region"() ({
      %run_scoped3A = tpu.sem_alloc : memref<!tpu.dma_semaphore, #tpu.memory_space<semaphore_mem>>
      %dma_start3A_286 = arith.constant 0 : i32
      %dma_start3A_287 = tpu.memref_slice %arg5[%add3A_49, %dma_start3A_286] : memref<2048x1024xf32, #tpu.memory_space<hbm>> -> memref<8x1024xf32, #tpu.memory_space<hbm>>
      %dma_start3A_288 = arith.constant 0 : i32
      %dma_start3A_289 = tpu.memref_slice %arg5[%add3A_49, %dma_start3A_288] : memref<2048x1024xf32, #tpu.memory_space<hbm>> -> memref<8x1024xf32, #tpu.memory_space<hbm>>
      tpu.enqueue_dma source(%arg16 : memref<8x1024xf32, #tpu.memory_space<vmem>>) target(%dma_start3A_289 : memref<8x1024xf32, #tpu.memory_space<hbm>>) target_semaphore(%run_scoped3A : memref<!tpu.dma_semaphore, #tpu.memory_space<semaphore_mem>>)
      %dma_wait3A_290 = arith.constant 0 : i32
      %dma_wait3A_291 = tpu.memref_slice %arg5[%add3A_49, %dma_wait3A_290] : memref<2048x1024xf32, #tpu.memory_space<hbm>> -> memref<8x1024xf32, #tpu.memory_space<hbm>>
      %dma_wait3A_292 = arith.constant 0 : i32
      %dma_wait3A_293 = tpu.memref_slice %arg5[%add3A_49, %dma_wait3A_292] : memref<2048x1024xf32, #tpu.memory_space<hbm>> -> memref<8x1024xf32, #tpu.memory_space<hbm>>
      tpu.wait_dma2 semaphore(%run_scoped3A : memref<!tpu.dma_semaphore, #tpu.memory_space<semaphore_mem>>) src(%arg16 : memref<8x1024xf32, #tpu.memory_space<vmem>>) dst(%dma_wait3A_293 : memref<8x1024xf32, #tpu.memory_space<hbm>>)
      tpu.yield
    }) : () -> ()
    %mul3A_50 = arith.constant 64 : i32
    %mul3A_51 = arith.muli %add3A, %mul3A_50 : i32
    %add3A_52 = arith.constant 16 : i32
    %add3A_53 = arith.addi %mul3A_51, %add3A_52 : i32
    "tpu.region"() ({
      %run_scoped3A = tpu.sem_alloc : memref<!tpu.dma_semaphore, #tpu.memory_space<semaphore_mem>>
      %dma_start3A_286 = tpu.memref_slice %arg4[%add3A_53] : memref<4096xi32, #tpu.memory_space<hbm>> -> memref<8xi32, #tpu.memory_space<hbm>>
      %dma_start3A_287 = tpu.memref_slice %arg4[%add3A_53] : memref<4096xi32, #tpu.memory_space<hbm>> -> memref<8xi32, #tpu.memory_space<hbm>>
      tpu.enqueue_dma source(%dma_start3A_287 : memref<8xi32, #tpu.memory_space<hbm>>) target(%arg6 : memref<8xi32, #tpu.memory_space<vmem>>) target_semaphore(%run_scoped3A : memref<!tpu.dma_semaphore, #tpu.memory_space<semaphore_mem>>)
      %dma_wait3A_288 = tpu.memref_slice %arg4[%add3A_53] : memref<4096xi32, #tpu.memory_space<hbm>> -> memref<8xi32, #tpu.memory_space<hbm>>
      %dma_wait3A_289 = tpu.memref_slice %arg4[%add3A_53] : memref<4096xi32, #tpu.memory_space<hbm>> -> memref<8xi32, #tpu.memory_space<hbm>>
      tpu.wait_dma2 semaphore(%run_scoped3A : memref<!tpu.dma_semaphore, #tpu.memory_space<semaphore_mem>>) src(%dma_wait3A_289 : memref<8xi32, #tpu.memory_space<hbm>>) dst(%arg6 : memref<8xi32, #tpu.memory_space<vmem>>)
      tpu.yield
    }) : () -> ()
    %add3A_54 = arith.constant 2048 : i32
    %add3A_55 = arith.addi %add3A_54, %add3A_53 : i32
    "tpu.region"() ({
      %run_scoped3A = tpu.sem_alloc : memref<!tpu.dma_semaphore, #tpu.memory_space<semaphore_mem>>
      %dma_start3A_286 = tpu.memref_slice %arg4[%add3A_55] : memref<4096xi32, #tpu.memory_space<hbm>> -> memref<8xi32, #tpu.memory_space<hbm>>
      %dma_start3A_287 = tpu.memref_slice %arg4[%add3A_55] : memref<4096xi32, #tpu.memory_space<hbm>> -> memref<8xi32, #tpu.memory_space<hbm>>
      tpu.enqueue_dma source(%dma_start3A_287 : memref<8xi32, #tpu.memory_space<hbm>>) target(%arg7 : memref<8xi32, #tpu.memory_space<vmem>>) target_semaphore(%run_scoped3A : memref<!tpu.dma_semaphore, #tpu.memory_space<semaphore_mem>>)
      %dma_wait3A_288 = tpu.memref_slice %arg4[%add3A_55] : memref<4096xi32, #tpu.memory_space<hbm>> -> memref<8xi32, #tpu.memory_space<hbm>>
      %dma_wait3A_289 = tpu.memref_slice %arg4[%add3A_55] : memref<4096xi32, #tpu.memory_space<hbm>> -> memref<8xi32, #tpu.memory_space<hbm>>
      tpu.wait_dma2 semaphore(%run_scoped3A : memref<!tpu.dma_semaphore, #tpu.memory_space<semaphore_mem>>) src(%dma_wait3A_289 : memref<8xi32, #tpu.memory_space<hbm>>) dst(%arg7 : memref<8xi32, #tpu.memory_space<vmem>>)
      tpu.yield
    }) : () -> ()
    %dma_start3A_56 = arith.constant 0 : i32
    %dma_start3A_57 = arith.constant 0 : i32
    %dma_start3A_58 = tpu.memref_slice %arg2[%dma_start3A_56, %dma_start3A_57] : memref<6144x1024xf32, #tpu.memory_space<hbm>> -> memref<6144x1024xf32, #tpu.memory_space<hbm>>
    tpu.enqueue_indirect_dma source(%dma_start3A_58 : memref<6144x1024xf32, #tpu.memory_space<hbm>>) target(%arg8 : memref<8x1024xf32, #tpu.memory_space<vmem>>) offsets(%arg6 : memref<8xi32, #tpu.memory_space<vmem>>) semaphore(%arg17 : memref<!tpu.dma_semaphore, #tpu.memory_space<semaphore_mem>>)
    %dma_start3A_59 = arith.constant 0 : i32
    %dma_start3A_60 = arith.constant 0 : i32
    %dma_start3A_61 = tpu.memref_slice %arg2[%dma_start3A_59, %dma_start3A_60] : memref<6144x1024xf32, #tpu.memory_space<hbm>> -> memref<6144x1024xf32, #tpu.memory_space<hbm>>
    tpu.enqueue_indirect_dma source(%dma_start3A_61 : memref<6144x1024xf32, #tpu.memory_space<hbm>>) target(%arg9 : memref<8x1024xf32, #tpu.memory_space<vmem>>) offsets(%arg7 : memref<8xi32, #tpu.memory_space<vmem>>) semaphore(%arg18 : memref<!tpu.dma_semaphore, #tpu.memory_space<semaphore_mem>>)
    %dma_start3A_62 = arith.constant 0 : i32
    %dma_start3A_63 = tpu.memref_slice %arg3[%add3A_53, %dma_start3A_62] : memref<2048x1024xf32, #tpu.memory_space<hbm>> -> memref<8x1024xf32, #tpu.memory_space<hbm>>
    %dma_start3A_64 = arith.constant 0 : i32
    %dma_start3A_65 = tpu.memref_slice %arg3[%add3A_53, %dma_start3A_64] : memref<2048x1024xf32, #tpu.memory_space<hbm>> -> memref<8x1024xf32, #tpu.memory_space<hbm>>
    tpu.enqueue_dma source(%dma_start3A_65 : memref<8x1024xf32, #tpu.memory_space<hbm>>) target(%arg10 : memref<8x1024xf32, #tpu.memory_space<vmem>>) target_semaphore(%arg19 : memref<!tpu.dma_semaphore, #tpu.memory_space<semaphore_mem>>)
    %dma_wait3A_66 = arith.constant 0 : i32
    %dma_wait3A_67 = arith.constant 0 : i32
    %dma_wait3A_68 = tpu.memref_slice %arg2[%dma_wait3A_66, %dma_wait3A_67] : memref<6144x1024xf32, #tpu.memory_space<hbm>> -> memref<6144x1024xf32, #tpu.memory_space<hbm>>
    tpu.wait_indirect_dma semaphore(%arg20 : memref<!tpu.dma_semaphore, #tpu.memory_space<semaphore_mem>>) src(%dma_wait3A_68 : memref<6144x1024xf32, #tpu.memory_space<hbm>>) dst(%arg13 : memref<8x1024xf32, #tpu.memory_space<vmem>>)
    %dma_wait3A_69 = arith.constant 0 : i32
    %dma_wait3A_70 = arith.constant 0 : i32
    %dma_wait3A_71 = tpu.memref_slice %arg2[%dma_wait3A_69, %dma_wait3A_70] : memref<6144x1024xf32, #tpu.memory_space<hbm>> -> memref<6144x1024xf32, #tpu.memory_space<hbm>>
    tpu.wait_indirect_dma semaphore(%arg21 : memref<!tpu.dma_semaphore, #tpu.memory_space<semaphore_mem>>) src(%dma_wait3A_71 : memref<6144x1024xf32, #tpu.memory_space<hbm>>) dst(%arg14 : memref<8x1024xf32, #tpu.memory_space<vmem>>)
    %dma_wait3A_72 = arith.constant 0 : i32
    %dma_wait3A_73 = tpu.memref_slice %arg3[%add3A_19, %dma_wait3A_72] : memref<2048x1024xf32, #tpu.memory_space<hbm>> -> memref<8x1024xf32, #tpu.memory_space<hbm>>
    %dma_wait3A_74 = arith.constant 0 : i32
    %dma_wait3A_75 = tpu.memref_slice %arg3[%add3A_19, %dma_wait3A_74] : memref<2048x1024xf32, #tpu.memory_space<hbm>> -> memref<8x1024xf32, #tpu.memory_space<hbm>>
    tpu.wait_dma2 semaphore(%arg22 : memref<!tpu.dma_semaphore, #tpu.memory_space<semaphore_mem>>) src(%dma_wait3A_75 : memref<8x1024xf32, #tpu.memory_space<hbm>>) dst(%arg15 : memref<8x1024xf32, #tpu.memory_space<vmem>>)
    %scan3A_76 = arith.constant 0 : i32
    %scan3A_77 = arith.constant 0 : i32
    %scan3A_78 = arith.constant 64 : i32
    %scan3A_79 = arith.addi %scan3A_77, %scan3A_78 : i32
    %scan3A_80 = arith.constant 1 : i32
    scf.for %scan3A_286 = %scan3A_77 to %scan3A_79 step %scan3A_80  : i32 {
      %mul3A_287 = arith.constant 16 : i32
      %mul3A_288 = arith.muli %scan3A_286, %mul3A_287 : i32
      %get3A = arith.constant 0 : i32
      %get3A_289 = arith.index_cast %get3A : i32 to index
      %get3A_290 = arith.index_cast %mul3A_288 : i32 to index
      %get3A_291 = tpu.vector_load %arg13[%get3A_289, %get3A_290] {strides = array<i32>} : memref<8x1024xf32, #tpu.memory_space<vmem>>, vector<1x16xf32>,
      %get3A_292 = vector.shape_cast %get3A_291 : vector<1x16xf32> to vector<16xf32>
      %get3A_293 = arith.constant 0 : i32
      %get3A_294 = arith.index_cast %get3A_293 : i32 to index
      %get3A_295 = arith.index_cast %mul3A_288 : i32 to index
      %get3A_296 = tpu.vector_load %arg14[%get3A_294, %get3A_295] {strides = array<i32>} : memref<8x1024xf32, #tpu.memory_space<vmem>>, vector<1x16xf32>,
      %get3A_297 = vector.shape_cast %get3A_296 : vector<1x16xf32> to vector<16xf32>
      %add3A_298 = arith.addf %get3A_292, %get3A_297 : vector<16xf32>
      %get3A_299 = arith.constant 0 : i32
      %get3A_300 = arith.index_cast %get3A_299 : i32 to index
      %get3A_301 = arith.index_cast %mul3A_288 : i32 to index
      %get3A_302 = tpu.vector_load %arg15[%get3A_300, %get3A_301] {strides = array<i32>} : memref<8x1024xf32, #tpu.memory_space<vmem>>, vector<1x16xf32>,
      %get3A_303 = vector.shape_cast %get3A_302 : vector<1x16xf32> to vector<16xf32>
      %add3A_304 = arith.addf %add3A_298, %get3A_303 : vector<16xf32>
      %swap3A = arith.constant 0 : i32
      %swap3A_305 = arith.index_cast %swap3A : i32 to index
      %swap3A_306 = arith.index_cast %mul3A_288 : i32 to index
      %swap3A_307 = tpu.vector_load %arg16[%swap3A_305, %swap3A_306] {strides = array<i32>} : memref<8x1024xf32, #tpu.memory_space<vmem>>, vector<1x16xf32>,
      %swap3A_308 = vector.shape_cast %swap3A_307 : vector<1x16xf32> to vector<16xf32>
      %swap3A_309 = vector.shape_cast %add3A_304 : vector<16xf32> to vector<1x16xf32>
      tpu.vector_store %arg16[%swap3A_305, %swap3A_306], %swap3A_309 {strides = array<i32>} : memref<8x1024xf32, #tpu.memory_space<vmem>>, vector<1x16xf32>,
      %mul3A_310 = arith.constant 16 : i32
      %mul3A_311 = arith.muli %scan3A_286, %mul3A_310 : i32
      %get3A_312 = arith.constant 1 : i32
      %get3A_313 = arith.index_cast %get3A_312 : i32 to index
      %get3A_314 = arith.index_cast %mul3A_311 : i32 to index
      %get3A_315 = tpu.vector_load %arg13[%get3A_313, %get3A_314] {strides = array<i32>} : memref<8x1024xf32, #tpu.memory_space<vmem>>, vector<1x16xf32>,
      %get3A_316 = vector.shape_cast %get3A_315 : vector<1x16xf32> to vector<16xf32>
      %get3A_317 = arith.constant 1 : i32
      %get3A_318 = arith.index_cast %get3A_317 : i32 to index
      %get3A_319 = arith.index_cast %mul3A_311 : i32 to index
      %get3A_320 = tpu.vector_load %arg14[%get3A_318, %get3A_319] {strides = array<i32>} : memref<8x1024xf32, #tpu.memory_space<vmem>>, vector<1x16xf32>,
      %get3A_321 = vector.shape_cast %get3A_320 : vector<1x16xf32> to vector<16xf32>
      %add3A_322 = arith.addf %get3A_316, %get3A_321 : vector<16xf32>
      %get3A_323 = arith.constant 1 : i32
      %get3A_324 = arith.index_cast %get3A_323 : i32 to index
      %get3A_325 = arith.index_cast %mul3A_311 : i32 to index
      %get3A_326 = tpu.vector_load %arg15[%get3A_324, %get3A_325] {strides = array<i32>} : memref<8x1024xf32, #tpu.memory_space<vmem>>, vector<1x16xf32>,
      %get3A_327 = vector.shape_cast %get3A_326 : vector<1x16xf32> to vector<16xf32>
      %add3A_328 = arith.addf %add3A_322, %get3A_327 : vector<16xf32>
      %swap3A_329 = arith.constant 1 : i32
      %swap3A_330 = arith.index_cast %swap3A_329 : i32 to index
      %swap3A_331 = arith.index_cast %mul3A_311 : i32 to index
      %swap3A_332 = tpu.vector_load %arg16[%swap3A_330, %swap3A_331] {strides = array<i32>} : memref<8x1024xf32, #tpu.memory_space<vmem>>, vector<1x16xf32>,
      %swap3A_333 = vector.shape_cast %swap3A_332 : vector<1x16xf32> to vector<16xf32>
      %swap3A_334 = vector.shape_cast %add3A_328 : vector<16xf32> to vector<1x16xf32>
      tpu.vector_store %arg16[%swap3A_330, %swap3A_331], %swap3A_334 {strides = array<i32>} : memref<8x1024xf32, #tpu.memory_space<vmem>>, vector<1x16xf32>,
      %mul3A_335 = arith.constant 16 : i32
      %mul3A_336 = arith.muli %scan3A_286, %mul3A_335 : i32
      %get3A_337 = arith.constant 2 : i32
      %get3A_338 = arith.index_cast %get3A_337 : i32 to index
      %get3A_339 = arith.index_cast %mul3A_336 : i32 to index
      %get3A_340 = tpu.vector_load %arg13[%get3A_338, %get3A_339] {strides = array<i32>} : memref<8x1024xf32, #tpu.memory_space<vmem>>, vector<1x16xf32>,
      %get3A_341 = vector.shape_cast %get3A_340 : vector<1x16xf32> to vector<16xf32>
      %get3A_342 = arith.constant 2 : i32
      %get3A_343 = arith.index_cast %get3A_342 : i32 to index
      %get3A_344 = arith.index_cast %mul3A_336 : i32 to index
      %get3A_345 = tpu.vector_load %arg14[%get3A_343, %get3A_344] {strides = array<i32>} : memref<8x1024xf32, #tpu.memory_space<vmem>>, vector<1x16xf32>,
      %get3A_346 = vector.shape_cast %get3A_345 : vector<1x16xf32> to vector<16xf32>
      %add3A_347 = arith.addf %get3A_341, %get3A_346 : vector<16xf32>
      %get3A_348 = arith.constant 2 : i32
      %get3A_349 = arith.index_cast %get3A_348 : i32 to index
      %get3A_350 = arith.index_cast %mul3A_336 : i32 to index
      %get3A_351 = tpu.vector_load %arg15[%get3A_349, %get3A_350] {strides = array<i32>} : memref<8x1024xf32, #tpu.memory_space<vmem>>, vector<1x16xf32>,
      %get3A_352 = vector.shape_cast %get3A_351 : vector<1x16xf32> to vector<16xf32>
      %add3A_353 = arith.addf %add3A_347, %get3A_352 : vector<16xf32>
      %swap3A_354 = arith.constant 2 : i32
      %swap3A_355 = arith.index_cast %swap3A_354 : i32 to index
      %swap3A_356 = arith.index_cast %mul3A_336 : i32 to index
      %swap3A_357 = tpu.vector_load %arg16[%swap3A_355, %swap3A_356] {strides = array<i32>} : memref<8x1024xf32, #tpu.memory_space<vmem>>, vector<1x16xf32>,
      %swap3A_358 = vector.shape_cast %swap3A_357 : vector<1x16xf32> to vector<16xf32>
      %swap3A_359 = vector.shape_cast %add3A_353 : vector<16xf32> to vector<1x16xf32>
      tpu.vector_store %arg16[%swap3A_355, %swap3A_356], %swap3A_359 {strides = array<i32>} : memref<8x1024xf32, #tpu.memory_space<vmem>>, vector<1x16xf32>,
      %mul3A_360 = arith.constant 16 : i32
      %mul3A_361 = arith.muli %scan3A_286, %mul3A_360 : i32
      %get3A_362 = arith.constant 3 : i32
      %get3A_363 = arith.index_cast %get3A_362 : i32 to index
      %get3A_364 = arith.index_cast %mul3A_361 : i32 to index
      %get3A_365 = tpu.vector_load %arg13[%get3A_363, %get3A_364] {strides = array<i32>} : memref<8x1024xf32, #tpu.memory_space<vmem>>, vector<1x16xf32>,
      %get3A_366 = vector.shape_cast %get3A_365 : vector<1x16xf32> to vector<16xf32>
      %get3A_367 = arith.constant 3 : i32
      %get3A_368 = arith.index_cast %get3A_367 : i32 to index
      %get3A_369 = arith.index_cast %mul3A_361 : i32 to index
      %get3A_370 = tpu.vector_load %arg14[%get3A_368, %get3A_369] {strides = array<i32>} : memref<8x1024xf32, #tpu.memory_space<vmem>>, vector<1x16xf32>,
      %get3A_371 = vector.shape_cast %get3A_370 : vector<1x16xf32> to vector<16xf32>
      %add3A_372 = arith.addf %get3A_366, %get3A_371 : vector<16xf32>
      %get3A_373 = arith.constant 3 : i32
      %get3A_374 = arith.index_cast %get3A_373 : i32 to index
      %get3A_375 = arith.index_cast %mul3A_361 : i32 to index
      %get3A_376 = tpu.vector_load %arg15[%get3A_374, %get3A_375] {strides = array<i32>} : memref<8x1024xf32, #tpu.memory_space<vmem>>, vector<1x16xf32>,
      %get3A_377 = vector.shape_cast %get3A_376 : vector<1x16xf32> to vector<16xf32>
      %add3A_378 = arith.addf %add3A_372, %get3A_377 : vector<16xf32>
      %swap3A_379 = arith.constant 3 : i32
      %swap3A_380 = arith.index_cast %swap3A_379 : i32 to index
      %swap3A_381 = arith.index_cast %mul3A_361 : i32 to index
      %swap3A_382 = tpu.vector_load %arg16[%swap3A_380, %swap3A_381] {strides = array<i32>} : memref<8x1024xf32, #tpu.memory_space<vmem>>, vector<1x16xf32>,
      %swap3A_383 = vector.shape_cast %swap3A_382 : vector<1x16xf32> to vector<16xf32>
      %swap3A_384 = vector.shape_cast %add3A_378 : vector<16xf32> to vector<1x16xf32>
      tpu.vector_store %arg16[%swap3A_380, %swap3A_381], %swap3A_384 {strides = array<i32>} : memref<8x1024xf32, #tpu.memory_space<vmem>>, vector<1x16xf32>,
      %mul3A_385 = arith.constant 16 : i32
      %mul3A_386 = arith.muli %scan3A_286, %mul3A_385 : i32
      %get3A_387 = arith.constant 4 : i32
      %get3A_388 = arith.index_cast %get3A_387 : i32 to index
      %get3A_389 = arith.index_cast %mul3A_386 : i32 to index
      %get3A_390 = tpu.vector_load %arg13[%get3A_388, %get3A_389] {strides = array<i32>} : memref<8x1024xf32, #tpu.memory_space<vmem>>, vector<1x16xf32>,
      %get3A_391 = vector.shape_cast %get3A_390 : vector<1x16xf32> to vector<16xf32>
      %get3A_392 = arith.constant 4 : i32
      %get3A_393 = arith.index_cast %get3A_392 : i32 to index
      %get3A_394 = arith.index_cast %mul3A_386 : i32 to index
      %get3A_395 = tpu.vector_load %arg14[%get3A_393, %get3A_394] {strides = array<i32>} : memref<8x1024xf32, #tpu.memory_space<vmem>>, vector<1x16xf32>,
      %get3A_396 = vector.shape_cast %get3A_395 : vector<1x16xf32> to vector<16xf32>
      %add3A_397 = arith.addf %get3A_391, %get3A_396 : vector<16xf32>
      %get3A_398 = arith.constant 4 : i32
      %get3A_399 = arith.index_cast %get3A_398 : i32 to index
      %get3A_400 = arith.index_cast %mul3A_386 : i32 to index
      %get3A_401 = tpu.vector_load %arg15[%get3A_399, %get3A_400] {strides = array<i32>} : memref<8x1024xf32, #tpu.memory_space<vmem>>, vector<1x16xf32>,
      %get3A_402 = vector.shape_cast %get3A_401 : vector<1x16xf32> to vector<16xf32>
      %add3A_403 = arith.addf %add3A_397, %get3A_402 : vector<16xf32>
      %swap3A_404 = arith.constant 4 : i32
      %swap3A_405 = arith.index_cast %swap3A_404 : i32 to index
      %swap3A_406 = arith.index_cast %mul3A_386 : i32 to index
      %swap3A_407 = tpu.vector_load %arg16[%swap3A_405, %swap3A_406] {strides = array<i32>} : memref<8x1024xf32, #tpu.memory_space<vmem>>, vector<1x16xf32>,
      %swap3A_408 = vector.shape_cast %swap3A_407 : vector<1x16xf32> to vector<16xf32>
      %swap3A_409 = vector.shape_cast %add3A_403 : vector<16xf32> to vector<1x16xf32>
      tpu.vector_store %arg16[%swap3A_405, %swap3A_406], %swap3A_409 {strides = array<i32>} : memref<8x1024xf32, #tpu.memory_space<vmem>>, vector<1x16xf32>,
      %mul3A_410 = arith.constant 16 : i32
      %mul3A_411 = arith.muli %scan3A_286, %mul3A_410 : i32
      %get3A_412 = arith.constant 5 : i32
      %get3A_413 = arith.index_cast %get3A_412 : i32 to index
      %get3A_414 = arith.index_cast %mul3A_411 : i32 to index
      %get3A_415 = tpu.vector_load %arg13[%get3A_413, %get3A_414] {strides = array<i32>} : memref<8x1024xf32, #tpu.memory_space<vmem>>, vector<1x16xf32>,
      %get3A_416 = vector.shape_cast %get3A_415 : vector<1x16xf32> to vector<16xf32>
      %get3A_417 = arith.constant 5 : i32
      %get3A_418 = arith.index_cast %get3A_417 : i32 to index
      %get3A_419 = arith.index_cast %mul3A_411 : i32 to index
      %get3A_420 = tpu.vector_load %arg14[%get3A_418, %get3A_419] {strides = array<i32>} : memref<8x1024xf32, #tpu.memory_space<vmem>>, vector<1x16xf32>,
      %get3A_421 = vector.shape_cast %get3A_420 : vector<1x16xf32> to vector<16xf32>
      %add3A_422 = arith.addf %get3A_416, %get3A_421 : vector<16xf32>
      %get3A_423 = arith.constant 5 : i32
      %get3A_424 = arith.index_cast %get3A_423 : i32 to index
      %get3A_425 = arith.index_cast %mul3A_411 : i32 to index
      %get3A_426 = tpu.vector_load %arg15[%get3A_424, %get3A_425] {strides = array<i32>} : memref<8x1024xf32, #tpu.memory_space<vmem>>, vector<1x16xf32>,
      %get3A_427 = vector.shape_cast %get3A_426 : vector<1x16xf32> to vector<16xf32>
      %add3A_428 = arith.addf %add3A_422, %get3A_427 : vector<16xf32>
      %swap3A_429 = arith.constant 5 : i32
      %swap3A_430 = arith.index_cast %swap3A_429 : i32 to index
      %swap3A_431 = arith.index_cast %mul3A_411 : i32 to index
      %swap3A_432 = tpu.vector_load %arg16[%swap3A_430, %swap3A_431] {strides = array<i32>} : memref<8x1024xf32, #tpu.memory_space<vmem>>, vector<1x16xf32>,
      %swap3A_433 = vector.shape_cast %swap3A_432 : vector<1x16xf32> to vector<16xf32>
      %swap3A_434 = vector.shape_cast %add3A_428 : vector<16xf32> to vector<1x16xf32>
      tpu.vector_store %arg16[%swap3A_430, %swap3A_431], %swap3A_434 {strides = array<i32>} : memref<8x1024xf32, #tpu.memory_space<vmem>>, vector<1x16xf32>,
      %mul3A_435 = arith.constant 16 : i32
      %mul3A_436 = arith.muli %scan3A_286, %mul3A_435 : i32
      %get3A_437 = arith.constant 6 : i32
      %get3A_438 = arith.index_cast %get3A_437 : i32 to index
      %get3A_439 = arith.index_cast %mul3A_436 : i32 to index
      %get3A_440 = tpu.vector_load %arg13[%get3A_438, %get3A_439] {strides = array<i32>} : memref<8x1024xf32, #tpu.memory_space<vmem>>, vector<1x16xf32>,
      %get3A_441 = vector.shape_cast %get3A_440 : vector<1x16xf32> to vector<16xf32>
      %get3A_442 = arith.constant 6 : i32
      %get3A_443 = arith.index_cast %get3A_442 : i32 to index
      %get3A_444 = arith.index_cast %mul3A_436 : i32 to index
      %get3A_445 = tpu.vector_load %arg14[%get3A_443, %get3A_444] {strides = array<i32>} : memref<8x1024xf32, #tpu.memory_space<vmem>>, vector<1x16xf32>,
      %get3A_446 = vector.shape_cast %get3A_445 : vector<1x16xf32> to vector<16xf32>
      %add3A_447 = arith.addf %get3A_441, %get3A_446 : vector<16xf32>
      %get3A_448 = arith.constant 6 : i32
      %get3A_449 = arith.index_cast %get3A_448 : i32 to index
      %get3A_450 = arith.index_cast %mul3A_436 : i32 to index
      %get3A_451 = tpu.vector_load %arg15[%get3A_449, %get3A_450] {strides = array<i32>} : memref<8x1024xf32, #tpu.memory_space<vmem>>, vector<1x16xf32>,
      %get3A_452 = vector.shape_cast %get3A_451 : vector<1x16xf32> to vector<16xf32>
      %add3A_453 = arith.addf %add3A_447, %get3A_452 : vector<16xf32>
      %swap3A_454 = arith.constant 6 : i32
      %swap3A_455 = arith.index_cast %swap3A_454 : i32 to index
      %swap3A_456 = arith.index_cast %mul3A_436 : i32 to index
      %swap3A_457 = tpu.vector_load %arg16[%swap3A_455, %swap3A_456] {strides = array<i32>} : memref<8x1024xf32, #tpu.memory_space<vmem>>, vector<1x16xf32>,
      %swap3A_458 = vector.shape_cast %swap3A_457 : vector<1x16xf32> to vector<16xf32>
      %swap3A_459 = vector.shape_cast %add3A_453 : vector<16xf32> to vector<1x16xf32>
      tpu.vector_store %arg16[%swap3A_455, %swap3A_456], %swap3A_459 {strides = array<i32>} : memref<8x1024xf32, #tpu.memory_space<vmem>>, vector<1x16xf32>,
      %mul3A_460 = arith.constant 16 : i32
      %mul3A_461 = arith.muli %scan3A_286, %mul3A_460 : i32
      %get3A_462 = arith.constant 7 : i32
      %get3A_463 = arith.index_cast %get3A_462 : i32 to index
      %get3A_464 = arith.index_cast %mul3A_461 : i32 to index
      %get3A_465 = tpu.vector_load %arg13[%get3A_463, %get3A_464] {strides = array<i32>} : memref<8x1024xf32, #tpu.memory_space<vmem>>, vector<1x16xf32>,
      %get3A_466 = vector.shape_cast %get3A_465 : vector<1x16xf32> to vector<16xf32>
      %get3A_467 = arith.constant 7 : i32
      %get3A_468 = arith.index_cast %get3A_467 : i32 to index
      %get3A_469 = arith.index_cast %mul3A_461 : i32 to index
      %get3A_470 = tpu.vector_load %arg14[%get3A_468, %get3A_469] {strides = array<i32>} : memref<8x1024xf32, #tpu.memory_space<vmem>>, vector<1x16xf32>,
      %get3A_471 = vector.shape_cast %get3A_470 : vector<1x16xf32> to vector<16xf32>
      %add3A_472 = arith.addf %get3A_466, %get3A_471 : vector<16xf32>
      %get3A_473 = arith.constant 7 : i32
      %get3A_474 = arith.index_cast %get3A_473 : i32 to index
      %get3A_475 = arith.index_cast %mul3A_461 : i32 to index
      %get3A_476 = tpu.vector_load %arg15[%get3A_474, %get3A_475] {strides = array<i32>} : memref<8x1024xf32, #tpu.memory_space<vmem>>, vector<1x16xf32>,
      %get3A_477 = vector.shape_cast %get3A_476 : vector<1x16xf32> to vector<16xf32>
      %add3A_478 = arith.addf %add3A_472, %get3A_477 : vector<16xf32>
      %swap3A_479 = arith.constant 7 : i32
      %swap3A_480 = arith.index_cast %swap3A_479 : i32 to index
      %swap3A_481 = arith.index_cast %mul3A_461 : i32 to index
      %swap3A_482 = tpu.vector_load %arg16[%swap3A_480, %swap3A_481] {strides = array<i32>} : memref<8x1024xf32, #tpu.memory_space<vmem>>, vector<1x16xf32>,
      %swap3A_483 = vector.shape_cast %swap3A_482 : vector<1x16xf32> to vector<16xf32>
      %swap3A_484 = vector.shape_cast %add3A_478 : vector<16xf32> to vector<1x16xf32>
      tpu.vector_store %arg16[%swap3A_480, %swap3A_481], %swap3A_484 {strides = array<i32>} : memref<8x1024xf32, #tpu.memory_space<vmem>>, vector<1x16xf32>,
    }
    %scan3A_81 = arith.constant 64 : i32
    %mul3A_82 = arith.constant 64 : i32
    %mul3A_83 = arith.muli %add3A, %mul3A_82 : i32
    %add3A_84 = arith.constant 8 : i32
    %add3A_85 = arith.addi %mul3A_83, %add3A_84 : i32
    "tpu.region"() ({
      %run_scoped3A = tpu.sem_alloc : memref<!tpu.dma_semaphore, #tpu.memory_space<semaphore_mem>>
      %dma_start3A_286 = arith.constant 0 : i32
      %dma_start3A_287 = tpu.memref_slice %arg5[%add3A_85, %dma_start3A_286] : memref<2048x1024xf32, #tpu.memory_space<hbm>> -> memref<8x1024xf32, #tpu.memory_space<hbm>>
      %dma_start3A_288 = arith.constant 0 : i32
      %dma_start3A_289 = tpu.memref_slice %arg5[%add3A_85, %dma_start3A_288] : memref<2048x1024xf32, #tpu.memory_space<hbm>> -> memref<8x1024xf32, #tpu.memory_space<hbm>>
      tpu.enqueue_dma source(%arg16 : memref<8x1024xf32, #tpu.memory_space<vmem>>) target(%dma_start3A_289 : memref<8x1024xf32, #tpu.memory_space<hbm>>) target_semaphore(%run_scoped3A : memref<!tpu.dma_semaphore, #tpu.memory_space<semaphore_mem>>)
      %dma_wait3A_290 = arith.constant 0 : i32
      %dma_wait3A_291 = tpu.memref_slice %arg5[%add3A_85, %dma_wait3A_290] : memref<2048x1024xf32, #tpu.memory_space<hbm>> -> memref<8x1024xf32, #tpu.memory_space<hbm>>
      %dma_wait3A_292 = arith.constant 0 : i32
      %dma_wait3A_293 = tpu.memref_slice %arg5[%add3A_85, %dma_wait3A_292] : memref<2048x1024xf32, #tpu.memory_space<hbm>> -> memref<8x1024xf32, #tpu.memory_space<hbm>>
      tpu.wait_dma2 semaphore(%run_scoped3A : memref<!tpu.dma_semaphore, #tpu.memory_space<semaphore_mem>>) src(%arg16 : memref<8x1024xf32, #tpu.memory_space<vmem>>) dst(%dma_wait3A_293 : memref<8x1024xf32, #tpu.memory_space<hbm>>)
      tpu.yield
    }) : () -> ()
    %mul3A_86 = arith.constant 64 : i32
    %mul3A_87 = arith.muli %add3A, %mul3A_86 : i32
    %add3A_88 = arith.constant 24 : i32
    %add3A_89 = arith.addi %mul3A_87, %add3A_88 : i32
    "tpu.region"() ({
      %run_scoped3A = tpu.sem_alloc : memref<!tpu.dma_semaphore, #tpu.memory_space<semaphore_mem>>
      %dma_start3A_286 = tpu.memref_slice %arg4[%add3A_89] : memref<4096xi32, #tpu.memory_space<hbm>> -> memref<8xi32, #tpu.memory_space<hbm>>
      %dma_start3A_287 = tpu.memref_slice %arg4[%add3A_89] : memref<4096xi32, #tpu.memory_space<hbm>> -> memref<8xi32, #tpu.memory_space<hbm>>
      tpu.enqueue_dma source(%dma_start3A_287 : memref<8xi32, #tpu.memory_space<hbm>>) target(%arg11 : memref<8xi32, #tpu.memory_space<vmem>>) target_semaphore(%run_scoped3A : memref<!tpu.dma_semaphore, #tpu.memory_space<semaphore_mem>>)
      %dma_wait3A_288 = tpu.memref_slice %arg4[%add3A_89] : memref<4096xi32, #tpu.memory_space<hbm>> -> memref<8xi32, #tpu.memory_space<hbm>>
      %dma_wait3A_289 = tpu.memref_slice %arg4[%add3A_89] : memref<4096xi32, #tpu.memory_space<hbm>> -> memref<8xi32, #tpu.memory_space<hbm>>
      tpu.wait_dma2 semaphore(%run_scoped3A : memref<!tpu.dma_semaphore, #tpu.memory_space<semaphore_mem>>) src(%dma_wait3A_289 : memref<8xi32, #tpu.memory_space<hbm>>) dst(%arg11 : memref<8xi32, #tpu.memory_space<vmem>>)
      tpu.yield
    }) : () -> ()
    %add3A_90 = arith.constant 2048 : i32
    %add3A_91 = arith.addi %add3A_90, %add3A_89 : i32
    "tpu.region"() ({
      %run_scoped3A = tpu.sem_alloc : memref<!tpu.dma_semaphore, #tpu.memory_space<semaphore_mem>>
      %dma_start3A_286 = tpu.memref_slice %arg4[%add3A_91] : memref<4096xi32, #tpu.memory_space<hbm>> -> memref<8xi32, #tpu.memory_space<hbm>>
      %dma_start3A_287 = tpu.memref_slice %arg4[%add3A_91] : memref<4096xi32, #tpu.memory_space<hbm>> -> memref<8xi32, #tpu.memory_space<hbm>>
      tpu.enqueue_dma source(%dma_start3A_287 : memref<8xi32, #tpu.memory_space<hbm>>) target(%arg12 : memref<8xi32, #tpu.memory_space<vmem>>) target_semaphore(%run_scoped3A : memref<!tpu.dma_semaphore, #tpu.memory_space<semaphore_mem>>)
      %dma_wait3A_288 = tpu.memref_slice %arg4[%add3A_91] : memref<4096xi32, #tpu.memory_space<hbm>> -> memref<8xi32, #tpu.memory_space<hbm>>
      %dma_wait3A_289 = tpu.memref_slice %arg4[%add3A_91] : memref<4096xi32, #tpu.memory_space<hbm>> -> memref<8xi32, #tpu.memory_space<hbm>>
      tpu.wait_dma2 semaphore(%run_scoped3A : memref<!tpu.dma_semaphore, #tpu.memory_space<semaphore_mem>>) src(%dma_wait3A_289 : memref<8xi32, #tpu.memory_space<hbm>>) dst(%arg12 : memref<8xi32, #tpu.memory_space<vmem>>)
      tpu.yield
    }) : () -> ()
    %dma_start3A_92 = arith.constant 0 : i32
    %dma_start3A_93 = arith.constant 0 : i32
    %dma_start3A_94 = tpu.memref_slice %arg2[%dma_start3A_92, %dma_start3A_93] : memref<6144x1024xf32, #tpu.memory_space<hbm>> -> memref<6144x1024xf32, #tpu.memory_space<hbm>>
    tpu.enqueue_indirect_dma source(%dma_start3A_94 : memref<6144x1024xf32, #tpu.memory_space<hbm>>) target(%arg13 : memref<8x1024xf32, #tpu.memory_space<vmem>>) offsets(%arg11 : memref<8xi32, #tpu.memory_space<vmem>>) semaphore(%arg20 : memref<!tpu.dma_semaphore, #tpu.memory_space<semaphore_mem>>)
    %dma_start3A_95 = arith.constant 0 : i32
    %dma_start3A_96 = arith.constant 0 : i32
    %dma_start3A_97 = tpu.memref_slice %arg2[%dma_start3A_95, %dma_start3A_96] : memref<6144x1024xf32, #tpu.memory_space<hbm>> -> memref<6144x1024xf32, #tpu.memory_space<hbm>>
    tpu.enqueue_indirect_dma source(%dma_start3A_97 : memref<6144x1024xf32, #tpu.memory_space<hbm>>) target(%arg14 : memref<8x1024xf32, #tpu.memory_space<vmem>>) offsets(%arg12 : memref<8xi32, #tpu.memory_space<vmem>>) semaphore(%arg21 : memref<!tpu.dma_semaphore, #tpu.memory_space<semaphore_mem>>)
    %dma_start3A_98 = arith.constant 0 : i32
    %dma_start3A_99 = tpu.memref_slice %arg3[%add3A_89, %dma_start3A_98] : memref<2048x1024xf32, #tpu.memory_space<hbm>> -> memref<8x1024xf32, #tpu.memory_space<hbm>>
    %dma_start3A_100 = arith.constant 0 : i32
    %dma_start3A_101 = tpu.memref_slice %arg3[%add3A_89, %dma_start3A_100] : memref<2048x1024xf32, #tpu.memory_space<hbm>> -> memref<8x1024xf32, #tpu.memory_space<hbm>>
    tpu.enqueue_dma source(%dma_start3A_101 : memref<8x1024xf32, #tpu.memory_space<hbm>>) target(%arg15 : memref<8x1024xf32, #tpu.memory_space<vmem>>) target_semaphore(%arg22 : memref<!tpu.dma_semaphore, #tpu.memory_space<semaphore_mem>>)
    %dma_wait3A_102 = arith.constant 0 : i32
    %dma_wait3A_103 = arith.constant 0 : i32
    %dma_wait3A_104 = tpu.memref_slice %arg2[%dma_wait3A_102, %dma_wait3A_103] : memref<6144x1024xf32, #tpu.memory_space<hbm>> -> memref<6144x1024xf32, #tpu.memory_space<hbm>>
    tpu.wait_indirect_dma semaphore(%arg17 : memref<!tpu.dma_semaphore, #tpu.memory_space<semaphore_mem>>) src(%dma_wait3A_104 : memref<6144x1024xf32, #tpu.memory_space<hbm>>) dst(%arg8 : memref<8x1024xf32, #tpu.memory_space<vmem>>)
    %dma_wait3A_105 = arith.constant 0 : i32
    %dma_wait3A_106 = arith.constant 0 : i32
    %dma_wait3A_107 = tpu.memref_slice %arg2[%dma_wait3A_105, %dma_wait3A_106] : memref<6144x1024xf32, #tpu.memory_space<hbm>> -> memref<6144x1024xf32, #tpu.memory_space<hbm>>
    tpu.wait_indirect_dma semaphore(%arg18 : memref<!tpu.dma_semaphore, #tpu.memory_space<semaphore_mem>>) src(%dma_wait3A_107 : memref<6144x1024xf32, #tpu.memory_space<hbm>>) dst(%arg9 : memref<8x1024xf32, #tpu.memory_space<vmem>>)
    %dma_wait3A_108 = arith.constant 0 : i32
    %dma_wait3A_109 = tpu.memref_slice %arg3[%add3A_53, %dma_wait3A_108] : memref<2048x1024xf32, #tpu.memory_space<hbm>> -> memref<8x1024xf32, #tpu.memory_space<hbm>>
    %dma_wait3A_110 = arith.constant 0 : i32
    %dma_wait3A_111 = tpu.memref_slice %arg3[%add3A_53, %dma_wait3A_110] : memref<2048x1024xf32, #tpu.memory_space<hbm>> -> memref<8x1024xf32, #tpu.memory_space<hbm>>
    tpu.wait_dma2 semaphore(%arg19 : memref<!tpu.dma_semaphore, #tpu.memory_space<semaphore_mem>>) src(%dma_wait3A_111 : memref<8x1024xf32, #tpu.memory_space<hbm>>) dst(%arg10 : memref<8x1024xf32, #tpu.memory_space<vmem>>)
    %scan3A_112 = arith.constant 0 : i32
    %scan3A_113 = arith.constant 0 : i32
    %scan3A_114 = arith.constant 64 : i32
    %scan3A_115 = arith.addi %scan3A_113, %scan3A_114 : i32
    %scan3A_116 = arith.constant 1 : i32
    scf.for %scan3A_286 = %scan3A_113 to %scan3A_115 step %scan3A_116  : i32 {
      %mul3A_287 = arith.constant 16 : i32
      %mul3A_288 = arith.muli %scan3A_286, %mul3A_287 : i32
      %get3A = arith.constant 0 : i32
      %get3A_289 = arith.index_cast %get3A : i32 to index
      %get3A_290 = arith.index_cast %mul3A_288 : i32 to index
      %get3A_291 = tpu.vector_load %arg8[%get3A_289, %get3A_290] {strides = array<i32>} : memref<8x1024xf32, #tpu.memory_space<vmem>>, vector<1x16xf32>,
      %get3A_292 = vector.shape_cast %get3A_291 : vector<1x16xf32> to vector<16xf32>
      %get3A_293 = arith.constant 0 : i32
      %get3A_294 = arith.index_cast %get3A_293 : i32 to index
      %get3A_295 = arith.index_cast %mul3A_288 : i32 to index
      %get3A_296 = tpu.vector_load %arg9[%get3A_294, %get3A_295] {strides = array<i32>} : memref<8x1024xf32, #tpu.memory_space<vmem>>, vector<1x16xf32>,
      %get3A_297 = vector.shape_cast %get3A_296 : vector<1x16xf32> to vector<16xf32>
      %add3A_298 = arith.addf %get3A_292, %get3A_297 : vector<16xf32>
      %get3A_299 = arith.constant 0 : i32
      %get3A_300 = arith.index_cast %get3A_299 : i32 to index
      %get3A_301 = arith.index_cast %mul3A_288 : i32 to index
      %get3A_302 = tpu.vector_load %arg10[%get3A_300, %get3A_301] {strides = array<i32>} : memref<8x1024xf32, #tpu.memory_space<vmem>>, vector<1x16xf32>,
      %get3A_303 = vector.shape_cast %get3A_302 : vector<1x16xf32> to vector<16xf32>
      %add3A_304 = arith.addf %add3A_298, %get3A_303 : vector<16xf32>
      %swap3A = arith.constant 0 : i32
      %swap3A_305 = arith.index_cast %swap3A : i32 to index
      %swap3A_306 = arith.index_cast %mul3A_288 : i32 to index
      %swap3A_307 = tpu.vector_load %arg16[%swap3A_305, %swap3A_306] {strides = array<i32>} : memref<8x1024xf32, #tpu.memory_space<vmem>>, vector<1x16xf32>,
      %swap3A_308 = vector.shape_cast %swap3A_307 : vector<1x16xf32> to vector<16xf32>
      %swap3A_309 = vector.shape_cast %add3A_304 : vector<16xf32> to vector<1x16xf32>
      tpu.vector_store %arg16[%swap3A_305, %swap3A_306], %swap3A_309 {strides = array<i32>} : memref<8x1024xf32, #tpu.memory_space<vmem>>, vector<1x16xf32>,
      %mul3A_310 = arith.constant 16 : i32
      %mul3A_311 = arith.muli %scan3A_286, %mul3A_310 : i32
      %get3A_312 = arith.constant 1 : i32
      %get3A_313 = arith.index_cast %get3A_312 : i32 to index
      %get3A_314 = arith.index_cast %mul3A_311 : i32 to index
      %get3A_315 = tpu.vector_load %arg8[%get3A_313, %get3A_314] {strides = array<i32>} : memref<8x1024xf32, #tpu.memory_space<vmem>>, vector<1x16xf32>,
      %get3A_316 = vector.shape_cast %get3A_315 : vector<1x16xf32> to vector<16xf32>
      %get3A_317 = arith.constant 1 : i32
      %get3A_318 = arith.index_cast %get3A_317 : i32 to index
      %get3A_319 = arith.index_cast %mul3A_311 : i32 to index
      %get3A_320 = tpu.vector_load %arg9[%get3A_318, %get3A_319] {strides = array<i32>} : memref<8x1024xf32, #tpu.memory_space<vmem>>, vector<1x16xf32>,
      %get3A_321 = vector.shape_cast %get3A_320 : vector<1x16xf32> to vector<16xf32>
      %add3A_322 = arith.addf %get3A_316, %get3A_321 : vector<16xf32>
      %get3A_323 = arith.constant 1 : i32
      %get3A_324 = arith.index_cast %get3A_323 : i32 to index
      %get3A_325 = arith.index_cast %mul3A_311 : i32 to index
      %get3A_326 = tpu.vector_load %arg10[%get3A_324, %get3A_325] {strides = array<i32>} : memref<8x1024xf32, #tpu.memory_space<vmem>>, vector<1x16xf32>,
      %get3A_327 = vector.shape_cast %get3A_326 : vector<1x16xf32> to vector<16xf32>
      %add3A_328 = arith.addf %add3A_322, %get3A_327 : vector<16xf32>
      %swap3A_329 = arith.constant 1 : i32
      %swap3A_330 = arith.index_cast %swap3A_329 : i32 to index
      %swap3A_331 = arith.index_cast %mul3A_311 : i32 to index
      %swap3A_332 = tpu.vector_load %arg16[%swap3A_330, %swap3A_331] {strides = array<i32>} : memref<8x1024xf32, #tpu.memory_space<vmem>>, vector<1x16xf32>,
      %swap3A_333 = vector.shape_cast %swap3A_332 : vector<1x16xf32> to vector<16xf32>
      %swap3A_334 = vector.shape_cast %add3A_328 : vector<16xf32> to vector<1x16xf32>
      tpu.vector_store %arg16[%swap3A_330, %swap3A_331], %swap3A_334 {strides = array<i32>} : memref<8x1024xf32, #tpu.memory_space<vmem>>, vector<1x16xf32>,
      %mul3A_335 = arith.constant 16 : i32
      %mul3A_336 = arith.muli %scan3A_286, %mul3A_335 : i32
      %get3A_337 = arith.constant 2 : i32
      %get3A_338 = arith.index_cast %get3A_337 : i32 to index
      %get3A_339 = arith.index_cast %mul3A_336 : i32 to index
      %get3A_340 = tpu.vector_load %arg8[%get3A_338, %get3A_339] {strides = array<i32>} : memref<8x1024xf32, #tpu.memory_space<vmem>>, vector<1x16xf32>,
      %get3A_341 = vector.shape_cast %get3A_340 : vector<1x16xf32> to vector<16xf32>
      %get3A_342 = arith.constant 2 : i32
      %get3A_343 = arith.index_cast %get3A_342 : i32 to index
      %get3A_344 = arith.index_cast %mul3A_336 : i32 to index
      %get3A_345 = tpu.vector_load %arg9[%get3A_343, %get3A_344] {strides = array<i32>} : memref<8x1024xf32, #tpu.memory_space<vmem>>, vector<1x16xf32>,
      %get3A_346 = vector.shape_cast %get3A_345 : vector<1x16xf32> to vector<16xf32>
      %add3A_347 = arith.addf %get3A_341, %get3A_346 : vector<16xf32>
      %get3A_348 = arith.constant 2 : i32
      %get3A_349 = arith.index_cast %get3A_348 : i32 to index
      %get3A_350 = arith.index_cast %mul3A_336 : i32 to index
      %get3A_351 = tpu.vector_load %arg10[%get3A_349, %get3A_350] {strides = array<i32>} : memref<8x1024xf32, #tpu.memory_space<vmem>>, vector<1x16xf32>,
      %get3A_352 = vector.shape_cast %get3A_351 : vector<1x16xf32> to vector<16xf32>
      %add3A_353 = arith.addf %add3A_347, %get3A_352 : vector<16xf32>
      %swap3A_354 = arith.constant 2 : i32
      %swap3A_355 = arith.index_cast %swap3A_354 : i32 to index
      %swap3A_356 = arith.index_cast %mul3A_336 : i32 to index
      %swap3A_357 = tpu.vector_load %arg16[%swap3A_355, %swap3A_356] {strides = array<i32>} : memref<8x1024xf32, #tpu.memory_space<vmem>>, vector<1x16xf32>,
      %swap3A_358 = vector.shape_cast %swap3A_357 : vector<1x16xf32> to vector<16xf32>
      %swap3A_359 = vector.shape_cast %add3A_353 : vector<16xf32> to vector<1x16xf32>
      tpu.vector_store %arg16[%swap3A_355, %swap3A_356], %swap3A_359 {strides = array<i32>} : memref<8x1024xf32, #tpu.memory_space<vmem>>, vector<1x16xf32>,
      %mul3A_360 = arith.constant 16 : i32
      %mul3A_361 = arith.muli %scan3A_286, %mul3A_360 : i32
      %get3A_362 = arith.constant 3 : i32
      %get3A_363 = arith.index_cast %get3A_362 : i32 to index
      %get3A_364 = arith.index_cast %mul3A_361 : i32 to index
      %get3A_365 = tpu.vector_load %arg8[%get3A_363, %get3A_364] {strides = array<i32>} : memref<8x1024xf32, #tpu.memory_space<vmem>>, vector<1x16xf32>,
      %get3A_366 = vector.shape_cast %get3A_365 : vector<1x16xf32> to vector<16xf32>
      %get3A_367 = arith.constant 3 : i32
      %get3A_368 = arith.index_cast %get3A_367 : i32 to index
      %get3A_369 = arith.index_cast %mul3A_361 : i32 to index
      %get3A_370 = tpu.vector_load %arg9[%get3A_368, %get3A_369] {strides = array<i32>} : memref<8x1024xf32, #tpu.memory_space<vmem>>, vector<1x16xf32>,
      %get3A_371 = vector.shape_cast %get3A_370 : vector<1x16xf32> to vector<16xf32>
      %add3A_372 = arith.addf %get3A_366, %get3A_371 : vector<16xf32>
      %get3A_373 = arith.constant 3 : i32
      %get3A_374 = arith.index_cast %get3A_373 : i32 to index
      %get3A_375 = arith.index_cast %mul3A_361 : i32 to index
      %get3A_376 = tpu.vector_load %arg10[%get3A_374, %get3A_375] {strides = array<i32>} : memref<8x1024xf32, #tpu.memory_space<vmem>>, vector<1x16xf32>,
      %get3A_377 = vector.shape_cast %get3A_376 : vector<1x16xf32> to vector<16xf32>
      %add3A_378 = arith.addf %add3A_372, %get3A_377 : vector<16xf32>
      %swap3A_379 = arith.constant 3 : i32
      %swap3A_380 = arith.index_cast %swap3A_379 : i32 to index
      %swap3A_381 = arith.index_cast %mul3A_361 : i32 to index
      %swap3A_382 = tpu.vector_load %arg16[%swap3A_380, %swap3A_381] {strides = array<i32>} : memref<8x1024xf32, #tpu.memory_space<vmem>>, vector<1x16xf32>,
      %swap3A_383 = vector.shape_cast %swap3A_382 : vector<1x16xf32> to vector<16xf32>
      %swap3A_384 = vector.shape_cast %add3A_378 : vector<16xf32> to vector<1x16xf32>
      tpu.vector_store %arg16[%swap3A_380, %swap3A_381], %swap3A_384 {strides = array<i32>} : memref<8x1024xf32, #tpu.memory_space<vmem>>, vector<1x16xf32>,
      %mul3A_385 = arith.constant 16 : i32
      %mul3A_386 = arith.muli %scan3A_286, %mul3A_385 : i32
      %get3A_387 = arith.constant 4 : i32
      %get3A_388 = arith.index_cast %get3A_387 : i32 to index
      %get3A_389 = arith.index_cast %mul3A_386 : i32 to index
      %get3A_390 = tpu.vector_load %arg8[%get3A_388, %get3A_389] {strides = array<i32>} : memref<8x1024xf32, #tpu.memory_space<vmem>>, vector<1x16xf32>,
      %get3A_391 = vector.shape_cast %get3A_390 : vector<1x16xf32> to vector<16xf32>
      %get3A_392 = arith.constant 4 : i32
      %get3A_393 = arith.index_cast %get3A_392 : i32 to index
      %get3A_394 = arith.index_cast %mul3A_386 : i32 to index
      %get3A_395 = tpu.vector_load %arg9[%get3A_393, %get3A_394] {strides = array<i32>} : memref<8x1024xf32, #tpu.memory_space<vmem>>, vector<1x16xf32>,
      %get3A_396 = vector.shape_cast %get3A_395 : vector<1x16xf32> to vector<16xf32>
      %add3A_397 = arith.addf %get3A_391, %get3A_396 : vector<16xf32>
      %get3A_398 = arith.constant 4 : i32
      %get3A_399 = arith.index_cast %get3A_398 : i32 to index
      %get3A_400 = arith.index_cast %mul3A_386 : i32 to index
      %get3A_401 = tpu.vector_load %arg10[%get3A_399, %get3A_400] {strides = array<i32>} : memref<8x1024xf32, #tpu.memory_space<vmem>>, vector<1x16xf32>,
      %get3A_402 = vector.shape_cast %get3A_401 : vector<1x16xf32> to vector<16xf32>
      %add3A_403 = arith.addf %add3A_397, %get3A_402 : vector<16xf32>
      %swap3A_404 = arith.constant 4 : i32
      %swap3A_405 = arith.index_cast %swap3A_404 : i32 to index
      %swap3A_406 = arith.index_cast %mul3A_386 : i32 to index
      %swap3A_407 = tpu.vector_load %arg16[%swap3A_405, %swap3A_406] {strides = array<i32>} : memref<8x1024xf32, #tpu.memory_space<vmem>>, vector<1x16xf32>,
      %swap3A_408 = vector.shape_cast %swap3A_407 : vector<1x16xf32> to vector<16xf32>
      %swap3A_409 = vector.shape_cast %add3A_403 : vector<16xf32> to vector<1x16xf32>
      tpu.vector_store %arg16[%swap3A_405, %swap3A_406], %swap3A_409 {strides = array<i32>} : memref<8x1024xf32, #tpu.memory_space<vmem>>, vector<1x16xf32>,
      %mul3A_410 = arith.constant 16 : i32
      %mul3A_411 = arith.muli %scan3A_286, %mul3A_410 : i32
      %get3A_412 = arith.constant 5 : i32
      %get3A_413 = arith.index_cast %get3A_412 : i32 to index
      %get3A_414 = arith.index_cast %mul3A_411 : i32 to index
      %get3A_415 = tpu.vector_load %arg8[%get3A_413, %get3A_414] {strides = array<i32>} : memref<8x1024xf32, #tpu.memory_space<vmem>>, vector<1x16xf32>,
      %get3A_416 = vector.shape_cast %get3A_415 : vector<1x16xf32> to vector<16xf32>
      %get3A_417 = arith.constant 5 : i32
      %get3A_418 = arith.index_cast %get3A_417 : i32 to index
      %get3A_419 = arith.index_cast %mul3A_411 : i32 to index
      %get3A_420 = tpu.vector_load %arg9[%get3A_418, %get3A_419] {strides = array<i32>} : memref<8x1024xf32, #tpu.memory_space<vmem>>, vector<1x16xf32>,
      %get3A_421 = vector.shape_cast %get3A_420 : vector<1x16xf32> to vector<16xf32>
      %add3A_422 = arith.addf %get3A_416, %get3A_421 : vector<16xf32>
      %get3A_423 = arith.constant 5 : i32
      %get3A_424 = arith.index_cast %get3A_423 : i32 to index
      %get3A_425 = arith.index_cast %mul3A_411 : i32 to index
      %get3A_426 = tpu.vector_load %arg10[%get3A_424, %get3A_425] {strides = array<i32>} : memref<8x1024xf32, #tpu.memory_space<vmem>>, vector<1x16xf32>,
      %get3A_427 = vector.shape_cast %get3A_426 : vector<1x16xf32> to vector<16xf32>
      %add3A_428 = arith.addf %add3A_422, %get3A_427 : vector<16xf32>
      %swap3A_429 = arith.constant 5 : i32
      %swap3A_430 = arith.index_cast %swap3A_429 : i32 to index
      %swap3A_431 = arith.index_cast %mul3A_411 : i32 to index
      %swap3A_432 = tpu.vector_load %arg16[%swap3A_430, %swap3A_431] {strides = array<i32>} : memref<8x1024xf32, #tpu.memory_space<vmem>>, vector<1x16xf32>,
      %swap3A_433 = vector.shape_cast %swap3A_432 : vector<1x16xf32> to vector<16xf32>
      %swap3A_434 = vector.shape_cast %add3A_428 : vector<16xf32> to vector<1x16xf32>
      tpu.vector_store %arg16[%swap3A_430, %swap3A_431], %swap3A_434 {strides = array<i32>} : memref<8x1024xf32, #tpu.memory_space<vmem>>, vector<1x16xf32>,
      %mul3A_435 = arith.constant 16 : i32
      %mul3A_436 = arith.muli %scan3A_286, %mul3A_435 : i32
      %get3A_437 = arith.constant 6 : i32
      %get3A_438 = arith.index_cast %get3A_437 : i32 to index
      %get3A_439 = arith.index_cast %mul3A_436 : i32 to index
      %get3A_440 = tpu.vector_load %arg8[%get3A_438, %get3A_439] {strides = array<i32>} : memref<8x1024xf32, #tpu.memory_space<vmem>>, vector<1x16xf32>,
      %get3A_441 = vector.shape_cast %get3A_440 : vector<1x16xf32> to vector<16xf32>
      %get3A_442 = arith.constant 6 : i32
      %get3A_443 = arith.index_cast %get3A_442 : i32 to index
      %get3A_444 = arith.index_cast %mul3A_436 : i32 to index
      %get3A_445 = tpu.vector_load %arg9[%get3A_443, %get3A_444] {strides = array<i32>} : memref<8x1024xf32, #tpu.memory_space<vmem>>, vector<1x16xf32>,
      %get3A_446 = vector.shape_cast %get3A_445 : vector<1x16xf32> to vector<16xf32>
      %add3A_447 = arith.addf %get3A_441, %get3A_446 : vector<16xf32>
      %get3A_448 = arith.constant 6 : i32
      %get3A_449 = arith.index_cast %get3A_448 : i32 to index
      %get3A_450 = arith.index_cast %mul3A_436 : i32 to index
      %get3A_451 = tpu.vector_load %arg10[%get3A_449, %get3A_450] {strides = array<i32>} : memref<8x1024xf32, #tpu.memory_space<vmem>>, vector<1x16xf32>,
      %get3A_452 = vector.shape_cast %get3A_451 : vector<1x16xf32> to vector<16xf32>
      %add3A_453 = arith.addf %add3A_447, %get3A_452 : vector<16xf32>
      %swap3A_454 = arith.constant 6 : i32
      %swap3A_455 = arith.index_cast %swap3A_454 : i32 to index
      %swap3A_456 = arith.index_cast %mul3A_436 : i32 to index
      %swap3A_457 = tpu.vector_load %arg16[%swap3A_455, %swap3A_456] {strides = array<i32>} : memref<8x1024xf32, #tpu.memory_space<vmem>>, vector<1x16xf32>,
      %swap3A_458 = vector.shape_cast %swap3A_457 : vector<1x16xf32> to vector<16xf32>
      %swap3A_459 = vector.shape_cast %add3A_453 : vector<16xf32> to vector<1x16xf32>
      tpu.vector_store %arg16[%swap3A_455, %swap3A_456], %swap3A_459 {strides = array<i32>} : memref<8x1024xf32, #tpu.memory_space<vmem>>, vector<1x16xf32>,
      %mul3A_460 = arith.constant 16 : i32
      %mul3A_461 = arith.muli %scan3A_286, %mul3A_460 : i32
      %get3A_462 = arith.constant 7 : i32
      %get3A_463 = arith.index_cast %get3A_462 : i32 to index
      %get3A_464 = arith.index_cast %mul3A_461 : i32 to index
      %get3A_465 = tpu.vector_load %arg8[%get3A_463, %get3A_464] {strides = array<i32>} : memref<8x1024xf32, #tpu.memory_space<vmem>>, vector<1x16xf32>,
      %get3A_466 = vector.shape_cast %get3A_465 : vector<1x16xf32> to vector<16xf32>
      %get3A_467 = arith.constant 7 : i32
      %get3A_468 = arith.index_cast %get3A_467 : i32 to index
      %get3A_469 = arith.index_cast %mul3A_461 : i32 to index
      %get3A_470 = tpu.vector_load %arg9[%get3A_468, %get3A_469] {strides = array<i32>} : memref<8x1024xf32, #tpu.memory_space<vmem>>, vector<1x16xf32>,
      %get3A_471 = vector.shape_cast %get3A_470 : vector<1x16xf32> to vector<16xf32>
      %add3A_472 = arith.addf %get3A_466, %get3A_471 : vector<16xf32>
      %get3A_473 = arith.constant 7 : i32
      %get3A_474 = arith.index_cast %get3A_473 : i32 to index
      %get3A_475 = arith.index_cast %mul3A_461 : i32 to index
      %get3A_476 = tpu.vector_load %arg10[%get3A_474, %get3A_475] {strides = array<i32>} : memref<8x1024xf32, #tpu.memory_space<vmem>>, vector<1x16xf32>,
      %get3A_477 = vector.shape_cast %get3A_476 : vector<1x16xf32> to vector<16xf32>
      %add3A_478 = arith.addf %add3A_472, %get3A_477 : vector<16xf32>
      %swap3A_479 = arith.constant 7 : i32
      %swap3A_480 = arith.index_cast %swap3A_479 : i32 to index
      %swap3A_481 = arith.index_cast %mul3A_461 : i32 to index
      %swap3A_482 = tpu.vector_load %arg16[%swap3A_480, %swap3A_481] {strides = array<i32>} : memref<8x1024xf32, #tpu.memory_space<vmem>>, vector<1x16xf32>,
      %swap3A_483 = vector.shape_cast %swap3A_482 : vector<1x16xf32> to vector<16xf32>
      %swap3A_484 = vector.shape_cast %add3A_478 : vector<16xf32> to vector<1x16xf32>
      tpu.vector_store %arg16[%swap3A_480, %swap3A_481], %swap3A_484 {strides = array<i32>} : memref<8x1024xf32, #tpu.memory_space<vmem>>, vector<1x16xf32>,
    }
    %scan3A_117 = arith.constant 64 : i32
    %mul3A_118 = arith.constant 64 : i32
    %mul3A_119 = arith.muli %add3A, %mul3A_118 : i32
    %add3A_120 = arith.constant 16 : i32
    %add3A_121 = arith.addi %mul3A_119, %add3A_120 : i32
    "tpu.region"() ({
      %run_scoped3A = tpu.sem_alloc : memref<!tpu.dma_semaphore, #tpu.memory_space<semaphore_mem>>
      %dma_start3A_286 = arith.constant 0 : i32
      %dma_start3A_287 = tpu.memref_slice %arg5[%add3A_121, %dma_start3A_286] : memref<2048x1024xf32, #tpu.memory_space<hbm>> -> memref<8x1024xf32, #tpu.memory_space<hbm>>
      %dma_start3A_288 = arith.constant 0 : i32
      %dma_start3A_289 = tpu.memref_slice %arg5[%add3A_121, %dma_start3A_288] : memref<2048x1024xf32, #tpu.memory_space<hbm>> -> memref<8x1024xf32, #tpu.memory_space<hbm>>
      tpu.enqueue_dma source(%arg16 : memref<8x1024xf32, #tpu.memory_space<vmem>>) target(%dma_start3A_289 : memref<8x1024xf32, #tpu.memory_space<hbm>>) target_semaphore(%run_scoped3A : memref<!tpu.dma_semaphore, #tpu.memory_space<semaphore_mem>>)
      %dma_wait3A_290 = arith.constant 0 : i32
      %dma_wait3A_291 = tpu.memref_slice %arg5[%add3A_121, %dma_wait3A_290] : memref<2048x1024xf32, #tpu.memory_space<hbm>> -> memref<8x1024xf32, #tpu.memory_space<hbm>>
      %dma_wait3A_292 = arith.constant 0 : i32
      %dma_wait3A_293 = tpu.memref_slice %arg5[%add3A_121, %dma_wait3A_292] : memref<2048x1024xf32, #tpu.memory_space<hbm>> -> memref<8x1024xf32, #tpu.memory_space<hbm>>
      tpu.wait_dma2 semaphore(%run_scoped3A : memref<!tpu.dma_semaphore, #tpu.memory_space<semaphore_mem>>) src(%arg16 : memref<8x1024xf32, #tpu.memory_space<vmem>>) dst(%dma_wait3A_293 : memref<8x1024xf32, #tpu.memory_space<hbm>>)
      tpu.yield
    }) : () -> ()
    %mul3A_122 = arith.constant 64 : i32
    %mul3A_123 = arith.muli %add3A, %mul3A_122 : i32
    %add3A_124 = arith.constant 32 : i32
    %add3A_125 = arith.addi %mul3A_123, %add3A_124 : i32
    "tpu.region"() ({
      %run_scoped3A = tpu.sem_alloc : memref<!tpu.dma_semaphore, #tpu.memory_space<semaphore_mem>>
      %dma_start3A_286 = tpu.memref_slice %arg4[%add3A_125] : memref<4096xi32, #tpu.memory_space<hbm>> -> memref<8xi32, #tpu.memory_space<hbm>>
      %dma_start3A_287 = tpu.memref_slice %arg4[%add3A_125] : memref<4096xi32, #tpu.memory_space<hbm>> -> memref<8xi32, #tpu.memory_space<hbm>>
      tpu.enqueue_dma source(%dma_start3A_287 : memref<8xi32, #tpu.memory_space<hbm>>) target(%arg6 : memref<8xi32, #tpu.memory_space<vmem>>) target_semaphore(%run_scoped3A : memref<!tpu.dma_semaphore, #tpu.memory_space<semaphore_mem>>)
      %dma_wait3A_288 = tpu.memref_slice %arg4[%add3A_125] : memref<4096xi32, #tpu.memory_space<hbm>> -> memref<8xi32, #tpu.memory_space<hbm>>
      %dma_wait3A_289 = tpu.memref_slice %arg4[%add3A_125] : memref<4096xi32, #tpu.memory_space<hbm>> -> memref<8xi32, #tpu.memory_space<hbm>>
      tpu.wait_dma2 semaphore(%run_scoped3A : memref<!tpu.dma_semaphore, #tpu.memory_space<semaphore_mem>>) src(%dma_wait3A_289 : memref<8xi32, #tpu.memory_space<hbm>>) dst(%arg6 : memref<8xi32, #tpu.memory_space<vmem>>)
      tpu.yield
    }) : () -> ()
    %add3A_126 = arith.constant 2048 : i32
    %add3A_127 = arith.addi %add3A_126, %add3A_125 : i32
    "tpu.region"() ({
      %run_scoped3A = tpu.sem_alloc : memref<!tpu.dma_semaphore, #tpu.memory_space<semaphore_mem>>
      %dma_start3A_286 = tpu.memref_slice %arg4[%add3A_127] : memref<4096xi32, #tpu.memory_space<hbm>> -> memref<8xi32, #tpu.memory_space<hbm>>
      %dma_start3A_287 = tpu.memref_slice %arg4[%add3A_127] : memref<4096xi32, #tpu.memory_space<hbm>> -> memref<8xi32, #tpu.memory_space<hbm>>
      tpu.enqueue_dma source(%dma_start3A_287 : memref<8xi32, #tpu.memory_space<hbm>>) target(%arg7 : memref<8xi32, #tpu.memory_space<vmem>>) target_semaphore(%run_scoped3A : memref<!tpu.dma_semaphore, #tpu.memory_space<semaphore_mem>>)
      %dma_wait3A_288 = tpu.memref_slice %arg4[%add3A_127] : memref<4096xi32, #tpu.memory_space<hbm>> -> memref<8xi32, #tpu.memory_space<hbm>>
      %dma_wait3A_289 = tpu.memref_slice %arg4[%add3A_127] : memref<4096xi32, #tpu.memory_space<hbm>> -> memref<8xi32, #tpu.memory_space<hbm>>
      tpu.wait_dma2 semaphore(%run_scoped3A : memref<!tpu.dma_semaphore, #tpu.memory_space<semaphore_mem>>) src(%dma_wait3A_289 : memref<8xi32, #tpu.memory_space<hbm>>) dst(%arg7 : memref<8xi32, #tpu.memory_space<vmem>>)
      tpu.yield
    }) : () -> ()
    %dma_start3A_128 = arith.constant 0 : i32
    %dma_start3A_129 = arith.constant 0 : i32
    %dma_start3A_130 = tpu.memref_slice %arg2[%dma_start3A_128, %dma_start3A_129] : memref<6144x1024xf32, #tpu.memory_space<hbm>> -> memref<6144x1024xf32, #tpu.memory_space<hbm>>
    tpu.enqueue_indirect_dma source(%dma_start3A_130 : memref<6144x1024xf32, #tpu.memory_space<hbm>>) target(%arg8 : memref<8x1024xf32, #tpu.memory_space<vmem>>) offsets(%arg6 : memref<8xi32, #tpu.memory_space<vmem>>) semaphore(%arg17 : memref<!tpu.dma_semaphore, #tpu.memory_space<semaphore_mem>>)
    %dma_start3A_131 = arith.constant 0 : i32
    %dma_start3A_132 = arith.constant 0 : i32
    %dma_start3A_133 = tpu.memref_slice %arg2[%dma_start3A_131, %dma_start3A_132] : memref<6144x1024xf32, #tpu.memory_space<hbm>> -> memref<6144x1024xf32, #tpu.memory_space<hbm>>
    tpu.enqueue_indirect_dma source(%dma_start3A_133 : memref<6144x1024xf32, #tpu.memory_space<hbm>>) target(%arg9 : memref<8x1024xf32, #tpu.memory_space<vmem>>) offsets(%arg7 : memref<8xi32, #tpu.memory_space<vmem>>) semaphore(%arg18 : memref<!tpu.dma_semaphore, #tpu.memory_space<semaphore_mem>>)
    %dma_start3A_134 = arith.constant 0 : i32
    %dma_start3A_135 = tpu.memref_slice %arg3[%add3A_125, %dma_start3A_134] : memref<2048x1024xf32, #tpu.memory_space<hbm>> -> memref<8x1024xf32, #tpu.memory_space<hbm>>
    %dma_start3A_136 = arith.constant 0 : i32
    %dma_start3A_137 = tpu.memref_slice %arg3[%add3A_125, %dma_start3A_136] : memref<2048x1024xf32, #tpu.memory_space<hbm>> -> memref<8x1024xf32, #tpu.memory_space<hbm>>
    tpu.enqueue_dma source(%dma_start3A_137 : memref<8x1024xf32, #tpu.memory_space<hbm>>) target(%arg10 : memref<8x1024xf32, #tpu.memory_space<vmem>>) target_semaphore(%arg19 : memref<!tpu.dma_semaphore, #tpu.memory_space<semaphore_mem>>)
    %dma_wait3A_138 = arith.constant 0 : i32
    %dma_wait3A_139 = arith.constant 0 : i32
    %dma_wait3A_140 = tpu.memref_slice %arg2[%dma_wait3A_138, %dma_wait3A_139] : memref<6144x1024xf32, #tpu.memory_space<hbm>> -> memref<6144x1024xf32, #tpu.memory_space<hbm>>
    tpu.wait_indirect_dma semaphore(%arg20 : memref<!tpu.dma_semaphore, #tpu.memory_space<semaphore_mem>>) src(%dma_wait3A_140 : memref<6144x1024xf32, #tpu.memory_space<hbm>>) dst(%arg13 : memref<8x1024xf32, #tpu.memory_space<vmem>>)
    %dma_wait3A_141 = arith.constant 0 : i32
    %dma_wait3A_142 = arith.constant 0 : i32
    %dma_wait3A_143 = tpu.memref_slice %arg2[%dma_wait3A_141, %dma_wait3A_142] : memref<6144x1024xf32, #tpu.memory_space<hbm>> -> memref<6144x1024xf32, #tpu.memory_space<hbm>>
    tpu.wait_indirect_dma semaphore(%arg21 : memref<!tpu.dma_semaphore, #tpu.memory_space<semaphore_mem>>) src(%dma_wait3A_143 : memref<6144x1024xf32, #tpu.memory_space<hbm>>) dst(%arg14 : memref<8x1024xf32, #tpu.memory_space<vmem>>)
    %dma_wait3A_144 = arith.constant 0 : i32
    %dma_wait3A_145 = tpu.memref_slice %arg3[%add3A_89, %dma_wait3A_144] : memref<2048x1024xf32, #tpu.memory_space<hbm>> -> memref<8x1024xf32, #tpu.memory_space<hbm>>
    %dma_wait3A_146 = arith.constant 0 : i32
    %dma_wait3A_147 = tpu.memref_slice %arg3[%add3A_89, %dma_wait3A_146] : memref<2048x1024xf32, #tpu.memory_space<hbm>> -> memref<8x1024xf32, #tpu.memory_space<hbm>>
    tpu.wait_dma2 semaphore(%arg22 : memref<!tpu.dma_semaphore, #tpu.memory_space<semaphore_mem>>) src(%dma_wait3A_147 : memref<8x1024xf32, #tpu.memory_space<hbm>>) dst(%arg15 : memref<8x1024xf32, #tpu.memory_space<vmem>>)
    %scan3A_148 = arith.constant 0 : i32
    %scan3A_149 = arith.constant 0 : i32
    %scan3A_150 = arith.constant 64 : i32
    %scan3A_151 = arith.addi %scan3A_149, %scan3A_150 : i32
    %scan3A_152 = arith.constant 1 : i32
    scf.for %scan3A_286 = %scan3A_149 to %scan3A_151 step %scan3A_152  : i32 {
      %mul3A_287 = arith.constant 16 : i32
      %mul3A_288 = arith.muli %scan3A_286, %mul3A_287 : i32
      %get3A = arith.constant 0 : i32
      %get3A_289 = arith.index_cast %get3A : i32 to index
      %get3A_290 = arith.index_cast %mul3A_288 : i32 to index
      %get3A_291 = tpu.vector_load %arg13[%get3A_289, %get3A_290] {strides = array<i32>} : memref<8x1024xf32, #tpu.memory_space<vmem>>, vector<1x16xf32>,
      %get3A_292 = vector.shape_cast %get3A_291 : vector<1x16xf32> to vector<16xf32>
      %get3A_293 = arith.constant 0 : i32
      %get3A_294 = arith.index_cast %get3A_293 : i32 to index
      %get3A_295 = arith.index_cast %mul3A_288 : i32 to index
      %get3A_296 = tpu.vector_load %arg14[%get3A_294, %get3A_295] {strides = array<i32>} : memref<8x1024xf32, #tpu.memory_space<vmem>>, vector<1x16xf32>,
      %get3A_297 = vector.shape_cast %get3A_296 : vector<1x16xf32> to vector<16xf32>
      %add3A_298 = arith.addf %get3A_292, %get3A_297 : vector<16xf32>
      %get3A_299 = arith.constant 0 : i32
      %get3A_300 = arith.index_cast %get3A_299 : i32 to index
      %get3A_301 = arith.index_cast %mul3A_288 : i32 to index
      %get3A_302 = tpu.vector_load %arg15[%get3A_300, %get3A_301] {strides = array<i32>} : memref<8x1024xf32, #tpu.memory_space<vmem>>, vector<1x16xf32>,
      %get3A_303 = vector.shape_cast %get3A_302 : vector<1x16xf32> to vector<16xf32>
      %add3A_304 = arith.addf %add3A_298, %get3A_303 : vector<16xf32>
      %swap3A = arith.constant 0 : i32
      %swap3A_305 = arith.index_cast %swap3A : i32 to index
      %swap3A_306 = arith.index_cast %mul3A_288 : i32 to index
      %swap3A_307 = tpu.vector_load %arg16[%swap3A_305, %swap3A_306] {strides = array<i32>} : memref<8x1024xf32, #tpu.memory_space<vmem>>, vector<1x16xf32>,
      %swap3A_308 = vector.shape_cast %swap3A_307 : vector<1x16xf32> to vector<16xf32>
      %swap3A_309 = vector.shape_cast %add3A_304 : vector<16xf32> to vector<1x16xf32>
      tpu.vector_store %arg16[%swap3A_305, %swap3A_306], %swap3A_309 {strides = array<i32>} : memref<8x1024xf32, #tpu.memory_space<vmem>>, vector<1x16xf32>,
      %mul3A_310 = arith.constant 16 : i32
      %mul3A_311 = arith.muli %scan3A_286, %mul3A_310 : i32
      %get3A_312 = arith.constant 1 : i32
      %get3A_313 = arith.index_cast %get3A_312 : i32 to index
      %get3A_314 = arith.index_cast %mul3A_311 : i32 to index
      %get3A_315 = tpu.vector_load %arg13[%get3A_313, %get3A_314] {strides = array<i32>} : memref<8x1024xf32, #tpu.memory_space<vmem>>, vector<1x16xf32>,
      %get3A_316 = vector.shape_cast %get3A_315 : vector<1x16xf32> to vector<16xf32>
      %get3A_317 = arith.constant 1 : i32
      %get3A_318 = arith.index_cast %get3A_317 : i32 to index
      %get3A_319 = arith.index_cast %mul3A_311 : i32 to index
      %get3A_320 = tpu.vector_load %arg14[%get3A_318, %get3A_319] {strides = array<i32>} : memref<8x1024xf32, #tpu.memory_space<vmem>>, vector<1x16xf32>,
      %get3A_321 = vector.shape_cast %get3A_320 : vector<1x16xf32> to vector<16xf32>
      %add3A_322 = arith.addf %get3A_316, %get3A_321 : vector<16xf32>
      %get3A_323 = arith.constant 1 : i32
      %get3A_324 = arith.index_cast %get3A_323 : i32 to index
      %get3A_325 = arith.index_cast %mul3A_311 : i32 to index
      %get3A_326 = tpu.vector_load %arg15[%get3A_324, %get3A_325] {strides = array<i32>} : memref<8x1024xf32, #tpu.memory_space<vmem>>, vector<1x16xf32>,
      %get3A_327 = vector.shape_cast %get3A_326 : vector<1x16xf32> to vector<16xf32>
      %add3A_328 = arith.addf %add3A_322, %get3A_327 : vector<16xf32>
      %swap3A_329 = arith.constant 1 : i32
      %swap3A_330 = arith.index_cast %swap3A_329 : i32 to index
      %swap3A_331 = arith.index_cast %mul3A_311 : i32 to index
      %swap3A_332 = tpu.vector_load %arg16[%swap3A_330, %swap3A_331] {strides = array<i32>} : memref<8x1024xf32, #tpu.memory_space<vmem>>, vector<1x16xf32>,
      %swap3A_333 = vector.shape_cast %swap3A_332 : vector<1x16xf32> to vector<16xf32>
      %swap3A_334 = vector.shape_cast %add3A_328 : vector<16xf32> to vector<1x16xf32>
      tpu.vector_store %arg16[%swap3A_330, %swap3A_331], %swap3A_334 {strides = array<i32>} : memref<8x1024xf32, #tpu.memory_space<vmem>>, vector<1x16xf32>,
      %mul3A_335 = arith.constant 16 : i32
      %mul3A_336 = arith.muli %scan3A_286, %mul3A_335 : i32
      %get3A_337 = arith.constant 2 : i32
      %get3A_338 = arith.index_cast %get3A_337 : i32 to index
      %get3A_339 = arith.index_cast %mul3A_336 : i32 to index
      %get3A_340 = tpu.vector_load %arg13[%get3A_338, %get3A_339] {strides = array<i32>} : memref<8x1024xf32, #tpu.memory_space<vmem>>, vector<1x16xf32>,
      %get3A_341 = vector.shape_cast %get3A_340 : vector<1x16xf32> to vector<16xf32>
      %get3A_342 = arith.constant 2 : i32
      %get3A_343 = arith.index_cast %get3A_342 : i32 to index
      %get3A_344 = arith.index_cast %mul3A_336 : i32 to index
      %get3A_345 = tpu.vector_load %arg14[%get3A_343, %get3A_344] {strides = array<i32>} : memref<8x1024xf32, #tpu.memory_space<vmem>>, vector<1x16xf32>,
      %get3A_346 = vector.shape_cast %get3A_345 : vector<1x16xf32> to vector<16xf32>
      %add3A_347 = arith.addf %get3A_341, %get3A_346 : vector<16xf32>
      %get3A_348 = arith.constant 2 : i32
      %get3A_349 = arith.index_cast %get3A_348 : i32 to index
      %get3A_350 = arith.index_cast %mul3A_336 : i32 to index
      %get3A_351 = tpu.vector_load %arg15[%get3A_349, %get3A_350] {strides = array<i32>} : memref<8x1024xf32, #tpu.memory_space<vmem>>, vector<1x16xf32>,
      %get3A_352 = vector.shape_cast %get3A_351 : vector<1x16xf32> to vector<16xf32>
      %add3A_353 = arith.addf %add3A_347, %get3A_352 : vector<16xf32>
      %swap3A_354 = arith.constant 2 : i32
      %swap3A_355 = arith.index_cast %swap3A_354 : i32 to index
      %swap3A_356 = arith.index_cast %mul3A_336 : i32 to index
      %swap3A_357 = tpu.vector_load %arg16[%swap3A_355, %swap3A_356] {strides = array<i32>} : memref<8x1024xf32, #tpu.memory_space<vmem>>, vector<1x16xf32>,
      %swap3A_358 = vector.shape_cast %swap3A_357 : vector<1x16xf32> to vector<16xf32>
      %swap3A_359 = vector.shape_cast %add3A_353 : vector<16xf32> to vector<1x16xf32>
      tpu.vector_store %arg16[%swap3A_355, %swap3A_356], %swap3A_359 {strides = array<i32>} : memref<8x1024xf32, #tpu.memory_space<vmem>>, vector<1x16xf32>,
      %mul3A_360 = arith.constant 16 : i32
      %mul3A_361 = arith.muli %scan3A_286, %mul3A_360 : i32
      %get3A_362 = arith.constant 3 : i32
      %get3A_363 = arith.index_cast %get3A_362 : i32 to index
      %get3A_364 = arith.index_cast %mul3A_361 : i32 to index
      %get3A_365 = tpu.vector_load %arg13[%get3A_363, %get3A_364] {strides = array<i32>} : memref<8x1024xf32, #tpu.memory_space<vmem>>, vector<1x16xf32>,
      %get3A_366 = vector.shape_cast %get3A_365 : vector<1x16xf32> to vector<16xf32>
      %get3A_367 = arith.constant 3 : i32
      %get3A_368 = arith.index_cast %get3A_367 : i32 to index
      %get3A_369 = arith.index_cast %mul3A_361 : i32 to index
      %get3A_370 = tpu.vector_load %arg14[%get3A_368, %get3A_369] {strides = array<i32>} : memref<8x1024xf32, #tpu.memory_space<vmem>>, vector<1x16xf32>,
      %get3A_371 = vector.shape_cast %get3A_370 : vector<1x16xf32> to vector<16xf32>
      %add3A_372 = arith.addf %get3A_366, %get3A_371 : vector<16xf32>
      %get3A_373 = arith.constant 3 : i32
      %get3A_374 = arith.index_cast %get3A_373 : i32 to index
      %get3A_375 = arith.index_cast %mul3A_361 : i32 to index
      %get3A_376 = tpu.vector_load %arg15[%get3A_374, %get3A_375] {strides = array<i32>} : memref<8x1024xf32, #tpu.memory_space<vmem>>, vector<1x16xf32>,
      %get3A_377 = vector.shape_cast %get3A_376 : vector<1x16xf32> to vector<16xf32>
      %add3A_378 = arith.addf %add3A_372, %get3A_377 : vector<16xf32>
      %swap3A_379 = arith.constant 3 : i32
      %swap3A_380 = arith.index_cast %swap3A_379 : i32 to index
      %swap3A_381 = arith.index_cast %mul3A_361 : i32 to index
      %swap3A_382 = tpu.vector_load %arg16[%swap3A_380, %swap3A_381] {strides = array<i32>} : memref<8x1024xf32, #tpu.memory_space<vmem>>, vector<1x16xf32>,
      %swap3A_383 = vector.shape_cast %swap3A_382 : vector<1x16xf32> to vector<16xf32>
      %swap3A_384 = vector.shape_cast %add3A_378 : vector<16xf32> to vector<1x16xf32>
      tpu.vector_store %arg16[%swap3A_380, %swap3A_381], %swap3A_384 {strides = array<i32>} : memref<8x1024xf32, #tpu.memory_space<vmem>>, vector<1x16xf32>,
      %mul3A_385 = arith.constant 16 : i32
      %mul3A_386 = arith.muli %scan3A_286, %mul3A_385 : i32
      %get3A_387 = arith.constant 4 : i32
      %get3A_388 = arith.index_cast %get3A_387 : i32 to index
      %get3A_389 = arith.index_cast %mul3A_386 : i32 to index
      %get3A_390 = tpu.vector_load %arg13[%get3A_388, %get3A_389] {strides = array<i32>} : memref<8x1024xf32, #tpu.memory_space<vmem>>, vector<1x16xf32>,
      %get3A_391 = vector.shape_cast %get3A_390 : vector<1x16xf32> to vector<16xf32>
      %get3A_392 = arith.constant 4 : i32
      %get3A_393 = arith.index_cast %get3A_392 : i32 to index
      %get3A_394 = arith.index_cast %mul3A_386 : i32 to index
      %get3A_395 = tpu.vector_load %arg14[%get3A_393, %get3A_394] {strides = array<i32>} : memref<8x1024xf32, #tpu.memory_space<vmem>>, vector<1x16xf32>,
      %get3A_396 = vector.shape_cast %get3A_395 : vector<1x16xf32> to vector<16xf32>
      %add3A_397 = arith.addf %get3A_391, %get3A_396 : vector<16xf32>
      %get3A_398 = arith.constant 4 : i32
      %get3A_399 = arith.index_cast %get3A_398 : i32 to index
      %get3A_400 = arith.index_cast %mul3A_386 : i32 to index
      %get3A_401 = tpu.vector_load %arg15[%get3A_399, %get3A_400] {strides = array<i32>} : memref<8x1024xf32, #tpu.memory_space<vmem>>, vector<1x16xf32>,
      %get3A_402 = vector.shape_cast %get3A_401 : vector<1x16xf32> to vector<16xf32>
      %add3A_403 = arith.addf %add3A_397, %get3A_402 : vector<16xf32>
      %swap3A_404 = arith.constant 4 : i32
      %swap3A_405 = arith.index_cast %swap3A_404 : i32 to index
      %swap3A_406 = arith.index_cast %mul3A_386 : i32 to index
      %swap3A_407 = tpu.vector_load %arg16[%swap3A_405, %swap3A_406] {strides = array<i32>} : memref<8x1024xf32, #tpu.memory_space<vmem>>, vector<1x16xf32>,
      %swap3A_408 = vector.shape_cast %swap3A_407 : vector<1x16xf32> to vector<16xf32>
      %swap3A_409 = vector.shape_cast %add3A_403 : vector<16xf32> to vector<1x16xf32>
      tpu.vector_store %arg16[%swap3A_405, %swap3A_406], %swap3A_409 {strides = array<i32>} : memref<8x1024xf32, #tpu.memory_space<vmem>>, vector<1x16xf32>,
      %mul3A_410 = arith.constant 16 : i32
      %mul3A_411 = arith.muli %scan3A_286, %mul3A_410 : i32
      %get3A_412 = arith.constant 5 : i32
      %get3A_413 = arith.index_cast %get3A_412 : i32 to index
      %get3A_414 = arith.index_cast %mul3A_411 : i32 to index
      %get3A_415 = tpu.vector_load %arg13[%get3A_413, %get3A_414] {strides = array<i32>} : memref<8x1024xf32, #tpu.memory_space<vmem>>, vector<1x16xf32>,
      %get3A_416 = vector.shape_cast %get3A_415 : vector<1x16xf32> to vector<16xf32>
      %get3A_417 = arith.constant 5 : i32
      %get3A_418 = arith.index_cast %get3A_417 : i32 to index
      %get3A_419 = arith.index_cast %mul3A_411 : i32 to index
      %get3A_420 = tpu.vector_load %arg14[%get3A_418, %get3A_419] {strides = array<i32>} : memref<8x1024xf32, #tpu.memory_space<vmem>>, vector<1x16xf32>,
      %get3A_421 = vector.shape_cast %get3A_420 : vector<1x16xf32> to vector<16xf32>
      %add3A_422 = arith.addf %get3A_416, %get3A_421 : vector<16xf32>
      %get3A_423 = arith.constant 5 : i32
      %get3A_424 = arith.index_cast %get3A_423 : i32 to index
      %get3A_425 = arith.index_cast %mul3A_411 : i32 to index
      %get3A_426 = tpu.vector_load %arg15[%get3A_424, %get3A_425] {strides = array<i32>} : memref<8x1024xf32, #tpu.memory_space<vmem>>, vector<1x16xf32>,
      %get3A_427 = vector.shape_cast %get3A_426 : vector<1x16xf32> to vector<16xf32>
      %add3A_428 = arith.addf %add3A_422, %get3A_427 : vector<16xf32>
      %swap3A_429 = arith.constant 5 : i32
      %swap3A_430 = arith.index_cast %swap3A_429 : i32 to index
      %swap3A_431 = arith.index_cast %mul3A_411 : i32 to index
      %swap3A_432 = tpu.vector_load %arg16[%swap3A_430, %swap3A_431] {strides = array<i32>} : memref<8x1024xf32, #tpu.memory_space<vmem>>, vector<1x16xf32>,
      %swap3A_433 = vector.shape_cast %swap3A_432 : vector<1x16xf32> to vector<16xf32>
      %swap3A_434 = vector.shape_cast %add3A_428 : vector<16xf32> to vector<1x16xf32>
      tpu.vector_store %arg16[%swap3A_430, %swap3A_431], %swap3A_434 {strides = array<i32>} : memref<8x1024xf32, #tpu.memory_space<vmem>>, vector<1x16xf32>,
      %mul3A_435 = arith.constant 16 : i32
      %mul3A_436 = arith.muli %scan3A_286, %mul3A_435 : i32
      %get3A_437 = arith.constant 6 : i32
      %get3A_438 = arith.index_cast %get3A_437 : i32 to index
      %get3A_439 = arith.index_cast %mul3A_436 : i32 to index
      %get3A_440 = tpu.vector_load %arg13[%get3A_438, %get3A_439] {strides = array<i32>} : memref<8x1024xf32, #tpu.memory_space<vmem>>, vector<1x16xf32>,
      %get3A_441 = vector.shape_cast %get3A_440 : vector<1x16xf32> to vector<16xf32>
      %get3A_442 = arith.constant 6 : i32
      %get3A_443 = arith.index_cast %get3A_442 : i32 to index
      %get3A_444 = arith.index_cast %mul3A_436 : i32 to index
      %get3A_445 = tpu.vector_load %arg14[%get3A_443, %get3A_444] {strides = array<i32>} : memref<8x1024xf32, #tpu.memory_space<vmem>>, vector<1x16xf32>,
      %get3A_446 = vector.shape_cast %get3A_445 : vector<1x16xf32> to vector<16xf32>
      %add3A_447 = arith.addf %get3A_441, %get3A_446 : vector<16xf32>
      %get3A_448 = arith.constant 6 : i32
      %get3A_449 = arith.index_cast %get3A_448 : i32 to index
      %get3A_450 = arith.index_cast %mul3A_436 : i32 to index
      %get3A_451 = tpu.vector_load %arg15[%get3A_449, %get3A_450] {strides = array<i32>} : memref<8x1024xf32, #tpu.memory_space<vmem>>, vector<1x16xf32>,
      %get3A_452 = vector.shape_cast %get3A_451 : vector<1x16xf32> to vector<16xf32>
      %add3A_453 = arith.addf %add3A_447, %get3A_452 : vector<16xf32>
      %swap3A_454 = arith.constant 6 : i32
      %swap3A_455 = arith.index_cast %swap3A_454 : i32 to index
      %swap3A_456 = arith.index_cast %mul3A_436 : i32 to index
      %swap3A_457 = tpu.vector_load %arg16[%swap3A_455, %swap3A_456] {strides = array<i32>} : memref<8x1024xf32, #tpu.memory_space<vmem>>, vector<1x16xf32>,
      %swap3A_458 = vector.shape_cast %swap3A_457 : vector<1x16xf32> to vector<16xf32>
      %swap3A_459 = vector.shape_cast %add3A_453 : vector<16xf32> to vector<1x16xf32>
      tpu.vector_store %arg16[%swap3A_455, %swap3A_456], %swap3A_459 {strides = array<i32>} : memref<8x1024xf32, #tpu.memory_space<vmem>>, vector<1x16xf32>,
      %mul3A_460 = arith.constant 16 : i32
      %mul3A_461 = arith.muli %scan3A_286, %mul3A_460 : i32
      %get3A_462 = arith.constant 7 : i32
      %get3A_463 = arith.index_cast %get3A_462 : i32 to index
      %get3A_464 = arith.index_cast %mul3A_461 : i32 to index
      %get3A_465 = tpu.vector_load %arg13[%get3A_463, %get3A_464] {strides = array<i32>} : memref<8x1024xf32, #tpu.memory_space<vmem>>, vector<1x16xf32>,
      %get3A_466 = vector.shape_cast %get3A_465 : vector<1x16xf32> to vector<16xf32>
      %get3A_467 = arith.constant 7 : i32
      %get3A_468 = arith.index_cast %get3A_467 : i32 to index
      %get3A_469 = arith.index_cast %mul3A_461 : i32 to index
      %get3A_470 = tpu.vector_load %arg14[%get3A_468, %get3A_469] {strides = array<i32>} : memref<8x1024xf32, #tpu.memory_space<vmem>>, vector<1x16xf32>,
      %get3A_471 = vector.shape_cast %get3A_470 : vector<1x16xf32> to vector<16xf32>
      %add3A_472 = arith.addf %get3A_466, %get3A_471 : vector<16xf32>
      %get3A_473 = arith.constant 7 : i32
      %get3A_474 = arith.index_cast %get3A_473 : i32 to index
      %get3A_475 = arith.index_cast %mul3A_461 : i32 to index
      %get3A_476 = tpu.vector_load %arg15[%get3A_474, %get3A_475] {strides = array<i32>} : memref<8x1024xf32, #tpu.memory_space<vmem>>, vector<1x16xf32>,
      %get3A_477 = vector.shape_cast %get3A_476 : vector<1x16xf32> to vector<16xf32>
      %add3A_478 = arith.addf %add3A_472, %get3A_477 : vector<16xf32>
      %swap3A_479 = arith.constant 7 : i32
      %swap3A_480 = arith.index_cast %swap3A_479 : i32 to index
      %swap3A_481 = arith.index_cast %mul3A_461 : i32 to index
      %swap3A_482 = tpu.vector_load %arg16[%swap3A_480, %swap3A_481] {strides = array<i32>} : memref<8x1024xf32, #tpu.memory_space<vmem>>, vector<1x16xf32>,
      %swap3A_483 = vector.shape_cast %swap3A_482 : vector<1x16xf32> to vector<16xf32>
      %swap3A_484 = vector.shape_cast %add3A_478 : vector<16xf32> to vector<1x16xf32>
      tpu.vector_store %arg16[%swap3A_480, %swap3A_481], %swap3A_484 {strides = array<i32>} : memref<8x1024xf32, #tpu.memory_space<vmem>>, vector<1x16xf32>,
    }
    %scan3A_153 = arith.constant 64 : i32
    %mul3A_154 = arith.constant 64 : i32
    %mul3A_155 = arith.muli %add3A, %mul3A_154 : i32
    %add3A_156 = arith.constant 24 : i32
    %add3A_157 = arith.addi %mul3A_155, %add3A_156 : i32
    "tpu.region"() ({
      %run_scoped3A = tpu.sem_alloc : memref<!tpu.dma_semaphore, #tpu.memory_space<semaphore_mem>>
      %dma_start3A_286 = arith.constant 0 : i32
      %dma_start3A_287 = tpu.memref_slice %arg5[%add3A_157, %dma_start3A_286] : memref<2048x1024xf32, #tpu.memory_space<hbm>> -> memref<8x1024xf32, #tpu.memory_space<hbm>>
      %dma_start3A_288 = arith.constant 0 : i32
      %dma_start3A_289 = tpu.memref_slice %arg5[%add3A_157, %dma_start3A_288] : memref<2048x1024xf32, #tpu.memory_space<hbm>> -> memref<8x1024xf32, #tpu.memory_space<hbm>>
      tpu.enqueue_dma source(%arg16 : memref<8x1024xf32, #tpu.memory_space<vmem>>) target(%dma_start3A_289 : memref<8x1024xf32, #tpu.memory_space<hbm>>) target_semaphore(%run_scoped3A : memref<!tpu.dma_semaphore, #tpu.memory_space<semaphore_mem>>)
      %dma_wait3A_290 = arith.constant 0 : i32
      %dma_wait3A_291 = tpu.memref_slice %arg5[%add3A_157, %dma_wait3A_290] : memref<2048x1024xf32, #tpu.memory_space<hbm>> -> memref<8x1024xf32, #tpu.memory_space<hbm>>
      %dma_wait3A_292 = arith.constant 0 : i32
      %dma_wait3A_293 = tpu.memref_slice %arg5[%add3A_157, %dma_wait3A_292] : memref<2048x1024xf32, #tpu.memory_space<hbm>> -> memref<8x1024xf32, #tpu.memory_space<hbm>>
      tpu.wait_dma2 semaphore(%run_scoped3A : memref<!tpu.dma_semaphore, #tpu.memory_space<semaphore_mem>>) src(%arg16 : memref<8x1024xf32, #tpu.memory_space<vmem>>) dst(%dma_wait3A_293 : memref<8x1024xf32, #tpu.memory_space<hbm>>)
      tpu.yield
    }) : () -> ()
    %mul3A_158 = arith.constant 64 : i32
    %mul3A_159 = arith.muli %add3A, %mul3A_158 : i32
    %add3A_160 = arith.constant 40 : i32
    %add3A_161 = arith.addi %mul3A_159, %add3A_160 : i32
    "tpu.region"() ({
      %run_scoped3A = tpu.sem_alloc : memref<!tpu.dma_semaphore, #tpu.memory_space<semaphore_mem>>
      %dma_start3A_286 = tpu.memref_slice %arg4[%add3A_161] : memref<4096xi32, #tpu.memory_space<hbm>> -> memref<8xi32, #tpu.memory_space<hbm>>
      %dma_start3A_287 = tpu.memref_slice %arg4[%add3A_161] : memref<4096xi32, #tpu.memory_space<hbm>> -> memref<8xi32, #tpu.memory_space<hbm>>
      tpu.enqueue_dma source(%dma_start3A_287 : memref<8xi32, #tpu.memory_space<hbm>>) target(%arg11 : memref<8xi32, #tpu.memory_space<vmem>>) target_semaphore(%run_scoped3A : memref<!tpu.dma_semaphore, #tpu.memory_space<semaphore_mem>>)
      %dma_wait3A_288 = tpu.memref_slice %arg4[%add3A_161] : memref<4096xi32, #tpu.memory_space<hbm>> -> memref<8xi32, #tpu.memory_space<hbm>>
      %dma_wait3A_289 = tpu.memref_slice %arg4[%add3A_161] : memref<4096xi32, #tpu.memory_space<hbm>> -> memref<8xi32, #tpu.memory_space<hbm>>
      tpu.wait_dma2 semaphore(%run_scoped3A : memref<!tpu.dma_semaphore, #tpu.memory_space<semaphore_mem>>) src(%dma_wait3A_289 : memref<8xi32, #tpu.memory_space<hbm>>) dst(%arg11 : memref<8xi32, #tpu.memory_space<vmem>>)
      tpu.yield
    }) : () -> ()
    %add3A_162 = arith.constant 2048 : i32
    %add3A_163 = arith.addi %add3A_162, %add3A_161 : i32
    "tpu.region"() ({
      %run_scoped3A = tpu.sem_alloc : memref<!tpu.dma_semaphore, #tpu.memory_space<semaphore_mem>>
      %dma_start3A_286 = tpu.memref_slice %arg4[%add3A_163] : memref<4096xi32, #tpu.memory_space<hbm>> -> memref<8xi32, #tpu.memory_space<hbm>>
      %dma_start3A_287 = tpu.memref_slice %arg4[%add3A_163] : memref<4096xi32, #tpu.memory_space<hbm>> -> memref<8xi32, #tpu.memory_space<hbm>>
      tpu.enqueue_dma source(%dma_start3A_287 : memref<8xi32, #tpu.memory_space<hbm>>) target(%arg12 : memref<8xi32, #tpu.memory_space<vmem>>) target_semaphore(%run_scoped3A : memref<!tpu.dma_semaphore, #tpu.memory_space<semaphore_mem>>)
      %dma_wait3A_288 = tpu.memref_slice %arg4[%add3A_163] : memref<4096xi32, #tpu.memory_space<hbm>> -> memref<8xi32, #tpu.memory_space<hbm>>
      %dma_wait3A_289 = tpu.memref_slice %arg4[%add3A_163] : memref<4096xi32, #tpu.memory_space<hbm>> -> memref<8xi32, #tpu.memory_space<hbm>>
      tpu.wait_dma2 semaphore(%run_scoped3A : memref<!tpu.dma_semaphore, #tpu.memory_space<semaphore_mem>>) src(%dma_wait3A_289 : memref<8xi32, #tpu.memory_space<hbm>>) dst(%arg12 : memref<8xi32, #tpu.memory_space<vmem>>)
      tpu.yield
    }) : () -> ()
    %dma_start3A_164 = arith.constant 0 : i32
    %dma_start3A_165 = arith.constant 0 : i32
    %dma_start3A_166 = tpu.memref_slice %arg2[%dma_start3A_164, %dma_start3A_165] : memref<6144x1024xf32, #tpu.memory_space<hbm>> -> memref<6144x1024xf32, #tpu.memory_space<hbm>>
    tpu.enqueue_indirect_dma source(%dma_start3A_166 : memref<6144x1024xf32, #tpu.memory_space<hbm>>) target(%arg13 : memref<8x1024xf32, #tpu.memory_space<vmem>>) offsets(%arg11 : memref<8xi32, #tpu.memory_space<vmem>>) semaphore(%arg20 : memref<!tpu.dma_semaphore, #tpu.memory_space<semaphore_mem>>)
    %dma_start3A_167 = arith.constant 0 : i32
    %dma_start3A_168 = arith.constant 0 : i32
    %dma_start3A_169 = tpu.memref_slice %arg2[%dma_start3A_167, %dma_start3A_168] : memref<6144x1024xf32, #tpu.memory_space<hbm>> -> memref<6144x1024xf32, #tpu.memory_space<hbm>>
    tpu.enqueue_indirect_dma source(%dma_start3A_169 : memref<6144x1024xf32, #tpu.memory_space<hbm>>) target(%arg14 : memref<8x1024xf32, #tpu.memory_space<vmem>>) offsets(%arg12 : memref<8xi32, #tpu.memory_space<vmem>>) semaphore(%arg21 : memref<!tpu.dma_semaphore, #tpu.memory_space<semaphore_mem>>)
    %dma_start3A_170 = arith.constant 0 : i32
    %dma_start3A_171 = tpu.memref_slice %arg3[%add3A_161, %dma_start3A_170] : memref<2048x1024xf32, #tpu.memory_space<hbm>> -> memref<8x1024xf32, #tpu.memory_space<hbm>>
    %dma_start3A_172 = arith.constant 0 : i32
    %dma_start3A_173 = tpu.memref_slice %arg3[%add3A_161, %dma_start3A_172] : memref<2048x1024xf32, #tpu.memory_space<hbm>> -> memref<8x1024xf32, #tpu.memory_space<hbm>>
    tpu.enqueue_dma source(%dma_start3A_173 : memref<8x1024xf32, #tpu.memory_space<hbm>>) target(%arg15 : memref<8x1024xf32, #tpu.memory_space<vmem>>) target_semaphore(%arg22 : memref<!tpu.dma_semaphore, #tpu.memory_space<semaphore_mem>>)
    %dma_wait3A_174 = arith.constant 0 : i32
    %dma_wait3A_175 = arith.constant 0 : i32
    %dma_wait3A_176 = tpu.memref_slice %arg2[%dma_wait3A_174, %dma_wait3A_175] : memref<6144x1024xf32, #tpu.memory_space<hbm>> -> memref<6144x1024xf32, #tpu.memory_space<hbm>>
    tpu.wait_indirect_dma semaphore(%arg17 : memref<!tpu.dma_semaphore, #tpu.memory_space<semaphore_mem>>) src(%dma_wait3A_176 : memref<6144x1024xf32, #tpu.memory_space<hbm>>) dst(%arg8 : memref<8x1024xf32, #tpu.memory_space<vmem>>)
    %dma_wait3A_177 = arith.constant 0 : i32
    %dma_wait3A_178 = arith.constant 0 : i32
    %dma_wait3A_179 = tpu.memref_slice %arg2[%dma_wait3A_177, %dma_wait3A_178] : memref<6144x1024xf32, #tpu.memory_space<hbm>> -> memref<6144x1024xf32, #tpu.memory_space<hbm>>
    tpu.wait_indirect_dma semaphore(%arg18 : memref<!tpu.dma_semaphore, #tpu.memory_space<semaphore_mem>>) src(%dma_wait3A_179 : memref<6144x1024xf32, #tpu.memory_space<hbm>>) dst(%arg9 : memref<8x1024xf32, #tpu.memory_space<vmem>>)
    %dma_wait3A_180 = arith.constant 0 : i32
    %dma_wait3A_181 = tpu.memref_slice %arg3[%add3A_125, %dma_wait3A_180] : memref<2048x1024xf32, #tpu.memory_space<hbm>> -> memref<8x1024xf32, #tpu.memory_space<hbm>>
    %dma_wait3A_182 = arith.constant 0 : i32
    %dma_wait3A_183 = tpu.memref_slice %arg3[%add3A_125, %dma_wait3A_182] : memref<2048x1024xf32, #tpu.memory_space<hbm>> -> memref<8x1024xf32, #tpu.memory_space<hbm>>
    tpu.wait_dma2 semaphore(%arg19 : memref<!tpu.dma_semaphore, #tpu.memory_space<semaphore_mem>>) src(%dma_wait3A_183 : memref<8x1024xf32, #tpu.memory_space<hbm>>) dst(%arg10 : memref<8x1024xf32, #tpu.memory_space<vmem>>)
    %scan3A_184 = arith.constant 0 : i32
    %scan3A_185 = arith.constant 0 : i32
    %scan3A_186 = arith.constant 64 : i32
    %scan3A_187 = arith.addi %scan3A_185, %scan3A_186 : i32
    %scan3A_188 = arith.constant 1 : i32
    scf.for %scan3A_286 = %scan3A_185 to %scan3A_187 step %scan3A_188  : i32 {
      %mul3A_287 = arith.constant 16 : i32
      %mul3A_288 = arith.muli %scan3A_286, %mul3A_287 : i32
      %get3A = arith.constant 0 : i32
      %get3A_289 = arith.index_cast %get3A : i32 to index
      %get3A_290 = arith.index_cast %mul3A_288 : i32 to index
      %get3A_291 = tpu.vector_load %arg8[%get3A_289, %get3A_290] {strides = array<i32>} : memref<8x1024xf32, #tpu.memory_space<vmem>>, vector<1x16xf32>,
      %get3A_292 = vector.shape_cast %get3A_291 : vector<1x16xf32> to vector<16xf32>
      %get3A_293 = arith.constant 0 : i32
      %get3A_294 = arith.index_cast %get3A_293 : i32 to index
      %get3A_295 = arith.index_cast %mul3A_288 : i32 to index
      %get3A_296 = tpu.vector_load %arg9[%get3A_294, %get3A_295] {strides = array<i32>} : memref<8x1024xf32, #tpu.memory_space<vmem>>, vector<1x16xf32>,
      %get3A_297 = vector.shape_cast %get3A_296 : vector<1x16xf32> to vector<16xf32>
      %add3A_298 = arith.addf %get3A_292, %get3A_297 : vector<16xf32>
      %get3A_299 = arith.constant 0 : i32
      %get3A_300 = arith.index_cast %get3A_299 : i32 to index
      %get3A_301 = arith.index_cast %mul3A_288 : i32 to index
      %get3A_302 = tpu.vector_load %arg10[%get3A_300, %get3A_301] {strides = array<i32>} : memref<8x1024xf32, #tpu.memory_space<vmem>>, vector<1x16xf32>,
      %get3A_303 = vector.shape_cast %get3A_302 : vector<1x16xf32> to vector<16xf32>
      %add3A_304 = arith.addf %add3A_298, %get3A_303 : vector<16xf32>
      %swap3A = arith.constant 0 : i32
      %swap3A_305 = arith.index_cast %swap3A : i32 to index
      %swap3A_306 = arith.index_cast %mul3A_288 : i32 to index
      %swap3A_307 = tpu.vector_load %arg16[%swap3A_305, %swap3A_306] {strides = array<i32>} : memref<8x1024xf32, #tpu.memory_space<vmem>>, vector<1x16xf32>,
      %swap3A_308 = vector.shape_cast %swap3A_307 : vector<1x16xf32> to vector<16xf32>
      %swap3A_309 = vector.shape_cast %add3A_304 : vector<16xf32> to vector<1x16xf32>
      tpu.vector_store %arg16[%swap3A_305, %swap3A_306], %swap3A_309 {strides = array<i32>} : memref<8x1024xf32, #tpu.memory_space<vmem>>, vector<1x16xf32>,
      %mul3A_310 = arith.constant 16 : i32
      %mul3A_311 = arith.muli %scan3A_286, %mul3A_310 : i32
      %get3A_312 = arith.constant 1 : i32
      %get3A_313 = arith.index_cast %get3A_312 : i32 to index
      %get3A_314 = arith.index_cast %mul3A_311 : i32 to index
      %get3A_315 = tpu.vector_load %arg8[%get3A_313, %get3A_314] {strides = array<i32>} : memref<8x1024xf32, #tpu.memory_space<vmem>>, vector<1x16xf32>,
      %get3A_316 = vector.shape_cast %get3A_315 : vector<1x16xf32> to vector<16xf32>
      %get3A_317 = arith.constant 1 : i32
      %get3A_318 = arith.index_cast %get3A_317 : i32 to index
      %get3A_319 = arith.index_cast %mul3A_311 : i32 to index
      %get3A_320 = tpu.vector_load %arg9[%get3A_318, %get3A_319] {strides = array<i32>} : memref<8x1024xf32, #tpu.memory_space<vmem>>, vector<1x16xf32>,
      %get3A_321 = vector.shape_cast %get3A_320 : vector<1x16xf32> to vector<16xf32>
      %add3A_322 = arith.addf %get3A_316, %get3A_321 : vector<16xf32>
      %get3A_323 = arith.constant 1 : i32
      %get3A_324 = arith.index_cast %get3A_323 : i32 to index
      %get3A_325 = arith.index_cast %mul3A_311 : i32 to index
      %get3A_326 = tpu.vector_load %arg10[%get3A_324, %get3A_325] {strides = array<i32>} : memref<8x1024xf32, #tpu.memory_space<vmem>>, vector<1x16xf32>,
      %get3A_327 = vector.shape_cast %get3A_326 : vector<1x16xf32> to vector<16xf32>
      %add3A_328 = arith.addf %add3A_322, %get3A_327 : vector<16xf32>
      %swap3A_329 = arith.constant 1 : i32
      %swap3A_330 = arith.index_cast %swap3A_329 : i32 to index
      %swap3A_331 = arith.index_cast %mul3A_311 : i32 to index
      %swap3A_332 = tpu.vector_load %arg16[%swap3A_330, %swap3A_331] {strides = array<i32>} : memref<8x1024xf32, #tpu.memory_space<vmem>>, vector<1x16xf32>,
      %swap3A_333 = vector.shape_cast %swap3A_332 : vector<1x16xf32> to vector<16xf32>
      %swap3A_334 = vector.shape_cast %add3A_328 : vector<16xf32> to vector<1x16xf32>
      tpu.vector_store %arg16[%swap3A_330, %swap3A_331], %swap3A_334 {strides = array<i32>} : memref<8x1024xf32, #tpu.memory_space<vmem>>, vector<1x16xf32>,
      %mul3A_335 = arith.constant 16 : i32
      %mul3A_336 = arith.muli %scan3A_286, %mul3A_335 : i32
      %get3A_337 = arith.constant 2 : i32
      %get3A_338 = arith.index_cast %get3A_337 : i32 to index
      %get3A_339 = arith.index_cast %mul3A_336 : i32 to index
      %get3A_340 = tpu.vector_load %arg8[%get3A_338, %get3A_339] {strides = array<i32>} : memref<8x1024xf32, #tpu.memory_space<vmem>>, vector<1x16xf32>,
      %get3A_341 = vector.shape_cast %get3A_340 : vector<1x16xf32> to vector<16xf32>
      %get3A_342 = arith.constant 2 : i32
      %get3A_343 = arith.index_cast %get3A_342 : i32 to index
      %get3A_344 = arith.index_cast %mul3A_336 : i32 to index
      %get3A_345 = tpu.vector_load %arg9[%get3A_343, %get3A_344] {strides = array<i32>} : memref<8x1024xf32, #tpu.memory_space<vmem>>, vector<1x16xf32>,
      %get3A_346 = vector.shape_cast %get3A_345 : vector<1x16xf32> to vector<16xf32>
      %add3A_347 = arith.addf %get3A_341, %get3A_346 : vector<16xf32>
      %get3A_348 = arith.constant 2 : i32
      %get3A_349 = arith.index_cast %get3A_348 : i32 to index
      %get3A_350 = arith.index_cast %mul3A_336 : i32 to index
      %get3A_351 = tpu.vector_load %arg10[%get3A_349, %get3A_350] {strides = array<i32>} : memref<8x1024xf32, #tpu.memory_space<vmem>>, vector<1x16xf32>,
      %get3A_352 = vector.shape_cast %get3A_351 : vector<1x16xf32> to vector<16xf32>
      %add3A_353 = arith.addf %add3A_347, %get3A_352 : vector<16xf32>
      %swap3A_354 = arith.constant 2 : i32
      %swap3A_355 = arith.index_cast %swap3A_354 : i32 to index
      %swap3A_356 = arith.index_cast %mul3A_336 : i32 to index
      %swap3A_357 = tpu.vector_load %arg16[%swap3A_355, %swap3A_356] {strides = array<i32>} : memref<8x1024xf32, #tpu.memory_space<vmem>>, vector<1x16xf32>,
      %swap3A_358 = vector.shape_cast %swap3A_357 : vector<1x16xf32> to vector<16xf32>
      %swap3A_359 = vector.shape_cast %add3A_353 : vector<16xf32> to vector<1x16xf32>
      tpu.vector_store %arg16[%swap3A_355, %swap3A_356], %swap3A_359 {strides = array<i32>} : memref<8x1024xf32, #tpu.memory_space<vmem>>, vector<1x16xf32>,
      %mul3A_360 = arith.constant 16 : i32
      %mul3A_361 = arith.muli %scan3A_286, %mul3A_360 : i32
      %get3A_362 = arith.constant 3 : i32
      %get3A_363 = arith.index_cast %get3A_362 : i32 to index
      %get3A_364 = arith.index_cast %mul3A_361 : i32 to index
      %get3A_365 = tpu.vector_load %arg8[%get3A_363, %get3A_364] {strides = array<i32>} : memref<8x1024xf32, #tpu.memory_space<vmem>>, vector<1x16xf32>,
      %get3A_366 = vector.shape_cast %get3A_365 : vector<1x16xf32> to vector<16xf32>
      %get3A_367 = arith.constant 3 : i32
      %get3A_368 = arith.index_cast %get3A_367 : i32 to index
      %get3A_369 = arith.index_cast %mul3A_361 : i32 to index
      %get3A_370 = tpu.vector_load %arg9[%get3A_368, %get3A_369] {strides = array<i32>} : memref<8x1024xf32, #tpu.memory_space<vmem>>, vector<1x16xf32>,
      %get3A_371 = vector.shape_cast %get3A_370 : vector<1x16xf32> to vector<16xf32>
      %add3A_372 = arith.addf %get3A_366, %get3A_371 : vector<16xf32>
      %get3A_373 = arith.constant 3 : i32
      %get3A_374 = arith.index_cast %get3A_373 : i32 to index
      %get3A_375 = arith.index_cast %mul3A_361 : i32 to index
      %get3A_376 = tpu.vector_load %arg10[%get3A_374, %get3A_375] {strides = array<i32>} : memref<8x1024xf32, #tpu.memory_space<vmem>>, vector<1x16xf32>,
      %get3A_377 = vector.shape_cast %get3A_376 : vector<1x16xf32> to vector<16xf32>
      %add3A_378 = arith.addf %add3A_372, %get3A_377 : vector<16xf32>
      %swap3A_379 = arith.constant 3 : i32
      %swap3A_380 = arith.index_cast %swap3A_379 : i32 to index
      %swap3A_381 = arith.index_cast %mul3A_361 : i32 to index
      %swap3A_382 = tpu.vector_load %arg16[%swap3A_380, %swap3A_381] {strides = array<i32>} : memref<8x1024xf32, #tpu.memory_space<vmem>>, vector<1x16xf32>,
      %swap3A_383 = vector.shape_cast %swap3A_382 : vector<1x16xf32> to vector<16xf32>
      %swap3A_384 = vector.shape_cast %add3A_378 : vector<16xf32> to vector<1x16xf32>
      tpu.vector_store %arg16[%swap3A_380, %swap3A_381], %swap3A_384 {strides = array<i32>} : memref<8x1024xf32, #tpu.memory_space<vmem>>, vector<1x16xf32>,
      %mul3A_385 = arith.constant 16 : i32
      %mul3A_386 = arith.muli %scan3A_286, %mul3A_385 : i32
      %get3A_387 = arith.constant 4 : i32
      %get3A_388 = arith.index_cast %get3A_387 : i32 to index
      %get3A_389 = arith.index_cast %mul3A_386 : i32 to index
      %get3A_390 = tpu.vector_load %arg8[%get3A_388, %get3A_389] {strides = array<i32>} : memref<8x1024xf32, #tpu.memory_space<vmem>>, vector<1x16xf32>,
      %get3A_391 = vector.shape_cast %get3A_390 : vector<1x16xf32> to vector<16xf32>
      %get3A_392 = arith.constant 4 : i32
      %get3A_393 = arith.index_cast %get3A_392 : i32 to index
      %get3A_394 = arith.index_cast %mul3A_386 : i32 to index
      %get3A_395 = tpu.vector_load %arg9[%get3A_393, %get3A_394] {strides = array<i32>} : memref<8x1024xf32, #tpu.memory_space<vmem>>, vector<1x16xf32>,
      %get3A_396 = vector.shape_cast %get3A_395 : vector<1x16xf32> to vector<16xf32>
      %add3A_397 = arith.addf %get3A_391, %get3A_396 : vector<16xf32>
      %get3A_398 = arith.constant 4 : i32
      %get3A_399 = arith.index_cast %get3A_398 : i32 to index
      %get3A_400 = arith.index_cast %mul3A_386 : i32 to index
      %get3A_401 = tpu.vector_load %arg10[%get3A_399, %get3A_400] {strides = array<i32>} : memref<8x1024xf32, #tpu.memory_space<vmem>>, vector<1x16xf32>,
      %get3A_402 = vector.shape_cast %get3A_401 : vector<1x16xf32> to vector<16xf32>
      %add3A_403 = arith.addf %add3A_397, %get3A_402 : vector<16xf32>
      %swap3A_404 = arith.constant 4 : i32
      %swap3A_405 = arith.index_cast %swap3A_404 : i32 to index
      %swap3A_406 = arith.index_cast %mul3A_386 : i32 to index
      %swap3A_407 = tpu.vector_load %arg16[%swap3A_405, %swap3A_406] {strides = array<i32>} : memref<8x1024xf32, #tpu.memory_space<vmem>>, vector<1x16xf32>,
      %swap3A_408 = vector.shape_cast %swap3A_407 : vector<1x16xf32> to vector<16xf32>
      %swap3A_409 = vector.shape_cast %add3A_403 : vector<16xf32> to vector<1x16xf32>
      tpu.vector_store %arg16[%swap3A_405, %swap3A_406], %swap3A_409 {strides = array<i32>} : memref<8x1024xf32, #tpu.memory_space<vmem>>, vector<1x16xf32>,
      %mul3A_410 = arith.constant 16 : i32
      %mul3A_411 = arith.muli %scan3A_286, %mul3A_410 : i32
      %get3A_412 = arith.constant 5 : i32
      %get3A_413 = arith.index_cast %get3A_412 : i32 to index
      %get3A_414 = arith.index_cast %mul3A_411 : i32 to index
      %get3A_415 = tpu.vector_load %arg8[%get3A_413, %get3A_414] {strides = array<i32>} : memref<8x1024xf32, #tpu.memory_space<vmem>>, vector<1x16xf32>,
      %get3A_416 = vector.shape_cast %get3A_415 : vector<1x16xf32> to vector<16xf32>
      %get3A_417 = arith.constant 5 : i32
      %get3A_418 = arith.index_cast %get3A_417 : i32 to index
      %get3A_419 = arith.index_cast %mul3A_411 : i32 to index
      %get3A_420 = tpu.vector_load %arg9[%get3A_418, %get3A_419] {strides = array<i32>} : memref<8x1024xf32, #tpu.memory_space<vmem>>, vector<1x16xf32>,
      %get3A_421 = vector.shape_cast %get3A_420 : vector<1x16xf32> to vector<16xf32>
      %add3A_422 = arith.addf %get3A_416, %get3A_421 : vector<16xf32>
      %get3A_423 = arith.constant 5 : i32
      %get3A_424 = arith.index_cast %get3A_423 : i32 to index
      %get3A_425 = arith.index_cast %mul3A_411 : i32 to index
      %get3A_426 = tpu.vector_load %arg10[%get3A_424, %get3A_425] {strides = array<i32>} : memref<8x1024xf32, #tpu.memory_space<vmem>>, vector<1x16xf32>,
      %get3A_427 = vector.shape_cast %get3A_426 : vector<1x16xf32> to vector<16xf32>
      %add3A_428 = arith.addf %add3A_422, %get3A_427 : vector<16xf32>
      %swap3A_429 = arith.constant 5 : i32
      %swap3A_430 = arith.index_cast %swap3A_429 : i32 to index
      %swap3A_431 = arith.index_cast %mul3A_411 : i32 to index
      %swap3A_432 = tpu.vector_load %arg16[%swap3A_430, %swap3A_431] {strides = array<i32>} : memref<8x1024xf32, #tpu.memory_space<vmem>>, vector<1x16xf32>,
      %swap3A_433 = vector.shape_cast %swap3A_432 : vector<1x16xf32> to vector<16xf32>
      %swap3A_434 = vector.shape_cast %add3A_428 : vector<16xf32> to vector<1x16xf32>
      tpu.vector_store %arg16[%swap3A_430, %swap3A_431], %swap3A_434 {strides = array<i32>} : memref<8x1024xf32, #tpu.memory_space<vmem>>, vector<1x16xf32>,
      %mul3A_435 = arith.constant 16 : i32
      %mul3A_436 = arith.muli %scan3A_286, %mul3A_435 : i32
      %get3A_437 = arith.constant 6 : i32
      %get3A_438 = arith.index_cast %get3A_437 : i32 to index
      %get3A_439 = arith.index_cast %mul3A_436 : i32 to index
      %get3A_440 = tpu.vector_load %arg8[%get3A_438, %get3A_439] {strides = array<i32>} : memref<8x1024xf32, #tpu.memory_space<vmem>>, vector<1x16xf32>,
      %get3A_441 = vector.shape_cast %get3A_440 : vector<1x16xf32> to vector<16xf32>
      %get3A_442 = arith.constant 6 : i32
      %get3A_443 = arith.index_cast %get3A_442 : i32 to index
      %get3A_444 = arith.index_cast %mul3A_436 : i32 to index
      %get3A_445 = tpu.vector_load %arg9[%get3A_443, %get3A_444] {strides = array<i32>} : memref<8x1024xf32, #tpu.memory_space<vmem>>, vector<1x16xf32>,
      %get3A_446 = vector.shape_cast %get3A_445 : vector<1x16xf32> to vector<16xf32>
      %add3A_447 = arith.addf %get3A_441, %get3A_446 : vector<16xf32>
      %get3A_448 = arith.constant 6 : i32
      %get3A_449 = arith.index_cast %get3A_448 : i32 to index
      %get3A_450 = arith.index_cast %mul3A_436 : i32 to index
      %get3A_451 = tpu.vector_load %arg10[%get3A_449, %get3A_450] {strides = array<i32>} : memref<8x1024xf32, #tpu.memory_space<vmem>>, vector<1x16xf32>,
      %get3A_452 = vector.shape_cast %get3A_451 : vector<1x16xf32> to vector<16xf32>
      %add3A_453 = arith.addf %add3A_447, %get3A_452 : vector<16xf32>
      %swap3A_454 = arith.constant 6 : i32
      %swap3A_455 = arith.index_cast %swap3A_454 : i32 to index
      %swap3A_456 = arith.index_cast %mul3A_436 : i32 to index
      %swap3A_457 = tpu.vector_load %arg16[%swap3A_455, %swap3A_456] {strides = array<i32>} : memref<8x1024xf32, #tpu.memory_space<vmem>>, vector<1x16xf32>,
      %swap3A_458 = vector.shape_cast %swap3A_457 : vector<1x16xf32> to vector<16xf32>
      %swap3A_459 = vector.shape_cast %add3A_453 : vector<16xf32> to vector<1x16xf32>
      tpu.vector_store %arg16[%swap3A_455, %swap3A_456], %swap3A_459 {strides = array<i32>} : memref<8x1024xf32, #tpu.memory_space<vmem>>, vector<1x16xf32>,
      %mul3A_460 = arith.constant 16 : i32
      %mul3A_461 = arith.muli %scan3A_286, %mul3A_460 : i32
      %get3A_462 = arith.constant 7 : i32
      %get3A_463 = arith.index_cast %get3A_462 : i32 to index
      %get3A_464 = arith.index_cast %mul3A_461 : i32 to index
      %get3A_465 = tpu.vector_load %arg8[%get3A_463, %get3A_464] {strides = array<i32>} : memref<8x1024xf32, #tpu.memory_space<vmem>>, vector<1x16xf32>,
      %get3A_466 = vector.shape_cast %get3A_465 : vector<1x16xf32> to vector<16xf32>
      %get3A_467 = arith.constant 7 : i32
      %get3A_468 = arith.index_cast %get3A_467 : i32 to index
      %get3A_469 = arith.index_cast %mul3A_461 : i32 to index
      %get3A_470 = tpu.vector_load %arg9[%get3A_468, %get3A_469] {strides = array<i32>} : memref<8x1024xf32, #tpu.memory_space<vmem>>, vector<1x16xf32>,
      %get3A_471 = vector.shape_cast %get3A_470 : vector<1x16xf32> to vector<16xf32>
      %add3A_472 = arith.addf %get3A_466, %get3A_471 : vector<16xf32>
      %get3A_473 = arith.constant 7 : i32
      %get3A_474 = arith.index_cast %get3A_473 : i32 to index
      %get3A_475 = arith.index_cast %mul3A_461 : i32 to index
      %get3A_476 = tpu.vector_load %arg10[%get3A_474, %get3A_475] {strides = array<i32>} : memref<8x1024xf32, #tpu.memory_space<vmem>>, vector<1x16xf32>,
      %get3A_477 = vector.shape_cast %get3A_476 : vector<1x16xf32> to vector<16xf32>
      %add3A_478 = arith.addf %add3A_472, %get3A_477 : vector<16xf32>
      %swap3A_479 = arith.constant 7 : i32
      %swap3A_480 = arith.index_cast %swap3A_479 : i32 to index
      %swap3A_481 = arith.index_cast %mul3A_461 : i32 to index
      %swap3A_482 = tpu.vector_load %arg16[%swap3A_480, %swap3A_481] {strides = array<i32>} : memref<8x1024xf32, #tpu.memory_space<vmem>>, vector<1x16xf32>,
      %swap3A_483 = vector.shape_cast %swap3A_482 : vector<1x16xf32> to vector<16xf32>
      %swap3A_484 = vector.shape_cast %add3A_478 : vector<16xf32> to vector<1x16xf32>
      tpu.vector_store %arg16[%swap3A_480, %swap3A_481], %swap3A_484 {strides = array<i32>} : memref<8x1024xf32, #tpu.memory_space<vmem>>, vector<1x16xf32>,
    }
    %scan3A_189 = arith.constant 64 : i32
    %mul3A_190 = arith.constant 64 : i32
    %mul3A_191 = arith.muli %add3A, %mul3A_190 : i32
    %add3A_192 = arith.constant 32 : i32
    %add3A_193 = arith.addi %mul3A_191, %add3A_192 : i32
    "tpu.region"() ({
      %run_scoped3A = tpu.sem_alloc : memref<!tpu.dma_semaphore, #tpu.memory_space<semaphore_mem>>
      %dma_start3A_286 = arith.constant 0 : i32
      %dma_start3A_287 = tpu.memref_slice %arg5[%add3A_193, %dma_start3A_286] : memref<2048x1024xf32, #tpu.memory_space<hbm>> -> memref<8x1024xf32, #tpu.memory_space<hbm>>
      %dma_start3A_288 = arith.constant 0 : i32
      %dma_start3A_289 = tpu.memref_slice %arg5[%add3A_193, %dma_start3A_288] : memref<2048x1024xf32, #tpu.memory_space<hbm>> -> memref<8x1024xf32, #tpu.memory_space<hbm>>
      tpu.enqueue_dma source(%arg16 : memref<8x1024xf32, #tpu.memory_space<vmem>>) target(%dma_start3A_289 : memref<8x1024xf32, #tpu.memory_space<hbm>>) target_semaphore(%run_scoped3A : memref<!tpu.dma_semaphore, #tpu.memory_space<semaphore_mem>>)
      %dma_wait3A_290 = arith.constant 0 : i32
      %dma_wait3A_291 = tpu.memref_slice %arg5[%add3A_193, %dma_wait3A_290] : memref<2048x1024xf32, #tpu.memory_space<hbm>> -> memref<8x1024xf32, #tpu.memory_space<hbm>>
      %dma_wait3A_292 = arith.constant 0 : i32
      %dma_wait3A_293 = tpu.memref_slice %arg5[%add3A_193, %dma_wait3A_292] : memref<2048x1024xf32, #tpu.memory_space<hbm>> -> memref<8x1024xf32, #tpu.memory_space<hbm>>
      tpu.wait_dma2 semaphore(%run_scoped3A : memref<!tpu.dma_semaphore, #tpu.memory_space<semaphore_mem>>) src(%arg16 : memref<8x1024xf32, #tpu.memory_space<vmem>>) dst(%dma_wait3A_293 : memref<8x1024xf32, #tpu.memory_space<hbm>>)
      tpu.yield
    }) : () -> ()
    %mul3A_194 = arith.constant 64 : i32
    %mul3A_195 = arith.muli %add3A, %mul3A_194 : i32
    %add3A_196 = arith.constant 48 : i32
    %add3A_197 = arith.addi %mul3A_195, %add3A_196 : i32
    "tpu.region"() ({
      %run_scoped3A = tpu.sem_alloc : memref<!tpu.dma_semaphore, #tpu.memory_space<semaphore_mem>>
      %dma_start3A_286 = tpu.memref_slice %arg4[%add3A_197] : memref<4096xi32, #tpu.memory_space<hbm>> -> memref<8xi32, #tpu.memory_space<hbm>>
      %dma_start3A_287 = tpu.memref_slice %arg4[%add3A_197] : memref<4096xi32, #tpu.memory_space<hbm>> -> memref<8xi32, #tpu.memory_space<hbm>>
      tpu.enqueue_dma source(%dma_start3A_287 : memref<8xi32, #tpu.memory_space<hbm>>) target(%arg6 : memref<8xi32, #tpu.memory_space<vmem>>) target_semaphore(%run_scoped3A : memref<!tpu.dma_semaphore, #tpu.memory_space<semaphore_mem>>)
      %dma_wait3A_288 = tpu.memref_slice %arg4[%add3A_197] : memref<4096xi32, #tpu.memory_space<hbm>> -> memref<8xi32, #tpu.memory_space<hbm>>
      %dma_wait3A_289 = tpu.memref_slice %arg4[%add3A_197] : memref<4096xi32, #tpu.memory_space<hbm>> -> memref<8xi32, #tpu.memory_space<hbm>>
      tpu.wait_dma2 semaphore(%run_scoped3A : memref<!tpu.dma_semaphore, #tpu.memory_space<semaphore_mem>>) src(%dma_wait3A_289 : memref<8xi32, #tpu.memory_space<hbm>>) dst(%arg6 : memref<8xi32, #tpu.memory_space<vmem>>)
      tpu.yield
    }) : () -> ()
    %add3A_198 = arith.constant 2048 : i32
    %add3A_199 = arith.addi %add3A_198, %add3A_197 : i32
    "tpu.region"() ({
      %run_scoped3A = tpu.sem_alloc : memref<!tpu.dma_semaphore, #tpu.memory_space<semaphore_mem>>
      %dma_start3A_286 = tpu.memref_slice %arg4[%add3A_199] : memref<4096xi32, #tpu.memory_space<hbm>> -> memref<8xi32, #tpu.memory_space<hbm>>
      %dma_start3A_287 = tpu.memref_slice %arg4[%add3A_199] : memref<4096xi32, #tpu.memory_space<hbm>> -> memref<8xi32, #tpu.memory_space<hbm>>
      tpu.enqueue_dma source(%dma_start3A_287 : memref<8xi32, #tpu.memory_space<hbm>>) target(%arg7 : memref<8xi32, #tpu.memory_space<vmem>>) target_semaphore(%run_scoped3A : memref<!tpu.dma_semaphore, #tpu.memory_space<semaphore_mem>>)
      %dma_wait3A_288 = tpu.memref_slice %arg4[%add3A_199] : memref<4096xi32, #tpu.memory_space<hbm>> -> memref<8xi32, #tpu.memory_space<hbm>>
      %dma_wait3A_289 = tpu.memref_slice %arg4[%add3A_199] : memref<4096xi32, #tpu.memory_space<hbm>> -> memref<8xi32, #tpu.memory_space<hbm>>
      tpu.wait_dma2 semaphore(%run_scoped3A : memref<!tpu.dma_semaphore, #tpu.memory_space<semaphore_mem>>) src(%dma_wait3A_289 : memref<8xi32, #tpu.memory_space<hbm>>) dst(%arg7 : memref<8xi32, #tpu.memory_space<vmem>>)
      tpu.yield
    }) : () -> ()
    %dma_start3A_200 = arith.constant 0 : i32
    %dma_start3A_201 = arith.constant 0 : i32
    %dma_start3A_202 = tpu.memref_slice %arg2[%dma_start3A_200, %dma_start3A_201] : memref<6144x1024xf32, #tpu.memory_space<hbm>> -> memref<6144x1024xf32, #tpu.memory_space<hbm>>
    tpu.enqueue_indirect_dma source(%dma_start3A_202 : memref<6144x1024xf32, #tpu.memory_space<hbm>>) target(%arg8 : memref<8x1024xf32, #tpu.memory_space<vmem>>) offsets(%arg6 : memref<8xi32, #tpu.memory_space<vmem>>) semaphore(%arg17 : memref<!tpu.dma_semaphore, #tpu.memory_space<semaphore_mem>>)
    %dma_start3A_203 = arith.constant 0 : i32
    %dma_start3A_204 = arith.constant 0 : i32
    %dma_start3A_205 = tpu.memref_slice %arg2[%dma_start3A_203, %dma_start3A_204] : memref<6144x1024xf32, #tpu.memory_space<hbm>> -> memref<6144x1024xf32, #tpu.memory_space<hbm>>
    tpu.enqueue_indirect_dma source(%dma_start3A_205 : memref<6144x1024xf32, #tpu.memory_space<hbm>>) target(%arg9 : memref<8x1024xf32, #tpu.memory_space<vmem>>) offsets(%arg7 : memref<8xi32, #tpu.memory_space<vmem>>) semaphore(%arg18 : memref<!tpu.dma_semaphore, #tpu.memory_space<semaphore_mem>>)
    %dma_start3A_206 = arith.constant 0 : i32
    %dma_start3A_207 = tpu.memref_slice %arg3[%add3A_197, %dma_start3A_206] : memref<2048x1024xf32, #tpu.memory_space<hbm>> -> memref<8x1024xf32, #tpu.memory_space<hbm>>
    %dma_start3A_208 = arith.constant 0 : i32
    %dma_start3A_209 = tpu.memref_slice %arg3[%add3A_197, %dma_start3A_208] : memref<2048x1024xf32, #tpu.memory_space<hbm>> -> memref<8x1024xf32, #tpu.memory_space<hbm>>
    tpu.enqueue_dma source(%dma_start3A_209 : memref<8x1024xf32, #tpu.memory_space<hbm>>) target(%arg10 : memref<8x1024xf32, #tpu.memory_space<vmem>>) target_semaphore(%arg19 : memref<!tpu.dma_semaphore, #tpu.memory_space<semaphore_mem>>)
    %dma_wait3A_210 = arith.constant 0 : i32
    %dma_wait3A_211 = arith.constant 0 : i32
    %dma_wait3A_212 = tpu.memref_slice %arg2[%dma_wait3A_210, %dma_wait3A_211] : memref<6144x1024xf32, #tpu.memory_space<hbm>> -> memref<6144x1024xf32, #tpu.memory_space<hbm>>
    tpu.wait_indirect_dma semaphore(%arg20 : memref<!tpu.dma_semaphore, #tpu.memory_space<semaphore_mem>>) src(%dma_wait3A_212 : memref<6144x1024xf32, #tpu.memory_space<hbm>>) dst(%arg13 : memref<8x1024xf32, #tpu.memory_space<vmem>>)
    %dma_wait3A_213 = arith.constant 0 : i32
    %dma_wait3A_214 = arith.constant 0 : i32
    %dma_wait3A_215 = tpu.memref_slice %arg2[%dma_wait3A_213, %dma_wait3A_214] : memref<6144x1024xf32, #tpu.memory_space<hbm>> -> memref<6144x1024xf32, #tpu.memory_space<hbm>>
    tpu.wait_indirect_dma semaphore(%arg21 : memref<!tpu.dma_semaphore, #tpu.memory_space<semaphore_mem>>) src(%dma_wait3A_215 : memref<6144x1024xf32, #tpu.memory_space<hbm>>) dst(%arg14 : memref<8x1024xf32, #tpu.memory_space<vmem>>)
    %dma_wait3A_216 = arith.constant 0 : i32
    %dma_wait3A_217 = tpu.memref_slice %arg3[%add3A_161, %dma_wait3A_216] : memref<2048x1024xf32, #tpu.memory_space<hbm>> -> memref<8x1024xf32, #tpu.memory_space<hbm>>
    %dma_wait3A_218 = arith.constant 0 : i32
    %dma_wait3A_219 = tpu.memref_slice %arg3[%add3A_161, %dma_wait3A_218] : memref<2048x1024xf32, #tpu.memory_space<hbm>> -> memref<8x1024xf32, #tpu.memory_space<hbm>>
    tpu.wait_dma2 semaphore(%arg22 : memref<!tpu.dma_semaphore, #tpu.memory_space<semaphore_mem>>) src(%dma_wait3A_219 : memref<8x1024xf32, #tpu.memory_space<hbm>>) dst(%arg15 : memref<8x1024xf32, #tpu.memory_space<vmem>>)
    %scan3A_220 = arith.constant 0 : i32
    %scan3A_221 = arith.constant 0 : i32
    %scan3A_222 = arith.constant 64 : i32
    %scan3A_223 = arith.addi %scan3A_221, %scan3A_222 : i32
    %scan3A_224 = arith.constant 1 : i32
    scf.for %scan3A_286 = %scan3A_221 to %scan3A_223 step %scan3A_224  : i32 {
      %mul3A_287 = arith.constant 16 : i32
      %mul3A_288 = arith.muli %scan3A_286, %mul3A_287 : i32
      %get3A = arith.constant 0 : i32
      %get3A_289 = arith.index_cast %get3A : i32 to index
      %get3A_290 = arith.index_cast %mul3A_288 : i32 to index
      %get3A_291 = tpu.vector_load %arg13[%get3A_289, %get3A_290] {strides = array<i32>} : memref<8x1024xf32, #tpu.memory_space<vmem>>, vector<1x16xf32>,
      %get3A_292 = vector.shape_cast %get3A_291 : vector<1x16xf32> to vector<16xf32>
      %get3A_293 = arith.constant 0 : i32
      %get3A_294 = arith.index_cast %get3A_293 : i32 to index
      %get3A_295 = arith.index_cast %mul3A_288 : i32 to index
      %get3A_296 = tpu.vector_load %arg14[%get3A_294, %get3A_295] {strides = array<i32>} : memref<8x1024xf32, #tpu.memory_space<vmem>>, vector<1x16xf32>,
      %get3A_297 = vector.shape_cast %get3A_296 : vector<1x16xf32> to vector<16xf32>
      %add3A_298 = arith.addf %get3A_292, %get3A_297 : vector<16xf32>
      %get3A_299 = arith.constant 0 : i32
      %get3A_300 = arith.index_cast %get3A_299 : i32 to index
      %get3A_301 = arith.index_cast %mul3A_288 : i32 to index
      %get3A_302 = tpu.vector_load %arg15[%get3A_300, %get3A_301] {strides = array<i32>} : memref<8x1024xf32, #tpu.memory_space<vmem>>, vector<1x16xf32>,
      %get3A_303 = vector.shape_cast %get3A_302 : vector<1x16xf32> to vector<16xf32>
      %add3A_304 = arith.addf %add3A_298, %get3A_303 : vector<16xf32>
      %swap3A = arith.constant 0 : i32
      %swap3A_305 = arith.index_cast %swap3A : i32 to index
      %swap3A_306 = arith.index_cast %mul3A_288 : i32 to index
      %swap3A_307 = tpu.vector_load %arg16[%swap3A_305, %swap3A_306] {strides = array<i32>} : memref<8x1024xf32, #tpu.memory_space<vmem>>, vector<1x16xf32>,
      %swap3A_308 = vector.shape_cast %swap3A_307 : vector<1x16xf32> to vector<16xf32>
      %swap3A_309 = vector.shape_cast %add3A_304 : vector<16xf32> to vector<1x16xf32>
      tpu.vector_store %arg16[%swap3A_305, %swap3A_306], %swap3A_309 {strides = array<i32>} : memref<8x1024xf32, #tpu.memory_space<vmem>>, vector<1x16xf32>,
      %mul3A_310 = arith.constant 16 : i32
      %mul3A_311 = arith.muli %scan3A_286, %mul3A_310 : i32
      %get3A_312 = arith.constant 1 : i32
      %get3A_313 = arith.index_cast %get3A_312 : i32 to index
      %get3A_314 = arith.index_cast %mul3A_311 : i32 to index
      %get3A_315 = tpu.vector_load %arg13[%get3A_313, %get3A_314] {strides = array<i32>} : memref<8x1024xf32, #tpu.memory_space<vmem>>, vector<1x16xf32>,
      %get3A_316 = vector.shape_cast %get3A_315 : vector<1x16xf32> to vector<16xf32>
      %get3A_317 = arith.constant 1 : i32
      %get3A_318 = arith.index_cast %get3A_317 : i32 to index
      %get3A_319 = arith.index_cast %mul3A_311 : i32 to index
      %get3A_320 = tpu.vector_load %arg14[%get3A_318, %get3A_319] {strides = array<i32>} : memref<8x1024xf32, #tpu.memory_space<vmem>>, vector<1x16xf32>,
      %get3A_321 = vector.shape_cast %get3A_320 : vector<1x16xf32> to vector<16xf32>
      %add3A_322 = arith.addf %get3A_316, %get3A_321 : vector<16xf32>
      %get3A_323 = arith.constant 1 : i32
      %get3A_324 = arith.index_cast %get3A_323 : i32 to index
      %get3A_325 = arith.index_cast %mul3A_311 : i32 to index
      %get3A_326 = tpu.vector_load %arg15[%get3A_324, %get3A_325] {strides = array<i32>} : memref<8x1024xf32, #tpu.memory_space<vmem>>, vector<1x16xf32>,
      %get3A_327 = vector.shape_cast %get3A_326 : vector<1x16xf32> to vector<16xf32>
      %add3A_328 = arith.addf %add3A_322, %get3A_327 : vector<16xf32>
      %swap3A_329 = arith.constant 1 : i32
      %swap3A_330 = arith.index_cast %swap3A_329 : i32 to index
      %swap3A_331 = arith.index_cast %mul3A_311 : i32 to index
      %swap3A_332 = tpu.vector_load %arg16[%swap3A_330, %swap3A_331] {strides = array<i32>} : memref<8x1024xf32, #tpu.memory_space<vmem>>, vector<1x16xf32>,
      %swap3A_333 = vector.shape_cast %swap3A_332 : vector<1x16xf32> to vector<16xf32>
      %swap3A_334 = vector.shape_cast %add3A_328 : vector<16xf32> to vector<1x16xf32>
      tpu.vector_store %arg16[%swap3A_330, %swap3A_331], %swap3A_334 {strides = array<i32>} : memref<8x1024xf32, #tpu.memory_space<vmem>>, vector<1x16xf32>,
      %mul3A_335 = arith.constant 16 : i32
      %mul3A_336 = arith.muli %scan3A_286, %mul3A_335 : i32
      %get3A_337 = arith.constant 2 : i32
      %get3A_338 = arith.index_cast %get3A_337 : i32 to index
      %get3A_339 = arith.index_cast %mul3A_336 : i32 to index
      %get3A_340 = tpu.vector_load %arg13[%get3A_338, %get3A_339] {strides = array<i32>} : memref<8x1024xf32, #tpu.memory_space<vmem>>, vector<1x16xf32>,
      %get3A_341 = vector.shape_cast %get3A_340 : vector<1x16xf32> to vector<16xf32>
      %get3A_342 = arith.constant 2 : i32
      %get3A_343 = arith.index_cast %get3A_342 : i32 to index
      %get3A_344 = arith.index_cast %mul3A_336 : i32 to index
      %get3A_345 = tpu.vector_load %arg14[%get3A_343, %get3A_344] {strides = array<i32>} : memref<8x1024xf32, #tpu.memory_space<vmem>>, vector<1x16xf32>,
      %get3A_346 = vector.shape_cast %get3A_345 : vector<1x16xf32> to vector<16xf32>
      %add3A_347 = arith.addf %get3A_341, %get3A_346 : vector<16xf32>
      %get3A_348 = arith.constant 2 : i32
      %get3A_349 = arith.index_cast %get3A_348 : i32 to index
      %get3A_350 = arith.index_cast %mul3A_336 : i32 to index
      %get3A_351 = tpu.vector_load %arg15[%get3A_349, %get3A_350] {strides = array<i32>} : memref<8x1024xf32, #tpu.memory_space<vmem>>, vector<1x16xf32>,
      %get3A_352 = vector.shape_cast %get3A_351 : vector<1x16xf32> to vector<16xf32>
      %add3A_353 = arith.addf %add3A_347, %get3A_352 : vector<16xf32>
      %swap3A_354 = arith.constant 2 : i32
      %swap3A_355 = arith.index_cast %swap3A_354 : i32 to index
      %swap3A_356 = arith.index_cast %mul3A_336 : i32 to index
      %swap3A_357 = tpu.vector_load %arg16[%swap3A_355, %swap3A_356] {strides = array<i32>} : memref<8x1024xf32, #tpu.memory_space<vmem>>, vector<1x16xf32>,
      %swap3A_358 = vector.shape_cast %swap3A_357 : vector<1x16xf32> to vector<16xf32>
      %swap3A_359 = vector.shape_cast %add3A_353 : vector<16xf32> to vector<1x16xf32>
      tpu.vector_store %arg16[%swap3A_355, %swap3A_356], %swap3A_359 {strides = array<i32>} : memref<8x1024xf32, #tpu.memory_space<vmem>>, vector<1x16xf32>,
      %mul3A_360 = arith.constant 16 : i32
      %mul3A_361 = arith.muli %scan3A_286, %mul3A_360 : i32
      %get3A_362 = arith.constant 3 : i32
      %get3A_363 = arith.index_cast %get3A_362 : i32 to index
      %get3A_364 = arith.index_cast %mul3A_361 : i32 to index
      %get3A_365 = tpu.vector_load %arg13[%get3A_363, %get3A_364] {strides = array<i32>} : memref<8x1024xf32, #tpu.memory_space<vmem>>, vector<1x16xf32>,
      %get3A_366 = vector.shape_cast %get3A_365 : vector<1x16xf32> to vector<16xf32>
      %get3A_367 = arith.constant 3 : i32
      %get3A_368 = arith.index_cast %get3A_367 : i32 to index
      %get3A_369 = arith.index_cast %mul3A_361 : i32 to index
      %get3A_370 = tpu.vector_load %arg14[%get3A_368, %get3A_369] {strides = array<i32>} : memref<8x1024xf32, #tpu.memory_space<vmem>>, vector<1x16xf32>,
      %get3A_371 = vector.shape_cast %get3A_370 : vector<1x16xf32> to vector<16xf32>
      %add3A_372 = arith.addf %get3A_366, %get3A_371 : vector<16xf32>
      %get3A_373 = arith.constant 3 : i32
      %get3A_374 = arith.index_cast %get3A_373 : i32 to index
      %get3A_375 = arith.index_cast %mul3A_361 : i32 to index
      %get3A_376 = tpu.vector_load %arg15[%get3A_374, %get3A_375] {strides = array<i32>} : memref<8x1024xf32, #tpu.memory_space<vmem>>, vector<1x16xf32>,
      %get3A_377 = vector.shape_cast %get3A_376 : vector<1x16xf32> to vector<16xf32>
      %add3A_378 = arith.addf %add3A_372, %get3A_377 : vector<16xf32>
      %swap3A_379 = arith.constant 3 : i32
      %swap3A_380 = arith.index_cast %swap3A_379 : i32 to index
      %swap3A_381 = arith.index_cast %mul3A_361 : i32 to index
      %swap3A_382 = tpu.vector_load %arg16[%swap3A_380, %swap3A_381] {strides = array<i32>} : memref<8x1024xf32, #tpu.memory_space<vmem>>, vector<1x16xf32>,
      %swap3A_383 = vector.shape_cast %swap3A_382 : vector<1x16xf32> to vector<16xf32>
      %swap3A_384 = vector.shape_cast %add3A_378 : vector<16xf32> to vector<1x16xf32>
      tpu.vector_store %arg16[%swap3A_380, %swap3A_381], %swap3A_384 {strides = array<i32>} : memref<8x1024xf32, #tpu.memory_space<vmem>>, vector<1x16xf32>,
      %mul3A_385 = arith.constant 16 : i32
      %mul3A_386 = arith.muli %scan3A_286, %mul3A_385 : i32
      %get3A_387 = arith.constant 4 : i32
      %get3A_388 = arith.index_cast %get3A_387 : i32 to index
      %get3A_389 = arith.index_cast %mul3A_386 : i32 to index
      %get3A_390 = tpu.vector_load %arg13[%get3A_388, %get3A_389] {strides = array<i32>} : memref<8x1024xf32, #tpu.memory_space<vmem>>, vector<1x16xf32>,
      %get3A_391 = vector.shape_cast %get3A_390 : vector<1x16xf32> to vector<16xf32>
      %get3A_392 = arith.constant 4 : i32
      %get3A_393 = arith.index_cast %get3A_392 : i32 to index
      %get3A_394 = arith.index_cast %mul3A_386 : i32 to index
      %get3A_395 = tpu.vector_load %arg14[%get3A_393, %get3A_394] {strides = array<i32>} : memref<8x1024xf32, #tpu.memory_space<vmem>>, vector<1x16xf32>,
      %get3A_396 = vector.shape_cast %get3A_395 : vector<1x16xf32> to vector<16xf32>
      %add3A_397 = arith.addf %get3A_391, %get3A_396 : vector<16xf32>
      %get3A_398 = arith.constant 4 : i32
      %get3A_399 = arith.index_cast %get3A_398 : i32 to index
      %get3A_400 = arith.index_cast %mul3A_386 : i32 to index
      %get3A_401 = tpu.vector_load %arg15[%get3A_399, %get3A_400] {strides = array<i32>} : memref<8x1024xf32, #tpu.memory_space<vmem>>, vector<1x16xf32>,
      %get3A_402 = vector.shape_cast %get3A_401 : vector<1x16xf32> to vector<16xf32>
      %add3A_403 = arith.addf %add3A_397, %get3A_402 : vector<16xf32>
      %swap3A_404 = arith.constant 4 : i32
      %swap3A_405 = arith.index_cast %swap3A_404 : i32 to index
      %swap3A_406 = arith.index_cast %mul3A_386 : i32 to index
      %swap3A_407 = tpu.vector_load %arg16[%swap3A_405, %swap3A_406] {strides = array<i32>} : memref<8x1024xf32, #tpu.memory_space<vmem>>, vector<1x16xf32>,
      %swap3A_408 = vector.shape_cast %swap3A_407 : vector<1x16xf32> to vector<16xf32>
      %swap3A_409 = vector.shape_cast %add3A_403 : vector<16xf32> to vector<1x16xf32>
      tpu.vector_store %arg16[%swap3A_405, %swap3A_406], %swap3A_409 {strides = array<i32>} : memref<8x1024xf32, #tpu.memory_space<vmem>>, vector<1x16xf32>,
      %mul3A_410 = arith.constant 16 : i32
      %mul3A_411 = arith.muli %scan3A_286, %mul3A_410 : i32
      %get3A_412 = arith.constant 5 : i32
      %get3A_413 = arith.index_cast %get3A_412 : i32 to index
      %get3A_414 = arith.index_cast %mul3A_411 : i32 to index
      %get3A_415 = tpu.vector_load %arg13[%get3A_413, %get3A_414] {strides = array<i32>} : memref<8x1024xf32, #tpu.memory_space<vmem>>, vector<1x16xf32>,
      %get3A_416 = vector.shape_cast %get3A_415 : vector<1x16xf32> to vector<16xf32>
      %get3A_417 = arith.constant 5 : i32
      %get3A_418 = arith.index_cast %get3A_417 : i32 to index
      %get3A_419 = arith.index_cast %mul3A_411 : i32 to index
      %get3A_420 = tpu.vector_load %arg14[%get3A_418, %get3A_419] {strides = array<i32>} : memref<8x1024xf32, #tpu.memory_space<vmem>>, vector<1x16xf32>,
      %get3A_421 = vector.shape_cast %get3A_420 : vector<1x16xf32> to vector<16xf32>
      %add3A_422 = arith.addf %get3A_416, %get3A_421 : vector<16xf32>
      %get3A_423 = arith.constant 5 : i32
      %get3A_424 = arith.index_cast %get3A_423 : i32 to index
      %get3A_425 = arith.index_cast %mul3A_411 : i32 to index
      %get3A_426 = tpu.vector_load %arg15[%get3A_424, %get3A_425] {strides = array<i32>} : memref<8x1024xf32, #tpu.memory_space<vmem>>, vector<1x16xf32>,
      %get3A_427 = vector.shape_cast %get3A_426 : vector<1x16xf32> to vector<16xf32>
      %add3A_428 = arith.addf %add3A_422, %get3A_427 : vector<16xf32>
      %swap3A_429 = arith.constant 5 : i32
      %swap3A_430 = arith.index_cast %swap3A_429 : i32 to index
      %swap3A_431 = arith.index_cast %mul3A_411 : i32 to index
      %swap3A_432 = tpu.vector_load %arg16[%swap3A_430, %swap3A_431] {strides = array<i32>} : memref<8x1024xf32, #tpu.memory_space<vmem>>, vector<1x16xf32>,
      %swap3A_433 = vector.shape_cast %swap3A_432 : vector<1x16xf32> to vector<16xf32>
      %swap3A_434 = vector.shape_cast %add3A_428 : vector<16xf32> to vector<1x16xf32>
      tpu.vector_store %arg16[%swap3A_430, %swap3A_431], %swap3A_434 {strides = array<i32>} : memref<8x1024xf32, #tpu.memory_space<vmem>>, vector<1x16xf32>,
      %mul3A_435 = arith.constant 16 : i32
      %mul3A_436 = arith.muli %scan3A_286, %mul3A_435 : i32
      %get3A_437 = arith.constant 6 : i32
      %get3A_438 = arith.index_cast %get3A_437 : i32 to index
      %get3A_439 = arith.index_cast %mul3A_436 : i32 to index
      %get3A_440 = tpu.vector_load %arg13[%get3A_438, %get3A_439] {strides = array<i32>} : memref<8x1024xf32, #tpu.memory_space<vmem>>, vector<1x16xf32>,
      %get3A_441 = vector.shape_cast %get3A_440 : vector<1x16xf32> to vector<16xf32>
      %get3A_442 = arith.constant 6 : i32
      %get3A_443 = arith.index_cast %get3A_442 : i32 to index
      %get3A_444 = arith.index_cast %mul3A_436 : i32 to index
      %get3A_445 = tpu.vector_load %arg14[%get3A_443, %get3A_444] {strides = array<i32>} : memref<8x1024xf32, #tpu.memory_space<vmem>>, vector<1x16xf32>,
      %get3A_446 = vector.shape_cast %get3A_445 : vector<1x16xf32> to vector<16xf32>
      %add3A_447 = arith.addf %get3A_441, %get3A_446 : vector<16xf32>
      %get3A_448 = arith.constant 6 : i32
      %get3A_449 = arith.index_cast %get3A_448 : i32 to index
      %get3A_450 = arith.index_cast %mul3A_436 : i32 to index
      %get3A_451 = tpu.vector_load %arg15[%get3A_449, %get3A_450] {strides = array<i32>} : memref<8x1024xf32, #tpu.memory_space<vmem>>, vector<1x16xf32>,
      %get3A_452 = vector.shape_cast %get3A_451 : vector<1x16xf32> to vector<16xf32>
      %add3A_453 = arith.addf %add3A_447, %get3A_452 : vector<16xf32>
      %swap3A_454 = arith.constant 6 : i32
      %swap3A_455 = arith.index_cast %swap3A_454 : i32 to index
      %swap3A_456 = arith.index_cast %mul3A_436 : i32 to index
      %swap3A_457 = tpu.vector_load %arg16[%swap3A_455, %swap3A_456] {strides = array<i32>} : memref<8x1024xf32, #tpu.memory_space<vmem>>, vector<1x16xf32>,
      %swap3A_458 = vector.shape_cast %swap3A_457 : vector<1x16xf32> to vector<16xf32>
      %swap3A_459 = vector.shape_cast %add3A_453 : vector<16xf32> to vector<1x16xf32>
      tpu.vector_store %arg16[%swap3A_455, %swap3A_456], %swap3A_459 {strides = array<i32>} : memref<8x1024xf32, #tpu.memory_space<vmem>>, vector<1x16xf32>,
      %mul3A_460 = arith.constant 16 : i32
      %mul3A_461 = arith.muli %scan3A_286, %mul3A_460 : i32
      %get3A_462 = arith.constant 7 : i32
      %get3A_463 = arith.index_cast %get3A_462 : i32 to index
      %get3A_464 = arith.index_cast %mul3A_461 : i32 to index
      %get3A_465 = tpu.vector_load %arg13[%get3A_463, %get3A_464] {strides = array<i32>} : memref<8x1024xf32, #tpu.memory_space<vmem>>, vector<1x16xf32>,
      %get3A_466 = vector.shape_cast %get3A_465 : vector<1x16xf32> to vector<16xf32>
      %get3A_467 = arith.constant 7 : i32
      %get3A_468 = arith.index_cast %get3A_467 : i32 to index
      %get3A_469 = arith.index_cast %mul3A_461 : i32 to index
      %get3A_470 = tpu.vector_load %arg14[%get3A_468, %get3A_469] {strides = array<i32>} : memref<8x1024xf32, #tpu.memory_space<vmem>>, vector<1x16xf32>,
      %get3A_471 = vector.shape_cast %get3A_470 : vector<1x16xf32> to vector<16xf32>
      %add3A_472 = arith.addf %get3A_466, %get3A_471 : vector<16xf32>
      %get3A_473 = arith.constant 7 : i32
      %get3A_474 = arith.index_cast %get3A_473 : i32 to index
      %get3A_475 = arith.index_cast %mul3A_461 : i32 to index
      %get3A_476 = tpu.vector_load %arg15[%get3A_474, %get3A_475] {strides = array<i32>} : memref<8x1024xf32, #tpu.memory_space<vmem>>, vector<1x16xf32>,
      %get3A_477 = vector.shape_cast %get3A_476 : vector<1x16xf32> to vector<16xf32>
      %add3A_478 = arith.addf %add3A_472, %get3A_477 : vector<16xf32>
      %swap3A_479 = arith.constant 7 : i32
      %swap3A_480 = arith.index_cast %swap3A_479 : i32 to index
      %swap3A_481 = arith.index_cast %mul3A_461 : i32 to index
      %swap3A_482 = tpu.vector_load %arg16[%swap3A_480, %swap3A_481] {strides = array<i32>} : memref<8x1024xf32, #tpu.memory_space<vmem>>, vector<1x16xf32>,
      %swap3A_483 = vector.shape_cast %swap3A_482 : vector<1x16xf32> to vector<16xf32>
      %swap3A_484 = vector.shape_cast %add3A_478 : vector<16xf32> to vector<1x16xf32>
      tpu.vector_store %arg16[%swap3A_480, %swap3A_481], %swap3A_484 {strides = array<i32>} : memref<8x1024xf32, #tpu.memory_space<vmem>>, vector<1x16xf32>,
    }
    %scan3A_225 = arith.constant 64 : i32
    %mul3A_226 = arith.constant 64 : i32
    %mul3A_227 = arith.muli %add3A, %mul3A_226 : i32
    %add3A_228 = arith.constant 40 : i32
    %add3A_229 = arith.addi %mul3A_227, %add3A_228 : i32
    "tpu.region"() ({
      %run_scoped3A = tpu.sem_alloc : memref<!tpu.dma_semaphore, #tpu.memory_space<semaphore_mem>>
      %dma_start3A_286 = arith.constant 0 : i32
      %dma_start3A_287 = tpu.memref_slice %arg5[%add3A_229, %dma_start3A_286] : memref<2048x1024xf32, #tpu.memory_space<hbm>> -> memref<8x1024xf32, #tpu.memory_space<hbm>>
      %dma_start3A_288 = arith.constant 0 : i32
      %dma_start3A_289 = tpu.memref_slice %arg5[%add3A_229, %dma_start3A_288] : memref<2048x1024xf32, #tpu.memory_space<hbm>> -> memref<8x1024xf32, #tpu.memory_space<hbm>>
      tpu.enqueue_dma source(%arg16 : memref<8x1024xf32, #tpu.memory_space<vmem>>) target(%dma_start3A_289 : memref<8x1024xf32, #tpu.memory_space<hbm>>) target_semaphore(%run_scoped3A : memref<!tpu.dma_semaphore, #tpu.memory_space<semaphore_mem>>)
      %dma_wait3A_290 = arith.constant 0 : i32
      %dma_wait3A_291 = tpu.memref_slice %arg5[%add3A_229, %dma_wait3A_290] : memref<2048x1024xf32, #tpu.memory_space<hbm>> -> memref<8x1024xf32, #tpu.memory_space<hbm>>
      %dma_wait3A_292 = arith.constant 0 : i32
      %dma_wait3A_293 = tpu.memref_slice %arg5[%add3A_229, %dma_wait3A_292] : memref<2048x1024xf32, #tpu.memory_space<hbm>> -> memref<8x1024xf32, #tpu.memory_space<hbm>>
      tpu.wait_dma2 semaphore(%run_scoped3A : memref<!tpu.dma_semaphore, #tpu.memory_space<semaphore_mem>>) src(%arg16 : memref<8x1024xf32, #tpu.memory_space<vmem>>) dst(%dma_wait3A_293 : memref<8x1024xf32, #tpu.memory_space<hbm>>)
      tpu.yield
    }) : () -> ()
    %mul3A_230 = arith.constant 64 : i32
    %mul3A_231 = arith.muli %add3A, %mul3A_230 : i32
    %add3A_232 = arith.constant 56 : i32
    %add3A_233 = arith.addi %mul3A_231, %add3A_232 : i32
    "tpu.region"() ({
      %run_scoped3A = tpu.sem_alloc : memref<!tpu.dma_semaphore, #tpu.memory_space<semaphore_mem>>
      %dma_start3A_286 = tpu.memref_slice %arg4[%add3A_233] : memref<4096xi32, #tpu.memory_space<hbm>> -> memref<8xi32, #tpu.memory_space<hbm>>
      %dma_start3A_287 = tpu.memref_slice %arg4[%add3A_233] : memref<4096xi32, #tpu.memory_space<hbm>> -> memref<8xi32, #tpu.memory_space<hbm>>
      tpu.enqueue_dma source(%dma_start3A_287 : memref<8xi32, #tpu.memory_space<hbm>>) target(%arg11 : memref<8xi32, #tpu.memory_space<vmem>>) target_semaphore(%run_scoped3A : memref<!tpu.dma_semaphore, #tpu.memory_space<semaphore_mem>>)
      %dma_wait3A_288 = tpu.memref_slice %arg4[%add3A_233] : memref<4096xi32, #tpu.memory_space<hbm>> -> memref<8xi32, #tpu.memory_space<hbm>>
      %dma_wait3A_289 = tpu.memref_slice %arg4[%add3A_233] : memref<4096xi32, #tpu.memory_space<hbm>> -> memref<8xi32, #tpu.memory_space<hbm>>
      tpu.wait_dma2 semaphore(%run_scoped3A : memref<!tpu.dma_semaphore, #tpu.memory_space<semaphore_mem>>) src(%dma_wait3A_289 : memref<8xi32, #tpu.memory_space<hbm>>) dst(%arg11 : memref<8xi32, #tpu.memory_space<vmem>>)
      tpu.yield
    }) : () -> ()
    %add3A_234 = arith.constant 2048 : i32
    %add3A_235 = arith.addi %add3A_234, %add3A_233 : i32
    "tpu.region"() ({
      %run_scoped3A = tpu.sem_alloc : memref<!tpu.dma_semaphore, #tpu.memory_space<semaphore_mem>>
      %dma_start3A_286 = tpu.memref_slice %arg4[%add3A_235] : memref<4096xi32, #tpu.memory_space<hbm>> -> memref<8xi32, #tpu.memory_space<hbm>>
      %dma_start3A_287 = tpu.memref_slice %arg4[%add3A_235] : memref<4096xi32, #tpu.memory_space<hbm>> -> memref<8xi32, #tpu.memory_space<hbm>>
      tpu.enqueue_dma source(%dma_start3A_287 : memref<8xi32, #tpu.memory_space<hbm>>) target(%arg12 : memref<8xi32, #tpu.memory_space<vmem>>) target_semaphore(%run_scoped3A : memref<!tpu.dma_semaphore, #tpu.memory_space<semaphore_mem>>)
      %dma_wait3A_288 = tpu.memref_slice %arg4[%add3A_235] : memref<4096xi32, #tpu.memory_space<hbm>> -> memref<8xi32, #tpu.memory_space<hbm>>
      %dma_wait3A_289 = tpu.memref_slice %arg4[%add3A_235] : memref<4096xi32, #tpu.memory_space<hbm>> -> memref<8xi32, #tpu.memory_space<hbm>>
      tpu.wait_dma2 semaphore(%run_scoped3A : memref<!tpu.dma_semaphore, #tpu.memory_space<semaphore_mem>>) src(%dma_wait3A_289 : memref<8xi32, #tpu.memory_space<hbm>>) dst(%arg12 : memref<8xi32, #tpu.memory_space<vmem>>)
      tpu.yield
    }) : () -> ()
    %dma_start3A_236 = arith.constant 0 : i32
    %dma_start3A_237 = arith.constant 0 : i32
    %dma_start3A_238 = tpu.memref_slice %arg2[%dma_start3A_236, %dma_start3A_237] : memref<6144x1024xf32, #tpu.memory_space<hbm>> -> memref<6144x1024xf32, #tpu.memory_space<hbm>>
    tpu.enqueue_indirect_dma source(%dma_start3A_238 : memref<6144x1024xf32, #tpu.memory_space<hbm>>) target(%arg13 : memref<8x1024xf32, #tpu.memory_space<vmem>>) offsets(%arg11 : memref<8xi32, #tpu.memory_space<vmem>>) semaphore(%arg20 : memref<!tpu.dma_semaphore, #tpu.memory_space<semaphore_mem>>)
    %dma_start3A_239 = arith.constant 0 : i32
    %dma_start3A_240 = arith.constant 0 : i32
    %dma_start3A_241 = tpu.memref_slice %arg2[%dma_start3A_239, %dma_start3A_240] : memref<6144x1024xf32, #tpu.memory_space<hbm>> -> memref<6144x1024xf32, #tpu.memory_space<hbm>>
    tpu.enqueue_indirect_dma source(%dma_start3A_241 : memref<6144x1024xf32, #tpu.memory_space<hbm>>) target(%arg14 : memref<8x1024xf32, #tpu.memory_space<vmem>>) offsets(%arg12 : memref<8xi32, #tpu.memory_space<vmem>>) semaphore(%arg21 : memref<!tpu.dma_semaphore, #tpu.memory_space<semaphore_mem>>)
    %dma_start3A_242 = arith.constant 0 : i32
    %dma_start3A_243 = tpu.memref_slice %arg3[%add3A_233, %dma_start3A_242] : memref<2048x1024xf32, #tpu.memory_space<hbm>> -> memref<8x1024xf32, #tpu.memory_space<hbm>>
    %dma_start3A_244 = arith.constant 0 : i32
    %dma_start3A_245 = tpu.memref_slice %arg3[%add3A_233, %dma_start3A_244] : memref<2048x1024xf32, #tpu.memory_space<hbm>> -> memref<8x1024xf32, #tpu.memory_space<hbm>>
    tpu.enqueue_dma source(%dma_start3A_245 : memref<8x1024xf32, #tpu.memory_space<hbm>>) target(%arg15 : memref<8x1024xf32, #tpu.memory_space<vmem>>) target_semaphore(%arg22 : memref<!tpu.dma_semaphore, #tpu.memory_space<semaphore_mem>>)
    %dma_wait3A_246 = arith.constant 0 : i32
    %dma_wait3A_247 = arith.constant 0 : i32
    %dma_wait3A_248 = tpu.memref_slice %arg2[%dma_wait3A_246, %dma_wait3A_247] : memref<6144x1024xf32, #tpu.memory_space<hbm>> -> memref<6144x1024xf32, #tpu.memory_space<hbm>>
    tpu.wait_indirect_dma semaphore(%arg17 : memref<!tpu.dma_semaphore, #tpu.memory_space<semaphore_mem>>) src(%dma_wait3A_248 : memref<6144x1024xf32, #tpu.memory_space<hbm>>) dst(%arg8 : memref<8x1024xf32, #tpu.memory_space<vmem>>)
    %dma_wait3A_249 = arith.constant 0 : i32
    %dma_wait3A_250 = arith.constant 0 : i32
    %dma_wait3A_251 = tpu.memref_slice %arg2[%dma_wait3A_249, %dma_wait3A_250] : memref<6144x1024xf32, #tpu.memory_space<hbm>> -> memref<6144x1024xf32, #tpu.memory_space<hbm>>
    tpu.wait_indirect_dma semaphore(%arg18 : memref<!tpu.dma_semaphore, #tpu.memory_space<semaphore_mem>>) src(%dma_wait3A_251 : memref<6144x1024xf32, #tpu.memory_space<hbm>>) dst(%arg9 : memref<8x1024xf32, #tpu.memory_space<vmem>>)
    %dma_wait3A_252 = arith.constant 0 : i32
    %dma_wait3A_253 = tpu.memref_slice %arg3[%add3A_197, %dma_wait3A_252] : memref<2048x1024xf32, #tpu.memory_space<hbm>> -> memref<8x1024xf32, #tpu.memory_space<hbm>>
    %dma_wait3A_254 = arith.constant 0 : i32
    %dma_wait3A_255 = tpu.memref_slice %arg3[%add3A_197, %dma_wait3A_254] : memref<2048x1024xf32, #tpu.memory_space<hbm>> -> memref<8x1024xf32, #tpu.memory_space<hbm>>
    tpu.wait_dma2 semaphore(%arg19 : memref<!tpu.dma_semaphore, #tpu.memory_space<semaphore_mem>>) src(%dma_wait3A_255 : memref<8x1024xf32, #tpu.memory_space<hbm>>) dst(%arg10 : memref<8x1024xf32, #tpu.memory_space<vmem>>)
    %scan3A_256 = arith.constant 0 : i32
    %scan3A_257 = arith.constant 0 : i32
    %scan3A_258 = arith.constant 64 : i32
    %scan3A_259 = arith.addi %scan3A_257, %scan3A_258 : i32
    %scan3A_260 = arith.constant 1 : i32
    scf.for %scan3A_286 = %scan3A_257 to %scan3A_259 step %scan3A_260  : i32 {
      %mul3A_287 = arith.constant 16 : i32
      %mul3A_288 = arith.muli %scan3A_286, %mul3A_287 : i32
      %get3A = arith.constant 0 : i32
      %get3A_289 = arith.index_cast %get3A : i32 to index
      %get3A_290 = arith.index_cast %mul3A_288 : i32 to index
      %get3A_291 = tpu.vector_load %arg8[%get3A_289, %get3A_290] {strides = array<i32>} : memref<8x1024xf32, #tpu.memory_space<vmem>>, vector<1x16xf32>,
      %get3A_292 = vector.shape_cast %get3A_291 : vector<1x16xf32> to vector<16xf32>
      %get3A_293 = arith.constant 0 : i32
      %get3A_294 = arith.index_cast %get3A_293 : i32 to index
      %get3A_295 = arith.index_cast %mul3A_288 : i32 to index
      %get3A_296 = tpu.vector_load %arg9[%get3A_294, %get3A_295] {strides = array<i32>} : memref<8x1024xf32, #tpu.memory_space<vmem>>, vector<1x16xf32>,
      %get3A_297 = vector.shape_cast %get3A_296 : vector<1x16xf32> to vector<16xf32>
      %add3A_298 = arith.addf %get3A_292, %get3A_297 : vector<16xf32>
      %get3A_299 = arith.constant 0 : i32
      %get3A_300 = arith.index_cast %get3A_299 : i32 to index
      %get3A_301 = arith.index_cast %mul3A_288 : i32 to index
      %get3A_302 = tpu.vector_load %arg10[%get3A_300, %get3A_301] {strides = array<i32>} : memref<8x1024xf32, #tpu.memory_space<vmem>>, vector<1x16xf32>,
      %get3A_303 = vector.shape_cast %get3A_302 : vector<1x16xf32> to vector<16xf32>
      %add3A_304 = arith.addf %add3A_298, %get3A_303 : vector<16xf32>
      %swap3A = arith.constant 0 : i32
      %swap3A_305 = arith.index_cast %swap3A : i32 to index
      %swap3A_306 = arith.index_cast %mul3A_288 : i32 to index
      %swap3A_307 = tpu.vector_load %arg16[%swap3A_305, %swap3A_306] {strides = array<i32>} : memref<8x1024xf32, #tpu.memory_space<vmem>>, vector<1x16xf32>,
      %swap3A_308 = vector.shape_cast %swap3A_307 : vector<1x16xf32> to vector<16xf32>
      %swap3A_309 = vector.shape_cast %add3A_304 : vector<16xf32> to vector<1x16xf32>
      tpu.vector_store %arg16[%swap3A_305, %swap3A_306], %swap3A_309 {strides = array<i32>} : memref<8x1024xf32, #tpu.memory_space<vmem>>, vector<1x16xf32>,
      %mul3A_310 = arith.constant 16 : i32
      %mul3A_311 = arith.muli %scan3A_286, %mul3A_310 : i32
      %get3A_312 = arith.constant 1 : i32
      %get3A_313 = arith.index_cast %get3A_312 : i32 to index
      %get3A_314 = arith.index_cast %mul3A_311 : i32 to index
      %get3A_315 = tpu.vector_load %arg8[%get3A_313, %get3A_314] {strides = array<i32>} : memref<8x1024xf32, #tpu.memory_space<vmem>>, vector<1x16xf32>,
      %get3A_316 = vector.shape_cast %get3A_315 : vector<1x16xf32> to vector<16xf32>
      %get3A_317 = arith.constant 1 : i32
      %get3A_318 = arith.index_cast %get3A_317 : i32 to index
      %get3A_319 = arith.index_cast %mul3A_311 : i32 to index
      %get3A_320 = tpu.vector_load %arg9[%get3A_318, %get3A_319] {strides = array<i32>} : memref<8x1024xf32, #tpu.memory_space<vmem>>, vector<1x16xf32>,
      %get3A_321 = vector.shape_cast %get3A_320 : vector<1x16xf32> to vector<16xf32>
      %add3A_322 = arith.addf %get3A_316, %get3A_321 : vector<16xf32>
      %get3A_323 = arith.constant 1 : i32
      %get3A_324 = arith.index_cast %get3A_323 : i32 to index
      %get3A_325 = arith.index_cast %mul3A_311 : i32 to index
      %get3A_326 = tpu.vector_load %arg10[%get3A_324, %get3A_325] {strides = array<i32>} : memref<8x1024xf32, #tpu.memory_space<vmem>>, vector<1x16xf32>,
      %get3A_327 = vector.shape_cast %get3A_326 : vector<1x16xf32> to vector<16xf32>
      %add3A_328 = arith.addf %add3A_322, %get3A_327 : vector<16xf32>
      %swap3A_329 = arith.constant 1 : i32
      %swap3A_330 = arith.index_cast %swap3A_329 : i32 to index
      %swap3A_331 = arith.index_cast %mul3A_311 : i32 to index
      %swap3A_332 = tpu.vector_load %arg16[%swap3A_330, %swap3A_331] {strides = array<i32>} : memref<8x1024xf32, #tpu.memory_space<vmem>>, vector<1x16xf32>,
      %swap3A_333 = vector.shape_cast %swap3A_332 : vector<1x16xf32> to vector<16xf32>
      %swap3A_334 = vector.shape_cast %add3A_328 : vector<16xf32> to vector<1x16xf32>
      tpu.vector_store %arg16[%swap3A_330, %swap3A_331], %swap3A_334 {strides = array<i32>} : memref<8x1024xf32, #tpu.memory_space<vmem>>, vector<1x16xf32>,
      %mul3A_335 = arith.constant 16 : i32
      %mul3A_336 = arith.muli %scan3A_286, %mul3A_335 : i32
      %get3A_337 = arith.constant 2 : i32
      %get3A_338 = arith.index_cast %get3A_337 : i32 to index
      %get3A_339 = arith.index_cast %mul3A_336 : i32 to index
      %get3A_340 = tpu.vector_load %arg8[%get3A_338, %get3A_339] {strides = array<i32>} : memref<8x1024xf32, #tpu.memory_space<vmem>>, vector<1x16xf32>,
      %get3A_341 = vector.shape_cast %get3A_340 : vector<1x16xf32> to vector<16xf32>
      %get3A_342 = arith.constant 2 : i32
      %get3A_343 = arith.index_cast %get3A_342 : i32 to index
      %get3A_344 = arith.index_cast %mul3A_336 : i32 to index
      %get3A_345 = tpu.vector_load %arg9[%get3A_343, %get3A_344] {strides = array<i32>} : memref<8x1024xf32, #tpu.memory_space<vmem>>, vector<1x16xf32>,
      %get3A_346 = vector.shape_cast %get3A_345 : vector<1x16xf32> to vector<16xf32>
      %add3A_347 = arith.addf %get3A_341, %get3A_346 : vector<16xf32>
      %get3A_348 = arith.constant 2 : i32
      %get3A_349 = arith.index_cast %get3A_348 : i32 to index
      %get3A_350 = arith.index_cast %mul3A_336 : i32 to index
      %get3A_351 = tpu.vector_load %arg10[%get3A_349, %get3A_350] {strides = array<i32>} : memref<8x1024xf32, #tpu.memory_space<vmem>>, vector<1x16xf32>,
      %get3A_352 = vector.shape_cast %get3A_351 : vector<1x16xf32> to vector<16xf32>
      %add3A_353 = arith.addf %add3A_347, %get3A_352 : vector<16xf32>
      %swap3A_354 = arith.constant 2 : i32
      %swap3A_355 = arith.index_cast %swap3A_354 : i32 to index
      %swap3A_356 = arith.index_cast %mul3A_336 : i32 to index
      %swap3A_357 = tpu.vector_load %arg16[%swap3A_355, %swap3A_356] {strides = array<i32>} : memref<8x1024xf32, #tpu.memory_space<vmem>>, vector<1x16xf32>,
      %swap3A_358 = vector.shape_cast %swap3A_357 : vector<1x16xf32> to vector<16xf32>
      %swap3A_359 = vector.shape_cast %add3A_353 : vector<16xf32> to vector<1x16xf32>
      tpu.vector_store %arg16[%swap3A_355, %swap3A_356], %swap3A_359 {strides = array<i32>} : memref<8x1024xf32, #tpu.memory_space<vmem>>, vector<1x16xf32>,
      %mul3A_360 = arith.constant 16 : i32
      %mul3A_361 = arith.muli %scan3A_286, %mul3A_360 : i32
      %get3A_362 = arith.constant 3 : i32
      %get3A_363 = arith.index_cast %get3A_362 : i32 to index
      %get3A_364 = arith.index_cast %mul3A_361 : i32 to index
      %get3A_365 = tpu.vector_load %arg8[%get3A_363, %get3A_364] {strides = array<i32>} : memref<8x1024xf32, #tpu.memory_space<vmem>>, vector<1x16xf32>,
      %get3A_366 = vector.shape_cast %get3A_365 : vector<1x16xf32> to vector<16xf32>
      %get3A_367 = arith.constant 3 : i32
      %get3A_368 = arith.index_cast %get3A_367 : i32 to index
      %get3A_369 = arith.index_cast %mul3A_361 : i32 to index
      %get3A_370 = tpu.vector_load %arg9[%get3A_368, %get3A_369] {strides = array<i32>} : memref<8x1024xf32, #tpu.memory_space<vmem>>, vector<1x16xf32>,
      %get3A_371 = vector.shape_cast %get3A_370 : vector<1x16xf32> to vector<16xf32>
      %add3A_372 = arith.addf %get3A_366, %get3A_371 : vector<16xf32>
      %get3A_373 = arith.constant 3 : i32
      %get3A_374 = arith.index_cast %get3A_373 : i32 to index
      %get3A_375 = arith.index_cast %mul3A_361 : i32 to index
      %get3A_376 = tpu.vector_load %arg10[%get3A_374, %get3A_375] {strides = array<i32>} : memref<8x1024xf32, #tpu.memory_space<vmem>>, vector<1x16xf32>,
      %get3A_377 = vector.shape_cast %get3A_376 : vector<1x16xf32> to vector<16xf32>
      %add3A_378 = arith.addf %add3A_372, %get3A_377 : vector<16xf32>
      %swap3A_379 = arith.constant 3 : i32
      %swap3A_380 = arith.index_cast %swap3A_379 : i32 to index
      %swap3A_381 = arith.index_cast %mul3A_361 : i32 to index
      %swap3A_382 = tpu.vector_load %arg16[%swap3A_380, %swap3A_381] {strides = array<i32>} : memref<8x1024xf32, #tpu.memory_space<vmem>>, vector<1x16xf32>,
      %swap3A_383 = vector.shape_cast %swap3A_382 : vector<1x16xf32> to vector<16xf32>
      %swap3A_384 = vector.shape_cast %add3A_378 : vector<16xf32> to vector<1x16xf32>
      tpu.vector_store %arg16[%swap3A_380, %swap3A_381], %swap3A_384 {strides = array<i32>} : memref<8x1024xf32, #tpu.memory_space<vmem>>, vector<1x16xf32>,
      %mul3A_385 = arith.constant 16 : i32
      %mul3A_386 = arith.muli %scan3A_286, %mul3A_385 : i32
      %get3A_387 = arith.constant 4 : i32
      %get3A_388 = arith.index_cast %get3A_387 : i32 to index
      %get3A_389 = arith.index_cast %mul3A_386 : i32 to index
      %get3A_390 = tpu.vector_load %arg8[%get3A_388, %get3A_389] {strides = array<i32>} : memref<8x1024xf32, #tpu.memory_space<vmem>>, vector<1x16xf32>,
      %get3A_391 = vector.shape_cast %get3A_390 : vector<1x16xf32> to vector<16xf32>
      %get3A_392 = arith.constant 4 : i32
      %get3A_393 = arith.index_cast %get3A_392 : i32 to index
      %get3A_394 = arith.index_cast %mul3A_386 : i32 to index
      %get3A_395 = tpu.vector_load %arg9[%get3A_393, %get3A_394] {strides = array<i32>} : memref<8x1024xf32, #tpu.memory_space<vmem>>, vector<1x16xf32>,
      %get3A_396 = vector.shape_cast %get3A_395 : vector<1x16xf32> to vector<16xf32>
      %add3A_397 = arith.addf %get3A_391, %get3A_396 : vector<16xf32>
      %get3A_398 = arith.constant 4 : i32
      %get3A_399 = arith.index_cast %get3A_398 : i32 to index
      %get3A_400 = arith.index_cast %mul3A_386 : i32 to index
      %get3A_401 = tpu.vector_load %arg10[%get3A_399, %get3A_400] {strides = array<i32>} : memref<8x1024xf32, #tpu.memory_space<vmem>>, vector<1x16xf32>,
      %get3A_402 = vector.shape_cast %get3A_401 : vector<1x16xf32> to vector<16xf32>
      %add3A_403 = arith.addf %add3A_397, %get3A_402 : vector<16xf32>
      %swap3A_404 = arith.constant 4 : i32
      %swap3A_405 = arith.index_cast %swap3A_404 : i32 to index
      %swap3A_406 = arith.index_cast %mul3A_386 : i32 to index
      %swap3A_407 = tpu.vector_load %arg16[%swap3A_405, %swap3A_406] {strides = array<i32>} : memref<8x1024xf32, #tpu.memory_space<vmem>>, vector<1x16xf32>,
      %swap3A_408 = vector.shape_cast %swap3A_407 : vector<1x16xf32> to vector<16xf32>
      %swap3A_409 = vector.shape_cast %add3A_403 : vector<16xf32> to vector<1x16xf32>
      tpu.vector_store %arg16[%swap3A_405, %swap3A_406], %swap3A_409 {strides = array<i32>} : memref<8x1024xf32, #tpu.memory_space<vmem>>, vector<1x16xf32>,
      %mul3A_410 = arith.constant 16 : i32
      %mul3A_411 = arith.muli %scan3A_286, %mul3A_410 : i32
      %get3A_412 = arith.constant 5 : i32
      %get3A_413 = arith.index_cast %get3A_412 : i32 to index
      %get3A_414 = arith.index_cast %mul3A_411 : i32 to index
      %get3A_415 = tpu.vector_load %arg8[%get3A_413, %get3A_414] {strides = array<i32>} : memref<8x1024xf32, #tpu.memory_space<vmem>>, vector<1x16xf32>,
      %get3A_416 = vector.shape_cast %get3A_415 : vector<1x16xf32> to vector<16xf32>
      %get3A_417 = arith.constant 5 : i32
      %get3A_418 = arith.index_cast %get3A_417 : i32 to index
      %get3A_419 = arith.index_cast %mul3A_411 : i32 to index
      %get3A_420 = tpu.vector_load %arg9[%get3A_418, %get3A_419] {strides = array<i32>} : memref<8x1024xf32, #tpu.memory_space<vmem>>, vector<1x16xf32>,
      %get3A_421 = vector.shape_cast %get3A_420 : vector<1x16xf32> to vector<16xf32>
      %add3A_422 = arith.addf %get3A_416, %get3A_421 : vector<16xf32>
      %get3A_423 = arith.constant 5 : i32
      %get3A_424 = arith.index_cast %get3A_423 : i32 to index
      %get3A_425 = arith.index_cast %mul3A_411 : i32 to index
      %get3A_426 = tpu.vector_load %arg10[%get3A_424, %get3A_425] {strides = array<i32>} : memref<8x1024xf32, #tpu.memory_space<vmem>>, vector<1x16xf32>,
      %get3A_427 = vector.shape_cast %get3A_426 : vector<1x16xf32> to vector<16xf32>
      %add3A_428 = arith.addf %add3A_422, %get3A_427 : vector<16xf32>
      %swap3A_429 = arith.constant 5 : i32
      %swap3A_430 = arith.index_cast %swap3A_429 : i32 to index
      %swap3A_431 = arith.index_cast %mul3A_411 : i32 to index
      %swap3A_432 = tpu.vector_load %arg16[%swap3A_430, %swap3A_431] {strides = array<i32>} : memref<8x1024xf32, #tpu.memory_space<vmem>>, vector<1x16xf32>,
      %swap3A_433 = vector.shape_cast %swap3A_432 : vector<1x16xf32> to vector<16xf32>
      %swap3A_434 = vector.shape_cast %add3A_428 : vector<16xf32> to vector<1x16xf32>
      tpu.vector_store %arg16[%swap3A_430, %swap3A_431], %swap3A_434 {strides = array<i32>} : memref<8x1024xf32, #tpu.memory_space<vmem>>, vector<1x16xf32>,
      %mul3A_435 = arith.constant 16 : i32
      %mul3A_436 = arith.muli %scan3A_286, %mul3A_435 : i32
      %get3A_437 = arith.constant 6 : i32
      %get3A_438 = arith.index_cast %get3A_437 : i32 to index
      %get3A_439 = arith.index_cast %mul3A_436 : i32 to index
      %get3A_440 = tpu.vector_load %arg8[%get3A_438, %get3A_439] {strides = array<i32>} : memref<8x1024xf32, #tpu.memory_space<vmem>>, vector<1x16xf32>,
      %get3A_441 = vector.shape_cast %get3A_440 : vector<1x16xf32> to vector<16xf32>
      %get3A_442 = arith.constant 6 : i32
      %get3A_443 = arith.index_cast %get3A_442 : i32 to index
      %get3A_444 = arith.index_cast %mul3A_436 : i32 to index
      %get3A_445 = tpu.vector_load %arg9[%get3A_443, %get3A_444] {strides = array<i32>} : memref<8x1024xf32, #tpu.memory_space<vmem>>, vector<1x16xf32>,
      %get3A_446 = vector.shape_cast %get3A_445 : vector<1x16xf32> to vector<16xf32>
      %add3A_447 = arith.addf %get3A_441, %get3A_446 : vector<16xf32>
      %get3A_448 = arith.constant 6 : i32
      %get3A_449 = arith.index_cast %get3A_448 : i32 to index
      %get3A_450 = arith.index_cast %mul3A_436 : i32 to index
      %get3A_451 = tpu.vector_load %arg10[%get3A_449, %get3A_450] {strides = array<i32>} : memref<8x1024xf32, #tpu.memory_space<vmem>>, vector<1x16xf32>,
      %get3A_452 = vector.shape_cast %get3A_451 : vector<1x16xf32> to vector<16xf32>
      %add3A_453 = arith.addf %add3A_447, %get3A_452 : vector<16xf32>
      %swap3A_454 = arith.constant 6 : i32
      %swap3A_455 = arith.index_cast %swap3A_454 : i32 to index
      %swap3A_456 = arith.index_cast %mul3A_436 : i32 to index
      %swap3A_457 = tpu.vector_load %arg16[%swap3A_455, %swap3A_456] {strides = array<i32>} : memref<8x1024xf32, #tpu.memory_space<vmem>>, vector<1x16xf32>,
      %swap3A_458 = vector.shape_cast %swap3A_457 : vector<1x16xf32> to vector<16xf32>
      %swap3A_459 = vector.shape_cast %add3A_453 : vector<16xf32> to vector<1x16xf32>
      tpu.vector_store %arg16[%swap3A_455, %swap3A_456], %swap3A_459 {strides = array<i32>} : memref<8x1024xf32, #tpu.memory_space<vmem>>, vector<1x16xf32>,
      %mul3A_460 = arith.constant 16 : i32
      %mul3A_461 = arith.muli %scan3A_286, %mul3A_460 : i32
      %get3A_462 = arith.constant 7 : i32
      %get3A_463 = arith.index_cast %get3A_462 : i32 to index
      %get3A_464 = arith.index_cast %mul3A_461 : i32 to index
      %get3A_465 = tpu.vector_load %arg8[%get3A_463, %get3A_464] {strides = array<i32>} : memref<8x1024xf32, #tpu.memory_space<vmem>>, vector<1x16xf32>,
      %get3A_466 = vector.shape_cast %get3A_465 : vector<1x16xf32> to vector<16xf32>
      %get3A_467 = arith.constant 7 : i32
      %get3A_468 = arith.index_cast %get3A_467 : i32 to index
      %get3A_469 = arith.index_cast %mul3A_461 : i32 to index
      %get3A_470 = tpu.vector_load %arg9[%get3A_468, %get3A_469] {strides = array<i32>} : memref<8x1024xf32, #tpu.memory_space<vmem>>, vector<1x16xf32>,
      %get3A_471 = vector.shape_cast %get3A_470 : vector<1x16xf32> to vector<16xf32>
      %add3A_472 = arith.addf %get3A_466, %get3A_471 : vector<16xf32>
      %get3A_473 = arith.constant 7 : i32
      %get3A_474 = arith.index_cast %get3A_473 : i32 to index
      %get3A_475 = arith.index_cast %mul3A_461 : i32 to index
      %get3A_476 = tpu.vector_load %arg10[%get3A_474, %get3A_475] {strides = array<i32>} : memref<8x1024xf32, #tpu.memory_space<vmem>>, vector<1x16xf32>,
      %get3A_477 = vector.shape_cast %get3A_476 : vector<1x16xf32> to vector<16xf32>
      %add3A_478 = arith.addf %add3A_472, %get3A_477 : vector<16xf32>
      %swap3A_479 = arith.constant 7 : i32
      %swap3A_480 = arith.index_cast %swap3A_479 : i32 to index
      %swap3A_481 = arith.index_cast %mul3A_461 : i32 to index
      %swap3A_482 = tpu.vector_load %arg16[%swap3A_480, %swap3A_481] {strides = array<i32>} : memref<8x1024xf32, #tpu.memory_space<vmem>>, vector<1x16xf32>,
      %swap3A_483 = vector.shape_cast %swap3A_482 : vector<1x16xf32> to vector<16xf32>
      %swap3A_484 = vector.shape_cast %add3A_478 : vector<16xf32> to vector<1x16xf32>
      tpu.vector_store %arg16[%swap3A_480, %swap3A_481], %swap3A_484 {strides = array<i32>} : memref<8x1024xf32, #tpu.memory_space<vmem>>, vector<1x16xf32>,
    }
    %scan3A_261 = arith.constant 64 : i32
    %mul3A_262 = arith.constant 64 : i32
    %mul3A_263 = arith.muli %add3A, %mul3A_262 : i32
    %add3A_264 = arith.constant 48 : i32
    %add3A_265 = arith.addi %mul3A_263, %add3A_264 : i32
    "tpu.region"() ({
      %run_scoped3A = tpu.sem_alloc : memref<!tpu.dma_semaphore, #tpu.memory_space<semaphore_mem>>
      %dma_start3A_286 = arith.constant 0 : i32
      %dma_start3A_287 = tpu.memref_slice %arg5[%add3A_265, %dma_start3A_286] : memref<2048x1024xf32, #tpu.memory_space<hbm>> -> memref<8x1024xf32, #tpu.memory_space<hbm>>
      %dma_start3A_288 = arith.constant 0 : i32
      %dma_start3A_289 = tpu.memref_slice %arg5[%add3A_265, %dma_start3A_288] : memref<2048x1024xf32, #tpu.memory_space<hbm>> -> memref<8x1024xf32, #tpu.memory_space<hbm>>
      tpu.enqueue_dma source(%arg16 : memref<8x1024xf32, #tpu.memory_space<vmem>>) target(%dma_start3A_289 : memref<8x1024xf32, #tpu.memory_space<hbm>>) target_semaphore(%run_scoped3A : memref<!tpu.dma_semaphore, #tpu.memory_space<semaphore_mem>>)
      %dma_wait3A_290 = arith.constant 0 : i32
      %dma_wait3A_291 = tpu.memref_slice %arg5[%add3A_265, %dma_wait3A_290] : memref<2048x1024xf32, #tpu.memory_space<hbm>> -> memref<8x1024xf32, #tpu.memory_space<hbm>>
      %dma_wait3A_292 = arith.constant 0 : i32
      %dma_wait3A_293 = tpu.memref_slice %arg5[%add3A_265, %dma_wait3A_292] : memref<2048x1024xf32, #tpu.memory_space<hbm>> -> memref<8x1024xf32, #tpu.memory_space<hbm>>
      tpu.wait_dma2 semaphore(%run_scoped3A : memref<!tpu.dma_semaphore, #tpu.memory_space<semaphore_mem>>) src(%arg16 : memref<8x1024xf32, #tpu.memory_space<vmem>>) dst(%dma_wait3A_293 : memref<8x1024xf32, #tpu.memory_space<hbm>>)
      tpu.yield
    }) : () -> ()
    %dma_wait3A_266 = arith.constant 0 : i32
    %dma_wait3A_267 = arith.constant 0 : i32
    %dma_wait3A_268 = tpu.memref_slice %arg2[%dma_wait3A_266, %dma_wait3A_267] : memref<6144x1024xf32, #tpu.memory_space<hbm>> -> memref<6144x1024xf32, #tpu.memory_space<hbm>>
    tpu.wait_indirect_dma semaphore(%arg20 : memref<!tpu.dma_semaphore, #tpu.memory_space<semaphore_mem>>) src(%dma_wait3A_268 : memref<6144x1024xf32, #tpu.memory_space<hbm>>) dst(%arg13 : memref<8x1024xf32, #tpu.memory_space<vmem>>)
    %dma_wait3A_269 = arith.constant 0 : i32
    %dma_wait3A_270 = arith.constant 0 : i32
    %dma_wait3A_271 = tpu.memref_slice %arg2[%dma_wait3A_269, %dma_wait3A_270] : memref<6144x1024xf32, #tpu.memory_space<hbm>> -> memref<6144x1024xf32, #tpu.memory_space<hbm>>
    tpu.wait_indirect_dma semaphore(%arg21 : memref<!tpu.dma_semaphore, #tpu.memory_space<semaphore_mem>>) src(%dma_wait3A_271 : memref<6144x1024xf32, #tpu.memory_space<hbm>>) dst(%arg14 : memref<8x1024xf32, #tpu.memory_space<vmem>>)
    %dma_wait3A_272 = arith.constant 0 : i32
    %dma_wait3A_273 = tpu.memref_slice %arg3[%add3A_233, %dma_wait3A_272] : memref<2048x1024xf32, #tpu.memory_space<hbm>> -> memref<8x1024xf32, #tpu.memory_space<hbm>>
    %dma_wait3A_274 = arith.constant 0 : i32
    %dma_wait3A_275 = tpu.memref_slice %arg3[%add3A_233, %dma_wait3A_274] : memref<2048x1024xf32, #tpu.memory_space<hbm>> -> memref<8x1024xf32, #tpu.memory_space<hbm>>
    tpu.wait_dma2 semaphore(%arg22 : memref<!tpu.dma_semaphore, #tpu.memory_space<semaphore_mem>>) src(%dma_wait3A_275 : memref<8x1024xf32, #tpu.memory_space<hbm>>) dst(%arg15 : memref<8x1024xf32, #tpu.memory_space<vmem>>)
    %scan3A_276 = arith.constant 0 : i32
    %scan3A_277 = arith.constant 0 : i32
    %scan3A_278 = arith.constant 64 : i32
    %scan3A_279 = arith.addi %scan3A_277, %scan3A_278 : i32
    %scan3A_280 = arith.constant 1 : i32
    scf.for %scan3A_286 = %scan3A_277 to %scan3A_279 step %scan3A_280  : i32 {
      %mul3A_287 = arith.constant 16 : i32
      %mul3A_288 = arith.muli %scan3A_286, %mul3A_287 : i32
      %get3A = arith.constant 0 : i32
      %get3A_289 = arith.index_cast %get3A : i32 to index
      %get3A_290 = arith.index_cast %mul3A_288 : i32 to index
      %get3A_291 = tpu.vector_load %arg13[%get3A_289, %get3A_290] {strides = array<i32>} : memref<8x1024xf32, #tpu.memory_space<vmem>>, vector<1x16xf32>,
      %get3A_292 = vector.shape_cast %get3A_291 : vector<1x16xf32> to vector<16xf32>
      %get3A_293 = arith.constant 0 : i32
      %get3A_294 = arith.index_cast %get3A_293 : i32 to index
      %get3A_295 = arith.index_cast %mul3A_288 : i32 to index
      %get3A_296 = tpu.vector_load %arg14[%get3A_294, %get3A_295] {strides = array<i32>} : memref<8x1024xf32, #tpu.memory_space<vmem>>, vector<1x16xf32>,
      %get3A_297 = vector.shape_cast %get3A_296 : vector<1x16xf32> to vector<16xf32>
      %add3A_298 = arith.addf %get3A_292, %get3A_297 : vector<16xf32>
      %get3A_299 = arith.constant 0 : i32
      %get3A_300 = arith.index_cast %get3A_299 : i32 to index
      %get3A_301 = arith.index_cast %mul3A_288 : i32 to index
      %get3A_302 = tpu.vector_load %arg15[%get3A_300, %get3A_301] {strides = array<i32>} : memref<8x1024xf32, #tpu.memory_space<vmem>>, vector<1x16xf32>,
      %get3A_303 = vector.shape_cast %get3A_302 : vector<1x16xf32> to vector<16xf32>
      %add3A_304 = arith.addf %add3A_298, %get3A_303 : vector<16xf32>
      %swap3A = arith.constant 0 : i32
      %swap3A_305 = arith.index_cast %swap3A : i32 to index
      %swap3A_306 = arith.index_cast %mul3A_288 : i32 to index
      %swap3A_307 = tpu.vector_load %arg16[%swap3A_305, %swap3A_306] {strides = array<i32>} : memref<8x1024xf32, #tpu.memory_space<vmem>>, vector<1x16xf32>,
      %swap3A_308 = vector.shape_cast %swap3A_307 : vector<1x16xf32> to vector<16xf32>
      %swap3A_309 = vector.shape_cast %add3A_304 : vector<16xf32> to vector<1x16xf32>
      tpu.vector_store %arg16[%swap3A_305, %swap3A_306], %swap3A_309 {strides = array<i32>} : memref<8x1024xf32, #tpu.memory_space<vmem>>, vector<1x16xf32>,
      %mul3A_310 = arith.constant 16 : i32
      %mul3A_311 = arith.muli %scan3A_286, %mul3A_310 : i32
      %get3A_312 = arith.constant 1 : i32
      %get3A_313 = arith.index_cast %get3A_312 : i32 to index
      %get3A_314 = arith.index_cast %mul3A_311 : i32 to index
      %get3A_315 = tpu.vector_load %arg13[%get3A_313, %get3A_314] {strides = array<i32>} : memref<8x1024xf32, #tpu.memory_space<vmem>>, vector<1x16xf32>,
      %get3A_316 = vector.shape_cast %get3A_315 : vector<1x16xf32> to vector<16xf32>
      %get3A_317 = arith.constant 1 : i32
      %get3A_318 = arith.index_cast %get3A_317 : i32 to index
      %get3A_319 = arith.index_cast %mul3A_311 : i32 to index
      %get3A_320 = tpu.vector_load %arg14[%get3A_318, %get3A_319] {strides = array<i32>} : memref<8x1024xf32, #tpu.memory_space<vmem>>, vector<1x16xf32>,
      %get3A_321 = vector.shape_cast %get3A_320 : vector<1x16xf32> to vector<16xf32>
      %add3A_322 = arith.addf %get3A_316, %get3A_321 : vector<16xf32>
      %get3A_323 = arith.constant 1 : i32
      %get3A_324 = arith.index_cast %get3A_323 : i32 to index
      %get3A_325 = arith.index_cast %mul3A_311 : i32 to index
      %get3A_326 = tpu.vector_load %arg15[%get3A_324, %get3A_325] {strides = array<i32>} : memref<8x1024xf32, #tpu.memory_space<vmem>>, vector<1x16xf32>,
      %get3A_327 = vector.shape_cast %get3A_326 : vector<1x16xf32> to vector<16xf32>
      %add3A_328 = arith.addf %add3A_322, %get3A_327 : vector<16xf32>
      %swap3A_329 = arith.constant 1 : i32
      %swap3A_330 = arith.index_cast %swap3A_329 : i32 to index
      %swap3A_331 = arith.index_cast %mul3A_311 : i32 to index
      %swap3A_332 = tpu.vector_load %arg16[%swap3A_330, %swap3A_331] {strides = array<i32>} : memref<8x1024xf32, #tpu.memory_space<vmem>>, vector<1x16xf32>,
      %swap3A_333 = vector.shape_cast %swap3A_332 : vector<1x16xf32> to vector<16xf32>
      %swap3A_334 = vector.shape_cast %add3A_328 : vector<16xf32> to vector<1x16xf32>
      tpu.vector_store %arg16[%swap3A_330, %swap3A_331], %swap3A_334 {strides = array<i32>} : memref<8x1024xf32, #tpu.memory_space<vmem>>, vector<1x16xf32>,
      %mul3A_335 = arith.constant 16 : i32
      %mul3A_336 = arith.muli %scan3A_286, %mul3A_335 : i32
      %get3A_337 = arith.constant 2 : i32
      %get3A_338 = arith.index_cast %get3A_337 : i32 to index
      %get3A_339 = arith.index_cast %mul3A_336 : i32 to index
      %get3A_340 = tpu.vector_load %arg13[%get3A_338, %get3A_339] {strides = array<i32>} : memref<8x1024xf32, #tpu.memory_space<vmem>>, vector<1x16xf32>,
      %get3A_341 = vector.shape_cast %get3A_340 : vector<1x16xf32> to vector<16xf32>
      %get3A_342 = arith.constant 2 : i32
      %get3A_343 = arith.index_cast %get3A_342 : i32 to index
      %get3A_344 = arith.index_cast %mul3A_336 : i32 to index
      %get3A_345 = tpu.vector_load %arg14[%get3A_343, %get3A_344] {strides = array<i32>} : memref<8x1024xf32, #tpu.memory_space<vmem>>, vector<1x16xf32>,
      %get3A_346 = vector.shape_cast %get3A_345 : vector<1x16xf32> to vector<16xf32>
      %add3A_347 = arith.addf %get3A_341, %get3A_346 : vector<16xf32>
      %get3A_348 = arith.constant 2 : i32
      %get3A_349 = arith.index_cast %get3A_348 : i32 to index
      %get3A_350 = arith.index_cast %mul3A_336 : i32 to index
      %get3A_351 = tpu.vector_load %arg15[%get3A_349, %get3A_350] {strides = array<i32>} : memref<8x1024xf32, #tpu.memory_space<vmem>>, vector<1x16xf32>,
      %get3A_352 = vector.shape_cast %get3A_351 : vector<1x16xf32> to vector<16xf32>
      %add3A_353 = arith.addf %add3A_347, %get3A_352 : vector<16xf32>
      %swap3A_354 = arith.constant 2 : i32
      %swap3A_355 = arith.index_cast %swap3A_354 : i32 to index
      %swap3A_356 = arith.index_cast %mul3A_336 : i32 to index
      %swap3A_357 = tpu.vector_load %arg16[%swap3A_355, %swap3A_356] {strides = array<i32>} : memref<8x1024xf32, #tpu.memory_space<vmem>>, vector<1x16xf32>,
      %swap3A_358 = vector.shape_cast %swap3A_357 : vector<1x16xf32> to vector<16xf32>
      %swap3A_359 = vector.shape_cast %add3A_353 : vector<16xf32> to vector<1x16xf32>
      tpu.vector_store %arg16[%swap3A_355, %swap3A_356], %swap3A_359 {strides = array<i32>} : memref<8x1024xf32, #tpu.memory_space<vmem>>, vector<1x16xf32>,
      %mul3A_360 = arith.constant 16 : i32
      %mul3A_361 = arith.muli %scan3A_286, %mul3A_360 : i32
      %get3A_362 = arith.constant 3 : i32
      %get3A_363 = arith.index_cast %get3A_362 : i32 to index
      %get3A_364 = arith.index_cast %mul3A_361 : i32 to index
      %get3A_365 = tpu.vector_load %arg13[%get3A_363, %get3A_364] {strides = array<i32>} : memref<8x1024xf32, #tpu.memory_space<vmem>>, vector<1x16xf32>,
      %get3A_366 = vector.shape_cast %get3A_365 : vector<1x16xf32> to vector<16xf32>
      %get3A_367 = arith.constant 3 : i32
      %get3A_368 = arith.index_cast %get3A_367 : i32 to index
      %get3A_369 = arith.index_cast %mul3A_361 : i32 to index
      %get3A_370 = tpu.vector_load %arg14[%get3A_368, %get3A_369] {strides = array<i32>} : memref<8x1024xf32, #tpu.memory_space<vmem>>, vector<1x16xf32>,
      %get3A_371 = vector.shape_cast %get3A_370 : vector<1x16xf32> to vector<16xf32>
      %add3A_372 = arith.addf %get3A_366, %get3A_371 : vector<16xf32>
      %get3A_373 = arith.constant 3 : i32
      %get3A_374 = arith.index_cast %get3A_373 : i32 to index
      %get3A_375 = arith.index_cast %mul3A_361 : i32 to index
      %get3A_376 = tpu.vector_load %arg15[%get3A_374, %get3A_375] {strides = array<i32>} : memref<8x1024xf32, #tpu.memory_space<vmem>>, vector<1x16xf32>,
      %get3A_377 = vector.shape_cast %get3A_376 : vector<1x16xf32> to vector<16xf32>
      %add3A_378 = arith.addf %add3A_372, %get3A_377 : vector<16xf32>
      %swap3A_379 = arith.constant 3 : i32
      %swap3A_380 = arith.index_cast %swap3A_379 : i32 to index
      %swap3A_381 = arith.index_cast %mul3A_361 : i32 to index
      %swap3A_382 = tpu.vector_load %arg16[%swap3A_380, %swap3A_381] {strides = array<i32>} : memref<8x1024xf32, #tpu.memory_space<vmem>>, vector<1x16xf32>,
      %swap3A_383 = vector.shape_cast %swap3A_382 : vector<1x16xf32> to vector<16xf32>
      %swap3A_384 = vector.shape_cast %add3A_378 : vector<16xf32> to vector<1x16xf32>
      tpu.vector_store %arg16[%swap3A_380, %swap3A_381], %swap3A_384 {strides = array<i32>} : memref<8x1024xf32, #tpu.memory_space<vmem>>, vector<1x16xf32>,
      %mul3A_385 = arith.constant 16 : i32
      %mul3A_386 = arith.muli %scan3A_286, %mul3A_385 : i32
      %get3A_387 = arith.constant 4 : i32
      %get3A_388 = arith.index_cast %get3A_387 : i32 to index
      %get3A_389 = arith.index_cast %mul3A_386 : i32 to index
      %get3A_390 = tpu.vector_load %arg13[%get3A_388, %get3A_389] {strides = array<i32>} : memref<8x1024xf32, #tpu.memory_space<vmem>>, vector<1x16xf32>,
      %get3A_391 = vector.shape_cast %get3A_390 : vector<1x16xf32> to vector<16xf32>
      %get3A_392 = arith.constant 4 : i32
      %get3A_393 = arith.index_cast %get3A_392 : i32 to index
      %get3A_394 = arith.index_cast %mul3A_386 : i32 to index
      %get3A_395 = tpu.vector_load %arg14[%get3A_393, %get3A_394] {strides = array<i32>} : memref<8x1024xf32, #tpu.memory_space<vmem>>, vector<1x16xf32>,
      %get3A_396 = vector.shape_cast %get3A_395 : vector<1x16xf32> to vector<16xf32>
      %add3A_397 = arith.addf %get3A_391, %get3A_396 : vector<16xf32>
      %get3A_398 = arith.constant 4 : i32
      %get3A_399 = arith.index_cast %get3A_398 : i32 to index
      %get3A_400 = arith.index_cast %mul3A_386 : i32 to index
      %get3A_401 = tpu.vector_load %arg15[%get3A_399, %get3A_400] {strides = array<i32>} : memref<8x1024xf32, #tpu.memory_space<vmem>>, vector<1x16xf32>,
      %get3A_402 = vector.shape_cast %get3A_401 : vector<1x16xf32> to vector<16xf32>
      %add3A_403 = arith.addf %add3A_397, %get3A_402 : vector<16xf32>
      %swap3A_404 = arith.constant 4 : i32
      %swap3A_405 = arith.index_cast %swap3A_404 : i32 to index
      %swap3A_406 = arith.index_cast %mul3A_386 : i32 to index
      %swap3A_407 = tpu.vector_load %arg16[%swap3A_405, %swap3A_406] {strides = array<i32>} : memref<8x1024xf32, #tpu.memory_space<vmem>>, vector<1x16xf32>,
      %swap3A_408 = vector.shape_cast %swap3A_407 : vector<1x16xf32> to vector<16xf32>
      %swap3A_409 = vector.shape_cast %add3A_403 : vector<16xf32> to vector<1x16xf32>
      tpu.vector_store %arg16[%swap3A_405, %swap3A_406], %swap3A_409 {strides = array<i32>} : memref<8x1024xf32, #tpu.memory_space<vmem>>, vector<1x16xf32>,
      %mul3A_410 = arith.constant 16 : i32
      %mul3A_411 = arith.muli %scan3A_286, %mul3A_410 : i32
      %get3A_412 = arith.constant 5 : i32
      %get3A_413 = arith.index_cast %get3A_412 : i32 to index
      %get3A_414 = arith.index_cast %mul3A_411 : i32 to index
      %get3A_415 = tpu.vector_load %arg13[%get3A_413, %get3A_414] {strides = array<i32>} : memref<8x1024xf32, #tpu.memory_space<vmem>>, vector<1x16xf32>,
      %get3A_416 = vector.shape_cast %get3A_415 : vector<1x16xf32> to vector<16xf32>
      %get3A_417 = arith.constant 5 : i32
      %get3A_418 = arith.index_cast %get3A_417 : i32 to index
      %get3A_419 = arith.index_cast %mul3A_411 : i32 to index
      %get3A_420 = tpu.vector_load %arg14[%get3A_418, %get3A_419] {strides = array<i32>} : memref<8x1024xf32, #tpu.memory_space<vmem>>, vector<1x16xf32>,
      %get3A_421 = vector.shape_cast %get3A_420 : vector<1x16xf32> to vector<16xf32>
      %add3A_422 = arith.addf %get3A_416, %get3A_421 : vector<16xf32>
      %get3A_423 = arith.constant 5 : i32
      %get3A_424 = arith.index_cast %get3A_423 : i32 to index
      %get3A_425 = arith.index_cast %mul3A_411 : i32 to index
      %get3A_426 = tpu.vector_load %arg15[%get3A_424, %get3A_425] {strides = array<i32>} : memref<8x1024xf32, #tpu.memory_space<vmem>>, vector<1x16xf32>,
      %get3A_427 = vector.shape_cast %get3A_426 : vector<1x16xf32> to vector<16xf32>
      %add3A_428 = arith.addf %add3A_422, %get3A_427 : vector<16xf32>
      %swap3A_429 = arith.constant 5 : i32
      %swap3A_430 = arith.index_cast %swap3A_429 : i32 to index
      %swap3A_431 = arith.index_cast %mul3A_411 : i32 to index
      %swap3A_432 = tpu.vector_load %arg16[%swap3A_430, %swap3A_431] {strides = array<i32>} : memref<8x1024xf32, #tpu.memory_space<vmem>>, vector<1x16xf32>,
      %swap3A_433 = vector.shape_cast %swap3A_432 : vector<1x16xf32> to vector<16xf32>
      %swap3A_434 = vector.shape_cast %add3A_428 : vector<16xf32> to vector<1x16xf32>
      tpu.vector_store %arg16[%swap3A_430, %swap3A_431], %swap3A_434 {strides = array<i32>} : memref<8x1024xf32, #tpu.memory_space<vmem>>, vector<1x16xf32>,
      %mul3A_435 = arith.constant 16 : i32
      %mul3A_436 = arith.muli %scan3A_286, %mul3A_435 : i32
      %get3A_437 = arith.constant 6 : i32
      %get3A_438 = arith.index_cast %get3A_437 : i32 to index
      %get3A_439 = arith.index_cast %mul3A_436 : i32 to index
      %get3A_440 = tpu.vector_load %arg13[%get3A_438, %get3A_439] {strides = array<i32>} : memref<8x1024xf32, #tpu.memory_space<vmem>>, vector<1x16xf32>,
      %get3A_441 = vector.shape_cast %get3A_440 : vector<1x16xf32> to vector<16xf32>
      %get3A_442 = arith.constant 6 : i32
      %get3A_443 = arith.index_cast %get3A_442 : i32 to index
      %get3A_444 = arith.index_cast %mul3A_436 : i32 to index
      %get3A_445 = tpu.vector_load %arg14[%get3A_443, %get3A_444] {strides = array<i32>} : memref<8x1024xf32, #tpu.memory_space<vmem>>, vector<1x16xf32>,
      %get3A_446 = vector.shape_cast %get3A_445 : vector<1x16xf32> to vector<16xf32>
      %add3A_447 = arith.addf %get3A_441, %get3A_446 : vector<16xf32>
      %get3A_448 = arith.constant 6 : i32
      %get3A_449 = arith.index_cast %get3A_448 : i32 to index
      %get3A_450 = arith.index_cast %mul3A_436 : i32 to index
      %get3A_451 = tpu.vector_load %arg15[%get3A_449, %get3A_450] {strides = array<i32>} : memref<8x1024xf32, #tpu.memory_space<vmem>>, vector<1x16xf32>,
      %get3A_452 = vector.shape_cast %get3A_451 : vector<1x16xf32> to vector<16xf32>
      %add3A_453 = arith.addf %add3A_447, %get3A_452 : vector<16xf32>
      %swap3A_454 = arith.constant 6 : i32
      %swap3A_455 = arith.index_cast %swap3A_454 : i32 to index
      %swap3A_456 = arith.index_cast %mul3A_436 : i32 to index
      %swap3A_457 = tpu.vector_load %arg16[%swap3A_455, %swap3A_456] {strides = array<i32>} : memref<8x1024xf32, #tpu.memory_space<vmem>>, vector<1x16xf32>,
      %swap3A_458 = vector.shape_cast %swap3A_457 : vector<1x16xf32> to vector<16xf32>
      %swap3A_459 = vector.shape_cast %add3A_453 : vector<16xf32> to vector<1x16xf32>
      tpu.vector_store %arg16[%swap3A_455, %swap3A_456], %swap3A_459 {strides = array<i32>} : memref<8x1024xf32, #tpu.memory_space<vmem>>, vector<1x16xf32>,
      %mul3A_460 = arith.constant 16 : i32
      %mul3A_461 = arith.muli %scan3A_286, %mul3A_460 : i32
      %get3A_462 = arith.constant 7 : i32
      %get3A_463 = arith.index_cast %get3A_462 : i32 to index
      %get3A_464 = arith.index_cast %mul3A_461 : i32 to index
      %get3A_465 = tpu.vector_load %arg13[%get3A_463, %get3A_464] {strides = array<i32>} : memref<8x1024xf32, #tpu.memory_space<vmem>>, vector<1x16xf32>,
      %get3A_466 = vector.shape_cast %get3A_465 : vector<1x16xf32> to vector<16xf32>
      %get3A_467 = arith.constant 7 : i32
      %get3A_468 = arith.index_cast %get3A_467 : i32 to index
      %get3A_469 = arith.index_cast %mul3A_461 : i32 to index
      %get3A_470 = tpu.vector_load %arg14[%get3A_468, %get3A_469] {strides = array<i32>} : memref<8x1024xf32, #tpu.memory_space<vmem>>, vector<1x16xf32>,
      %get3A_471 = vector.shape_cast %get3A_470 : vector<1x16xf32> to vector<16xf32>
      %add3A_472 = arith.addf %get3A_466, %get3A_471 : vector<16xf32>
      %get3A_473 = arith.constant 7 : i32
      %get3A_474 = arith.index_cast %get3A_473 : i32 to index
      %get3A_475 = arith.index_cast %mul3A_461 : i32 to index
      %get3A_476 = tpu.vector_load %arg15[%get3A_474, %get3A_475] {strides = array<i32>} : memref<8x1024xf32, #tpu.memory_space<vmem>>, vector<1x16xf32>,
      %get3A_477 = vector.shape_cast %get3A_476 : vector<1x16xf32> to vector<16xf32>
      %add3A_478 = arith.addf %add3A_472, %get3A_477 : vector<16xf32>
      %swap3A_479 = arith.constant 7 : i32
      %swap3A_480 = arith.index_cast %swap3A_479 : i32 to index
      %swap3A_481 = arith.index_cast %mul3A_461 : i32 to index
      %swap3A_482 = tpu.vector_load %arg16[%swap3A_480, %swap3A_481] {strides = array<i32>} : memref<8x1024xf32, #tpu.memory_space<vmem>>, vector<1x16xf32>,
      %swap3A_483 = vector.shape_cast %swap3A_482 : vector<1x16xf32> to vector<16xf32>
      %swap3A_484 = vector.shape_cast %add3A_478 : vector<16xf32> to vector<1x16xf32>
      tpu.vector_store %arg16[%swap3A_480, %swap3A_481], %swap3A_484 {strides = array<i32>} : memref<8x1024xf32, #tpu.memory_space<vmem>>, vector<1x16xf32>,
    }
    %scan3A_281 = arith.constant 64 : i32
    %mul3A_282 = arith.constant 64 : i32
    %mul3A_283 = arith.muli %add3A, %mul3A_282 : i32
    %add3A_284 = arith.constant 56 : i32
    %add3A_285 = arith.addi %mul3A_283, %add3A_284 : i32
    "tpu.region"() ({
      %run_scoped3A = tpu.sem_alloc : memref<!tpu.dma_semaphore, #tpu.memory_space<semaphore_mem>>
      %dma_start3A_286 = arith.constant 0 : i32
      %dma_start3A_287 = tpu.memref_slice %arg5[%add3A_285, %dma_start3A_286] : memref<2048x1024xf32, #tpu.memory_space<hbm>> -> memref<8x1024xf32, #tpu.memory_space<hbm>>
      %dma_start3A_288 = arith.constant 0 : i32
      %dma_start3A_289 = tpu.memref_slice %arg5[%add3A_285, %dma_start3A_288] : memref<2048x1024xf32, #tpu.memory_space<hbm>> -> memref<8x1024xf32, #tpu.memory_space<hbm>>
      tpu.enqueue_dma source(%arg16 : memref<8x1024xf32, #tpu.memory_space<vmem>>) target(%dma_start3A_289 : memref<8x1024xf32, #tpu.memory_space<hbm>>) target_semaphore(%run_scoped3A : memref<!tpu.dma_semaphore, #tpu.memory_space<semaphore_mem>>)
      %dma_wait3A_290 = arith.constant 0 : i32
      %dma_wait3A_291 = tpu.memref_slice %arg5[%add3A_285, %dma_wait3A_290] : memref<2048x1024xf32, #tpu.memory_space<hbm>> -> memref<8x1024xf32, #tpu.memory_space<hbm>>
      %dma_wait3A_292 = arith.constant 0 : i32
      %dma_wait3A_293 = tpu.memref_slice %arg5[%add3A_285, %dma_wait3A_292] : memref<2048x1024xf32, #tpu.memory_space<hbm>> -> memref<8x1024xf32, #tpu.memory_space<hbm>>
      tpu.wait_dma2 semaphore(%run_scoped3A : memref<!tpu.dma_semaphore, #tpu.memory_space<semaphore_mem>>) src(%arg16 : memref<8x1024xf32, #tpu.memory_space<vmem>>) dst(%dma_wait3A_293 : memref<8x1024xf32, #tpu.memory_space<hbm>>)
      tpu.yield
    }) : () -> ()
    return
  }
}

module attributes {stable_mosaic.version = 14 : i64} {
  func.func @_routing_body(%arg0: memref<2048x8xf32, #tpu.memory_space<vmem>>, %arg1: memref<1x8xf32, #tpu.memory_space<vmem>>, %arg2: memref<4096x1xi32, #tpu.memory_space<vmem>>, %arg3: memref<4096x128xf32, #tpu.memory_space<vmem>>, %arg4: memref<128x1xi32, #tpu.memory_space<vmem>>) attributes {dimension_semantics = [], scalar_prefetch = 0 : i64, scratch_operands = 0 : i64, tpu.core_type = #tpu.core_type<tc>} {
    %get3A = arith.constant 0 : index
    %get3A_0 = arith.constant 0 : index
    %get3A_1 = vector.load %arg0[%get3A, %get3A_0] : memref<2048x8xf32, #tpu.memory_space<vmem>>, vector<2048x8xf32>
    %get3A_2 = arith.constant 0 : index
    %get3A_3 = arith.constant 0 : index
    %get3A_4 = vector.load %arg1[%get3A_2, %get3A_3] : memref<1x8xf32, #tpu.memory_space<vmem>>, vector<1x8xf32>
    %add3A = vector.broadcast %get3A_4 : vector<1x8xf32> to vector<2048x8xf32>
    %add3A_5 = arith.addf %get3A_1, %add3A : vector<2048x8xf32>
    %iota3A = tpu.iota {dimensions = array<i32: 1>} : vector<2048x8xi32>
    %reduce_max3A = arith.constant dense<0xFF800000> : vector<2048xf32>
    %reduce_max3A_6 = vector.multi_reduction <maximumf>, %add3A_5, %reduce_max3A [1] : vector<2048x8xf32> to vector<2048xf32>
    %broadcast_in_dim3A = vector.shape_cast %reduce_max3A_6 : vector<2048xf32> to vector<2048x1xf32>
    %eq3A = vector.broadcast %broadcast_in_dim3A : vector<2048x1xf32> to vector<2048x8xf32>
    %eq3A_7 = arith.cmpf oeq, %add3A_5, %eq3A : vector<2048x8xf32>
    %jit3A = arith.constant 8 : i32
    %broadcast_in_dim3A_8 = vector.broadcast %jit3A : i32 to vector<2048x8xi32>
    %select_n3A = arith.select %eq3A_7, %iota3A, %broadcast_in_dim3A_8 : vector<2048x8xi1>, vector<2048x8xi32>
    %reduce_min3A = arith.constant dense<2147483647> : vector<2048xi32>
    %reduce_min3A_9 = vector.multi_reduction <minsi>, %select_n3A, %reduce_min3A [1] : vector<2048x8xi32> to vector<2048xi32>
    %broadcast_in_dim3A_10 = vector.shape_cast %reduce_min3A_9 : vector<2048xi32> to vector<2048x1xi32>
    %eq3A_11 = vector.broadcast %broadcast_in_dim3A_10 : vector<2048x1xi32> to vector<2048x8xi32>
    %eq3A_12 = arith.cmpi eq, %iota3A, %eq3A_11 : vector<2048x8xi32>
    %jit3A_13 = arith.constant 0xFF800000 : f32
    %broadcast_in_dim3A_14 = vector.broadcast %jit3A_13 : f32 to vector<2048x8xf32>
    %select_n3A_15 = arith.select %eq3A_12, %broadcast_in_dim3A_14, %add3A_5 : vector<2048x8xi1>, vector<2048x8xf32>
    %reduce_max3A_16 = arith.constant dense<0xFF800000> : vector<2048xf32>
    %reduce_max3A_17 = vector.multi_reduction <maximumf>, %select_n3A_15, %reduce_max3A_16 [1] : vector<2048x8xf32> to vector<2048xf32>
    %broadcast_in_dim3A_18 = vector.shape_cast %reduce_max3A_17 : vector<2048xf32> to vector<2048x1xf32>
    %eq3A_19 = vector.broadcast %broadcast_in_dim3A_18 : vector<2048x1xf32> to vector<2048x8xf32>
    %eq3A_20 = arith.cmpf oeq, %select_n3A_15, %eq3A_19 : vector<2048x8xf32>
    %jit3A_21 = arith.constant 8 : i32
    %broadcast_in_dim3A_22 = vector.broadcast %jit3A_21 : i32 to vector<2048x8xi32>
    %select_n3A_23 = arith.select %eq3A_20, %iota3A, %broadcast_in_dim3A_22 : vector<2048x8xi1>, vector<2048x8xi32>
    %reduce_min3A_24 = arith.constant dense<2147483647> : vector<2048xi32>
    %reduce_min3A_25 = vector.multi_reduction <minsi>, %select_n3A_23, %reduce_min3A_24 [1] : vector<2048x8xi32> to vector<2048xi32>
    %broadcast_in_dim3A_26 = vector.shape_cast %reduce_min3A_25 : vector<2048xi32> to vector<2048x1xi32>
    %reduce_max3A_27 = arith.constant dense<0xFF800000> : vector<2048xf32>
    %reduce_max3A_28 = vector.multi_reduction <maximumf>, %get3A_1, %reduce_max3A_27 [1] : vector<2048x8xf32> to vector<2048xf32>
    %broadcast_in_dim3A_29 = vector.shape_cast %reduce_max3A_28 : vector<2048xf32> to vector<2048x1xf32>
    %sub3A = vector.broadcast %broadcast_in_dim3A_29 : vector<2048x1xf32> to vector<2048x8xf32>
    %sub3A_30 = arith.subf %get3A_1, %sub3A : vector<2048x8xf32>
    %exp3A = math.exp %sub3A_30 : vector<2048x8xf32>
    %reduce_sum3A = arith.constant dense<0.000000e+00> : vector<2048xf32>
    %reduce_sum3A_31 = vector.multi_reduction <add>, %exp3A, %reduce_sum3A [1] : vector<2048x8xf32> to vector<2048xf32>
    %broadcast_in_dim3A_32 = vector.shape_cast %reduce_sum3A_31 : vector<2048xf32> to vector<2048x1xf32>
    %div3A = vector.broadcast %broadcast_in_dim3A_32 : vector<2048x1xf32> to vector<2048x8xf32>
    %div3A_33 = arith.divf %exp3A, %div3A : vector<2048x8xf32>
    %eq3A_34 = vector.broadcast %broadcast_in_dim3A_10 : vector<2048x1xi32> to vector<2048x8xi32>
    %eq3A_35 = arith.cmpi eq, %iota3A, %eq3A_34 : vector<2048x8xi32>
    %jit3A_36 = arith.constant 0.000000e+00 : f32
    %broadcast_in_dim3A_37 = vector.broadcast %jit3A_36 : f32 to vector<2048x8xf32>
    %select_n3A_38 = arith.select %eq3A_35, %div3A_33, %broadcast_in_dim3A_37 : vector<2048x8xi1>, vector<2048x8xf32>
    %reduce_sum3A_39 = arith.constant dense<0.000000e+00> : vector<2048xf32>
    %reduce_sum3A_40 = vector.multi_reduction <add>, %select_n3A_38, %reduce_sum3A_39 [1] : vector<2048x8xf32> to vector<2048xf32>
    %broadcast_in_dim3A_41 = vector.shape_cast %reduce_sum3A_40 : vector<2048xf32> to vector<2048x1xf32>
    %eq3A_42 = vector.broadcast %broadcast_in_dim3A_26 : vector<2048x1xi32> to vector<2048x8xi32>
    %eq3A_43 = arith.cmpi eq, %iota3A, %eq3A_42 : vector<2048x8xi32>
    %jit3A_44 = arith.constant 0.000000e+00 : f32
    %broadcast_in_dim3A_45 = vector.broadcast %jit3A_44 : f32 to vector<2048x8xf32>
    %select_n3A_46 = arith.select %eq3A_43, %div3A_33, %broadcast_in_dim3A_45 : vector<2048x8xi1>, vector<2048x8xf32>
    %reduce_sum3A_47 = arith.constant dense<0.000000e+00> : vector<2048xf32>
    %reduce_sum3A_48 = vector.multi_reduction <add>, %select_n3A_46, %reduce_sum3A_47 [1] : vector<2048x8xf32> to vector<2048xf32>
    %broadcast_in_dim3A_49 = vector.shape_cast %reduce_sum3A_48 : vector<2048xf32> to vector<2048x1xf32>
    %add3A_50 = arith.addf %broadcast_in_dim3A_41, %broadcast_in_dim3A_49 : vector<2048x1xf32>
    %iota3A_51 = tpu.iota {dimensions = array<i32: 1>} : vector<2048x128xi32>
    %iota3A_52 = tpu.iota {dimensions = array<i32: 0>} : vector<2048x128xi32>
    %convert_element_type3A = arith.sitofp %iota3A_52 : vector<2048x128xi32> to vector<2048x128xf32>
    %eq3A_53 = arith.constant 0 : i32
    %eq3A_54 = vector.broadcast %eq3A_53 : i32 to vector<2048x128xi32>
    %eq3A_55 = arith.cmpi eq, %iota3A_51, %eq3A_54 : vector<2048x128xi32>
    %eq3A_56 = arith.constant 1 : i32
    %eq3A_57 = vector.broadcast %eq3A_56 : i32 to vector<2048x128xi32>
    %eq3A_58 = arith.cmpi eq, %iota3A_51, %eq3A_57 : vector<2048x128xi32>
    %div3A_59 = arith.divf %broadcast_in_dim3A_41, %add3A_50 : vector<2048x1xf32>
    %jit3A_60 = arith.constant 0.000000e+00 : f32
    %broadcast_in_dim3A_61 = vector.shape_cast %div3A_59 : vector<2048x1xf32> to vector<2048x1xf32>
    %broadcast_in_dim3A_62 = vector.broadcast %broadcast_in_dim3A_61 : vector<2048x1xf32> to vector<2048x128xf32>
    %broadcast_in_dim3A_63 = vector.broadcast %jit3A_60 : f32 to vector<2048x128xf32>
    %select_n3A_64 = arith.select %eq3A_58, %broadcast_in_dim3A_62, %broadcast_in_dim3A_63 : vector<2048x128xi1>, vector<2048x128xf32>
    %select_n3A_65 = arith.select %eq3A_55, %convert_element_type3A, %select_n3A_64 : vector<2048x128xi1>, vector<2048x128xf32>
    %swap3A = arith.constant 0 : index
    %swap3A_66 = arith.constant 0 : index
    %swap3A_67 = vector.load %arg3[%swap3A, %swap3A_66] : memref<4096x128xf32, #tpu.memory_space<vmem>>, vector<2048x128xf32>
    tpu.vector_store %arg3[%swap3A, %swap3A_66], %select_n3A_65 {strides = array<i32>} : memref<4096x128xf32, #tpu.memory_space<vmem>>, vector<2048x128xf32>,
    %eq3A_68 = arith.constant 0 : i32
    %eq3A_69 = vector.broadcast %eq3A_68 : i32 to vector<2048x128xi32>
    %eq3A_70 = arith.cmpi eq, %iota3A_51, %eq3A_69 : vector<2048x128xi32>
    %eq3A_71 = arith.constant 1 : i32
    %eq3A_72 = vector.broadcast %eq3A_71 : i32 to vector<2048x128xi32>
    %eq3A_73 = arith.cmpi eq, %iota3A_51, %eq3A_72 : vector<2048x128xi32>
    %div3A_74 = arith.divf %broadcast_in_dim3A_49, %add3A_50 : vector<2048x1xf32>
    %jit3A_75 = arith.constant 0.000000e+00 : f32
    %broadcast_in_dim3A_76 = vector.shape_cast %div3A_74 : vector<2048x1xf32> to vector<2048x1xf32>
    %broadcast_in_dim3A_77 = vector.broadcast %broadcast_in_dim3A_76 : vector<2048x1xf32> to vector<2048x128xf32>
    %broadcast_in_dim3A_78 = vector.broadcast %jit3A_75 : f32 to vector<2048x128xf32>
    %select_n3A_79 = arith.select %eq3A_73, %broadcast_in_dim3A_77, %broadcast_in_dim3A_78 : vector<2048x128xi1>, vector<2048x128xf32>
    %select_n3A_80 = arith.select %eq3A_70, %convert_element_type3A, %select_n3A_79 : vector<2048x128xi1>, vector<2048x128xf32>
    %swap3A_81 = arith.constant 2048 : index
    %swap3A_82 = arith.constant 0 : index
    %swap3A_83 = vector.load %arg3[%swap3A_81, %swap3A_82] : memref<4096x128xf32, #tpu.memory_space<vmem>>, vector<2048x128xf32>
    tpu.vector_store %arg3[%swap3A_81, %swap3A_82], %select_n3A_80 {strides = array<i32>} : memref<4096x128xf32, #tpu.memory_space<vmem>>, vector<2048x128xf32>,
    %iota3A_84 = tpu.iota {dimensions = array<i32: 0>} : vector<512x512xi32>
    %iota3A_85 = tpu.iota {dimensions = array<i32: 1>} : vector<512x512xi32>
    %gt3A = arith.cmpi sgt, %iota3A_84, %iota3A_85 : vector<512x512xi32>
    %convert_element_type3A_86 = arith.extui %gt3A : vector<512x512xi1> to vector<512x512xi32>
    %convert_element_type3A_87 = arith.sitofp %convert_element_type3A_86 : vector<512x512xi32> to vector<512x512xf32>
    %convert_element_type3A_88 = arith.truncf %convert_element_type3A_87 : vector<512x512xf32> to vector<512x512xbf16>
    %iota3A_89 = tpu.iota {dimensions = array<i32: 1>} : vector<512x8xi32>
    %broadcast_in_dim3A_90 = arith.constant 0.000000e+00 : f32
    %broadcast_in_dim3A_91 = vector.broadcast %broadcast_in_dim3A_90 : f32 to vector<1x8xf32>
    %slice3A = vector.extract_strided_slice %broadcast_in_dim3A_10 {offsets = [0, 0], sizes = [512, 1], strides = [1, 1]} : vector<2048x1xi32> to vector<512x1xi32>
    %eq3A_92 = vector.broadcast %slice3A : vector<512x1xi32> to vector<512x8xi32>
    %eq3A_93 = arith.cmpi eq, %iota3A_89, %eq3A_92 : vector<512x8xi32>
    %convert_element_type3A_94 = arith.extui %eq3A_93 : vector<512x8xi1> to vector<512x8xi32>
    %convert_element_type3A_95 = arith.sitofp %convert_element_type3A_94 : vector<512x8xi32> to vector<512x8xf32>
    %convert_element_type3A_96 = arith.truncf %convert_element_type3A_95 : vector<512x8xf32> to vector<512x8xbf16>
    %dot_general3A = arith.constant dense<0.000000e+00> : vector<512x8xf32>
    %dot_general3A_97 = tpu.matmul %convert_element_type3A_88, %convert_element_type3A_96, %dot_general3A {dimension_numbers = #tpu.dot_dimension_numbers<[1], [0], [0], [1], [0, 0, 1, 1], [], []>, transpose_lhs_hint = false} : vector<512x512xbf16>, vector<512x8xbf16>, vector<512x8xf32> -> vector<512x8xf32>
    %add3A_98 = vector.broadcast %broadcast_in_dim3A_91 : vector<1x8xf32> to vector<512x8xf32>
    %add3A_99 = arith.addf %dot_general3A_97, %add3A_98 : vector<512x8xf32>
    %reduce_sum3A_100 = arith.constant dense<0.000000e+00> : vector<8xf32>
    %reduce_sum3A_101 = vector.multi_reduction <add>, %convert_element_type3A_95, %reduce_sum3A_100 [0] : vector<512x8xf32> to vector<8xf32>
    %broadcast_in_dim3A_102 = vector.shape_cast %reduce_sum3A_101 : vector<8xf32> to vector<1x8xf32>
    %add3A_103 = arith.addf %broadcast_in_dim3A_91, %broadcast_in_dim3A_102 : vector<1x8xf32>
    %slice3A_104 = vector.extract_strided_slice %broadcast_in_dim3A_10 {offsets = [512, 0], sizes = [512, 1], strides = [1, 1]} : vector<2048x1xi32> to vector<512x1xi32>
    %eq3A_105 = vector.broadcast %slice3A_104 : vector<512x1xi32> to vector<512x8xi32>
    %eq3A_106 = arith.cmpi eq, %iota3A_89, %eq3A_105 : vector<512x8xi32>
    %convert_element_type3A_107 = arith.extui %eq3A_106 : vector<512x8xi1> to vector<512x8xi32>
    %convert_element_type3A_108 = arith.sitofp %convert_element_type3A_107 : vector<512x8xi32> to vector<512x8xf32>
    %convert_element_type3A_109 = arith.truncf %convert_element_type3A_108 : vector<512x8xf32> to vector<512x8xbf16>
    %dot_general3A_110 = arith.constant dense<0.000000e+00> : vector<512x8xf32>
    %dot_general3A_111 = tpu.matmul %convert_element_type3A_88, %convert_element_type3A_109, %dot_general3A_110 {dimension_numbers = #tpu.dot_dimension_numbers<[1], [0], [0], [1], [0, 0, 1, 1], [], []>, transpose_lhs_hint = false} : vector<512x512xbf16>, vector<512x8xbf16>, vector<512x8xf32> -> vector<512x8xf32>
    %add3A_112 = vector.broadcast %add3A_103 : vector<1x8xf32> to vector<512x8xf32>
    %add3A_113 = arith.addf %dot_general3A_111, %add3A_112 : vector<512x8xf32>
    %reduce_sum3A_114 = arith.constant dense<0.000000e+00> : vector<8xf32>
    %reduce_sum3A_115 = vector.multi_reduction <add>, %convert_element_type3A_108, %reduce_sum3A_114 [0] : vector<512x8xf32> to vector<8xf32>
    %broadcast_in_dim3A_116 = vector.shape_cast %reduce_sum3A_115 : vector<8xf32> to vector<1x8xf32>
    %add3A_117 = arith.addf %add3A_103, %broadcast_in_dim3A_116 : vector<1x8xf32>
    %slice3A_118 = vector.extract_strided_slice %broadcast_in_dim3A_10 {offsets = [1024, 0], sizes = [512, 1], strides = [1, 1]} : vector<2048x1xi32> to vector<512x1xi32>
    %eq3A_119 = vector.broadcast %slice3A_118 : vector<512x1xi32> to vector<512x8xi32>
    %eq3A_120 = arith.cmpi eq, %iota3A_89, %eq3A_119 : vector<512x8xi32>
    %convert_element_type3A_121 = arith.extui %eq3A_120 : vector<512x8xi1> to vector<512x8xi32>
    %convert_element_type3A_122 = arith.sitofp %convert_element_type3A_121 : vector<512x8xi32> to vector<512x8xf32>
    %convert_element_type3A_123 = arith.truncf %convert_element_type3A_122 : vector<512x8xf32> to vector<512x8xbf16>
    %dot_general3A_124 = arith.constant dense<0.000000e+00> : vector<512x8xf32>
    %dot_general3A_125 = tpu.matmul %convert_element_type3A_88, %convert_element_type3A_123, %dot_general3A_124 {dimension_numbers = #tpu.dot_dimension_numbers<[1], [0], [0], [1], [0, 0, 1, 1], [], []>, transpose_lhs_hint = false} : vector<512x512xbf16>, vector<512x8xbf16>, vector<512x8xf32> -> vector<512x8xf32>
    %add3A_126 = vector.broadcast %add3A_117 : vector<1x8xf32> to vector<512x8xf32>
    %add3A_127 = arith.addf %dot_general3A_125, %add3A_126 : vector<512x8xf32>
    %reduce_sum3A_128 = arith.constant dense<0.000000e+00> : vector<8xf32>
    %reduce_sum3A_129 = vector.multi_reduction <add>, %convert_element_type3A_122, %reduce_sum3A_128 [0] : vector<512x8xf32> to vector<8xf32>
    %broadcast_in_dim3A_130 = vector.shape_cast %reduce_sum3A_129 : vector<8xf32> to vector<1x8xf32>
    %add3A_131 = arith.addf %add3A_117, %broadcast_in_dim3A_130 : vector<1x8xf32>
    %slice3A_132 = vector.extract_strided_slice %broadcast_in_dim3A_10 {offsets = [1536, 0], sizes = [512, 1], strides = [1, 1]} : vector<2048x1xi32> to vector<512x1xi32>
    %eq3A_133 = vector.broadcast %slice3A_132 : vector<512x1xi32> to vector<512x8xi32>
    %eq3A_134 = arith.cmpi eq, %iota3A_89, %eq3A_133 : vector<512x8xi32>
    %convert_element_type3A_135 = arith.extui %eq3A_134 : vector<512x8xi1> to vector<512x8xi32>
    %convert_element_type3A_136 = arith.sitofp %convert_element_type3A_135 : vector<512x8xi32> to vector<512x8xf32>
    %convert_element_type3A_137 = arith.truncf %convert_element_type3A_136 : vector<512x8xf32> to vector<512x8xbf16>
    %dot_general3A_138 = arith.constant dense<0.000000e+00> : vector<512x8xf32>
    %dot_general3A_139 = tpu.matmul %convert_element_type3A_88, %convert_element_type3A_137, %dot_general3A_138 {dimension_numbers = #tpu.dot_dimension_numbers<[1], [0], [0], [1], [0, 0, 1, 1], [], []>, transpose_lhs_hint = false} : vector<512x512xbf16>, vector<512x8xbf16>, vector<512x8xf32> -> vector<512x8xf32>
    %add3A_140 = vector.broadcast %add3A_131 : vector<1x8xf32> to vector<512x8xf32>
    %add3A_141 = arith.addf %dot_general3A_139, %add3A_140 : vector<512x8xf32>
    %reduce_sum3A_142 = arith.constant dense<0.000000e+00> : vector<8xf32>
    %reduce_sum3A_143 = vector.multi_reduction <add>, %convert_element_type3A_136, %reduce_sum3A_142 [0] : vector<512x8xf32> to vector<8xf32>
    %broadcast_in_dim3A_144 = vector.shape_cast %reduce_sum3A_143 : vector<8xf32> to vector<1x8xf32>
    %add3A_145 = arith.addf %add3A_131, %broadcast_in_dim3A_144 : vector<1x8xf32>
    %slice3A_146 = vector.extract_strided_slice %broadcast_in_dim3A_26 {offsets = [0, 0], sizes = [512, 1], strides = [1, 1]} : vector<2048x1xi32> to vector<512x1xi32>
    %eq3A_147 = vector.broadcast %slice3A_146 : vector<512x1xi32> to vector<512x8xi32>
    %eq3A_148 = arith.cmpi eq, %iota3A_89, %eq3A_147 : vector<512x8xi32>
    %convert_element_type3A_149 = arith.extui %eq3A_148 : vector<512x8xi1> to vector<512x8xi32>
    %convert_element_type3A_150 = arith.sitofp %convert_element_type3A_149 : vector<512x8xi32> to vector<512x8xf32>
    %convert_element_type3A_151 = arith.truncf %convert_element_type3A_150 : vector<512x8xf32> to vector<512x8xbf16>
    %dot_general3A_152 = arith.constant dense<0.000000e+00> : vector<512x8xf32>
    %dot_general3A_153 = tpu.matmul %convert_element_type3A_88, %convert_element_type3A_151, %dot_general3A_152 {dimension_numbers = #tpu.dot_dimension_numbers<[1], [0], [0], [1], [0, 0, 1, 1], [], []>, transpose_lhs_hint = false} : vector<512x512xbf16>, vector<512x8xbf16>, vector<512x8xf32> -> vector<512x8xf32>
    %add3A_154 = vector.broadcast %add3A_145 : vector<1x8xf32> to vector<512x8xf32>
    %add3A_155 = arith.addf %dot_general3A_153, %add3A_154 : vector<512x8xf32>
    %reduce_sum3A_156 = arith.constant dense<0.000000e+00> : vector<8xf32>
    %reduce_sum3A_157 = vector.multi_reduction <add>, %convert_element_type3A_150, %reduce_sum3A_156 [0] : vector<512x8xf32> to vector<8xf32>
    %broadcast_in_dim3A_158 = vector.shape_cast %reduce_sum3A_157 : vector<8xf32> to vector<1x8xf32>
    %add3A_159 = arith.addf %add3A_145, %broadcast_in_dim3A_158 : vector<1x8xf32>
    %slice3A_160 = vector.extract_strided_slice %broadcast_in_dim3A_26 {offsets = [512, 0], sizes = [512, 1], strides = [1, 1]} : vector<2048x1xi32> to vector<512x1xi32>
    %eq3A_161 = vector.broadcast %slice3A_160 : vector<512x1xi32> to vector<512x8xi32>
    %eq3A_162 = arith.cmpi eq, %iota3A_89, %eq3A_161 : vector<512x8xi32>
    %convert_element_type3A_163 = arith.extui %eq3A_162 : vector<512x8xi1> to vector<512x8xi32>
    %convert_element_type3A_164 = arith.sitofp %convert_element_type3A_163 : vector<512x8xi32> to vector<512x8xf32>
    %convert_element_type3A_165 = arith.truncf %convert_element_type3A_164 : vector<512x8xf32> to vector<512x8xbf16>
    %dot_general3A_166 = arith.constant dense<0.000000e+00> : vector<512x8xf32>
    %dot_general3A_167 = tpu.matmul %convert_element_type3A_88, %convert_element_type3A_165, %dot_general3A_166 {dimension_numbers = #tpu.dot_dimension_numbers<[1], [0], [0], [1], [0, 0, 1, 1], [], []>, transpose_lhs_hint = false} : vector<512x512xbf16>, vector<512x8xbf16>, vector<512x8xf32> -> vector<512x8xf32>
    %add3A_168 = vector.broadcast %add3A_159 : vector<1x8xf32> to vector<512x8xf32>
    %add3A_169 = arith.addf %dot_general3A_167, %add3A_168 : vector<512x8xf32>
    %reduce_sum3A_170 = arith.constant dense<0.000000e+00> : vector<8xf32>
    %reduce_sum3A_171 = vector.multi_reduction <add>, %convert_element_type3A_164, %reduce_sum3A_170 [0] : vector<512x8xf32> to vector<8xf32>
    %broadcast_in_dim3A_172 = vector.shape_cast %reduce_sum3A_171 : vector<8xf32> to vector<1x8xf32>
    %add3A_173 = arith.addf %add3A_159, %broadcast_in_dim3A_172 : vector<1x8xf32>
    %slice3A_174 = vector.extract_strided_slice %broadcast_in_dim3A_26 {offsets = [1024, 0], sizes = [512, 1], strides = [1, 1]} : vector<2048x1xi32> to vector<512x1xi32>
    %eq3A_175 = vector.broadcast %slice3A_174 : vector<512x1xi32> to vector<512x8xi32>
    %eq3A_176 = arith.cmpi eq, %iota3A_89, %eq3A_175 : vector<512x8xi32>
    %convert_element_type3A_177 = arith.extui %eq3A_176 : vector<512x8xi1> to vector<512x8xi32>
    %convert_element_type3A_178 = arith.sitofp %convert_element_type3A_177 : vector<512x8xi32> to vector<512x8xf32>
    %convert_element_type3A_179 = arith.truncf %convert_element_type3A_178 : vector<512x8xf32> to vector<512x8xbf16>
    %dot_general3A_180 = arith.constant dense<0.000000e+00> : vector<512x8xf32>
    %dot_general3A_181 = tpu.matmul %convert_element_type3A_88, %convert_element_type3A_179, %dot_general3A_180 {dimension_numbers = #tpu.dot_dimension_numbers<[1], [0], [0], [1], [0, 0, 1, 1], [], []>, transpose_lhs_hint = false} : vector<512x512xbf16>, vector<512x8xbf16>, vector<512x8xf32> -> vector<512x8xf32>
    %add3A_182 = vector.broadcast %add3A_173 : vector<1x8xf32> to vector<512x8xf32>
    %add3A_183 = arith.addf %dot_general3A_181, %add3A_182 : vector<512x8xf32>
    %reduce_sum3A_184 = arith.constant dense<0.000000e+00> : vector<8xf32>
    %reduce_sum3A_185 = vector.multi_reduction <add>, %convert_element_type3A_178, %reduce_sum3A_184 [0] : vector<512x8xf32> to vector<8xf32>
    %broadcast_in_dim3A_186 = vector.shape_cast %reduce_sum3A_185 : vector<8xf32> to vector<1x8xf32>
    %add3A_187 = arith.addf %add3A_173, %broadcast_in_dim3A_186 : vector<1x8xf32>
    %slice3A_188 = vector.extract_strided_slice %broadcast_in_dim3A_26 {offsets = [1536, 0], sizes = [512, 1], strides = [1, 1]} : vector<2048x1xi32> to vector<512x1xi32>
    %eq3A_189 = vector.broadcast %slice3A_188 : vector<512x1xi32> to vector<512x8xi32>
    %eq3A_190 = arith.cmpi eq, %iota3A_89, %eq3A_189 : vector<512x8xi32>
    %convert_element_type3A_191 = arith.extui %eq3A_190 : vector<512x8xi1> to vector<512x8xi32>
    %convert_element_type3A_192 = arith.sitofp %convert_element_type3A_191 : vector<512x8xi32> to vector<512x8xf32>
    %convert_element_type3A_193 = arith.truncf %convert_element_type3A_192 : vector<512x8xf32> to vector<512x8xbf16>
    %dot_general3A_194 = arith.constant dense<0.000000e+00> : vector<512x8xf32>
    %dot_general3A_195 = tpu.matmul %convert_element_type3A_88, %convert_element_type3A_193, %dot_general3A_194 {dimension_numbers = #tpu.dot_dimension_numbers<[1], [0], [0], [1], [0, 0, 1, 1], [], []>, transpose_lhs_hint = false} : vector<512x512xbf16>, vector<512x8xbf16>, vector<512x8xf32> -> vector<512x8xf32>
    %add3A_196 = vector.broadcast %add3A_187 : vector<1x8xf32> to vector<512x8xf32>
    %add3A_197 = arith.addf %dot_general3A_195, %add3A_196 : vector<512x8xf32>
    %reduce_sum3A_198 = arith.constant dense<0.000000e+00> : vector<8xf32>
    %reduce_sum3A_199 = vector.multi_reduction <add>, %convert_element_type3A_192, %reduce_sum3A_198 [0] : vector<512x8xf32> to vector<8xf32>
    %broadcast_in_dim3A_200 = vector.shape_cast %reduce_sum3A_199 : vector<8xf32> to vector<1x8xf32>
    %add3A_201 = arith.addf %add3A_187, %broadcast_in_dim3A_200 : vector<1x8xf32>
    %add3A_202 = arith.constant 2.550000e+02 : f32
    %add3A_203 = vector.broadcast %add3A_202 : f32 to vector<1x8xf32>
    %add3A_204 = arith.addf %add3A_201, %add3A_203 : vector<1x8xf32>
    %mul3A = arith.constant 3.906250e-03 : f32
    %mul3A_205 = vector.broadcast %mul3A : f32 to vector<1x8xf32>
    %mul3A_206 = arith.mulf %add3A_204, %mul3A_205 : vector<1x8xf32>
    %floor3A = math.floor %mul3A_206 : vector<1x8xf32>
    %iota3A_207 = tpu.iota {dimensions = array<i32: 0>} : vector<8x8xi32>
    %iota3A_208 = tpu.iota {dimensions = array<i32: 1>} : vector<8x8xi32>
    %lt3A = arith.cmpi slt, %iota3A_207, %iota3A_208 : vector<8x8xi32>
    %convert_element_type3A_209 = arith.extui %lt3A : vector<8x8xi1> to vector<8x8xi32>
    %convert_element_type3A_210 = arith.sitofp %convert_element_type3A_209 : vector<8x8xi32> to vector<8x8xf32>
    %convert_element_type3A_211 = arith.truncf %convert_element_type3A_210 : vector<8x8xf32> to vector<8x8xbf16>
    %convert_element_type3A_212 = arith.truncf %floor3A : vector<1x8xf32> to vector<1x8xbf16>
    %dot_general3A_213 = arith.constant dense<0.000000e+00> : vector<1x8xf32>
    %dot_general3A_214 = tpu.matmul %convert_element_type3A_212, %convert_element_type3A_211, %dot_general3A_213 {dimension_numbers = #tpu.dot_dimension_numbers<[1], [0], [0], [1], [0, 0, 1, 1], [], []>, transpose_lhs_hint = false} : vector<1x8xbf16>, vector<8x8xbf16>, vector<1x8xf32> -> vector<1x8xf32>
    %mul3A_215 = arith.constant 2.560000e+02 : f32
    %mul3A_216 = vector.broadcast %mul3A_215 : f32 to vector<1x8xf32>
    %mul3A_217 = arith.mulf %dot_general3A_214, %mul3A_216 : vector<1x8xf32>
    %add3A_218 = vector.broadcast %mul3A_217 : vector<1x8xf32> to vector<512x8xf32>
    %add3A_219 = arith.addf %add3A_99, %add3A_218 : vector<512x8xf32>
    %mul3A_220 = arith.mulf %convert_element_type3A_95, %add3A_219 : vector<512x8xf32>
    %reduce_sum3A_221 = arith.constant dense<0.000000e+00> : vector<512xf32>
    %reduce_sum3A_222 = vector.multi_reduction <add>, %mul3A_220, %reduce_sum3A_221 [1] : vector<512x8xf32> to vector<512xf32>
    %broadcast_in_dim3A_223 = vector.shape_cast %reduce_sum3A_222 : vector<512xf32> to vector<512x1xf32>
    %convert_element_type3A_224 = arith.fptosi %broadcast_in_dim3A_223 : vector<512x1xf32> to vector<512x1xi32>
    %swap3A_225 = arith.constant 0 : index
    %swap3A_226 = arith.constant 0 : index
    %swap3A_227 = vector.load %arg2[%swap3A_225, %swap3A_226] : memref<4096x1xi32, #tpu.memory_space<vmem>>, vector<512x1xi32>
    tpu.vector_store %arg2[%swap3A_225, %swap3A_226], %convert_element_type3A_224 {strides = array<i32>} : memref<4096x1xi32, #tpu.memory_space<vmem>>, vector<512x1xi32>,
    %add3A_228 = vector.broadcast %mul3A_217 : vector<1x8xf32> to vector<512x8xf32>
    %add3A_229 = arith.addf %add3A_113, %add3A_228 : vector<512x8xf32>
    %mul3A_230 = arith.mulf %convert_element_type3A_108, %add3A_229 : vector<512x8xf32>
    %reduce_sum3A_231 = arith.constant dense<0.000000e+00> : vector<512xf32>
    %reduce_sum3A_232 = vector.multi_reduction <add>, %mul3A_230, %reduce_sum3A_231 [1] : vector<512x8xf32> to vector<512xf32>
    %broadcast_in_dim3A_233 = vector.shape_cast %reduce_sum3A_232 : vector<512xf32> to vector<512x1xf32>
    %convert_element_type3A_234 = arith.fptosi %broadcast_in_dim3A_233 : vector<512x1xf32> to vector<512x1xi32>
    %swap3A_235 = arith.constant 512 : index
    %swap3A_236 = arith.constant 0 : index
    %swap3A_237 = vector.load %arg2[%swap3A_235, %swap3A_236] : memref<4096x1xi32, #tpu.memory_space<vmem>>, vector<512x1xi32>
    tpu.vector_store %arg2[%swap3A_235, %swap3A_236], %convert_element_type3A_234 {strides = array<i32>} : memref<4096x1xi32, #tpu.memory_space<vmem>>, vector<512x1xi32>,
    %add3A_238 = vector.broadcast %mul3A_217 : vector<1x8xf32> to vector<512x8xf32>
    %add3A_239 = arith.addf %add3A_127, %add3A_238 : vector<512x8xf32>
    %mul3A_240 = arith.mulf %convert_element_type3A_122, %add3A_239 : vector<512x8xf32>
    %reduce_sum3A_241 = arith.constant dense<0.000000e+00> : vector<512xf32>
    %reduce_sum3A_242 = vector.multi_reduction <add>, %mul3A_240, %reduce_sum3A_241 [1] : vector<512x8xf32> to vector<512xf32>
    %broadcast_in_dim3A_243 = vector.shape_cast %reduce_sum3A_242 : vector<512xf32> to vector<512x1xf32>
    %convert_element_type3A_244 = arith.fptosi %broadcast_in_dim3A_243 : vector<512x1xf32> to vector<512x1xi32>
    %swap3A_245 = arith.constant 1024 : index
    %swap3A_246 = arith.constant 0 : index
    %swap3A_247 = vector.load %arg2[%swap3A_245, %swap3A_246] : memref<4096x1xi32, #tpu.memory_space<vmem>>, vector<512x1xi32>
    tpu.vector_store %arg2[%swap3A_245, %swap3A_246], %convert_element_type3A_244 {strides = array<i32>} : memref<4096x1xi32, #tpu.memory_space<vmem>>, vector<512x1xi32>,
    %add3A_248 = vector.broadcast %mul3A_217 : vector<1x8xf32> to vector<512x8xf32>
    %add3A_249 = arith.addf %add3A_141, %add3A_248 : vector<512x8xf32>
    %mul3A_250 = arith.mulf %convert_element_type3A_136, %add3A_249 : vector<512x8xf32>
    %reduce_sum3A_251 = arith.constant dense<0.000000e+00> : vector<512xf32>
    %reduce_sum3A_252 = vector.multi_reduction <add>, %mul3A_250, %reduce_sum3A_251 [1] : vector<512x8xf32> to vector<512xf32>
    %broadcast_in_dim3A_253 = vector.shape_cast %reduce_sum3A_252 : vector<512xf32> to vector<512x1xf32>
    %convert_element_type3A_254 = arith.fptosi %broadcast_in_dim3A_253 : vector<512x1xf32> to vector<512x1xi32>
    %swap3A_255 = arith.constant 1536 : index
    %swap3A_256 = arith.constant 0 : index
    %swap3A_257 = vector.load %arg2[%swap3A_255, %swap3A_256] : memref<4096x1xi32, #tpu.memory_space<vmem>>, vector<512x1xi32>
    tpu.vector_store %arg2[%swap3A_255, %swap3A_256], %convert_element_type3A_254 {strides = array<i32>} : memref<4096x1xi32, #tpu.memory_space<vmem>>, vector<512x1xi32>,
    %add3A_258 = vector.broadcast %mul3A_217 : vector<1x8xf32> to vector<512x8xf32>
    %add3A_259 = arith.addf %add3A_155, %add3A_258 : vector<512x8xf32>
    %mul3A_260 = arith.mulf %convert_element_type3A_150, %add3A_259 : vector<512x8xf32>
    %reduce_sum3A_261 = arith.constant dense<0.000000e+00> : vector<512xf32>
    %reduce_sum3A_262 = vector.multi_reduction <add>, %mul3A_260, %reduce_sum3A_261 [1] : vector<512x8xf32> to vector<512xf32>
    %broadcast_in_dim3A_263 = vector.shape_cast %reduce_sum3A_262 : vector<512xf32> to vector<512x1xf32>
    %convert_element_type3A_264 = arith.fptosi %broadcast_in_dim3A_263 : vector<512x1xf32> to vector<512x1xi32>
    %swap3A_265 = arith.constant 2048 : index
    %swap3A_266 = arith.constant 0 : index
    %swap3A_267 = vector.load %arg2[%swap3A_265, %swap3A_266] : memref<4096x1xi32, #tpu.memory_space<vmem>>, vector<512x1xi32>
    tpu.vector_store %arg2[%swap3A_265, %swap3A_266], %convert_element_type3A_264 {strides = array<i32>} : memref<4096x1xi32, #tpu.memory_space<vmem>>, vector<512x1xi32>,
    %add3A_268 = vector.broadcast %mul3A_217 : vector<1x8xf32> to vector<512x8xf32>
    %add3A_269 = arith.addf %add3A_169, %add3A_268 : vector<512x8xf32>
    %mul3A_270 = arith.mulf %convert_element_type3A_164, %add3A_269 : vector<512x8xf32>
    %reduce_sum3A_271 = arith.constant dense<0.000000e+00> : vector<512xf32>
    %reduce_sum3A_272 = vector.multi_reduction <add>, %mul3A_270, %reduce_sum3A_271 [1] : vector<512x8xf32> to vector<512xf32>
    %broadcast_in_dim3A_273 = vector.shape_cast %reduce_sum3A_272 : vector<512xf32> to vector<512x1xf32>
    %convert_element_type3A_274 = arith.fptosi %broadcast_in_dim3A_273 : vector<512x1xf32> to vector<512x1xi32>
    %swap3A_275 = arith.constant 2560 : index
    %swap3A_276 = arith.constant 0 : index
    %swap3A_277 = vector.load %arg2[%swap3A_275, %swap3A_276] : memref<4096x1xi32, #tpu.memory_space<vmem>>, vector<512x1xi32>
    tpu.vector_store %arg2[%swap3A_275, %swap3A_276], %convert_element_type3A_274 {strides = array<i32>} : memref<4096x1xi32, #tpu.memory_space<vmem>>, vector<512x1xi32>,
    %add3A_278 = vector.broadcast %mul3A_217 : vector<1x8xf32> to vector<512x8xf32>
    %add3A_279 = arith.addf %add3A_183, %add3A_278 : vector<512x8xf32>
    %mul3A_280 = arith.mulf %convert_element_type3A_178, %add3A_279 : vector<512x8xf32>
    %reduce_sum3A_281 = arith.constant dense<0.000000e+00> : vector<512xf32>
    %reduce_sum3A_282 = vector.multi_reduction <add>, %mul3A_280, %reduce_sum3A_281 [1] : vector<512x8xf32> to vector<512xf32>
    %broadcast_in_dim3A_283 = vector.shape_cast %reduce_sum3A_282 : vector<512xf32> to vector<512x1xf32>
    %convert_element_type3A_284 = arith.fptosi %broadcast_in_dim3A_283 : vector<512x1xf32> to vector<512x1xi32>
    %swap3A_285 = arith.constant 3072 : index
    %swap3A_286 = arith.constant 0 : index
    %swap3A_287 = vector.load %arg2[%swap3A_285, %swap3A_286] : memref<4096x1xi32, #tpu.memory_space<vmem>>, vector<512x1xi32>
    tpu.vector_store %arg2[%swap3A_285, %swap3A_286], %convert_element_type3A_284 {strides = array<i32>} : memref<4096x1xi32, #tpu.memory_space<vmem>>, vector<512x1xi32>,
    %add3A_288 = vector.broadcast %mul3A_217 : vector<1x8xf32> to vector<512x8xf32>
    %add3A_289 = arith.addf %add3A_197, %add3A_288 : vector<512x8xf32>
    %mul3A_290 = arith.mulf %convert_element_type3A_192, %add3A_289 : vector<512x8xf32>
    %reduce_sum3A_291 = arith.constant dense<0.000000e+00> : vector<512xf32>
    %reduce_sum3A_292 = vector.multi_reduction <add>, %mul3A_290, %reduce_sum3A_291 [1] : vector<512x8xf32> to vector<512xf32>
    %broadcast_in_dim3A_293 = vector.shape_cast %reduce_sum3A_292 : vector<512xf32> to vector<512x1xf32>
    %convert_element_type3A_294 = arith.fptosi %broadcast_in_dim3A_293 : vector<512x1xf32> to vector<512x1xi32>
    %swap3A_295 = arith.constant 3584 : index
    %swap3A_296 = arith.constant 0 : index
    %swap3A_297 = vector.load %arg2[%swap3A_295, %swap3A_296] : memref<4096x1xi32, #tpu.memory_space<vmem>>, vector<512x1xi32>
    tpu.vector_store %arg2[%swap3A_295, %swap3A_296], %convert_element_type3A_294 {strides = array<i32>} : memref<4096x1xi32, #tpu.memory_space<vmem>>, vector<512x1xi32>,
    %iota3A_298 = tpu.iota {dimensions = array<i32: 0>} : vector<64x8xi32>
    %convert_element_type3A_299 = arith.sitofp %iota3A_298 : vector<64x8xi32> to vector<64x8xf32>
    %ge3A = vector.broadcast %dot_general3A_214 : vector<1x8xf32> to vector<64x8xf32>
    %ge3A_300 = arith.cmpf oge, %convert_element_type3A_299, %ge3A : vector<64x8xf32>
    %convert_element_type3A_301 = arith.extui %ge3A_300 : vector<64x8xi1> to vector<64x8xi32>
    %convert_element_type3A_302 = arith.sitofp %convert_element_type3A_301 : vector<64x8xi32> to vector<64x8xf32>
    %reduce_sum3A_303 = arith.constant dense<0.000000e+00> : vector<64xf32>
    %reduce_sum3A_304 = vector.multi_reduction <add>, %convert_element_type3A_302, %reduce_sum3A_303 [1] : vector<64x8xf32> to vector<64xf32>
    %broadcast_in_dim3A_305 = vector.shape_cast %reduce_sum3A_304 : vector<64xf32> to vector<64x1xf32>
    %sub3A_306 = arith.constant 1.000000e+00 : f32
    %sub3A_307 = vector.broadcast %sub3A_306 : f32 to vector<64x1xf32>
    %sub3A_308 = arith.subf %broadcast_in_dim3A_305, %sub3A_307 : vector<64x1xf32>
    %reduce_sum3A_309 = vector.shape_cast %floor3A : vector<1x8xf32> to vector<1x1x8xf32>
    %reduce_sum3A_310 = arith.constant dense<0.000000e+00> : vector<1xf32>
    %reduce_sum3A_311 = vector.multi_reduction <add>, %reduce_sum3A_309, %reduce_sum3A_310 [1, 2] : vector<1x1x8xf32> to vector<1xf32>
    %reduce_sum3A_312 = vector.shape_cast %reduce_sum3A_311 : vector<1xf32> to vector<1x1x1xf32>
    %reduce_sum3A_313 = vector.extract %reduce_sum3A_312[0, 0, 0] : f32 from vector<1x1x1xf32>
    %slice3A_314 = vector.extract_strided_slice %convert_element_type3A_299 {offsets = [0, 0], sizes = [64, 1], strides = [1, 1]} : vector<64x8xf32> to vector<64x1xf32>
    %lt3A_315 = vector.broadcast %reduce_sum3A_313 : f32 to vector<64x1xf32>
    %lt3A_316 = arith.cmpf olt, %slice3A_314, %lt3A_315 : vector<64x1xf32>
    %convert_element_type3A_317 = arith.extui %lt3A_316 : vector<64x1xi1> to vector<64x1xi32>
    %convert_element_type3A_318 = arith.sitofp %convert_element_type3A_317 : vector<64x1xi32> to vector<64x1xf32>
    %convert_element_type3A_319 = arith.fptosi %sub3A_308 : vector<64x1xf32> to vector<64x1xi32>
    %swap3A_320 = arith.constant 0 : index
    %swap3A_321 = arith.constant 0 : index
    %swap3A_322 = vector.load %arg4[%swap3A_320, %swap3A_321] : memref<128x1xi32, #tpu.memory_space<vmem>>, vector<64x1xi32>
    tpu.vector_store %arg4[%swap3A_320, %swap3A_321], %convert_element_type3A_319 {strides = array<i32>} : memref<128x1xi32, #tpu.memory_space<vmem>>, vector<64x1xi32>,
    %convert_element_type3A_323 = arith.fptosi %convert_element_type3A_318 : vector<64x1xf32> to vector<64x1xi32>
    %swap3A_324 = arith.constant 64 : index
    %swap3A_325 = arith.constant 0 : index
    %swap3A_326 = vector.load %arg4[%swap3A_324, %swap3A_325] : memref<128x1xi32, #tpu.memory_space<vmem>>, vector<64x1xi32>
    tpu.vector_store %arg4[%swap3A_324, %swap3A_325], %convert_element_type3A_323 {strides = array<i32>} : memref<128x1xi32, #tpu.memory_space<vmem>>, vector<64x1xi32>,
    return
  }
}

module attributes {stable_mosaic.version = 14 : i64} {
  func.func @_grouped_body(%arg0: i32, %arg1: memref<128xi32, #tpu.memory_space<smem>>, %arg2: memref<2048x1024xbf16, #tpu.memory_space<vmem>>, %arg3: memref<256x128xf32, #tpu.memory_space<vmem>>, %arg4: memref<1x512x1024xbf16, #tpu.memory_space<vmem>>, %arg5: memref<1x512x1024xbf16, #tpu.memory_space<vmem>>, %arg6: memref<1x512x1024xbf16, #tpu.memory_space<vmem>>, %arg7: memref<2x512x1024xbf16, #tpu.memory_space<vmem>>, %arg8: memref<2x512x1024xbf16, #tpu.memory_space<vmem>>, %arg9: memref<2x512x1024xbf16, #tpu.memory_space<vmem>>, %arg10: memref<256x1024xf32, #tpu.memory_space<vmem>>, %arg11: memref<256x1024xf32, #tpu.memory_space<vmem>>) attributes {dimension_semantics = [#tpu.dimension_semantics<arbitrary>], iteration_bounds = array<i64: 32>, scalar_prefetch = 1 : i64, scratch_operands = 0 : i64, tpu.core_type = #tpu.core_type<tc>, window_params = [{pipeline_mode = #tpu.pipeline_mode<synchronous>, transform_indices = @transform_0, window_bounds = array<i64: 2048, 1024>}, {transform_indices = @transform_1, window_bounds = array<i64: 256, 128>}, {transform_indices = @transform_2, window_bounds = array<i64: 1, 512, 1024>}, {transform_indices = @transform_3, window_bounds = array<i64: 1, 512, 1024>}, {transform_indices = @transform_4, window_bounds = array<i64: 1, 512, 1024>}, {pipeline_mode = #tpu.pipeline_mode<synchronous>, transform_indices = @transform_5, window_bounds = array<i64: 2, 512, 1024>}, {pipeline_mode = #tpu.pipeline_mode<synchronous>, transform_indices = @transform_6, window_bounds = array<i64: 2, 512, 1024>}, {pipeline_mode = #tpu.pipeline_mode<synchronous>, transform_indices = @transform_7, window_bounds = array<i64: 2, 512, 1024>}, {transform_indices = @transform_8, window_bounds = array<i64: 256, 1024>}, {transform_indices = @transform_9, window_bounds = array<i64: 256, 1024>}]} {
    %add3A = arith.constant 64 : i32
    %add3A_0 = arith.addi %add3A, %arg0 : i32
    %get3A = arith.index_cast %add3A_0 : i32 to index
    %get3A_1 = memref.load %arg1[%get3A] : memref<128xi32, #tpu.memory_space<smem>>
    %lt3A = arith.constant 24 : i32
    %lt3A_2 = arith.cmpi slt, %arg0, %lt3A : i32
    %convert_element_type3A = arith.extui %lt3A_2 : i1 to i32
    %cond3A = arith.constant 0 : i32
    %cond3A_3 = arith.cmpi ne, %convert_element_type3A, %cond3A : i32
    scf.if %cond3A_3 {
      %eq3A = arith.constant 1 : i32
      %eq3A_8 = arith.cmpi eq, %get3A_1, %eq3A : i32
      %convert_element_type3A_9 = arith.extui %eq3A_8 : i1 to i32
      %cond3A_10 = arith.constant 0 : i32
      %cond3A_11 = arith.cmpi ne, %convert_element_type3A_9, %cond3A_10 : i32
      scf.if %cond3A_11 {
        %get3A_17 = arith.constant 0 : index
        %get3A_18 = arith.constant 0 : index
        %get3A_19 = vector.load %arg3[%get3A_17, %get3A_18] : memref<256x128xf32, #tpu.memory_space<vmem>>, vector<256x1xf32>
        %get3A_20 = arith.constant 0 : index
        %get3A_21 = arith.constant 1 : index
        %get3A_22 = vector.load %arg3[%get3A_20, %get3A_21] : memref<256x128xf32, #tpu.memory_space<vmem>>, vector<256x1xf32>
        %iota3A = tpu.iota {dimensions = array<i32: 1>} : vector<256x2048xi32>
        %convert_element_type3A_23 = arith.sitofp %iota3A : vector<256x2048xi32> to vector<256x2048xf32>
        %eq3A_24 = vector.broadcast %get3A_19 : vector<256x1xf32> to vector<256x2048xf32>
        %eq3A_25 = arith.cmpf oeq, %convert_element_type3A_23, %eq3A_24 : vector<256x2048xf32>
        %convert_element_type3A_26 = arith.extui %eq3A_25 : vector<256x2048xi1> to vector<256x2048xi32>
        %convert_element_type3A_27 = arith.sitofp %convert_element_type3A_26 : vector<256x2048xi32> to vector<256x2048xf32>
        %convert_element_type3A_28 = arith.truncf %convert_element_type3A_27 : vector<256x2048xf32> to vector<256x2048xbf16>
        %get3A_29 = arith.constant 0 : index
        %get3A_30 = arith.constant 0 : index
        %get3A_31 = vector.load %arg2[%get3A_29, %get3A_30] : memref<2048x1024xbf16, #tpu.memory_space<vmem>>, vector<2048x1024xbf16>
        %dot_general3A = arith.constant dense<0.000000e+00> : vector<256x1024xf32>
        %dot_general3A_32 = tpu.matmul %convert_element_type3A_28, %get3A_31, %dot_general3A {dimension_numbers = #tpu.dot_dimension_numbers<[1], [0], [0], [1], [0, 0, 1, 1], [], []>, transpose_lhs_hint = false} : vector<256x2048xbf16>, vector<2048x1024xbf16>, vector<256x1024xf32> -> vector<256x1024xf32>
        %convert_element_type3A_33 = arith.truncf %dot_general3A_32 : vector<256x1024xf32> to vector<256x1024xbf16>
        %get3A_34 = arith.constant 0 : index
        %get3A_35 = arith.constant 0 : index
        %get3A_36 = arith.constant 0 : index
        %get3A_37 = vector.load %arg4[%get3A_34, %get3A_35, %get3A_36] : memref<1x512x1024xbf16, #tpu.memory_space<vmem>>, vector<1x512x1024xbf16>
        %get3A_38 = vector.shape_cast %get3A_37 : vector<1x512x1024xbf16> to vector<512x1024xbf16>
        %get3A_39 = arith.constant 0 : index
        %get3A_40 = arith.constant 0 : index
        %get3A_41 = arith.constant 0 : index
        %get3A_42 = vector.load %arg5[%get3A_39, %get3A_40, %get3A_41] : memref<1x512x1024xbf16, #tpu.memory_space<vmem>>, vector<1x512x1024xbf16>
        %get3A_43 = vector.shape_cast %get3A_42 : vector<1x512x1024xbf16> to vector<512x1024xbf16>
        %get3A_44 = arith.constant 0 : index
        %get3A_45 = arith.constant 0 : index
        %get3A_46 = arith.constant 0 : index
        %get3A_47 = vector.load %arg6[%get3A_44, %get3A_45, %get3A_46] : memref<1x512x1024xbf16, #tpu.memory_space<vmem>>, vector<1x512x1024xbf16>
        %get3A_48 = vector.shape_cast %get3A_47 : vector<1x512x1024xbf16> to vector<512x1024xbf16>
        %dot_general3A_49 = arith.constant dense<0.000000e+00> : vector<256x512xf32>
        %dot_general3A_50 = tpu.matmul %convert_element_type3A_33, %get3A_38, %dot_general3A_49 {dimension_numbers = #tpu.dot_dimension_numbers<[1], [1], [0], [0], [0, 0, 1, 0], [], []>, transpose_lhs_hint = false} : vector<256x1024xbf16>, vector<512x1024xbf16>, vector<256x512xf32> -> vector<256x512xf32>
        %dot_general3A_51 = arith.constant dense<0.000000e+00> : vector<256x512xf32>
        %dot_general3A_52 = tpu.matmul %convert_element_type3A_33, %get3A_43, %dot_general3A_51 {dimension_numbers = #tpu.dot_dimension_numbers<[1], [1], [0], [0], [0, 0, 1, 0], [], []>, transpose_lhs_hint = false} : vector<256x1024xbf16>, vector<512x1024xbf16>, vector<256x512xf32> -> vector<256x512xf32>
        %neg3A = arith.constant 0.000000e+00 : f32
        %neg3A_53 = vector.broadcast %neg3A : f32 to vector<256x512xf32>
        %neg3A_54 = arith.subf %neg3A_53, %dot_general3A_50 : vector<256x512xf32>
        %exp3A = math.exp %neg3A_54 : vector<256x512xf32>
        %add3A_55 = arith.constant 1.000000e+00 : f32
        %add3A_56 = vector.broadcast %add3A_55 : f32 to vector<256x512xf32>
        %add3A_57 = arith.addf %add3A_56, %exp3A : vector<256x512xf32>
        %div3A = arith.divf %dot_general3A_50, %add3A_57 : vector<256x512xf32>
        %mul3A = arith.mulf %div3A, %dot_general3A_52 : vector<256x512xf32>
        %convert_element_type3A_58 = arith.truncf %mul3A : vector<256x512xf32> to vector<256x512xbf16>
        %dot_general3A_59 = arith.constant dense<0.000000e+00> : vector<256x1024xf32>
        %dot_general3A_60 = tpu.matmul %convert_element_type3A_58, %get3A_48, %dot_general3A_59 {dimension_numbers = #tpu.dot_dimension_numbers<[1], [0], [0], [1], [0, 0, 1, 1], [], []>, transpose_lhs_hint = false} : vector<256x512xbf16>, vector<512x1024xbf16>, vector<256x1024xf32> -> vector<256x1024xf32>
        %mul3A_61 = vector.broadcast %get3A_22 : vector<256x1xf32> to vector<256x1024xf32>
        %mul3A_62 = arith.mulf %dot_general3A_60, %mul3A_61 : vector<256x1024xf32>
        %swap3A = arith.constant 0 : index
        %swap3A_63 = arith.constant 0 : index
        %swap3A_64 = vector.load %arg10[%swap3A, %swap3A_63] : memref<256x1024xf32, #tpu.memory_space<vmem>>, vector<256x1024xf32>
        tpu.vector_store %arg10[%swap3A, %swap3A_63], %mul3A_62 {strides = array<i32>} : memref<256x1024xf32, #tpu.memory_space<vmem>>, vector<256x1024xf32>,
      } else {
      }
      %eq3A_12 = arith.constant 0 : i32
      %eq3A_13 = arith.cmpi eq, %get3A_1, %eq3A_12 : i32
      %convert_element_type3A_14 = arith.extui %eq3A_13 : i1 to i32
      %cond3A_15 = arith.constant 0 : i32
      %cond3A_16 = arith.cmpi ne, %convert_element_type3A_14, %cond3A_15 : i32
      scf.if %cond3A_16 {
        %broadcast_in_dim3A = arith.constant 0.000000e+00 : f32
        %broadcast_in_dim3A_17 = vector.broadcast %broadcast_in_dim3A : f32 to vector<256x1024xf32>
        %swap3A = arith.constant 0 : index
        %swap3A_18 = arith.constant 0 : index
        %swap3A_19 = vector.load %arg10[%swap3A, %swap3A_18] : memref<256x1024xf32, #tpu.memory_space<vmem>>, vector<256x1024xf32>
        tpu.vector_store %arg10[%swap3A, %swap3A_18], %broadcast_in_dim3A_17 {strides = array<i32>} : memref<256x1024xf32, #tpu.memory_space<vmem>>, vector<256x1024xf32>,
      } else {
      }
    } else {
    }
    %ge3A = arith.constant 24 : i32
    %ge3A_4 = arith.cmpi sge, %arg0, %ge3A : i32
    %convert_element_type3A_5 = arith.extui %ge3A_4 : i1 to i32
    %cond3A_6 = arith.constant 0 : i32
    %cond3A_7 = arith.cmpi ne, %convert_element_type3A_5, %cond3A_6 : i32
    scf.if %cond3A_7 {
      %sub3A = arith.constant 24 : i32
      %sub3A_8 = arith.subi %arg0, %sub3A : i32
      %mul3A = arith.constant 256 : i32
      %mul3A_9 = arith.muli %sub3A_8, %mul3A : i32
      %get3A_10 = arith.index_cast %mul3A_9 : i32 to index
      %get3A_11 = arith.constant 0 : index
      %get3A_12 = vector.load %arg2[%get3A_10, %get3A_11] : memref<2048x1024xbf16, #tpu.memory_space<vmem>>, vector<256x1024xbf16>
      %get3A_13 = arith.constant 0 : index
      %get3A_14 = arith.constant 0 : index
      %get3A_15 = arith.constant 0 : index
      %get3A_16 = vector.load %arg7[%get3A_13, %get3A_14, %get3A_15] : memref<2x512x1024xbf16, #tpu.memory_space<vmem>>, vector<1x512x1024xbf16>
      %get3A_17 = vector.shape_cast %get3A_16 : vector<1x512x1024xbf16> to vector<512x1024xbf16>
      %get3A_18 = arith.constant 0 : index
      %get3A_19 = arith.constant 0 : index
      %get3A_20 = arith.constant 0 : index
      %get3A_21 = vector.load %arg8[%get3A_18, %get3A_19, %get3A_20] : memref<2x512x1024xbf16, #tpu.memory_space<vmem>>, vector<1x512x1024xbf16>
      %get3A_22 = vector.shape_cast %get3A_21 : vector<1x512x1024xbf16> to vector<512x1024xbf16>
      %get3A_23 = arith.constant 0 : index
      %get3A_24 = arith.constant 0 : index
      %get3A_25 = arith.constant 0 : index
      %get3A_26 = vector.load %arg9[%get3A_23, %get3A_24, %get3A_25] : memref<2x512x1024xbf16, #tpu.memory_space<vmem>>, vector<1x512x1024xbf16>
      %get3A_27 = vector.shape_cast %get3A_26 : vector<1x512x1024xbf16> to vector<512x1024xbf16>
      %dot_general3A = arith.constant dense<0.000000e+00> : vector<256x512xf32>
      %dot_general3A_28 = tpu.matmul %get3A_12, %get3A_17, %dot_general3A {dimension_numbers = #tpu.dot_dimension_numbers<[1], [1], [0], [0], [0, 0, 1, 0], [], []>, transpose_lhs_hint = false} : vector<256x1024xbf16>, vector<512x1024xbf16>, vector<256x512xf32> -> vector<256x512xf32>
      %dot_general3A_29 = arith.constant dense<0.000000e+00> : vector<256x512xf32>
      %dot_general3A_30 = tpu.matmul %get3A_12, %get3A_22, %dot_general3A_29 {dimension_numbers = #tpu.dot_dimension_numbers<[1], [1], [0], [0], [0, 0, 1, 0], [], []>, transpose_lhs_hint = false} : vector<256x1024xbf16>, vector<512x1024xbf16>, vector<256x512xf32> -> vector<256x512xf32>
      %neg3A = arith.constant 0.000000e+00 : f32
      %neg3A_31 = vector.broadcast %neg3A : f32 to vector<256x512xf32>
      %neg3A_32 = arith.subf %neg3A_31, %dot_general3A_28 : vector<256x512xf32>
      %exp3A = math.exp %neg3A_32 : vector<256x512xf32>
      %add3A_33 = arith.constant 1.000000e+00 : f32
      %add3A_34 = vector.broadcast %add3A_33 : f32 to vector<256x512xf32>
      %add3A_35 = arith.addf %add3A_34, %exp3A : vector<256x512xf32>
      %div3A = arith.divf %dot_general3A_28, %add3A_35 : vector<256x512xf32>
      %mul3A_36 = arith.mulf %div3A, %dot_general3A_30 : vector<256x512xf32>
      %convert_element_type3A_37 = arith.truncf %mul3A_36 : vector<256x512xf32> to vector<256x512xbf16>
      %dot_general3A_38 = arith.constant dense<0.000000e+00> : vector<256x1024xf32>
      %dot_general3A_39 = tpu.matmul %convert_element_type3A_37, %get3A_27, %dot_general3A_38 {dimension_numbers = #tpu.dot_dimension_numbers<[1], [0], [0], [1], [0, 0, 1, 1], [], []>, transpose_lhs_hint = false} : vector<256x512xbf16>, vector<512x1024xbf16>, vector<256x1024xf32> -> vector<256x1024xf32>
      %get3A_40 = arith.constant 1 : index
      %get3A_41 = arith.constant 0 : index
      %get3A_42 = arith.constant 0 : index
      %get3A_43 = vector.load %arg7[%get3A_40, %get3A_41, %get3A_42] : memref<2x512x1024xbf16, #tpu.memory_space<vmem>>, vector<1x512x1024xbf16>
      %get3A_44 = vector.shape_cast %get3A_43 : vector<1x512x1024xbf16> to vector<512x1024xbf16>
      %get3A_45 = arith.constant 1 : index
      %get3A_46 = arith.constant 0 : index
      %get3A_47 = arith.constant 0 : index
      %get3A_48 = vector.load %arg8[%get3A_45, %get3A_46, %get3A_47] : memref<2x512x1024xbf16, #tpu.memory_space<vmem>>, vector<1x512x1024xbf16>
      %get3A_49 = vector.shape_cast %get3A_48 : vector<1x512x1024xbf16> to vector<512x1024xbf16>
      %get3A_50 = arith.constant 1 : index
      %get3A_51 = arith.constant 0 : index
      %get3A_52 = arith.constant 0 : index
      %get3A_53 = vector.load %arg9[%get3A_50, %get3A_51, %get3A_52] : memref<2x512x1024xbf16, #tpu.memory_space<vmem>>, vector<1x512x1024xbf16>
      %get3A_54 = vector.shape_cast %get3A_53 : vector<1x512x1024xbf16> to vector<512x1024xbf16>
      %dot_general3A_55 = arith.constant dense<0.000000e+00> : vector<256x512xf32>
      %dot_general3A_56 = tpu.matmul %get3A_12, %get3A_44, %dot_general3A_55 {dimension_numbers = #tpu.dot_dimension_numbers<[1], [1], [0], [0], [0, 0, 1, 0], [], []>, transpose_lhs_hint = false} : vector<256x1024xbf16>, vector<512x1024xbf16>, vector<256x512xf32> -> vector<256x512xf32>
      %dot_general3A_57 = arith.constant dense<0.000000e+00> : vector<256x512xf32>
      %dot_general3A_58 = tpu.matmul %get3A_12, %get3A_49, %dot_general3A_57 {dimension_numbers = #tpu.dot_dimension_numbers<[1], [1], [0], [0], [0, 0, 1, 0], [], []>, transpose_lhs_hint = false} : vector<256x1024xbf16>, vector<512x1024xbf16>, vector<256x512xf32> -> vector<256x512xf32>
      %neg3A_59 = arith.constant 0.000000e+00 : f32
      %neg3A_60 = vector.broadcast %neg3A_59 : f32 to vector<256x512xf32>
      %neg3A_61 = arith.subf %neg3A_60, %dot_general3A_56 : vector<256x512xf32>
      %exp3A_62 = math.exp %neg3A_61 : vector<256x512xf32>
      %add3A_63 = arith.constant 1.000000e+00 : f32
      %add3A_64 = vector.broadcast %add3A_63 : f32 to vector<256x512xf32>
      %add3A_65 = arith.addf %add3A_64, %exp3A_62 : vector<256x512xf32>
      %div3A_66 = arith.divf %dot_general3A_56, %add3A_65 : vector<256x512xf32>
      %mul3A_67 = arith.mulf %div3A_66, %dot_general3A_58 : vector<256x512xf32>
      %convert_element_type3A_68 = arith.truncf %mul3A_67 : vector<256x512xf32> to vector<256x512xbf16>
      %dot_general3A_69 = arith.constant dense<0.000000e+00> : vector<256x1024xf32>
      %dot_general3A_70 = tpu.matmul %convert_element_type3A_68, %get3A_54, %dot_general3A_69 {dimension_numbers = #tpu.dot_dimension_numbers<[1], [0], [0], [1], [0, 0, 1, 1], [], []>, transpose_lhs_hint = false} : vector<256x512xbf16>, vector<512x1024xbf16>, vector<256x1024xf32> -> vector<256x1024xf32>
      %add3A_71 = arith.addf %dot_general3A_39, %dot_general3A_70 : vector<256x1024xf32>
      %swap3A = arith.constant 0 : index
      %swap3A_72 = arith.constant 0 : index
      %swap3A_73 = vector.load %arg11[%swap3A, %swap3A_72] : memref<256x1024xf32, #tpu.memory_space<vmem>>, vector<256x1024xf32>
      tpu.vector_store %arg11[%swap3A, %swap3A_72], %add3A_71 {strides = array<i32>} : memref<256x1024xf32, #tpu.memory_space<vmem>>, vector<256x1024xf32>,
    } else {
    }
    return
  }
  func.func @transform_0(%arg0: i32, %arg1: memref<128xi32, #tpu.memory_space<smem>>) -> (i32, i32) {
    %c0_i32 = arith.constant 0 : i32
    %c0_i32_0 = arith.constant 0 : i32
    %c0_i32_1 = arith.constant 0 : i32
    return %c0_i32, %c0_i32_0 : i32, i32
  }
  func.func @transform_1(%arg0: i32, %arg1: memref<128xi32, #tpu.memory_space<smem>>) -> (i32, i32) {
    %min3A = arith.constant 23 : i32
    %min3A_0 = arith.minsi %arg0, %min3A : i32
    %c0_i32 = arith.constant 0 : i32
    %c0_i32_1 = arith.constant 0 : i32
    return %min3A_0, %c0_i32 : i32, i32
  }
  func.func @transform_2(%arg0: i32, %arg1: memref<128xi32, #tpu.memory_space<smem>>) -> (i32, i32, i32) {
    %get3A = arith.index_cast %arg0 : i32 to index
    %get3A_0 = memref.load %arg1[%get3A] : memref<128xi32, #tpu.memory_space<smem>>
    %c0_i32 = arith.constant 0 : i32
    %c0_i32_1 = arith.constant 0 : i32
    %c0_i32_2 = arith.constant 0 : i32
    return %get3A_0, %c0_i32, %c0_i32_1 : i32, i32, i32
  }
  func.func @transform_3(%arg0: i32, %arg1: memref<128xi32, #tpu.memory_space<smem>>) -> (i32, i32, i32) {
    %get3A = arith.index_cast %arg0 : i32 to index
    %get3A_0 = memref.load %arg1[%get3A] : memref<128xi32, #tpu.memory_space<smem>>
    %c0_i32 = arith.constant 0 : i32
    %c0_i32_1 = arith.constant 0 : i32
    %c0_i32_2 = arith.constant 0 : i32
    return %get3A_0, %c0_i32, %c0_i32_1 : i32, i32, i32
  }
  func.func @transform_4(%arg0: i32, %arg1: memref<128xi32, #tpu.memory_space<smem>>) -> (i32, i32, i32) {
    %get3A = arith.index_cast %arg0 : i32 to index
    %get3A_0 = memref.load %arg1[%get3A] : memref<128xi32, #tpu.memory_space<smem>>
    %c0_i32 = arith.constant 0 : i32
    %c0_i32_1 = arith.constant 0 : i32
    %c0_i32_2 = arith.constant 0 : i32
    return %get3A_0, %c0_i32, %c0_i32_1 : i32, i32, i32
  }
  func.func @transform_5(%arg0: i32, %arg1: memref<128xi32, #tpu.memory_space<smem>>) -> (i32, i32, i32) {
    %c0_i32 = arith.constant 0 : i32
    %c0_i32_0 = arith.constant 0 : i32
    %c0_i32_1 = arith.constant 0 : i32
    %c0_i32_2 = arith.constant 0 : i32
    return %c0_i32, %c0_i32_0, %c0_i32_1 : i32, i32, i32
  }
  func.func @transform_6(%arg0: i32, %arg1: memref<128xi32, #tpu.memory_space<smem>>) -> (i32, i32, i32) {
    %c0_i32 = arith.constant 0 : i32
    %c0_i32_0 = arith.constant 0 : i32
    %c0_i32_1 = arith.constant 0 : i32
    %c0_i32_2 = arith.constant 0 : i32
    return %c0_i32, %c0_i32_0, %c0_i32_1 : i32, i32, i32
  }
  func.func @transform_7(%arg0: i32, %arg1: memref<128xi32, #tpu.memory_space<smem>>) -> (i32, i32, i32) {
    %c0_i32 = arith.constant 0 : i32
    %c0_i32_0 = arith.constant 0 : i32
    %c0_i32_1 = arith.constant 0 : i32
    %c0_i32_2 = arith.constant 0 : i32
    return %c0_i32, %c0_i32_0, %c0_i32_1 : i32, i32, i32
  }
  func.func @transform_8(%arg0: i32, %arg1: memref<128xi32, #tpu.memory_space<smem>>) -> (i32, i32) {
    %min3A = arith.constant 23 : i32
    %min3A_0 = arith.minsi %arg0, %min3A : i32
    %c0_i32 = arith.constant 0 : i32
    %c0_i32_1 = arith.constant 0 : i32
    return %min3A_0, %c0_i32 : i32, i32
  }
  func.func @transform_9(%arg0: i32, %arg1: memref<128xi32, #tpu.memory_space<smem>>) -> (i32, i32) {
    %sub3A = arith.constant 24 : i32
    %sub3A_0 = arith.subi %arg0, %sub3A : i32
    %max3A = arith.constant 0 : i32
    %max3A_1 = arith.maxsi %sub3A_0, %max3A : i32
    %c0_i32 = arith.constant 0 : i32
    %c0_i32_2 = arith.constant 0 : i32
    return %max3A_1, %c0_i32 : i32, i32
  }
}

</mosaic_0001>

<sc_bundles>
// kernel: kernel.6.cloned.1.call-start
scs
__scs_entry_jumppad:
0x0: {  	(pc) =	sbr.rel $0x88, $3  }
0x1: {  	(tag) =	ssettag $0x0;
	lr =	simm.s32 $0x1  }
0x2: {  	[smem:$0x3F98] =	sst lr;
	_ =	strace $0xD0000000  }
0x3: {  	_ = 	snop  }
0x4: {  	_ = 	snop  }
0x5: {  	_ = 	snop  }
0x6: {  	_ = 	snop  }
0x7: {  	_ = 	snop  }
__scs_overlays_trampoline_lowered:
0x8: {  	[smem:$0x3FA7] =	sst s0  }
0x9: {  	[smem:$0x3FA8] =	sst s1  }
0xa: {  	[smem:$0x3FA9] =	sst s2  }
0xb: {  	[smem:$0x3FAA] =	sst s3  }
0xc: {  	[smem:$0x3FAB] =	sst s4  }
0xd: {  	[smem:$0x3FAC] =	sst s5  }
0xe: {  	[smem:$0x3FAD] =	sst s6  }
0xf: {  	[smem:$0x3FAE] =	sst s7  }
0x10: {  	[smem:$0x3FAF] =	sst s8  }
0x11: {  	[smem:$0x3FB0] =	sst s9;
	s0 =	simm.s32 @!p0 $0x0  }
0x12: {  	s1 =	sld [smem:$0x3F96];
	s0 =	simm.s32 @p0 $0x1  }
0x13: {  	[smem:$0x3FB1] =	sst s0;
	s0 =	simm.s32 @!p1 $0x0  }
0x14: {  	s2 =	sld [smem:$0x3F95];
	s0 =	simm.s32 @p1 $0x1  }
0x15: {  	[smem:$0x3FB2] =	sst s0;
	s0 =	simm.s32 @!p2 $0x0  }
0x16: {  	s3 =	sld [smem:$0x3FDB];
	s0 =	simm.s32 @p2 $0x1  }
0x17: {  	s4 =	simm.s32 $0x1BF5;
	[smem:$0x3FB4] =	sst s0  }
0x18: {  	s0 =	sld [smem:$0x3F97];
	_ =	swait.ge [sflag:s4], $0x0  }
0x19: {  	s7 =	sld [smem:$0x3F98]  }
0x1a: {  	s8 =	sadd.s32 $0xFFFFE003, lr  }
0x1b: {  	s9 =	sadd.s32 $0xFFFFFEF7, lr;
	s5 =	simm.s32 $0xFFFFFFFF;
	p2 =	slt.u32 s8, $0xFFFFF086  }
0x1c: {  	p1 =	slt.u32 s9, $0xF7A;
	s5 =	simm.s32 @!p2 $0x0  }
0x1d: {  	s5 =	simm.s32 @p1 $0x1;
	p0 =	seq.s32 s7, s2  }
0x1e: {  	s7 =	smul.u32 @!p0 $0xF7A, s2;
	p2 =	seq.s32 @!p0 s5, $0x0  }
0x1f: {  	s9 =	smul.u32 $0xF7A, s1;
	s8 =	simm.s32 @!p0 $0x1BF5;
	p2 =	por !p2, p0  }
0x20: {  	[sflag:s8] =	ssyncset.s32 @!p0 $0xFFFFF086;
	s6 =	sadd.s32 @!p0 s3, s7;
	s7 =	simm.s32 @!p0 $0x108  }
0x21: {  	s3 =	sadd.s32 s3, s9;
	s6 =	sadd.s32 @!p0 $0x88, s6;
	s7 =	simm.s32 @p2 $0x1082  }
0x22: {  	[simem:s7], [sflag:s8] =	dma.local @!p0 [hbm:s6], $0xF7A  }
0x23: {  	s9 =	sor.u32 $0xD0000000, s2;
	s6 =	simm.s32 $0x108;
	_ =	swait.ge @!p0 [sflag:s8], $0x0  }
0x24: {  	s3 =	sadd.s32 $0x88, s3;
	s6 =	simm.s32 @!p1 $0x1082;
	[sflag:s4] =	ssyncset.s32 $0xFFFFF086  }
0x25: {  	[simem:s6], [sflag:s4] =	dma.local [hbm:s3], $0xF7A  }
0x26: {  	[smem:$0x3F98] =	sst s1;
	(tag) =	ssettag s2;
	_ =	strace s9  }
0x27: {  	s1 =	sld [smem:$0x3FA8]  }
0x28: {  	s2 =	sld [smem:$0x3FA9]  }
0x29: {  	s4 =	sld [smem:$0x3FAB]  }
0x2a: {  	p0 =	seq.s32 s5, $0x0;
	s5 =	sld [smem:$0x3FAC]  }
0x2b: {  	s6 =	sld [smem:$0x3FAD]  }
0x2c: {  	s7 =	sld [smem:$0x3FAE]  }
0x2d: {  	s3 =	simm.s32 $0x108;
	s8 =	sld [smem:$0x3FAF]  }
0x2e: {  	s3 =	simm.s32 @!p0 $0x1082;
	s9 =	sld [smem:$0x3FB0]  }
0x2f: {  	lr =	sadd.s32 s0, s3;
	s0 =	sld [smem:$0x3FA7]  }
0x30: {  	s3 =	sld [smem:$0x3FAA]  }
0x31: {  	[smem:$0x3FB3] =	sst s10  }
0x32: {  	s10 =	sld [smem:$0x3FB1];
	_ =	sdelay $0x3  }
0x33: {  	p0 =	seq.s32 s10, $0x1;
	s10 =	sld [smem:$0x3FB3];
	_ =	sdelay $0x3  }
0x34: {  	[smem:$0x3FB3] =	sst s10  }
0x35: {  	s10 =	sld [smem:$0x3FB2];
	_ =	sdelay $0x3  }
0x36: {  	p1 =	seq.s32 s10, $0x1;
	s10 =	sld [smem:$0x3FB3];
	_ =	sdelay $0x3  }
0x37: {  	[smem:$0x3FB3] =	sst s10  }
0x38: {  	s10 =	sld [smem:$0x3FB4]  }
0x39: {  	_ = 	snop;
	(pc) =	sbr.ind lr, $3  }
0x3a: {  	_ = 	snop  }
0x3b: {  	_ = 	snop  }
0x3c: {  	p2 =	seq.s32 s10, $0x1;
	s10 =	sld [smem:$0x3FB3]  }
0x3d: {  	_ =	shalt  }
0x3e: {  	_ =	shalt  }
0x3f: {  	_ =	shalt  }
0x40: {  	_ =	shalt  }
0x41: {  	_ =	shalt  }
0x42: {  	_ =	shalt  }
0x43: {  	_ =	shalt  }
0x44: {  	_ =	shalt  }
0x45: {  	_ =	shalt  }
0x46: {  	_ =	shalt  }
0x47: {  	_ =	shalt  }
0x48: {  	_ =	shalt  }
0x49: {  	_ =	shalt  }
0x4a: {  	_ =	shalt  }
0x4b: {  	_ =	shalt  }
0x4c: {  	_ =	shalt  }
0x4d: {  	_ =	shalt  }
0x4e: {  	_ =	shalt  }
0x4f: {  	_ =	shalt  }
0x50: {  	_ =	shalt  }
0x51: {  	_ =	shalt  }
0x52: {  	_ =	shalt  }
0x53: {  	_ =	shalt  }
0x54: {  	_ =	shalt  }
0x55: {  	_ =	shalt  }
0x56: {  	_ =	shalt  }
0x57: {  	_ =	shalt  }
0x58: {  	_ =	shalt  }
0x59: {  	_ =	shalt  }
0x5a: {  	_ =	shalt  }
0x5b: {  	_ =	shalt  }
0x5c: {  	_ =	shalt  }
0x5d: {  	_ =	shalt  }
0x5e: {  	_ =	shalt  }
0x5f: {  	_ =	shalt  }
0x60: {  	_ =	shalt  }
0x61: {  	_ =	shalt  }
0x62: {  	_ =	shalt  }
0x63: {  	_ =	shalt  }
0x64: {  	_ =	shalt  }
0x65: {  	_ =	shalt  }
0x66: {  	_ =	shalt  }
0x67: {  	_ =	shalt  }
0x68: {  	_ =	shalt  }
0x69: {  	_ =	shalt  }
0x6a: {  	_ =	shalt  }
0x6b: {  	_ =	shalt  }
0x6c: {  	_ =	shalt  }
0x6d: {  	_ =	shalt  }
0x6e: {  	_ =	shalt  }
0x6f: {  	_ =	shalt  }
0x70: {  	_ =	shalt  }
0x71: {  	_ =	shalt  }
0x72: {  	_ =	shalt  }
0x73: {  	_ =	shalt  }
0x74: {  	_ =	shalt  }
0x75: {  	_ =	shalt  }
0x76: {  	_ =	shalt  }
0x77: {  	_ =	shalt  }
0x78: {  	_ =	shalt  }
0x79: {  	_ =	shalt  }
0x7a: {  	_ =	shalt  }
0x7b: {  	_ =	shalt  }
0x7c: {  	_ =	shalt  }
0x7d: {  	_ =	shalt  }
0x7e: {  	_ =	shalt  }
0x7f: {  	_ =	shalt  }
0x80: {  	_ =	shalt  }
0x81: {  	_ =	shalt  }
0x82: {  	_ =	shalt  }
0x83: {  	_ =	shalt  }
0x84: {  	_ =	shalt  }
0x85: {  	_ =	shalt  }
0x86: {  	_ =	shalt  }
0x87: {  	_ =	shalt  }
.Lfunc_end0:
.L_simem_size_0:
called_computation_lowered:
.L_overlay_start_0:
0x88: {  	s2 =	sld [smem:$0x3FD9]  }
0x89: {  	s3 =	sld [smem:$0x3FFE];
	_ =	sdelay $0x1  }
0x8a: {  	s1 =	srdreg.scid  }
0x8b: {  	s0 =	sand.u32 $0x1, s1  }
0x8c: {  	s16 =	sshll.u32 s0, $0xA;
	s2 =	sadd.s32 s3, s2  }
0x8d: {  	s2 =	sadd.s32 s2, s16  }
0x8e: {  	[smem:$0x3FBF] =	sst s2  }
0x8f: {  	_ = 	snop  }
0x90: {  	(tm) =	ssettm $0x1  }
0x91: {  	s17 =	sld [smem:$0x3FFB];
	_ =	sdelay $0x3  }
0x92: {  	_ =	strace s17  }
0x93: {  	s2 =	sld [smem:$0x3FFC];
	_ =	sdelay $0x3  }
0x94: {  	_ =	strace s2  }
0x95: {  	s2 =	sld [smem:$0x3FFD];
	_ =	sdelay $0x3  }
0x96: {  	_ =	strace s2  }
0x97: {  	_ =	strace $0x8FFFFFFF  }
0x98: {  	s18 =	sld [smem:$0x3FDB];
	_ =	sdelay $0x1  }
0x99: {  	s19 =	simm.s32 $_scs_section_size  }
0x9a: {  	s4 =	simm.s32 $_size__tile_overlayer_lowered;
	s5 =	simm.s32 $_tile_overlayer_lowered  }
0x9b: {  	s22 =	simm.s32 $0x1BFF;
	s21 =	sshll.u32 s5, $0x1;
	s2 =	sadd.s32 s19, s18  }
0x9c: {  	s6 =	simm.s32 $0x0;
	s20 =	sshll.u32 s4, $0x1;
	s4 =	sadd.s32 s21, s2  }
0x9d: {  	[timem:s6], [sflag:s22] =	dma.local [hbm:s4], s20  }
0x9e: {  	_ =	swait.ge [sflag:s22], s20  }
0x9f: {  	s3 =	ssub.s32 $0x0, s20;
	[sflag:s22] =	ssyncset.done $0x0  }
0xa0: {  	[sflag:s22] =	ssyncadd.s32 s3;
	_ =	sdelay $0x1  }
0xa1: {  	s23 =	simm.s32 $0x1B8B  }
0xa2: {  	_ =	swait.ge [sflag:s23], $0x1  }
0xa3: {  	[sflag:s23] =	ssyncset.done $0x0  }
0xa4: {  	s25 =	simm.s32 $0x1B8E;
	s24 =	sld [smem:$0x3FFE];
	[sflag:s23] =	ssyncadd.s32 $0xFFFFFFFF  }
0xa5: {  	s26 =	simm.s32 $execute0_lowered;
	[smem:$0x3FD2] =	sst s25  }
0xa6: {  	s4 =	sshll.u32 s26, $0x1;
	_ =	strace $0x80000046;
	[dreg:$0x1] =	wrdreg $0xFFFFFFFF  }
0xa7: {  	s28 =	simm.s32 $_size_execute0_lowered;
	s2 =	sadd.s32 s2, s4;
	[dreg:$0x0] =	wrdreg $0x0  }
0xa8: {  	s4 =	sshll.u32 s28, $0x1;
	[dreg:$0x2] =	wrdreg s2  }
0xa9: {  	[dreg:$0x3] =	wrdreg s4  }
0xaa: {  	[dreg:$0x4] =	wrdreg $0xC0  }
0xab: {  	_ =	task [dreg:s6], $0x5FFFF  }
0xac: {  	[dreg:$0x1] =	wrdreg $0xFFFFFFFF  }
0xad: {  	[dreg:$0x0] =	wrdreg $0x60  }
0xae: {  	[dreg:$0x2] =	wrdreg s24  }
0xaf: {  	[dreg:$0x3] =	wrdreg $0x9  }
0xb0: {  	_ =	task.clear_ibuf [dreg:s6], $0x4FFFF;
	_ =	strace $0x90000046  }
0xb1: {  	s29 =	simm.s32 $0x9;
	_ =	strace $0x80000048  }
0xb2: {  	_ =	swait.ge [sflag:s29], $0x1  }
0xb3: {  	[sflag:s29] =	ssyncadd.s32 $0xFFFFFFFF  }
0xb4: {  	_ =	strace $0x90000048  }
0xb5: {  	_ =	sfence  }
0xb6: {  	s30 =	sld [smem:$0x0];
	_ =	sdelay $0x2  }
0xb7: {  	s31 =	sshll.u32 s1, $0xD;
	s1 =	sshrl.u32 s1, $0x2  }
0xb8: {  	s3 =	sand.u32 $0x4000, s31;
	s1 =	sadd.s32 s1, s30  }
0xb9: {  	s0 =	sor.u32 s3, s0;
	s1 =	sshll.u32 s1, $0x11  }
0xba: {  	s0 =	sor.u32 s1, s0  }
0xbb: {  	s0 =	sadd.s32 $0x8F2B, s0  }
0xbc: {  	[sflag:s0] =	ssyncadd.remote.s32 $0x1  }
0xbd: {  	_ =	sfence.sel $0xFFFF  }
0xbe: {  	[dreg:$0x0] =	wrdreg $0xFFFFFFFF;
	(pc) =	sbr.abs _section_cstart, $3  }
0xbf: {  	[dreg:$0x1] =	wrdreg $0xFFFFFFFF  }
0xc0: {  	_ =	task.clear_ibuf [dreg:s6], $0x2FFFF;
	_ =	strace $0x9FFFFFFF  }
0xc1: {  	(tm) =	ssettm $0x7FFFFFFF  }
tec
execute0_lowered:
.L_overlay_start_1:
0x0: {  	(tag) =	ssettag $0x1  }
0x1: {  	s1 =	srdreg.scid  }
0x2: {  	s0 =	stileid.u32;
	s5 =	sand.u32 $0x1, s1  }
0x3: {  	s31 =	sshll.u32 s0, $0x8;
	s2 =	sshll.u32 s5, $0x7  }
0x4: {  	s7 =	rddreg [dreg:$0x0];
	s4 =	simm.s32 $0x2;
	s6 =	sor.u32 s2, s31  }
0x5: {  	s1 =	rddreg [dreg:$0x1];
	s2 =	simm.s32 $0x0;
	s3 =	sshrl.u32 s6, $0x3  }
0x6: {  	s8 =	ssub.s32 $0x2, s5;
	[smem:$0x7FF] =	sst s2;
	s3 =	sadd.s32 s3, s7  }
0x7: {  	s9 =	sshrl.u32 s8, $0x1;
	_ =	strace $0x80000047;
	s3 =	sadd.s32 $0x12C00, s3  }
0x8: {  	[tilespmem:s2], [sflag:$0x2] =	stream.linear.gather [hbm4b:s3+s2], $0x80, $0x38;
	[tilespmem:$0x4080] =	vst v63  }
0x9: {  	s6 =	sshll.u32 s6, $0x4;
	s8 =	ssub.s32 s8, s9;
	_ =	swait.ge [sflag:s4], $0x80  }
0xa: {  	s6 =	sadd.s32 s6, s7;
	s9 =	smax.u32 s8, $0x1;
	[sflag:s4] =	ssyncset.done $0x0  }
0xb: {  	s5 =	sadd.s32 $0x2C00, s6;
	s6 =	simm.s32 $0x80;
	[sflag:s4] =	ssyncadd.s32 $0xFFFFFF80  }
0xc: {  	[tilespmem:s6], [sflag:$0x2] =	stream.linear.gather [hbm4b:s5+s2], $0x4000, $0x38;
	[tilespmem:$0x4080] =	vst v63  }
0xd: {  	p0 =	sne.s32 s9, $0x1;
	_ =	swait.ge [sflag:s4], $0x4000  }
.Ltmp0:
0xe: {  	[sflag:s4] =	ssyncset.done $0x0;
	(pc) =	sbr.rel @!p0 .LBB2_2-.Ltmp0, $4  }
0xf: {  	s7 =	sadd.s32 $0x12E00, s7;
	s8 =	simm.s32 $0x1;
	[sflag:s4] =	ssyncadd.s32 $0xFFFFC000  }
0x10: {  	[hbm4b:s7+s6] =	stream.indirect.scatter [tilespmem:s6], [sflag:$0x1], $0x80, s2, s6, $0xb8;
	[tilespmem:$0x4080] =	vst v63  }
0x11: {  	_ =	swait.ge [sflag:s8], $0x4000  }
0x12: {  	s9 =	sadd.s32 $0xFFFFFFFF, s9;
	[sflag:s8] =	ssyncset.done $0x0  }
.LBB2_1:
0x13: {  	p0 =	sne.s32 s9, $0x1;
	s9 =	sadd.s32 $0xFFFFFFFF, s9;
	[sflag:s8] =	ssyncadd.s32 $0xFFFFC000  }
0x14: {  	[tilespmem:s2], [sflag:$0x2] =	stream.linear.gather [hbm4b:s3+s2], $0x80, $0x38;
	[tilespmem:$0x4080] =	vst v63  }
0x15: {  	_ =	swait.ge [sflag:s4], $0x80  }
0x16: {  	[sflag:s4] =	ssyncset.done $0x0  }
0x17: {  	[sflag:s4] =	ssyncadd.s32 $0xFFFFFF80  }
0x18: {  	[tilespmem:s6], [sflag:$0x2] =	stream.linear.gather [hbm4b:s5+s2], $0x4000, $0x38;
	[tilespmem:$0x4080] =	vst v63  }
0x19: {  	_ =	swait.ge [sflag:s4], $0x4000  }
.Ltmp1:
0x1a: {  	[sflag:s4] =	ssyncset.done $0x0;
	(pc) =	sbr.rel @p0 .LBB2_1-.Ltmp1, $4  }
0x1b: {  	[sflag:s4] =	ssyncadd.s32 $0xFFFFC000  }
0x1c: {  	[hbm4b:s7+s6] =	stream.indirect.scatter [tilespmem:s6], [sflag:$0x1], $0x80, s2, s6, $0xb8;
	[tilespmem:$0x4080] =	vst v63  }
0x1d: {  	_ =	swait.ge [sflag:s8], $0x4000  }
0x1e: {  	[sflag:s8] =	ssyncset.done $0x0  }
.LBB2_2:
0x1f: {  	[sflag:s8] =	ssyncadd.s32 $0xFFFFC000  }
0x20: {  	_ =	sfence.sel $0x180000  }
0x21: {  	[bflag:$0x0] =	sbarrier.arrive $0xFFFF  }
0x22: {  	p0 =	sne.s32 s0, $0x0;
	_ =	strace $0x90000047  }
0x23: {  	s0 =	sadd.s32 @!p0 $0x100000, s1;
	[bflag:$0x2] =	sbarrier.arrive $0xFFFF  }
0x24: {  	[sflag:s0] =	ssyncadd.tile.s32 @!p0 $0x1;
	_ =	shalt  }
.Lfunc_end2:
_tile_overlayer_lowered:
.L_overlay_start_2:
0x25: {  	(tag) =	ssettag $0x2  }
0x26: {  	s0 =	rddreg [dreg:$0x0];
	s2 =	stileid.u32  }
0x27: {  	s1 =	rddreg [dreg:$0x1];
	p0 =	sne.s32 s2, $0x0  }
0x28: {  	s3 =	rddreg [dreg:$0x2];
	[bflag:$0x3] =	sbarrier.arrive $0xFFFF;
	s2 =	simm.s32 @!p0 $0x1C02  }
0x29: {  	[timem:s3], [sflag:s2] =	dma.local @!p0 [hbm:s0], s1  }
0x2a: {  	s0 =	simm.s32 @!p0 $0x2  }
0x2b: {  	_ =	swait.ge @!p0 [sflag:s0], s1  }
0x2c: {  	s1 =	ssub.s32 @!p0 $0x0, s1;
	[sflag:s0] =	ssyncset.done @!p0 $0x0  }
0x2d: {  	[sflag:s0] =	ssyncadd.s32 @!p0 s1  }
0x2e: {  	[bflag:$0x3] =	sbarrier.arrive $0xFFFF  }
0x2f: {  	_ =	shalt  }

// kernel: kernel.9.cloned.1.call-start
scs
__scs_entry_jumppad:
0x0: {  	(pc) =	sbr.rel $0x88, $3  }
0x1: {  	(tag) =	ssettag $0x0;
	lr =	simm.s32 $0x1  }
0x2: {  	[smem:$0x3F98] =	sst lr;
	_ =	strace $0xD0000000  }
0x3: {  	_ = 	snop  }
0x4: {  	_ = 	snop  }
0x5: {  	_ = 	snop  }
0x6: {  	_ = 	snop  }
0x7: {  	_ = 	snop  }
__scs_overlays_trampoline_lowered:
0x8: {  	[smem:$0x3FA7] =	sst s0  }
0x9: {  	[smem:$0x3FA8] =	sst s1  }
0xa: {  	[smem:$0x3FA9] =	sst s2  }
0xb: {  	[smem:$0x3FAA] =	sst s3  }
0xc: {  	[smem:$0x3FAB] =	sst s4  }
0xd: {  	[smem:$0x3FAC] =	sst s5  }
0xe: {  	[smem:$0x3FAD] =	sst s6  }
0xf: {  	[smem:$0x3FAE] =	sst s7  }
0x10: {  	[smem:$0x3FAF] =	sst s8  }
0x11: {  	[smem:$0x3FB0] =	sst s9;
	s0 =	simm.s32 @!p0 $0x0  }
0x12: {  	s1 =	sld [smem:$0x3F96];
	s0 =	simm.s32 @p0 $0x1  }
0x13: {  	[smem:$0x3FB1] =	sst s0;
	s0 =	simm.s32 @!p1 $0x0  }
0x14: {  	s2 =	sld [smem:$0x3F95];
	s0 =	simm.s32 @p1 $0x1  }
0x15: {  	[smem:$0x3FB2] =	sst s0;
	s0 =	simm.s32 @!p2 $0x0  }
0x16: {  	s3 =	sld [smem:$0x3FDB];
	s0 =	simm.s32 @p2 $0x1  }
0x17: {  	s4 =	simm.s32 $0x1BF5;
	[smem:$0x3FB4] =	sst s0  }
0x18: {  	s0 =	sld [smem:$0x3F97];
	_ =	swait.ge [sflag:s4], $0x0  }
0x19: {  	s7 =	sld [smem:$0x3F98]  }
0x1a: {  	s8 =	sadd.s32 $0xFFFFE003, lr  }
0x1b: {  	s9 =	sadd.s32 $0xFFFFFEF7, lr;
	s5 =	simm.s32 $0xFFFFFFFF;
	p2 =	slt.u32 s8, $0xFFFFF086  }
0x1c: {  	p1 =	slt.u32 s9, $0xF7A;
	s5 =	simm.s32 @!p2 $0x0  }
0x1d: {  	s5 =	simm.s32 @p1 $0x1;
	p0 =	seq.s32 s7, s2  }
0x1e: {  	s7 =	smul.u32 @!p0 $0xF7A, s2;
	p2 =	seq.s32 @!p0 s5, $0x0  }
0x1f: {  	s9 =	smul.u32 $0xF7A, s1;
	s8 =	simm.s32 @!p0 $0x1BF5;
	p2 =	por !p2, p0  }
0x20: {  	[sflag:s8] =	ssyncset.s32 @!p0 $0xFFFFF086;
	s6 =	sadd.s32 @!p0 s3, s7;
	s7 =	simm.s32 @!p0 $0x108  }
0x21: {  	s3 =	sadd.s32 s3, s9;
	s6 =	sadd.s32 @!p0 $0x88, s6;
	s7 =	simm.s32 @p2 $0x1082  }
0x22: {  	[simem:s7], [sflag:s8] =	dma.local @!p0 [hbm:s6], $0xF7A  }
0x23: {  	s9 =	sor.u32 $0xD0000000, s2;
	s6 =	simm.s32 $0x108;
	_ =	swait.ge @!p0 [sflag:s8], $0x0  }
0x24: {  	s3 =	sadd.s32 $0x88, s3;
	s6 =	simm.s32 @!p1 $0x1082;
	[sflag:s4] =	ssyncset.s32 $0xFFFFF086  }
0x25: {  	[simem:s6], [sflag:s4] =	dma.local [hbm:s3], $0xF7A  }
0x26: {  	[smem:$0x3F98] =	sst s1;
	(tag) =	ssettag s2;
	_ =	strace s9  }
0x27: {  	s1 =	sld [smem:$0x3FA8]  }
0x28: {  	s2 =	sld [smem:$0x3FA9]  }
0x29: {  	s4 =	sld [smem:$0x3FAB]  }
0x2a: {  	p0 =	seq.s32 s5, $0x0;
	s5 =	sld [smem:$0x3FAC]  }
0x2b: {  	s6 =	sld [smem:$0x3FAD]  }
0x2c: {  	s7 =	sld [smem:$0x3FAE]  }
0x2d: {  	s3 =	simm.s32 $0x108;
	s8 =	sld [smem:$0x3FAF]  }
0x2e: {  	s3 =	simm.s32 @!p0 $0x1082;
	s9 =	sld [smem:$0x3FB0]  }
0x2f: {  	lr =	sadd.s32 s0, s3;
	s0 =	sld [smem:$0x3FA7]  }
0x30: {  	s3 =	sld [smem:$0x3FAA]  }
0x31: {  	[smem:$0x3FB3] =	sst s10  }
0x32: {  	s10 =	sld [smem:$0x3FB1];
	_ =	sdelay $0x3  }
0x33: {  	p0 =	seq.s32 s10, $0x1;
	s10 =	sld [smem:$0x3FB3];
	_ =	sdelay $0x3  }
0x34: {  	[smem:$0x3FB3] =	sst s10  }
0x35: {  	s10 =	sld [smem:$0x3FB2];
	_ =	sdelay $0x3  }
0x36: {  	p1 =	seq.s32 s10, $0x1;
	s10 =	sld [smem:$0x3FB3];
	_ =	sdelay $0x3  }
0x37: {  	[smem:$0x3FB3] =	sst s10  }
0x38: {  	s10 =	sld [smem:$0x3FB4]  }
0x39: {  	_ = 	snop;
	(pc) =	sbr.ind lr, $3  }
0x3a: {  	_ = 	snop  }
0x3b: {  	_ = 	snop  }
0x3c: {  	p2 =	seq.s32 s10, $0x1;
	s10 =	sld [smem:$0x3FB3]  }
0x3d: {  	_ =	shalt  }
0x3e: {  	_ =	shalt  }
0x3f: {  	_ =	shalt  }
0x40: {  	_ =	shalt  }
0x41: {  	_ =	shalt  }
0x42: {  	_ =	shalt  }
0x43: {  	_ =	shalt  }
0x44: {  	_ =	shalt  }
0x45: {  	_ =	shalt  }
0x46: {  	_ =	shalt  }
0x47: {  	_ =	shalt  }
0x48: {  	_ =	shalt  }
0x49: {  	_ =	shalt  }
0x4a: {  	_ =	shalt  }
0x4b: {  	_ =	shalt  }
0x4c: {  	_ =	shalt  }
0x4d: {  	_ =	shalt  }
0x4e: {  	_ =	shalt  }
0x4f: {  	_ =	shalt  }
0x50: {  	_ =	shalt  }
0x51: {  	_ =	shalt  }
0x52: {  	_ =	shalt  }
0x53: {  	_ =	shalt  }
0x54: {  	_ =	shalt  }
0x55: {  	_ =	shalt  }
0x56: {  	_ =	shalt  }
0x57: {  	_ =	shalt  }
0x58: {  	_ =	shalt  }
0x59: {  	_ =	shalt  }
0x5a: {  	_ =	shalt  }
0x5b: {  	_ =	shalt  }
0x5c: {  	_ =	shalt  }
0x5d: {  	_ =	shalt  }
0x5e: {  	_ =	shalt  }
0x5f: {  	_ =	shalt  }
0x60: {  	_ =	shalt  }
0x61: {  	_ =	shalt  }
0x62: {  	_ =	shalt  }
0x63: {  	_ =	shalt  }
0x64: {  	_ =	shalt  }
0x65: {  	_ =	shalt  }
0x66: {  	_ =	shalt  }
0x67: {  	_ =	shalt  }
0x68: {  	_ =	shalt  }
0x69: {  	_ =	shalt  }
0x6a: {  	_ =	shalt  }
0x6b: {  	_ =	shalt  }
0x6c: {  	_ =	shalt  }
0x6d: {  	_ =	shalt  }
0x6e: {  	_ =	shalt  }
0x6f: {  	_ =	shalt  }
0x70: {  	_ =	shalt  }
0x71: {  	_ =	shalt  }
0x72: {  	_ =	shalt  }
0x73: {  	_ =	shalt  }
0x74: {  	_ =	shalt  }
0x75: {  	_ =	shalt  }
0x76: {  	_ =	shalt  }
0x77: {  	_ =	shalt  }
0x78: {  	_ =	shalt  }
0x79: {  	_ =	shalt  }
0x7a: {  	_ =	shalt  }
0x7b: {  	_ =	shalt  }
0x7c: {  	_ =	shalt  }
0x7d: {  	_ =	shalt  }
0x7e: {  	_ =	shalt  }
0x7f: {  	_ =	shalt  }
0x80: {  	_ =	shalt  }
0x81: {  	_ =	shalt  }
0x82: {  	_ =	shalt  }
0x83: {  	_ =	shalt  }
0x84: {  	_ =	shalt  }
0x85: {  	_ =	shalt  }
0x86: {  	_ =	shalt  }
0x87: {  	_ =	shalt  }
.Lfunc_end0:
.L_simem_size_0:
called_computation.1_lowered:
.L_overlay_start_0:
0x88: {  	s2 =	sld [smem:$0x3FD9]  }
0x89: {  	s3 =	sld [smem:$0x3FFE];
	_ =	sdelay $0x1  }
0x8a: {  	s1 =	srdreg.scid  }
0x8b: {  	s0 =	sand.u32 $0x1, s1  }
0x8c: {  	s17 =	sshll.u32 s0, $0xA;
	s2 =	sadd.s32 s3, s2  }
0x8d: {  	s2 =	sadd.s32 s2, s17  }
0x8e: {  	[smem:$0x3FBF] =	sst s2  }
0x8f: {  	_ = 	snop  }
0x90: {  	s2 =	sld [smem:$0x3FD0];
	(tm) =	ssettm $0x1  }
0x91: {  	s18 =	sld [smem:$0x3FFB];
	_ =	sdelay $0x3  }
0x92: {  	_ =	strace s18  }
0x93: {  	s3 =	sld [smem:$0x3FFC];
	_ =	sdelay $0x3  }
0x94: {  	_ =	strace s3  }
0x95: {  	s3 =	sld [smem:$0x3FFD];
	_ =	sdelay $0x3  }
0x96: {  	_ =	strace s3  }
0x97: {  	_ =	strace $0x8FFFFFFF  }
0x98: {  	s19 =	sld [smem:$0x3FDB];
	_ =	sdelay $0x1  }
0x99: {  	s4 =	simm.s32 $_scs_section_size  }
0x9a: {  	s5 =	simm.s32 $_size__tile_overlayer_lowered;
	s6 =	simm.s32 $_tile_overlayer_lowered  }
0x9b: {  	s22 =	simm.s32 $0x1BFF;
	s21 =	sshll.u32 s6, $0x1;
	s3 =	sadd.s32 s4, s19  }
0x9c: {  	s7 =	simm.s32 $0x0;
	s20 =	sshll.u32 s5, $0x1;
	s5 =	sadd.s32 s21, s3  }
0x9d: {  	[timem:s7], [sflag:s22] =	dma.local [hbm:s5], s20  }
0x9e: {  	_ =	swait.ge [sflag:s22], s20  }
0x9f: {  	s4 =	ssub.s32 $0x0, s20;
	[sflag:s22] =	ssyncset.done $0x0  }
0xa0: {  	[sflag:s22] =	ssyncadd.s32 s4;
	_ =	sdelay $0x1  }
0xa1: {  	s23 =	simm.s32 $0x1B8B  }
0xa2: {  	_ =	swait.ge [sflag:s23], $0x1  }
0xa3: {  	[sflag:s23] =	ssyncset.done $0x0  }
0xa4: {  	s25 =	simm.s32 $0x1B8E;
	s24 =	sld [smem:$0x3FFE];
	[sflag:s23] =	ssyncadd.s32 $0xFFFFFFFF  }
0xa5: {  	s26 =	simm.s32 $execute0_lowered;
	[smem:$0x3FD2] =	sst s25  }
0xa6: {  	s5 =	sshll.u32 s26, $0x1;
	_ =	strace $0x80000049;
	[dreg:$0x1] =	wrdreg $0xFFFFFFFF  }
0xa7: {  	s28 =	simm.s32 $_size_execute0_lowered;
	s3 =	sadd.s32 s3, s5;
	[dreg:$0x0] =	wrdreg $0x0  }
0xa8: {  	s5 =	sshll.u32 s28, $0x1;
	[dreg:$0x2] =	wrdreg s3  }
0xa9: {  	[dreg:$0x3] =	wrdreg s5  }
0xaa: {  	[dreg:$0x4] =	wrdreg $0xC0  }
0xab: {  	_ =	task [dreg:s7], $0x5FFFF  }
0xac: {  	[dreg:$0x1] =	wrdreg $0xFFFFFFFF  }
0xad: {  	[dreg:$0x0] =	wrdreg $0x60  }
0xae: {  	[dreg:$0x2] =	wrdreg s24  }
0xaf: {  	[dreg:$0x3] =	wrdreg s2  }
0xb0: {  	[dreg:$0x4] =	wrdreg $0x9  }
0xb1: {  	_ =	task.clear_ibuf [dreg:s7], $0x5FFFF;
	_ =	strace $0x90000049  }
0xb2: {  	s29 =	simm.s32 $0x9;
	_ =	strace $0x8000004B  }
0xb3: {  	_ =	swait.ge [sflag:s29], $0x1  }
0xb4: {  	[sflag:s29] =	ssyncadd.s32 $0xFFFFFFFF  }
0xb5: {  	_ =	strace $0x9000004B  }
0xb6: {  	_ =	sfence  }
0xb7: {  	s30 =	sld [smem:$0x0];
	_ =	sdelay $0x2  }
0xb8: {  	s31 =	sshll.u32 s1, $0xD;
	s1 =	sshrl.u32 s1, $0x2  }
0xb9: {  	s3 =	sand.u32 $0x4000, s31;
	s1 =	sadd.s32 s1, s30  }
0xba: {  	s0 =	sor.u32 s3, s0;
	s1 =	sshll.u32 s1, $0x11  }
0xbb: {  	s0 =	sor.u32 s1, s0  }
0xbc: {  	s0 =	sadd.s32 $0x8F2B, s0  }
0xbd: {  	[sflag:s0] =	ssyncadd.remote.s32 $0x1  }
0xbe: {  	_ =	sfence.sel $0xFFFF  }
0xbf: {  	[dreg:$0x0] =	wrdreg $0xFFFFFFFF;
	(pc) =	sbr.abs _section_cstart, $3  }
0xc0: {  	[dreg:$0x1] =	wrdreg $0xFFFFFFFF  }
0xc1: {  	_ =	task.clear_ibuf [dreg:s7], $0x2FFFF;
	_ =	strace $0x9FFFFFFF  }
0xc2: {  	(tm) =	ssettm $0x7FFFFFFF  }
0xc3: {  	_ =	shalt  }
tec
execute0_lowered:
.L_overlay_start_1:
0x0: {  	(tag) =	ssettag $0x1  }
0x1: {  	s0 =	rddreg [dreg:$0x0]  }
0x2: {  	s2 =	rddreg [dreg:$0x1]  }
0x3: {  	s1 =	simm.s32 $0x0;
	s3 =	srdreg.scid;
	s6 =	stileid.u32  }
0x4: {  	[smem:$0x7FF] =	sst s1;
	s4 =	sadd.s32 $0x12E00, s0;
	s3 =	sand.u32 $0x1, s3  }
0x5: {  	s6 =	sshll.u32 s6, $0x7;
	s7 =	sadd.s32 $0x12C00, s0;
	s5 =	ssub.s32 $0x2, s3  }
0x6: {  	s28 =	sadd.s32 $0xAAE00, s0;
	s3 =	sshll.u32 s3, $0x6;
	s8 =	sshrl.u32 s5, $0x1  }
0x7: {  	s29 =	sadd.s32 $0xAAF00, s0;
	s3 =	sor.u32 s3, s6;
	s5 =	ssub.s32 s5, s8  }
0x8: {  	s6 =	sshrl.u32 s3, $0x3;
	s22 =	sshll.u32 s3, $0x7;
	s24 =	sor.u32 $0x8, s3  }
0x9: {  	s10 =	sor.u32 $0x10, s3;
	s16 =	sor.u32 $0x18, s3;
	s17 =	sor.u32 $0x20, s3  }
0xa: {  	s15 =	sadd.s32 s7, s6;
	s23 =	sadd.s32 s4, s22;
	s9 =	sshrl.u32 s24, $0x3  }
0xb: {  	s6 =	sshll.u32 s24, $0x7;
	s8 =	sadd.s32 s2, s22;
	[dreg:$0x4] =	wrdreg s23  }
0xc: {  	s26 =	sshrl.u32 s10, $0x3;
	s9 =	sadd.s32 s7, s9;
	[dreg:$0x7] =	wrdreg s8  }
0xd: {  	s10 =	sshll.u32 s10, $0x7;
	s25 =	sadd.s32 s4, s6;
	[dreg:$0x5] =	wrdreg s9  }
0xe: {  	s21 =	sor.u32 $0x28, s3;
	s14 =	sadd.s32 s4, s10;
	[dreg:$0x6] =	wrdreg s25  }
0xf: {  	s11 =	sshrl.u32 s17, $0x3;
	s6 =	sadd.s32 s2, s6;
	[dreg:$0x9] =	wrdreg s14  }
0x10: {  	s12 =	sshrl.u32 s21, $0x3;
	s20 =	sadd.s32 s7, s11;
	[dreg:$0xa] =	wrdreg s6  }
0x11: {  	s19 =	sshll.u32 s16, $0x7;
	s12 =	sadd.s32 s7, s12;
	[dreg:$0xc] =	wrdreg s20  }
0x12: {  	s18 =	sshrl.u32 s16, $0x3;
	s24 =	sadd.s32 s4, s19;
	[dreg:$0xd] =	wrdreg s12  }
0x13: {  	s22 =	sor.u32 $0x30, s3;
	s9 =	sadd.s32 s7, s26;
	[dreg:$0x10] =	wrdreg s24  }
0x14: {  	s13 =	sshrl.u32 s22, $0x3;
	s6 =	sadd.s32 s7, s18;
	[dreg:$0x8] =	wrdreg s9  }
0x15: {  	s3 =	sor.u32 $0x38, s3;
	s23 =	sadd.s32 s7, s13;
	[dreg:$0xb] =	wrdreg s6  }
0x16: {  	s14 =	sshrl.u32 s3, $0x3;
	s25 =	sadd.s32 s2, s10;
	[dreg:$0xe] =	wrdreg s23  }
0x17: {  	s30 =	sadd.s32 $0xAB000, s0;
	s7 =	sadd.s32 s7, s14;
	[dreg:$0x11] =	wrdreg s25  }
0x18: {  	s26 =	sshll.u32 s17, $0x7;
	s6 =	sadd.s32 s2, s19;
	[dreg:$0xf] =	wrdreg s7  }
0x19: {  	s10 =	sshll.u32 s21, $0x7;
	s12 =	sadd.s32 s4, s26;
	[dreg:$0x12] =	wrdreg s6  }
0x1a: {  	s13 =	sshll.u32 s22, $0x7;
	s14 =	sadd.s32 s4, s10;
	[dreg:$0x13] =	wrdreg s12  }
0x1b: {  	s3 =	sshll.u32 s3, $0x7;
	s16 =	sadd.s32 s4, s13;
	[dreg:$0x15] =	wrdreg s14  }
0x1c: {  	s31 =	sadd.s32 $0xAB100, s0;
	s4 =	sadd.s32 s4, s3;
	[dreg:$0x17] =	wrdreg s16  }
0x1d: {  	s0 =	simm.s32 $0x8200;
	s17 =	sadd.s32 s2, s13;
	[dreg:$0x18] =	wrdreg s4  }
0x1e: {  	s8 =	simm.s32 $0x2;
	s7 =	sadd.s32 s2, s26;
	[dreg:$0x19] =	wrdreg s17  }
0x1f: {  	s11 =	simm.s32 $0x4;
	s6 =	sadd.s32 s2, s10;
	[dreg:$0x14] =	wrdreg s7  }
0x20: {  	s18 =	smax.u32 s5, $0x1;
	s2 =	sadd.s32 s2, s3;
	[dreg:$0x16] =	wrdreg s6  }
0x21: {  	s20 =	sadd.s32 $0x101, s15;
	s21 =	sadd.s32 $0x102, s15;
	[dreg:$0x1a] =	wrdreg s2  }
0x22: {  	s19 =	sadd.s32 $0x100, s15;
	_ =	strace $0x8000004A;
	[dreg:$0x1b] =	wrdreg s18  }
0x23: {  	s22 =	sadd.s32 $0x103, s15;
	s24 =	sadd.s32 $0x105, s15;
	[dreg:$0x1c] =	wrdreg s19  }
0x24: {  	s5 =	simm.s32 $0x9A00;
	s23 =	sadd.s32 $0x104, s15;
	[dreg:$0x1d] =	wrdreg s20  }
0x25: {  	s25 =	sadd.s32 $0x106, s15;
	s9 =	simm.s32 $0x3;
	[dreg:$0x1e] =	wrdreg s21  }
0x26: {  	s13 =	simm.s32 $0x6;
	s26 =	sadd.s32 $0x107, s15;
	[dreg:$0x1f] =	wrdreg s22  }
0x27: {  	s10 =	simm.s32 $0x7;
	s3 =	simm.s32 $0x8A00;
	[smem:$0x7FA] =	sst s23  }
0x28: {  	s4 =	simm.s32 $0x9200;
	s12 =	simm.s32 $0x5;
	[smem:$0x7FB] =	sst s24  }
0x29: {  	s14 =	simm.s32 $0x0;
	s6 =	simm.s32 $0xA200;
	[smem:$0x7FC] =	sst s25  }
0x2a: {  	v0 =	vlaneseq.u32;
	s7 =	simm.s32 $0x1;
	s2 =	simm.s32 $0xC200;
	[dreg:$0x3] =	wrdreg s15  }
0x2b: {  	v1 =	vshrl.u32 v0, $0x3;
	[smem:$0x7FD] =	sst s26;
	s23 =	simm.s32 $0x6180;
	s24 =	simm.s32 $0x6200  }
0x2c: {  	vm0 =	vmmov $0xffff;
	v0 =	vand.u32 $0x7, v0;
	v1 =	vmul.u32 $0x8, v1;
	s25 =	simm.s32 $0x6A00;
	s26 =	simm.s32 $0x7200;
	s20 =	simm.s32 $0x7A00  }
.LBB2_1:
0x2d: {  	s15 =	rddreg [dreg:$0x3]  }
0x2e: {  	[tilespmem:s1], [sflag:$0x7] =	stream.linear.gather [hbm4b:s15+s1], $0x8, $0x38;
	[tilespmem:$0xE200] =	vst v63  }
0x2f: {  	_ =	swait.ge [sflag:s10], $0x8  }
0x30: {  	[sflag:s10] =	ssyncset.done $0x0  }
0x31: {  	s16 =	simm.s32 $0x80;
	s17 =	rddreg [dreg:$0x1c];
	[sflag:s10] =	ssyncadd.s32 $0xFFFFFFF8  }
0x32: {  	[tilespmem:s16], [sflag:$0x7] =	stream.linear.gather [hbm4b:s17+s1], $0x8, $0x38;
	[tilespmem:$0xE200] =	vst v63  }
0x33: {  	_ =	swait.ge [sflag:s10], $0x8  }
0x34: {  	[sflag:s10] =	ssyncset.done $0x0  }
0x35: {  	[sflag:s10] =	ssyncadd.s32 $0xFFFFFFF8  }
0x36: {  	v2 =	vld.msk [tilespmem:$0x0], $0xff;
	_ =	sdelay $0x4  }
0x37: {  	v3 =	vshll.u32 v2, $0x3  }
0x38: {  	v2 =	vand.u32 $0x7, v2;
	v3 =	vand.u32 $0xFFFFFFC0, v3  }
0x39: {  	v2 =	vor.u32 v2, v3  }
0x3a: {  	v2 =	vperm.xlane v2, v0;
	_ =	sdelay $0x1  }
0x3b: {  	v2 =	vadd.s32 v1, v2;
	_ =	sdelay $0x3  }
0x3c: {  	s18 =	simm.s32 $0x100  }
0x3d: {  	[tilespmem:s18], [sflag:$0x1] =	stream.indirect_vreg.gather [hbm4b:s28+s1], $0x80, v2, vm0, $0xb8;
	[tilespmem:$0xE200] =	vst v63  }
0x3e: {  	s19 =	simm.s32 $0x900  }
0x3f: {  	[tilespmem:s19], [sflag:$0x1] =	stream.indirect_vreg.gather [hbm4b:s29+s1], $0x80, v2, vm0, $0xb8;
	[tilespmem:$0xE200] =	vst v63  }
0x40: {  	s21 =	simm.s32 $0x1100  }
0x41: {  	[tilespmem:s21], [sflag:$0x1] =	stream.indirect_vreg.gather [hbm4b:s30+s1], $0x80, v2, vm0, $0xb8;
	[tilespmem:$0xE200] =	vst v63  }
0x42: {  	s22 =	simm.s32 $0x1900  }
0x43: {  	[tilespmem:s22], [sflag:$0x1] =	stream.indirect_vreg.gather [hbm4b:s31+s1], $0x80, v2, vm0, $0xb8;
	[tilespmem:$0xE200] =	vst v63  }
0x44: {  	v2 =	vld.msk [tilespmem:$0x80], $0xff;
	_ =	sdelay $0x4  }
0x45: {  	v3 =	vshll.u32 v2, $0x3  }
0x46: {  	v2 =	vand.u32 $0x7, v2;
	v3 =	vand.u32 $0xFFFFFFC0, v3  }
0x47: {  	v2 =	vor.u32 v2, v3  }
0x48: {  	v2 =	vperm.xlane v2, v0;
	_ =	sdelay $0x1  }
0x49: {  	v2 =	vadd.s32 v1, v2;
	_ =	sdelay $0x3  }
0x4a: {  	s16 =	simm.s32 $0x2100  }
0x4b: {  	[tilespmem:s16], [sflag:$0x2] =	stream.indirect_vreg.gather [hbm4b:s28+s1], $0x80, v2, vm0, $0xb8;
	[tilespmem:$0xE200] =	vst v63  }
0x4c: {  	s17 =	simm.s32 $0x2900  }
0x4d: {  	[tilespmem:s17], [sflag:$0x2] =	stream.indirect_vreg.gather [hbm4b:s29+s1], $0x80, v2, vm0, $0xb8;
	[tilespmem:$0xE200] =	vst v63  }
0x4e: {  	s18 =	simm.s32 $0x3100  }
0x4f: {  	[tilespmem:s18], [sflag:$0x2] =	stream.indirect_vreg.gather [hbm4b:s30+s1], $0x80, v2, vm0, $0xb8;
	[tilespmem:$0xE200] =	vst v63  }
0x50: {  	s19 =	simm.s32 $0x3900  }
0x51: {  	[tilespmem:s19], [sflag:$0x2] =	stream.indirect_vreg.gather [hbm4b:s31+s1], $0x80, v2, vm0, $0xb8;
	[tilespmem:$0xE200] =	vst v63  }
0x52: {  	s21 =	rddreg [dreg:$0x4];
	s22 =	simm.s32 $0x4100  }
0x53: {  	[tilespmem:s22], [sflag:$0x3] =	stream.linear.gather [hbm4b:s21+s1], $0x2000, $0x38;
	[tilespmem:$0xE200] =	vst v63  }
0x54: {  	s16 =	rddreg [dreg:$0x5];
	s17 =	simm.s32 $0x6100  }
0x55: {  	[tilespmem:s17], [sflag:$0x7] =	stream.linear.gather [hbm4b:s16+s1], $0x8, $0x38;
	[tilespmem:$0xE200] =	vst v63  }
0x56: {  	_ =	swait.ge [sflag:s10], $0x8  }
0x57: {  	[sflag:s10] =	ssyncset.done $0x0  }
0x58: {  	s18 =	rddreg [dreg:$0x1d];
	[sflag:s10] =	ssyncadd.s32 $0xFFFFFFF8  }
0x59: {  	[tilespmem:s23], [sflag:$0x7] =	stream.linear.gather [hbm4b:s18+s1], $0x8, $0x38;
	[tilespmem:$0xE200] =	vst v63  }
0x5a: {  	_ =	swait.ge [sflag:s10], $0x8  }
0x5b: {  	[sflag:s10] =	ssyncset.done $0x0  }
0x5c: {  	[sflag:s10] =	ssyncadd.s32 $0xFFFFFFF8  }
0x5d: {  	v2 =	vld.msk [tilespmem:$0x6100], $0xff;
	_ =	sdelay $0x4  }
0x5e: {  	v3 =	vshll.u32 v2, $0x3  }
0x5f: {  	v2 =	vand.u32 $0x7, v2;
	v3 =	vand.u32 $0xFFFFFFC0, v3  }
0x60: {  	v2 =	vor.u32 v2, v3  }
0x61: {  	v2 =	vperm.xlane v2, v0;
	_ =	sdelay $0x1  }
0x62: {  	v2 =	vadd.s32 v1, v2;
	_ =	sdelay $0x4  }
0x63: {  	[tilespmem:s24], [sflag:$0x4] =	stream.indirect_vreg.gather [hbm4b:s28+s1], $0x80, v2, vm0, $0xb8;
	[tilespmem:$0xE200] =	vst v63  }
0x64: {  	_ = 	snop  }
0x65: {  	[tilespmem:s25], [sflag:$0x4] =	stream.indirect_vreg.gather [hbm4b:s29+s1], $0x80, v2, vm0, $0xb8;
	[tilespmem:$0xE200] =	vst v63  }
0x66: {  	_ = 	snop  }
0x67: {  	[tilespmem:s26], [sflag:$0x4] =	stream.indirect_vreg.gather [hbm4b:s30+s1], $0x80, v2, vm0, $0xb8;
	[tilespmem:$0xE200] =	vst v63  }
0x68: {  	_ = 	snop  }
0x69: {  	[tilespmem:s20], [sflag:$0x4] =	stream.indirect_vreg.gather [hbm4b:s31+s1], $0x80, v2, vm0, $0xb8;
	[tilespmem:$0xE200] =	vst v63  }
0x6a: {  	v2 =	vld.msk [tilespmem:$0x6180], $0xff;
	_ =	sdelay $0x4  }
0x6b: {  	v3 =	vshll.u32 v2, $0x3  }
0x6c: {  	v2 =	vand.u32 $0x7, v2;
	v3 =	vand.u32 $0xFFFFFFC0, v3  }
0x6d: {  	v2 =	vor.u32 v2, v3  }
0x6e: {  	v2 =	vperm.xlane v2, v0;
	_ =	sdelay $0x1  }
0x6f: {  	v2 =	vadd.s32 v1, v2;
	_ =	sdelay $0x4  }
0x70: {  	[tilespmem:s0], [sflag:$0x5] =	stream.indirect_vreg.gather [hbm4b:s28+s1], $0x80, v2, vm0, $0xb8;
	[tilespmem:$0xE200] =	vst v63  }
0x71: {  	_ = 	snop  }
0x72: {  	[tilespmem:s3], [sflag:$0x5] =	stream.indirect_vreg.gather [hbm4b:s29+s1], $0x80, v2, vm0, $0xb8;
	[tilespmem:$0xE200] =	vst v63  }
0x73: {  	_ = 	snop  }
0x74: {  	[tilespmem:s4], [sflag:$0x5] =	stream.indirect_vreg.gather [hbm4b:s30+s1], $0x80, v2, vm0, $0xb8;
	[tilespmem:$0xE200] =	vst v63  }
0x75: {  	_ = 	snop  }
0x76: {  	[tilespmem:s5], [sflag:$0x5] =	stream.indirect_vreg.gather [hbm4b:s31+s1], $0x80, v2, vm0, $0xb8;
	[tilespmem:$0xE200] =	vst v63  }
0x77: {  	s19 =	rddreg [dreg:$0x6]  }
0x78: {  	[tilespmem:s6], [sflag:$0x6] =	stream.linear.gather [hbm4b:s19+s1], $0x2000, $0x38;
	[tilespmem:$0xE200] =	vst v63  }
0x79: {  	_ =	swait.ge [sflag:s7], $0x2000  }
0x7a: {  	[sflag:s7] =	ssyncset.done $0x0  }
0x7b: {  	[sflag:s7] =	ssyncadd.s32 $0xFFFFE000  }
0x7c: {  	_ =	swait.ge [sflag:s8], $0x2000  }
0x7d: {  	[sflag:s8] =	ssyncset.done $0x0  }
0x7e: {  	[sflag:s8] =	ssyncadd.s32 $0xFFFFE000  }
0x7f: {  	_ =	swait.ge [sflag:s9], $0x2000  }
0x80: {  	s21 =	sand.u32 $0x70, s1;
	s22 =	sand.u32 $0x1C00, s1;
	[sflag:s9] =	ssyncset.done $0x0  }
0x81: {  	s15 =	sor.u32 s21, s22;
	[sflag:s9] =	ssyncadd.s32 $0xFFFFE000  }
0x82: {  	v2 =	vld [tilespmem:s15+$0x4280]  }
0x83: {  	v8 =	vld [tilespmem:s15+$0x4380]  }
0x84: {  	v14 =	vld [tilespmem:s15+$0x4300]  }
0x85: {  	v3 =	vld [tilespmem:s15+$0x4100]  }
0x86: {  	v9 =	vld [tilespmem:s15+$0x2380]  }
0x87: {  	v5 =	vld [tilespmem:s15+$0x2280]  }
0x88: {  	v11 =	vld [tilespmem:s15+$0x380]  }
0x89: {  	v13 =	vld [tilespmem:s15+$0x300]  }
0x8a: {  	v15 =	vld [tilespmem:s15+$0x2300]  }
0x8b: {  	v7 =	vld [tilespmem:s15+$0x2400]  }
0x8c: {  	v4 =	vld [tilespmem:s15+$0x2200]  }
0x8d: {  	v6 =	vld [tilespmem:s15+$0x2180]  }
0x8e: {  	v10 =	vld [tilespmem:s15+$0x2100]  }
0x8f: {  	v12 =	vld [tilespmem:s15+$0x100];
	v9 =	vadd.f32 v9, v11;
	v15 =	vadd.f32 v15, v13  }
0x90: {  	v11 =	vld [tilespmem:s15+$0x400]  }
0x91: {  	s17 =	simm.s32 $0x10;
	s16 =	sor.u32 s1, s1;
	s18 =	simm.s32 $0x0;
	v13 =	vld [tilespmem:s15+$0x280];
	v9 =	vadd.f32 v8, v9;
	v8 =	vadd.f32 v14, v15  }
.LBB2_2:
0x92: {  	p0 =	sne.s32 s17, $0x3F0  }
0x93: {  	v14 =	vld [tilespmem:s15+$0x4400];
	s18 =	sadd.s32 $0x80, s18;
	s19 =	smov.u32 s17;
	s17 =	sadd.s32 $0x10, s17  }
0x94: {  	s21 =	sor.u32 s18, s19;
	v15 =	vld [tilespmem:s15+$0x180]  }
0x95: {  	v10 =	vadd.f32 v10, v12;
	v12 =	vld [tilespmem:s15+$0x200]  }
0x96: {  	v16 =	vld [tilespmem:s15+$0x4180];
	v7 =	vadd.f32 v7, v11  }
0x97: {  	v3 =	vadd.f32 v3, v10;
	v10 =	vld [tilespmem:s15+$0x4200];
	v5 =	vadd.f32 v5, v13  }
0x98: {  	[tilespmem:s15+$0xC480] =	vst v9;
	v7 =	vadd.f32 v14, v7  }
0x99: {  	v6 =	vadd.f32 v6, v15;
	v2 =	vadd.f32 v2, v5;
	[tilespmem:s15+$0xC400] =	vst v8  }
0x9a: {  	[tilespmem:s15+$0xC200] =	vst v3;
	v3 =	vadd.f32 v4, v12  }
0x9b: {  	v4 =	vadd.f32 v16, v6;
	[tilespmem:s15+$0xC380] =	vst v2  }
0x9c: {  	v2 =	vadd.f32 v10, v3;
	[tilespmem:s15+$0xC500] =	vst v7  }
0x9d: {  	[tilespmem:s15+$0xC280] =	vst v4  }
0x9e: {  	s22 =	sor.u32 $0x380, s16;
	s16 =	smov.u32 s21;
	[tilespmem:s15+$0xC300] =	vst v2  }
0x9f: {  	v2 =	vld [tilespmem:s22+$0x100]  }
0xa0: {  	v3 =	vld [tilespmem:s22+$0x2100]  }
0xa1: {  	v4 =	vld [tilespmem:s22+$0x4100];
	_ =	sdelay $0x3  }
0xa2: {  	s15 =	sand.u32 $0x70, s19;
	s19 =	sand.u32 $0x1C00, s18;
	v2 =	vadd.f32 v3, v2  }
0xa3: {  	s15 =	sor.u32 s15, s19  }
0xa4: {  	v2 =	vadd.f32 v4, v2;
	_ =	sdelay $0x1  }
0xa5: {  	[tilespmem:s22+$0xC200] =	vst v2  }
0xa6: {  	v2 =	vld [tilespmem:s15+$0x4280]  }
0xa7: {  	v8 =	vld [tilespmem:s15+$0x4380]  }
0xa8: {  	v14 =	vld [tilespmem:s15+$0x4300]  }
0xa9: {  	v3 =	vld [tilespmem:s15+$0x4100]  }
0xaa: {  	v9 =	vld [tilespmem:s15+$0x2380]  }
0xab: {  	v5 =	vld [tilespmem:s15+$0x2280]  }
0xac: {  	v10 =	vld [tilespmem:s15+$0x380]  }
0xad: {  	v11 =	vld [tilespmem:s15+$0x300]  }
0xae: {  	v13 =	vld [tilespmem:s15+$0x2300]  }
0xaf: {  	v7 =	vld [tilespmem:s15+$0x2400]  }
0xb0: {  	v4 =	vld [tilespmem:s15+$0x2200]  }
.Ltmp0:
0xb1: {  	v6 =	vld [tilespmem:s15+$0x2180];
	v9 =	vadd.f32 v9, v10;
	(pc) =	sbr.rel @p0 .LBB2_2-.Ltmp0, $4  }
0xb2: {  	v10 =	vld [tilespmem:s15+$0x2100]  }
0xb3: {  	v12 =	vld [tilespmem:s15+$0x100];
	v15 =	vadd.f32 v13, v11;
	v9 =	vadd.f32 v8, v9  }
0xb4: {  	v11 =	vld [tilespmem:s15+$0x400]  }
0xb5: {  	v13 =	vld [tilespmem:s15+$0x280];
	v8 =	vadd.f32 v14, v15  }
0xb6: {  	v14 =	vld [tilespmem:s15+$0x4400]  }
0xb7: {  	v15 =	vld [tilespmem:s15+$0x180]  }
0xb8: {  	v16 =	vld [tilespmem:s15+$0x200]  }
0xb9: {  	v10 =	vadd.f32 v10, v12;
	v12 =	vld [tilespmem:s15+$0x4180]  }
0xba: {  	v5 =	vadd.f32 v5, v13;
	v13 =	vld [tilespmem:s15+$0x4200]  }
0xbb: {  	[tilespmem:s15+$0xC480] =	vst v9;
	v7 =	vadd.f32 v7, v11;
	v3 =	vadd.f32 v3, v10  }
0xbc: {  	[tilespmem:s15+$0xC400] =	vst v8;
	v6 =	vadd.f32 v6, v15;
	v2 =	vadd.f32 v2, v5  }
0xbd: {  	v5 =	vadd.f32 v14, v7;
	[tilespmem:s15+$0xC200] =	vst v3;
	v3 =	vadd.f32 v4, v16  }
0xbe: {  	v4 =	vadd.f32 v12, v6;
	[tilespmem:s15+$0xC380] =	vst v2  }
0xbf: {  	[tilespmem:s15+$0xC500] =	vst v5;
	v2 =	vadd.f32 v13, v3  }
0xc0: {  	[tilespmem:s15+$0xC280] =	vst v4  }
0xc1: {  	s16 =	sor.u32 $0x380, s16;
	[tilespmem:s15+$0xC300] =	vst v2  }
0xc2: {  	v2 =	vld [tilespmem:s16+$0x100]  }
0xc3: {  	v3 =	vld [tilespmem:s16+$0x2100];
	_ =	sdelay $0x1  }
0xc4: {  	v4 =	vld [tilespmem:s16+$0x4100];
	_ =	sdelay $0x2  }
0xc5: {  	v2 =	vadd.f32 v3, v2;
	_ =	sdelay $0x1  }
0xc6: {  	v2 =	vadd.f32 v4, v2;
	_ =	sdelay $0x1  }
0xc7: {  	s17 =	rddreg [dreg:$0x7];
	s15 =	simm.s32 $0x0;
	[tilespmem:s16+$0xC200] =	vst v2  }
0xc8: {  	[hbm4b:s17+s15] =	stream.linear.scatter [tilespmem:s2], [sflag:$0x7], $0x2000, $0x38;
	[tilespmem:$0xE200] =	vst v63  }
0xc9: {  	_ =	swait.ge [sflag:s10], $0x2000  }
0xca: {  	[sflag:s10] =	ssyncset.done $0x0  }
0xcb: {  	s18 =	rddreg [dreg:$0x8];
	[sflag:s10] =	ssyncadd.s32 $0xFFFFE000  }
0xcc: {  	[tilespmem:s15], [sflag:$0x7] =	stream.linear.gather [hbm4b:s18+s15], $0x8, $0x38;
	[tilespmem:$0xE200] =	vst v63  }
0xcd: {  	_ =	swait.ge [sflag:s10], $0x8  }
0xce: {  	[sflag:s10] =	ssyncset.done $0x0  }
0xcf: {  	s17 =	simm.s32 $0x80;
	s19 =	rddreg [dreg:$0x1e];
	[sflag:s10] =	ssyncadd.s32 $0xFFFFFFF8  }
0xd0: {  	[tilespmem:s17], [sflag:$0x7] =	stream.linear.gather [hbm4b:s19+s15], $0x8, $0x38;
	[tilespmem:$0xE200] =	vst v63  }
0xd1: {  	_ =	swait.ge [sflag:s10], $0x8  }
0xd2: {  	[sflag:s10] =	ssyncset.done $0x0  }
0xd3: {  	[sflag:s10] =	ssyncadd.s32 $0xFFFFFFF8  }
0xd4: {  	v2 =	vld.msk [tilespmem:$0x0], $0xff;
	_ =	sdelay $0x4  }
0xd5: {  	v3 =	vshll.u32 v2, $0x3  }
0xd6: {  	v2 =	vand.u32 $0x7, v2;
	v3 =	vand.u32 $0xFFFFFFC0, v3  }
0xd7: {  	v2 =	vor.u32 v2, v3  }
0xd8: {  	v2 =	vperm.xlane v2, v0;
	_ =	sdelay $0x1  }
0xd9: {  	v2 =	vadd.s32 v1, v2;
	_ =	sdelay $0x3  }
0xda: {  	s21 =	simm.s32 $0x100  }
0xdb: {  	[tilespmem:s21], [sflag:$0x1] =	stream.indirect_vreg.gather [hbm4b:s28+s15], $0x80, v2, vm0, $0xb8;
	[tilespmem:$0xE200] =	vst v63  }
0xdc: {  	s22 =	simm.s32 $0x900  }
0xdd: {  	[tilespmem:s22], [sflag:$0x1] =	stream.indirect_vreg.gather [hbm4b:s29+s15], $0x80, v2, vm0, $0xb8;
	[tilespmem:$0xE200] =	vst v63  }
0xde: {  	s17 =	simm.s32 $0x1100  }
0xdf: {  	[tilespmem:s17], [sflag:$0x1] =	stream.indirect_vreg.gather [hbm4b:s30+s15], $0x80, v2, vm0, $0xb8;
	[tilespmem:$0xE200] =	vst v63  }
0xe0: {  	s18 =	simm.s32 $0x1900  }
0xe1: {  	[tilespmem:s18], [sflag:$0x1] =	stream.indirect_vreg.gather [hbm4b:s31+s15], $0x80, v2, vm0, $0xb8;
	[tilespmem:$0xE200] =	vst v63  }
0xe2: {  	v2 =	vld.msk [tilespmem:$0x80], $0xff;
	_ =	sdelay $0x4  }
0xe3: {  	v3 =	vshll.u32 v2, $0x3  }
0xe4: {  	v2 =	vand.u32 $0x7, v2;
	v3 =	vand.u32 $0xFFFFFFC0, v3  }
0xe5: {  	v2 =	vor.u32 v2, v3  }
0xe6: {  	v2 =	vperm.xlane v2, v0;
	_ =	sdelay $0x1  }
0xe7: {  	v2 =	vadd.s32 v1, v2;
	_ =	sdelay $0x3  }
0xe8: {  	s19 =	simm.s32 $0x2100  }
0xe9: {  	[tilespmem:s19], [sflag:$0x2] =	stream.indirect_vreg.gather [hbm4b:s28+s15], $0x80, v2, vm0, $0xb8;
	[tilespmem:$0xE200] =	vst v63  }
0xea: {  	s21 =	simm.s32 $0x2900  }
0xeb: {  	[tilespmem:s21], [sflag:$0x2] =	stream.indirect_vreg.gather [hbm4b:s29+s15], $0x80, v2, vm0, $0xb8;
	[tilespmem:$0xE200] =	vst v63  }
0xec: {  	s22 =	simm.s32 $0x3100  }
0xed: {  	[tilespmem:s22], [sflag:$0x2] =	stream.indirect_vreg.gather [hbm4b:s30+s15], $0x80, v2, vm0, $0xb8;
	[tilespmem:$0xE200] =	vst v63  }
0xee: {  	s17 =	simm.s32 $0x3900  }
0xef: {  	[tilespmem:s17], [sflag:$0x2] =	stream.indirect_vreg.gather [hbm4b:s31+s15], $0x80, v2, vm0, $0xb8;
	[tilespmem:$0xE200] =	vst v63  }
0xf0: {  	s18 =	rddreg [dreg:$0x9];
	s19 =	simm.s32 $0x4100  }
0xf1: {  	[tilespmem:s19], [sflag:$0x3] =	stream.linear.gather [hbm4b:s18+s15], $0x2000, $0x38;
	[tilespmem:$0xE200] =	vst v63  }
0xf2: {  	_ =	swait.ge [sflag:s11], $0x2000  }
0xf3: {  	[sflag:s11] =	ssyncset.done $0x0  }
0xf4: {  	[sflag:s11] =	ssyncadd.s32 $0xFFFFE000  }
0xf5: {  	_ =	swait.ge [sflag:s12], $0x2000  }
0xf6: {  	[sflag:s12] =	ssyncset.done $0x0  }
0xf7: {  	[sflag:s12] =	ssyncadd.s32 $0xFFFFE000  }
0xf8: {  	_ =	swait.ge [sflag:s13], $0x2000  }
0xf9: {  	s21 =	sand.u32 $0x70, s15;
	s22 =	sand.u32 $0x1C00, s15;
	[sflag:s13] =	ssyncset.done $0x0  }
0xfa: {  	s16 =	sor.u32 s21, s22;
	[sflag:s13] =	ssyncadd.s32 $0xFFFFE000  }
0xfb: {  	v2 =	vld [tilespmem:s16+$0xA380]  }
0xfc: {  	v8 =	vld [tilespmem:s16+$0xA480]  }
0xfd: {  	v14 =	vld [tilespmem:s16+$0xA400]  }
0xfe: {  	v3 =	vld [tilespmem:s16+$0xA200]  }
0xff: {  	v9 =	vld [tilespmem:s16+$0x8480]  }
0x100: {  	v5 =	vld [tilespmem:s16+$0x8380]  }
0x101: {  	v11 =	vld [tilespmem:s16+$0x6480]  }
0x102: {  	v13 =	vld [tilespmem:s16+$0x6400]  }
0x103: {  	v15 =	vld [tilespmem:s16+$0x8400]  }
0x104: {  	v7 =	vld [tilespmem:s16+$0x8500]  }
0x105: {  	v4 =	vld [tilespmem:s16+$0x8300]  }
0x106: {  	v6 =	vld [tilespmem:s16+$0x8280]  }
0x107: {  	v10 =	vld [tilespmem:s16+$0x8200]  }
0x108: {  	v12 =	vld [tilespmem:s16+$0x6200];
	v9 =	vadd.f32 v9, v11;
	v15 =	vadd.f32 v15, v13  }
0x109: {  	v11 =	vld [tilespmem:s16+$0x6500]  }
0x10a: {  	s17 =	sor.u32 s15, s15;
	s18 =	simm.s32 $0x10;
	v13 =	vld [tilespmem:s16+$0x6380];
	v9 =	vadd.f32 v8, v9;
	v8 =	vadd.f32 v14, v15  }
.LBB2_4:
0x10b: {  	p0 =	sne.s32 s18, $0x3F0  }
0x10c: {  	v14 =	vld [tilespmem:s16+$0xA500];
	s15 =	sadd.s32 $0x80, s15;
	s19 =	smov.u32 s18;
	s18 =	sadd.s32 $0x10, s18  }
0x10d: {  	s21 =	sor.u32 s15, s19;
	v15 =	vld [tilespmem:s16+$0x6280]  }
0x10e: {  	v10 =	vadd.f32 v10, v12;
	v12 =	vld [tilespmem:s16+$0x6300]  }
0x10f: {  	v16 =	vld [tilespmem:s16+$0xA280];
	v7 =	vadd.f32 v7, v11  }
0x110: {  	v3 =	vadd.f32 v3, v10;
	v10 =	vld [tilespmem:s16+$0xA300];
	v5 =	vadd.f32 v5, v13  }
0x111: {  	[tilespmem:s16+$0xC480] =	vst v9;
	v7 =	vadd.f32 v14, v7  }
0x112: {  	v6 =	vadd.f32 v6, v15;
	v2 =	vadd.f32 v2, v5;
	[tilespmem:s16+$0xC400] =	vst v8  }
0x113: {  	[tilespmem:s16+$0xC200] =	vst v3;
	v3 =	vadd.f32 v4, v12  }
0x114: {  	v4 =	vadd.f32 v16, v6;
	[tilespmem:s16+$0xC380] =	vst v2  }
0x115: {  	v2 =	vadd.f32 v10, v3;
	[tilespmem:s16+$0xC500] =	vst v7  }
0x116: {  	[tilespmem:s16+$0xC280] =	vst v4  }
0x117: {  	s22 =	sor.u32 $0x380, s17;
	s17 =	smov.u32 s21;
	[tilespmem:s16+$0xC300] =	vst v2  }
0x118: {  	v2 =	vld [tilespmem:s22+$0x6200]  }
0x119: {  	v3 =	vld [tilespmem:s22+$0x8200]  }
0x11a: {  	v4 =	vld [tilespmem:s22+$0xA200];
	_ =	sdelay $0x3  }
0x11b: {  	s16 =	sand.u32 $0x70, s19;
	s19 =	sand.u32 $0x1C00, s15;
	v2 =	vadd.f32 v3, v2  }
0x11c: {  	s16 =	sor.u32 s16, s19  }
0x11d: {  	v2 =	vadd.f32 v4, v2;
	_ =	sdelay $0x1  }
0x11e: {  	[tilespmem:s22+$0xC200] =	vst v2  }
0x11f: {  	v2 =	vld [tilespmem:s16+$0xA380]  }
0x120: {  	v8 =	vld [tilespmem:s16+$0xA480]  }
0x121: {  	v14 =	vld [tilespmem:s16+$0xA400]  }
0x122: {  	v3 =	vld [tilespmem:s16+$0xA200]  }
0x123: {  	v9 =	vld [tilespmem:s16+$0x8480]  }
0x124: {  	v5 =	vld [tilespmem:s16+$0x8380]  }
0x125: {  	v10 =	vld [tilespmem:s16+$0x6480]  }
0x126: {  	v11 =	vld [tilespmem:s16+$0x6400]  }
0x127: {  	v13 =	vld [tilespmem:s16+$0x8400]  }
0x128: {  	v7 =	vld [tilespmem:s16+$0x8500]  }
0x129: {  	v4 =	vld [tilespmem:s16+$0x8300]  }
.Ltmp1:
0x12a: {  	v6 =	vld [tilespmem:s16+$0x8280];
	v9 =	vadd.f32 v9, v10;
	(pc) =	sbr.rel @p0 .LBB2_4-.Ltmp1, $4  }
0x12b: {  	v10 =	vld [tilespmem:s16+$0x8200]  }
0x12c: {  	v12 =	vld [tilespmem:s16+$0x6200];
	v15 =	vadd.f32 v13, v11;
	v9 =	vadd.f32 v8, v9  }
0x12d: {  	v11 =	vld [tilespmem:s16+$0x6500]  }
0x12e: {  	v13 =	vld [tilespmem:s16+$0x6380];
	v8 =	vadd.f32 v14, v15  }
0x12f: {  	v14 =	vld [tilespmem:s16+$0xA500]  }
0x130: {  	v15 =	vld [tilespmem:s16+$0x6280]  }
0x131: {  	v16 =	vld [tilespmem:s16+$0x6300]  }
0x132: {  	v10 =	vadd.f32 v10, v12;
	v12 =	vld [tilespmem:s16+$0xA280]  }
0x133: {  	v5 =	vadd.f32 v5, v13;
	v13 =	vld [tilespmem:s16+$0xA300]  }
0x134: {  	[tilespmem:s16+$0xC480] =	vst v9;
	v7 =	vadd.f32 v7, v11;
	v3 =	vadd.f32 v3, v10  }
0x135: {  	[tilespmem:s16+$0xC400] =	vst v8;
	v6 =	vadd.f32 v6, v15;
	v2 =	vadd.f32 v2, v5  }
0x136: {  	v5 =	vadd.f32 v14, v7;
	[tilespmem:s16+$0xC200] =	vst v3;
	v3 =	vadd.f32 v4, v16  }
0x137: {  	v4 =	vadd.f32 v12, v6;
	[tilespmem:s16+$0xC380] =	vst v2  }
0x138: {  	[tilespmem:s16+$0xC500] =	vst v5;
	v2 =	vadd.f32 v13, v3  }
0x139: {  	[tilespmem:s16+$0xC280] =	vst v4  }
0x13a: {  	s15 =	sor.u32 $0x380, s17;
	[tilespmem:s16+$0xC300] =	vst v2  }
0x13b: {  	v2 =	vld [tilespmem:s15+$0x6200]  }
0x13c: {  	v3 =	vld [tilespmem:s15+$0x8200];
	_ =	sdelay $0x1  }
0x13d: {  	v4 =	vld [tilespmem:s15+$0xA200];
	_ =	sdelay $0x2  }
0x13e: {  	v2 =	vadd.f32 v3, v2;
	_ =	sdelay $0x1  }
0x13f: {  	v2 =	vadd.f32 v4, v2;
	_ =	sdelay $0x1  }
0x140: {  	s19 =	rddreg [dreg:$0xa];
	[tilespmem:s15+$0xC200] =	vst v2;
	s15 =	simm.s32 $0x0  }
0x141: {  	[hbm4b:s19+s15] =	stream.linear.scatter [tilespmem:s2], [sflag:$0x7], $0x2000, $0x38;
	[tilespmem:$0xE200] =	vst v63  }
0x142: {  	_ =	swait.ge [sflag:s10], $0x2000  }
0x143: {  	[sflag:s10] =	ssyncset.done $0x0  }
0x144: {  	s22 =	simm.s32 $0x6100;
	s21 =	rddreg [dreg:$0xb];
	[sflag:s10] =	ssyncadd.s32 $0xFFFFE000  }
0x145: {  	[tilespmem:s22], [sflag:$0x7] =	stream.linear.gather [hbm4b:s21+s15], $0x8, $0x38;
	[tilespmem:$0xE200] =	vst v63  }
0x146: {  	_ =	swait.ge [sflag:s10], $0x8  }
0x147: {  	[sflag:s10] =	ssyncset.done $0x0  }
0x148: {  	s18 =	rddreg [dreg:$0x1f];
	[sflag:s10] =	ssyncadd.s32 $0xFFFFFFF8  }
0x149: {  	[tilespmem:s23], [sflag:$0x7] =	stream.linear.gather [hbm4b:s18+s15], $0x8, $0x38;
	[tilespmem:$0xE200] =	vst v63  }
0x14a: {  	_ =	swait.ge [sflag:s10], $0x8  }
0x14b: {  	[sflag:s10] =	ssyncset.done $0x0  }
0x14c: {  	[sflag:s10] =	ssyncadd.s32 $0xFFFFFFF8  }
0x14d: {  	v2 =	vld.msk [tilespmem:$0x6100], $0xff;
	_ =	sdelay $0x4  }
0x14e: {  	v3 =	vshll.u32 v2, $0x3  }
0x14f: {  	v2 =	vand.u32 $0x7, v2;
	v3 =	vand.u32 $0xFFFFFFC0, v3  }
0x150: {  	v2 =	vor.u32 v2, v3  }
0x151: {  	v2 =	vperm.xlane v2, v0;
	_ =	sdelay $0x1  }
0x152: {  	v2 =	vadd.s32 v1, v2;
	_ =	sdelay $0x4  }
0x153: {  	[tilespmem:s24], [sflag:$0x4] =	stream.indirect_vreg.gather [hbm4b:s28+s15], $0x80, v2, vm0, $0xb8;
	[tilespmem:$0xE200] =	vst v63  }
0x154: {  	_ = 	snop  }
0x155: {  	[tilespmem:s25], [sflag:$0x4] =	stream.indirect_vreg.gather [hbm4b:s29+s15], $0x80, v2, vm0, $0xb8;
	[tilespmem:$0xE200] =	vst v63  }
0x156: {  	_ = 	snop  }
0x157: {  	[tilespmem:s26], [sflag:$0x4] =	stream.indirect_vreg.gather [hbm4b:s30+s15], $0x80, v2, vm0, $0xb8;
	[tilespmem:$0xE200] =	vst v63  }
0x158: {  	_ = 	snop  }
0x159: {  	[tilespmem:s20], [sflag:$0x4] =	stream.indirect_vreg.gather [hbm4b:s31+s15], $0x80, v2, vm0, $0xb8;
	[tilespmem:$0xE200] =	vst v63  }
0x15a: {  	v2 =	vld.msk [tilespmem:$0x6180], $0xff;
	_ =	sdelay $0x4  }
0x15b: {  	v3 =	vshll.u32 v2, $0x3  }
0x15c: {  	v2 =	vand.u32 $0x7, v2;
	v3 =	vand.u32 $0xFFFFFFC0, v3  }
0x15d: {  	v2 =	vor.u32 v2, v3  }
0x15e: {  	v2 =	vperm.xlane v2, v0;
	_ =	sdelay $0x1  }
0x15f: {  	v2 =	vadd.s32 v1, v2;
	_ =	sdelay $0x4  }
0x160: {  	[tilespmem:s0], [sflag:$0x5] =	stream.indirect_vreg.gather [hbm4b:s28+s15], $0x80, v2, vm0, $0xb8;
	[tilespmem:$0xE200] =	vst v63  }
0x161: {  	_ = 	snop  }
0x162: {  	[tilespmem:s3], [sflag:$0x5] =	stream.indirect_vreg.gather [hbm4b:s29+s15], $0x80, v2, vm0, $0xb8;
	[tilespmem:$0xE200] =	vst v63  }
0x163: {  	_ = 	snop  }
0x164: {  	[tilespmem:s4], [sflag:$0x5] =	stream.indirect_vreg.gather [hbm4b:s30+s15], $0x80, v2, vm0, $0xb8;
	[tilespmem:$0xE200] =	vst v63  }
0x165: {  	_ = 	snop  }
0x166: {  	[tilespmem:s5], [sflag:$0x5] =	stream.indirect_vreg.gather [hbm4b:s31+s15], $0x80, v2, vm0, $0xb8;
	[tilespmem:$0xE200] =	vst v63  }
0x167: {  	s19 =	rddreg [dreg:$0x10]  }
0x168: {  	[tilespmem:s6], [sflag:$0x6] =	stream.linear.gather [hbm4b:s19+s15], $0x2000, $0x38;
	[tilespmem:$0xE200] =	vst v63  }
0x169: {  	_ =	swait.ge [sflag:s7], $0x2000  }
0x16a: {  	[sflag:s7] =	ssyncset.done $0x0  }
0x16b: {  	[sflag:s7] =	ssyncadd.s32 $0xFFFFE000  }
0x16c: {  	_ =	swait.ge [sflag:s8], $0x2000  }
0x16d: {  	[sflag:s8] =	ssyncset.done $0x0  }
0x16e: {  	[sflag:s8] =	ssyncadd.s32 $0xFFFFE000  }
0x16f: {  	_ =	swait.ge [sflag:s9], $0x2000  }
0x170: {  	s21 =	sand.u32 $0x70, s15;
	s22 =	sand.u32 $0x1C00, s15;
	[sflag:s9] =	ssyncset.done $0x0  }
0x171: {  	s16 =	sor.u32 s21, s22;
	[sflag:s9] =	ssyncadd.s32 $0xFFFFE000  }
0x172: {  	v2 =	vld [tilespmem:s16+$0x4280]  }
0x173: {  	v8 =	vld [tilespmem:s16+$0x4380]  }
0x174: {  	v14 =	vld [tilespmem:s16+$0x4300]  }
0x175: {  	v3 =	vld [tilespmem:s16+$0x4100]  }
0x176: {  	v9 =	vld [tilespmem:s16+$0x2380]  }
0x177: {  	v5 =	vld [tilespmem:s16+$0x2280]  }
0x178: {  	v11 =	vld [tilespmem:s16+$0x380]  }
0x179: {  	v13 =	vld [tilespmem:s16+$0x300]  }
0x17a: {  	v15 =	vld [tilespmem:s16+$0x2300]  }
0x17b: {  	v7 =	vld [tilespmem:s16+$0x2400]  }
0x17c: {  	v4 =	vld [tilespmem:s16+$0x2200]  }
0x17d: {  	v6 =	vld [tilespmem:s16+$0x2180]  }
0x17e: {  	v10 =	vld [tilespmem:s16+$0x2100]  }
0x17f: {  	v12 =	vld [tilespmem:s16+$0x100];
	v9 =	vadd.f32 v9, v11;
	v15 =	vadd.f32 v15, v13  }
0x180: {  	v11 =	vld [tilespmem:s16+$0x400]  }
0x181: {  	s17 =	sor.u32 s15, s15;
	s18 =	simm.s32 $0x10;
	v13 =	vld [tilespmem:s16+$0x280];
	v9 =	vadd.f32 v8, v9;
	v8 =	vadd.f32 v14, v15  }
.LBB2_6:
0x182: {  	p0 =	sne.s32 s18, $0x3F0  }
0x183: {  	v14 =	vld [tilespmem:s16+$0x4400];
	s15 =	sadd.s32 $0x80, s15;
	s19 =	smov.u32 s18;
	s18 =	sadd.s32 $0x10, s18  }
0x184: {  	s21 =	sor.u32 s15, s19;
	v15 =	vld [tilespmem:s16+$0x180]  }
0x185: {  	v10 =	vadd.f32 v10, v12;
	v12 =	vld [tilespmem:s16+$0x200]  }
0x186: {  	v16 =	vld [tilespmem:s16+$0x4180];
	v7 =	vadd.f32 v7, v11  }
0x187: {  	v3 =	vadd.f32 v3, v10;
	v10 =	vld [tilespmem:s16+$0x4200];
	v5 =	vadd.f32 v5, v13  }
0x188: {  	[tilespmem:s16+$0xC480] =	vst v9;
	v7 =	vadd.f32 v14, v7  }
0x189: {  	v6 =	vadd.f32 v6, v15;
	v2 =	vadd.f32 v2, v5;
	[tilespmem:s16+$0xC400] =	vst v8  }
0x18a: {  	[tilespmem:s16+$0xC200] =	vst v3;
	v3 =	vadd.f32 v4, v12  }
0x18b: {  	v4 =	vadd.f32 v16, v6;
	[tilespmem:s16+$0xC380] =	vst v2  }
0x18c: {  	v2 =	vadd.f32 v10, v3;
	[tilespmem:s16+$0xC500] =	vst v7  }
0x18d: {  	[tilespmem:s16+$0xC280] =	vst v4  }
0x18e: {  	s22 =	sor.u32 $0x380, s17;
	s17 =	smov.u32 s21;
	[tilespmem:s16+$0xC300] =	vst v2  }
0x18f: {  	v2 =	vld [tilespmem:s22+$0x100]  }
0x190: {  	v3 =	vld [tilespmem:s22+$0x2100]  }
0x191: {  	v4 =	vld [tilespmem:s22+$0x4100];
	_ =	sdelay $0x3  }
0x192: {  	s16 =	sand.u32 $0x70, s19;
	s19 =	sand.u32 $0x1C00, s15;
	v2 =	vadd.f32 v3, v2  }
0x193: {  	s16 =	sor.u32 s16, s19  }
0x194: {  	v2 =	vadd.f32 v4, v2;
	_ =	sdelay $0x1  }
0x195: {  	[tilespmem:s22+$0xC200] =	vst v2  }
0x196: {  	v2 =	vld [tilespmem:s16+$0x4280]  }
0x197: {  	v8 =	vld [tilespmem:s16+$0x4380]  }
0x198: {  	v14 =	vld [tilespmem:s16+$0x4300]  }
0x199: {  	v3 =	vld [tilespmem:s16+$0x4100]  }
0x19a: {  	v9 =	vld [tilespmem:s16+$0x2380]  }
0x19b: {  	v5 =	vld [tilespmem:s16+$0x2280]  }
0x19c: {  	v10 =	vld [tilespmem:s16+$0x380]  }
0x19d: {  	v11 =	vld [tilespmem:s16+$0x300]  }
0x19e: {  	v13 =	vld [tilespmem:s16+$0x2300]  }
0x19f: {  	v7 =	vld [tilespmem:s16+$0x2400]  }
0x1a0: {  	v4 =	vld [tilespmem:s16+$0x2200]  }
.Ltmp2:
0x1a1: {  	v6 =	vld [tilespmem:s16+$0x2180];
	v9 =	vadd.f32 v9, v10;
	(pc) =	sbr.rel @p0 .LBB2_6-.Ltmp2, $4  }
0x1a2: {  	v10 =	vld [tilespmem:s16+$0x2100]  }
0x1a3: {  	v12 =	vld [tilespmem:s16+$0x100];
	v15 =	vadd.f32 v13, v11;
	v9 =	vadd.f32 v8, v9  }
0x1a4: {  	v11 =	vld [tilespmem:s16+$0x400]  }
0x1a5: {  	v13 =	vld [tilespmem:s16+$0x280];
	v8 =	vadd.f32 v14, v15  }
0x1a6: {  	v14 =	vld [tilespmem:s16+$0x4400]  }
0x1a7: {  	v15 =	vld [tilespmem:s16+$0x180]  }
0x1a8: {  	v16 =	vld [tilespmem:s16+$0x200]  }
0x1a9: {  	v10 =	vadd.f32 v10, v12;
	v12 =	vld [tilespmem:s16+$0x4180]  }
0x1aa: {  	v5 =	vadd.f32 v5, v13;
	v13 =	vld [tilespmem:s16+$0x4200]  }
0x1ab: {  	[tilespmem:s16+$0xC480] =	vst v9;
	v7 =	vadd.f32 v7, v11;
	v3 =	vadd.f32 v3, v10  }
0x1ac: {  	[tilespmem:s16+$0xC400] =	vst v8;
	v6 =	vadd.f32 v6, v15;
	v2 =	vadd.f32 v2, v5  }
0x1ad: {  	v5 =	vadd.f32 v14, v7;
	[tilespmem:s16+$0xC200] =	vst v3;
	v3 =	vadd.f32 v4, v16  }
0x1ae: {  	v4 =	vadd.f32 v12, v6;
	[tilespmem:s16+$0xC380] =	vst v2  }
0x1af: {  	[tilespmem:s16+$0xC500] =	vst v5;
	v2 =	vadd.f32 v13, v3  }
0x1b0: {  	[tilespmem:s16+$0xC280] =	vst v4  }
0x1b1: {  	s15 =	sor.u32 $0x380, s17;
	[tilespmem:s16+$0xC300] =	vst v2  }
0x1b2: {  	v2 =	vld [tilespmem:s15+$0x100]  }
0x1b3: {  	v3 =	vld [tilespmem:s15+$0x2100];
	_ =	sdelay $0x1  }
0x1b4: {  	v4 =	vld [tilespmem:s15+$0x4100];
	_ =	sdelay $0x2  }
0x1b5: {  	v2 =	vadd.f32 v3, v2;
	_ =	sdelay $0x1  }
0x1b6: {  	v2 =	vadd.f32 v4, v2;
	_ =	sdelay $0x1  }
0x1b7: {  	s22 =	rddreg [dreg:$0x11];
	[tilespmem:s15+$0xC200] =	vst v2;
	s15 =	simm.s32 $0x0  }
0x1b8: {  	[hbm4b:s22+s15] =	stream.linear.scatter [tilespmem:s2], [sflag:$0x7], $0x2000, $0x38;
	[tilespmem:$0xE200] =	vst v63  }
0x1b9: {  	_ =	swait.ge [sflag:s10], $0x2000  }
0x1ba: {  	[sflag:s10] =	ssyncset.done $0x0  }
0x1bb: {  	s17 =	rddreg [dreg:$0xc];
	[sflag:s10] =	ssyncadd.s32 $0xFFFFE000  }
0x1bc: {  	[tilespmem:s15], [sflag:$0x7] =	stream.linear.gather [hbm4b:s17+s15], $0x8, $0x38;
	[tilespmem:$0xE200] =	vst v63  }
0x1bd: {  	_ =	swait.ge [sflag:s10], $0x8  }
0x1be: {  	s18 =	sld [smem:$0x7FA]  }
0x1bf: {  	[sflag:s10] =	ssyncset.done $0x0  }
0x1c0: {  	s19 =	simm.s32 $0x80;
	[sflag:s10] =	ssyncadd.s32 $0xFFFFFFF8  }
0x1c1: {  	[tilespmem:s19], [sflag:$0x7] =	stream.linear.gather [hbm4b:s18+s15], $0x8, $0x38;
	[tilespmem:$0xE200] =	vst v63  }
0x1c2: {  	_ =	swait.ge [sflag:s10], $0x8  }
0x1c3: {  	[sflag:s10] =	ssyncset.done $0x0  }
0x1c4: {  	[sflag:s10] =	ssyncadd.s32 $0xFFFFFFF8  }
0x1c5: {  	v2 =	vld.msk [tilespmem:$0x0], $0xff;
	_ =	sdelay $0x4  }
0x1c6: {  	v3 =	vshll.u32 v2, $0x3  }
0x1c7: {  	v2 =	vand.u32 $0x7, v2;
	v3 =	vand.u32 $0xFFFFFFC0, v3  }
0x1c8: {  	v2 =	vor.u32 v2, v3  }
0x1c9: {  	v2 =	vperm.xlane v2, v0;
	_ =	sdelay $0x1  }
0x1ca: {  	v2 =	vadd.s32 v1, v2;
	_ =	sdelay $0x3  }
0x1cb: {  	s21 =	simm.s32 $0x100  }
0x1cc: {  	[tilespmem:s21], [sflag:$0x1] =	stream.indirect_vreg.gather [hbm4b:s28+s15], $0x80, v2, vm0, $0xb8;
	[tilespmem:$0xE200] =	vst v63  }
0x1cd: {  	s22 =	simm.s32 $0x900  }
0x1ce: {  	[tilespmem:s22], [sflag:$0x1] =	stream.indirect_vreg.gather [hbm4b:s29+s15], $0x80, v2, vm0, $0xb8;
	[tilespmem:$0xE200] =	vst v63  }
0x1cf: {  	s17 =	simm.s32 $0x1100  }
0x1d0: {  	[tilespmem:s17], [sflag:$0x1] =	stream.indirect_vreg.gather [hbm4b:s30+s15], $0x80, v2, vm0, $0xb8;
	[tilespmem:$0xE200] =	vst v63  }
0x1d1: {  	s18 =	simm.s32 $0x1900  }
0x1d2: {  	[tilespmem:s18], [sflag:$0x1] =	stream.indirect_vreg.gather [hbm4b:s31+s15], $0x80, v2, vm0, $0xb8;
	[tilespmem:$0xE200] =	vst v63  }
0x1d3: {  	v2 =	vld.msk [tilespmem:$0x80], $0xff;
	_ =	sdelay $0x4  }
0x1d4: {  	v3 =	vshll.u32 v2, $0x3  }
0x1d5: {  	v2 =	vand.u32 $0x7, v2;
	v3 =	vand.u32 $0xFFFFFFC0, v3  }
0x1d6: {  	v2 =	vor.u32 v2, v3  }
0x1d7: {  	v2 =	vperm.xlane v2, v0;
	_ =	sdelay $0x1  }
0x1d8: {  	v2 =	vadd.s32 v1, v2;
	_ =	sdelay $0x3  }
0x1d9: {  	s19 =	simm.s32 $0x2100  }
0x1da: {  	[tilespmem:s19], [sflag:$0x2] =	stream.indirect_vreg.gather [hbm4b:s28+s15], $0x80, v2, vm0, $0xb8;
	[tilespmem:$0xE200] =	vst v63  }
0x1db: {  	s21 =	simm.s32 $0x2900  }
0x1dc: {  	[tilespmem:s21], [sflag:$0x2] =	stream.indirect_vreg.gather [hbm4b:s29+s15], $0x80, v2, vm0, $0xb8;
	[tilespmem:$0xE200] =	vst v63  }
0x1dd: {  	s22 =	simm.s32 $0x3100  }
0x1de: {  	[tilespmem:s22], [sflag:$0x2] =	stream.indirect_vreg.gather [hbm4b:s30+s15], $0x80, v2, vm0, $0xb8;
	[tilespmem:$0xE200] =	vst v63  }
0x1df: {  	s17 =	simm.s32 $0x3900  }
0x1e0: {  	[tilespmem:s17], [sflag:$0x2] =	stream.indirect_vreg.gather [hbm4b:s31+s15], $0x80, v2, vm0, $0xb8;
	[tilespmem:$0xE200] =	vst v63  }
0x1e1: {  	s18 =	rddreg [dreg:$0x13];
	s19 =	simm.s32 $0x4100  }
0x1e2: {  	[tilespmem:s19], [sflag:$0x3] =	stream.linear.gather [hbm4b:s18+s15], $0x2000, $0x38;
	[tilespmem:$0xE200] =	vst v63  }
0x1e3: {  	_ =	swait.ge [sflag:s11], $0x2000  }
0x1e4: {  	[sflag:s11] =	ssyncset.done $0x0  }
0x1e5: {  	[sflag:s11] =	ssyncadd.s32 $0xFFFFE000  }
0x1e6: {  	_ =	swait.ge [sflag:s12], $0x2000  }
0x1e7: {  	[sflag:s12] =	ssyncset.done $0x0  }
0x1e8: {  	[sflag:s12] =	ssyncadd.s32 $0xFFFFE000  }
0x1e9: {  	_ =	swait.ge [sflag:s13], $0x2000  }
0x1ea: {  	s21 =	sand.u32 $0x70, s15;
	s22 =	sand.u32 $0x1C00, s15;
	[sflag:s13] =	ssyncset.done $0x0  }
0x1eb: {  	s16 =	sor.u32 s21, s22;
	[sflag:s13] =	ssyncadd.s32 $0xFFFFE000  }
0x1ec: {  	v2 =	vld [tilespmem:s16+$0xA380]  }
0x1ed: {  	v8 =	vld [tilespmem:s16+$0xA480]  }
0x1ee: {  	v14 =	vld [tilespmem:s16+$0xA400]  }
0x1ef: {  	v3 =	vld [tilespmem:s16+$0xA200]  }
0x1f0: {  	v9 =	vld [tilespmem:s16+$0x8480]  }
0x1f1: {  	v5 =	vld [tilespmem:s16+$0x8380]  }
0x1f2: {  	v11 =	vld [tilespmem:s16+$0x6480]  }
0x1f3: {  	v13 =	vld [tilespmem:s16+$0x6400]  }
0x1f4: {  	v15 =	vld [tilespmem:s16+$0x8400]  }
0x1f5: {  	v7 =	vld [tilespmem:s16+$0x8500]  }
0x1f6: {  	v4 =	vld [tilespmem:s16+$0x8300]  }
0x1f7: {  	v6 =	vld [tilespmem:s16+$0x8280]  }
0x1f8: {  	v10 =	vld [tilespmem:s16+$0x8200]  }
0x1f9: {  	v12 =	vld [tilespmem:s16+$0x6200];
	v9 =	vadd.f32 v9, v11;
	v15 =	vadd.f32 v15, v13  }
0x1fa: {  	v11 =	vld [tilespmem:s16+$0x6500]  }
0x1fb: {  	s17 =	sor.u32 s15, s15;
	s18 =	simm.s32 $0x10;
	v13 =	vld [tilespmem:s16+$0x6380];
	v9 =	vadd.f32 v8, v9;
	v8 =	vadd.f32 v14, v15  }
.LBB2_8:
0x1fc: {  	p0 =	sne.s32 s18, $0x3F0  }
0x1fd: {  	v14 =	vld [tilespmem:s16+$0xA500];
	s15 =	sadd.s32 $0x80, s15;
	s19 =	smov.u32 s18;
	s18 =	sadd.s32 $0x10, s18  }
0x1fe: {  	s21 =	sor.u32 s15, s19;
	v15 =	vld [tilespmem:s16+$0x6280]  }
0x1ff: {  	v10 =	vadd.f32 v10, v12;
	v12 =	vld [tilespmem:s16+$0x6300]  }
0x200: {  	v16 =	vld [tilespmem:s16+$0xA280];
	v7 =	vadd.f32 v7, v11  }
0x201: {  	v3 =	vadd.f32 v3, v10;
	v10 =	vld [tilespmem:s16+$0xA300];
	v5 =	vadd.f32 v5, v13  }
0x202: {  	[tilespmem:s16+$0xC480] =	vst v9;
	v7 =	vadd.f32 v14, v7  }
0x203: {  	v6 =	vadd.f32 v6, v15;
	v2 =	vadd.f32 v2, v5;
	[tilespmem:s16+$0xC400] =	vst v8  }
0x204: {  	[tilespmem:s16+$0xC200] =	vst v3;
	v3 =	vadd.f32 v4, v12  }
0x205: {  	v4 =	vadd.f32 v16, v6;
	[tilespmem:s16+$0xC380] =	vst v2  }
0x206: {  	v2 =	vadd.f32 v10, v3;
	[tilespmem:s16+$0xC500] =	vst v7  }
0x207: {  	[tilespmem:s16+$0xC280] =	vst v4  }
0x208: {  	s22 =	sor.u32 $0x380, s17;
	s17 =	smov.u32 s21;
	[tilespmem:s16+$0xC300] =	vst v2  }
0x209: {  	v2 =	vld [tilespmem:s22+$0x6200]  }
0x20a: {  	v3 =	vld [tilespmem:s22+$0x8200]  }
0x20b: {  	v4 =	vld [tilespmem:s22+$0xA200];
	_ =	sdelay $0x3  }
0x20c: {  	s16 =	sand.u32 $0x70, s19;
	s19 =	sand.u32 $0x1C00, s15;
	v2 =	vadd.f32 v3, v2  }
0x20d: {  	s16 =	sor.u32 s16, s19  }
0x20e: {  	v2 =	vadd.f32 v4, v2;
	_ =	sdelay $0x1  }
0x20f: {  	[tilespmem:s22+$0xC200] =	vst v2  }
0x210: {  	v2 =	vld [tilespmem:s16+$0xA380]  }
0x211: {  	v8 =	vld [tilespmem:s16+$0xA480]  }
0x212: {  	v14 =	vld [tilespmem:s16+$0xA400]  }
0x213: {  	v3 =	vld [tilespmem:s16+$0xA200]  }
0x214: {  	v9 =	vld [tilespmem:s16+$0x8480]  }
0x215: {  	v5 =	vld [tilespmem:s16+$0x8380]  }
0x216: {  	v10 =	vld [tilespmem:s16+$0x6480]  }
0x217: {  	v11 =	vld [tilespmem:s16+$0x6400]  }
0x218: {  	v13 =	vld [tilespmem:s16+$0x8400]  }
0x219: {  	v7 =	vld [tilespmem:s16+$0x8500]  }
0x21a: {  	v4 =	vld [tilespmem:s16+$0x8300]  }
.Ltmp3:
0x21b: {  	v6 =	vld [tilespmem:s16+$0x8280];
	v9 =	vadd.f32 v9, v10;
	(pc) =	sbr.rel @p0 .LBB2_8-.Ltmp3, $4  }
0x21c: {  	v10 =	vld [tilespmem:s16+$0x8200]  }
0x21d: {  	v12 =	vld [tilespmem:s16+$0x6200];
	v15 =	vadd.f32 v13, v11;
	v9 =	vadd.f32 v8, v9  }
0x21e: {  	v11 =	vld [tilespmem:s16+$0x6500]  }
0x21f: {  	v13 =	vld [tilespmem:s16+$0x6380];
	v8 =	vadd.f32 v14, v15  }
0x220: {  	v14 =	vld [tilespmem:s16+$0xA500]  }
0x221: {  	v15 =	vld [tilespmem:s16+$0x6280]  }
0x222: {  	v16 =	vld [tilespmem:s16+$0x6300]  }
0x223: {  	v10 =	vadd.f32 v10, v12;
	v12 =	vld [tilespmem:s16+$0xA280]  }
0x224: {  	v5 =	vadd.f32 v5, v13;
	v13 =	vld [tilespmem:s16+$0xA300]  }
0x225: {  	[tilespmem:s16+$0xC480] =	vst v9;
	v7 =	vadd.f32 v7, v11;
	v3 =	vadd.f32 v3, v10  }
0x226: {  	[tilespmem:s16+$0xC400] =	vst v8;
	v6 =	vadd.f32 v6, v15;
	v2 =	vadd.f32 v2, v5  }
0x227: {  	v5 =	vadd.f32 v14, v7;
	[tilespmem:s16+$0xC200] =	vst v3;
	v3 =	vadd.f32 v4, v16  }
0x228: {  	v4 =	vadd.f32 v12, v6;
	[tilespmem:s16+$0xC380] =	vst v2  }
0x229: {  	[tilespmem:s16+$0xC500] =	vst v5;
	v2 =	vadd.f32 v13, v3  }
0x22a: {  	[tilespmem:s16+$0xC280] =	vst v4  }
0x22b: {  	s15 =	sor.u32 $0x380, s17;
	[tilespmem:s16+$0xC300] =	vst v2  }
0x22c: {  	v2 =	vld [tilespmem:s15+$0x6200]  }
0x22d: {  	v3 =	vld [tilespmem:s15+$0x8200];
	_ =	sdelay $0x1  }
0x22e: {  	v4 =	vld [tilespmem:s15+$0xA200];
	_ =	sdelay $0x2  }
0x22f: {  	v2 =	vadd.f32 v3, v2;
	_ =	sdelay $0x1  }
0x230: {  	v2 =	vadd.f32 v4, v2;
	_ =	sdelay $0x1  }
0x231: {  	s19 =	rddreg [dreg:$0x12];
	[tilespmem:s15+$0xC200] =	vst v2;
	s15 =	simm.s32 $0x0  }
0x232: {  	[hbm4b:s19+s15] =	stream.linear.scatter [tilespmem:s2], [sflag:$0x7], $0x2000, $0x38;
	[tilespmem:$0xE200] =	vst v63  }
0x233: {  	_ =	swait.ge [sflag:s10], $0x2000  }
0x234: {  	[sflag:s10] =	ssyncset.done $0x0  }
0x235: {  	s22 =	simm.s32 $0x6100;
	s21 =	rddreg [dreg:$0xd];
	[sflag:s10] =	ssyncadd.s32 $0xFFFFE000  }
0x236: {  	[tilespmem:s22], [sflag:$0x7] =	stream.linear.gather [hbm4b:s21+s15], $0x8, $0x38;
	[tilespmem:$0xE200] =	vst v63  }
0x237: {  	_ =	swait.ge [sflag:s10], $0x8  }
0x238: {  	s18 =	sld [smem:$0x7FB]  }
0x239: {  	[sflag:s10] =	ssyncset.done $0x0  }
0x23a: {  	[sflag:s10] =	ssyncadd.s32 $0xFFFFFFF8  }
0x23b: {  	[tilespmem:s23], [sflag:$0x7] =	stream.linear.gather [hbm4b:s18+s15], $0x8, $0x38;
	[tilespmem:$0xE200] =	vst v63  }
0x23c: {  	_ =	swait.ge [sflag:s10], $0x8  }
0x23d: {  	[sflag:s10] =	ssyncset.done $0x0  }
0x23e: {  	[sflag:s10] =	ssyncadd.s32 $0xFFFFFFF8  }
0x23f: {  	v2 =	vld.msk [tilespmem:$0x6100], $0xff;
	_ =	sdelay $0x4  }
0x240: {  	v3 =	vshll.u32 v2, $0x3  }
0x241: {  	v2 =	vand.u32 $0x7, v2;
	v3 =	vand.u32 $0xFFFFFFC0, v3  }
0x242: {  	v2 =	vor.u32 v2, v3  }
0x243: {  	v2 =	vperm.xlane v2, v0;
	_ =	sdelay $0x1  }
0x244: {  	v2 =	vadd.s32 v1, v2;
	_ =	sdelay $0x4  }
0x245: {  	[tilespmem:s24], [sflag:$0x4] =	stream.indirect_vreg.gather [hbm4b:s28+s15], $0x80, v2, vm0, $0xb8;
	[tilespmem:$0xE200] =	vst v63  }
0x246: {  	_ = 	snop  }
0x247: {  	[tilespmem:s25], [sflag:$0x4] =	stream.indirect_vreg.gather [hbm4b:s29+s15], $0x80, v2, vm0, $0xb8;
	[tilespmem:$0xE200] =	vst v63  }
0x248: {  	_ = 	snop  }
0x249: {  	[tilespmem:s26], [sflag:$0x4] =	stream.indirect_vreg.gather [hbm4b:s30+s15], $0x80, v2, vm0, $0xb8;
	[tilespmem:$0xE200] =	vst v63  }
0x24a: {  	_ = 	snop  }
0x24b: {  	[tilespmem:s20], [sflag:$0x4] =	stream.indirect_vreg.gather [hbm4b:s31+s15], $0x80, v2, vm0, $0xb8;
	[tilespmem:$0xE200] =	vst v63  }
0x24c: {  	v2 =	vld.msk [tilespmem:$0x6180], $0xff;
	_ =	sdelay $0x4  }
0x24d: {  	v3 =	vshll.u32 v2, $0x3  }
0x24e: {  	v2 =	vand.u32 $0x7, v2;
	v3 =	vand.u32 $0xFFFFFFC0, v3  }
0x24f: {  	v2 =	vor.u32 v2, v3  }
0x250: {  	v2 =	vperm.xlane v2, v0;
	_ =	sdelay $0x1  }
0x251: {  	v2 =	vadd.s32 v1, v2;
	_ =	sdelay $0x4  }
0x252: {  	[tilespmem:s0], [sflag:$0x5] =	stream.indirect_vreg.gather [hbm4b:s28+s15], $0x80, v2, vm0, $0xb8;
	[tilespmem:$0xE200] =	vst v63  }
0x253: {  	_ = 	snop  }
0x254: {  	[tilespmem:s3], [sflag:$0x5] =	stream.indirect_vreg.gather [hbm4b:s29+s15], $0x80, v2, vm0, $0xb8;
	[tilespmem:$0xE200] =	vst v63  }
0x255: {  	_ = 	snop  }
0x256: {  	[tilespmem:s4], [sflag:$0x5] =	stream.indirect_vreg.gather [hbm4b:s30+s15], $0x80, v2, vm0, $0xb8;
	[tilespmem:$0xE200] =	vst v63  }
0x257: {  	_ = 	snop  }
0x258: {  	[tilespmem:s5], [sflag:$0x5] =	stream.indirect_vreg.gather [hbm4b:s31+s15], $0x80, v2, vm0, $0xb8;
	[tilespmem:$0xE200] =	vst v63  }
0x259: {  	s19 =	rddreg [dreg:$0x15]  }
0x25a: {  	[tilespmem:s6], [sflag:$0x6] =	stream.linear.gather [hbm4b:s19+s15], $0x2000, $0x38;
	[tilespmem:$0xE200] =	vst v63  }
0x25b: {  	_ =	swait.ge [sflag:s7], $0x2000  }
0x25c: {  	[sflag:s7] =	ssyncset.done $0x0  }
0x25d: {  	[sflag:s7] =	ssyncadd.s32 $0xFFFFE000  }
0x25e: {  	_ =	swait.ge [sflag:s8], $0x2000  }
0x25f: {  	[sflag:s8] =	ssyncset.done $0x0  }
0x260: {  	[sflag:s8] =	ssyncadd.s32 $0xFFFFE000  }
0x261: {  	_ =	swait.ge [sflag:s9], $0x2000  }
0x262: {  	s21 =	sand.u32 $0x70, s15;
	s22 =	sand.u32 $0x1C00, s15;
	[sflag:s9] =	ssyncset.done $0x0  }
0x263: {  	s16 =	sor.u32 s21, s22;
	[sflag:s9] =	ssyncadd.s32 $0xFFFFE000  }
0x264: {  	v2 =	vld [tilespmem:s16+$0x4280]  }
0x265: {  	v8 =	vld [tilespmem:s16+$0x4380]  }
0x266: {  	v14 =	vld [tilespmem:s16+$0x4300]  }
0x267: {  	v3 =	vld [tilespmem:s16+$0x4100]  }
0x268: {  	v9 =	vld [tilespmem:s16+$0x2380]  }
0x269: {  	v5 =	vld [tilespmem:s16+$0x2280]  }
0x26a: {  	v11 =	vld [tilespmem:s16+$0x380]  }
0x26b: {  	v13 =	vld [tilespmem:s16+$0x300]  }
0x26c: {  	v15 =	vld [tilespmem:s16+$0x2300]  }
0x26d: {  	v7 =	vld [tilespmem:s16+$0x2400]  }
0x26e: {  	v4 =	vld [tilespmem:s16+$0x2200]  }
0x26f: {  	v6 =	vld [tilespmem:s16+$0x2180]  }
0x270: {  	v10 =	vld [tilespmem:s16+$0x2100]  }
0x271: {  	v12 =	vld [tilespmem:s16+$0x100];
	v9 =	vadd.f32 v9, v11;
	v15 =	vadd.f32 v15, v13  }
0x272: {  	v11 =	vld [tilespmem:s16+$0x400]  }
0x273: {  	s17 =	sor.u32 s15, s15;
	s18 =	simm.s32 $0x10;
	v13 =	vld [tilespmem:s16+$0x280];
	v9 =	vadd.f32 v8, v9;
	v8 =	vadd.f32 v14, v15  }
.LBB2_10:
0x274: {  	p0 =	sne.s32 s18, $0x3F0  }
0x275: {  	v14 =	vld [tilespmem:s16+$0x4400];
	s15 =	sadd.s32 $0x80, s15;
	s19 =	smov.u32 s18;
	s18 =	sadd.s32 $0x10, s18  }
0x276: {  	s21 =	sor.u32 s15, s19;
	v15 =	vld [tilespmem:s16+$0x180]  }
0x277: {  	v10 =	vadd.f32 v10, v12;
	v12 =	vld [tilespmem:s16+$0x200]  }
0x278: {  	v16 =	vld [tilespmem:s16+$0x4180];
	v7 =	vadd.f32 v7, v11  }
0x279: {  	v3 =	vadd.f32 v3, v10;
	v10 =	vld [tilespmem:s16+$0x4200];
	v5 =	vadd.f32 v5, v13  }
0x27a: {  	[tilespmem:s16+$0xC480] =	vst v9;
	v7 =	vadd.f32 v14, v7  }
0x27b: {  	v6 =	vadd.f32 v6, v15;
	v2 =	vadd.f32 v2, v5;
	[tilespmem:s16+$0xC400] =	vst v8  }
0x27c: {  	[tilespmem:s16+$0xC200] =	vst v3;
	v3 =	vadd.f32 v4, v12  }
0x27d: {  	v4 =	vadd.f32 v16, v6;
	[tilespmem:s16+$0xC380] =	vst v2  }
0x27e: {  	v2 =	vadd.f32 v10, v3;
	[tilespmem:s16+$0xC500] =	vst v7  }
0x27f: {  	[tilespmem:s16+$0xC280] =	vst v4  }
0x280: {  	s22 =	sor.u32 $0x380, s17;
	s17 =	smov.u32 s21;
	[tilespmem:s16+$0xC300] =	vst v2  }
0x281: {  	v2 =	vld [tilespmem:s22+$0x100]  }
0x282: {  	v3 =	vld [tilespmem:s22+$0x2100]  }
0x283: {  	v4 =	vld [tilespmem:s22+$0x4100];
	_ =	sdelay $0x3  }
0x284: {  	s16 =	sand.u32 $0x70, s19;
	s19 =	sand.u32 $0x1C00, s15;
	v2 =	vadd.f32 v3, v2  }
0x285: {  	s16 =	sor.u32 s16, s19  }
0x286: {  	v2 =	vadd.f32 v4, v2;
	_ =	sdelay $0x1  }
0x287: {  	[tilespmem:s22+$0xC200] =	vst v2  }
0x288: {  	v2 =	vld [tilespmem:s16+$0x4280]  }
0x289: {  	v8 =	vld [tilespmem:s16+$0x4380]  }
0x28a: {  	v14 =	vld [tilespmem:s16+$0x4300]  }
0x28b: {  	v3 =	vld [tilespmem:s16+$0x4100]  }
0x28c: {  	v9 =	vld [tilespmem:s16+$0x2380]  }
0x28d: {  	v5 =	vld [tilespmem:s16+$0x2280]  }
0x28e: {  	v10 =	vld [tilespmem:s16+$0x380]  }
0x28f: {  	v11 =	vld [tilespmem:s16+$0x300]  }
0x290: {  	v13 =	vld [tilespmem:s16+$0x2300]  }
0x291: {  	v7 =	vld [tilespmem:s16+$0x2400]  }
0x292: {  	v4 =	vld [tilespmem:s16+$0x2200]  }
.Ltmp4:
0x293: {  	v6 =	vld [tilespmem:s16+$0x2180];
	v9 =	vadd.f32 v9, v10;
	(pc) =	sbr.rel @p0 .LBB2_10-.Ltmp4, $4  }
0x294: {  	v10 =	vld [tilespmem:s16+$0x2100]  }
0x295: {  	v12 =	vld [tilespmem:s16+$0x100];
	v15 =	vadd.f32 v13, v11;
	v9 =	vadd.f32 v8, v9  }
0x296: {  	v11 =	vld [tilespmem:s16+$0x400]  }
0x297: {  	v13 =	vld [tilespmem:s16+$0x280];
	v8 =	vadd.f32 v14, v15  }
0x298: {  	v14 =	vld [tilespmem:s16+$0x4400]  }
0x299: {  	v15 =	vld [tilespmem:s16+$0x180]  }
0x29a: {  	v16 =	vld [tilespmem:s16+$0x200]  }
0x29b: {  	v10 =	vadd.f32 v10, v12;
	v12 =	vld [tilespmem:s16+$0x4180]  }
0x29c: {  	v5 =	vadd.f32 v5, v13;
	v13 =	vld [tilespmem:s16+$0x4200]  }
0x29d: {  	[tilespmem:s16+$0xC480] =	vst v9;
	v7 =	vadd.f32 v7, v11;
	v3 =	vadd.f32 v3, v10  }
0x29e: {  	[tilespmem:s16+$0xC400] =	vst v8;
	v6 =	vadd.f32 v6, v15;
	v2 =	vadd.f32 v2, v5  }
0x29f: {  	v5 =	vadd.f32 v14, v7;
	[tilespmem:s16+$0xC200] =	vst v3;
	v3 =	vadd.f32 v4, v16  }
0x2a0: {  	v4 =	vadd.f32 v12, v6;
	[tilespmem:s16+$0xC380] =	vst v2  }
0x2a1: {  	[tilespmem:s16+$0xC500] =	vst v5;
	v2 =	vadd.f32 v13, v3  }
0x2a2: {  	[tilespmem:s16+$0xC280] =	vst v4  }
0x2a3: {  	s15 =	sor.u32 $0x380, s17;
	[tilespmem:s16+$0xC300] =	vst v2  }
0x2a4: {  	v2 =	vld [tilespmem:s15+$0x100]  }
0x2a5: {  	v3 =	vld [tilespmem:s15+$0x2100];
	_ =	sdelay $0x1  }
0x2a6: {  	v4 =	vld [tilespmem:s15+$0x4100];
	_ =	sdelay $0x2  }
0x2a7: {  	v2 =	vadd.f32 v3, v2;
	_ =	sdelay $0x1  }
0x2a8: {  	v2 =	vadd.f32 v4, v2;
	_ =	sdelay $0x1  }
0x2a9: {  	s22 =	rddreg [dreg:$0x14];
	[tilespmem:s15+$0xC200] =	vst v2;
	s15 =	simm.s32 $0x0  }
0x2aa: {  	[hbm4b:s22+s15] =	stream.linear.scatter [tilespmem:s2], [sflag:$0x7], $0x2000, $0x38;
	[tilespmem:$0xE200] =	vst v63  }
0x2ab: {  	_ =	swait.ge [sflag:s10], $0x2000  }
0x2ac: {  	[sflag:s10] =	ssyncset.done $0x0  }
0x2ad: {  	s17 =	rddreg [dreg:$0xe];
	[sflag:s10] =	ssyncadd.s32 $0xFFFFE000  }
0x2ae: {  	[tilespmem:s15], [sflag:$0x7] =	stream.linear.gather [hbm4b:s17+s15], $0x8, $0x38;
	[tilespmem:$0xE200] =	vst v63  }
0x2af: {  	_ =	swait.ge [sflag:s10], $0x8  }
0x2b0: {  	s18 =	sld [smem:$0x7FC]  }
0x2b1: {  	[sflag:s10] =	ssyncset.done $0x0  }
0x2b2: {  	s19 =	simm.s32 $0x80;
	[sflag:s10] =	ssyncadd.s32 $0xFFFFFFF8  }
0x2b3: {  	[tilespmem:s19], [sflag:$0x7] =	stream.linear.gather [hbm4b:s18+s15], $0x8, $0x38;
	[tilespmem:$0xE200] =	vst v63  }
0x2b4: {  	_ =	swait.ge [sflag:s10], $0x8  }
0x2b5: {  	[sflag:s10] =	ssyncset.done $0x0  }
0x2b6: {  	[sflag:s10] =	ssyncadd.s32 $0xFFFFFFF8  }
0x2b7: {  	v2 =	vld.msk [tilespmem:$0x0], $0xff;
	_ =	sdelay $0x4  }
0x2b8: {  	v3 =	vshll.u32 v2, $0x3  }
0x2b9: {  	v2 =	vand.u32 $0x7, v2;
	v3 =	vand.u32 $0xFFFFFFC0, v3  }
0x2ba: {  	v2 =	vor.u32 v2, v3  }
0x2bb: {  	v2 =	vperm.xlane v2, v0;
	_ =	sdelay $0x1  }
0x2bc: {  	v2 =	vadd.s32 v1, v2;
	_ =	sdelay $0x3  }
0x2bd: {  	s21 =	simm.s32 $0x100  }
0x2be: {  	[tilespmem:s21], [sflag:$0x1] =	stream.indirect_vreg.gather [hbm4b:s28+s15], $0x80, v2, vm0, $0xb8;
	[tilespmem:$0xE200] =	vst v63  }
0x2bf: {  	s22 =	simm.s32 $0x900  }
0x2c0: {  	[tilespmem:s22], [sflag:$0x1] =	stream.indirect_vreg.gather [hbm4b:s29+s15], $0x80, v2, vm0, $0xb8;
	[tilespmem:$0xE200] =	vst v63  }
0x2c1: {  	s17 =	simm.s32 $0x1100  }
0x2c2: {  	[tilespmem:s17], [sflag:$0x1] =	stream.indirect_vreg.gather [hbm4b:s30+s15], $0x80, v2, vm0, $0xb8;
	[tilespmem:$0xE200] =	vst v63  }
0x2c3: {  	s18 =	simm.s32 $0x1900  }
0x2c4: {  	[tilespmem:s18], [sflag:$0x1] =	stream.indirect_vreg.gather [hbm4b:s31+s15], $0x80, v2, vm0, $0xb8;
	[tilespmem:$0xE200] =	vst v63  }
0x2c5: {  	v2 =	vld.msk [tilespmem:$0x80], $0xff;
	_ =	sdelay $0x4  }
0x2c6: {  	v3 =	vshll.u32 v2, $0x3  }
0x2c7: {  	v2 =	vand.u32 $0x7, v2;
	v3 =	vand.u32 $0xFFFFFFC0, v3  }
0x2c8: {  	v2 =	vor.u32 v2, v3  }
0x2c9: {  	v2 =	vperm.xlane v2, v0;
	_ =	sdelay $0x1  }
0x2ca: {  	v2 =	vadd.s32 v1, v2;
	_ =	sdelay $0x3  }
0x2cb: {  	s19 =	simm.s32 $0x2100  }
0x2cc: {  	[tilespmem:s19], [sflag:$0x2] =	stream.indirect_vreg.gather [hbm4b:s28+s15], $0x80, v2, vm0, $0xb8;
	[tilespmem:$0xE200] =	vst v63  }
0x2cd: {  	s21 =	simm.s32 $0x2900  }
0x2ce: {  	[tilespmem:s21], [sflag:$0x2] =	stream.indirect_vreg.gather [hbm4b:s29+s15], $0x80, v2, vm0, $0xb8;
	[tilespmem:$0xE200] =	vst v63  }
0x2cf: {  	s22 =	simm.s32 $0x3100  }
0x2d0: {  	[tilespmem:s22], [sflag:$0x2] =	stream.indirect_vreg.gather [hbm4b:s30+s15], $0x80, v2, vm0, $0xb8;
	[tilespmem:$0xE200] =	vst v63  }
0x2d1: {  	s17 =	simm.s32 $0x3900  }
0x2d2: {  	[tilespmem:s17], [sflag:$0x2] =	stream.indirect_vreg.gather [hbm4b:s31+s15], $0x80, v2, vm0, $0xb8;
	[tilespmem:$0xE200] =	vst v63  }
0x2d3: {  	s18 =	rddreg [dreg:$0x17];
	s19 =	simm.s32 $0x4100  }
0x2d4: {  	[tilespmem:s19], [sflag:$0x3] =	stream.linear.gather [hbm4b:s18+s15], $0x2000, $0x38;
	[tilespmem:$0xE200] =	vst v63  }
0x2d5: {  	_ =	swait.ge [sflag:s11], $0x2000  }
0x2d6: {  	[sflag:s11] =	ssyncset.done $0x0  }
0x2d7: {  	[sflag:s11] =	ssyncadd.s32 $0xFFFFE000  }
0x2d8: {  	_ =	swait.ge [sflag:s12], $0x2000  }
0x2d9: {  	[sflag:s12] =	ssyncset.done $0x0  }
0x2da: {  	[sflag:s12] =	ssyncadd.s32 $0xFFFFE000  }
0x2db: {  	_ =	swait.ge [sflag:s13], $0x2000  }
0x2dc: {  	s21 =	sand.u32 $0x70, s15;
	s22 =	sand.u32 $0x1C00, s15;
	[sflag:s13] =	ssyncset.done $0x0  }
0x2dd: {  	s16 =	sor.u32 s21, s22;
	[sflag:s13] =	ssyncadd.s32 $0xFFFFE000  }
0x2de: {  	v2 =	vld [tilespmem:s16+$0xA380]  }
0x2df: {  	v8 =	vld [tilespmem:s16+$0xA480]  }
0x2e0: {  	v14 =	vld [tilespmem:s16+$0xA400]  }
0x2e1: {  	v3 =	vld [tilespmem:s16+$0xA200]  }
0x2e2: {  	v9 =	vld [tilespmem:s16+$0x8480]  }
0x2e3: {  	v5 =	vld [tilespmem:s16+$0x8380]  }
0x2e4: {  	v11 =	vld [tilespmem:s16+$0x6480]  }
0x2e5: {  	v13 =	vld [tilespmem:s16+$0x6400]  }
0x2e6: {  	v15 =	vld [tilespmem:s16+$0x8400]  }
0x2e7: {  	v7 =	vld [tilespmem:s16+$0x8500]  }
0x2e8: {  	v4 =	vld [tilespmem:s16+$0x8300]  }
0x2e9: {  	v6 =	vld [tilespmem:s16+$0x8280]  }
0x2ea: {  	v10 =	vld [tilespmem:s16+$0x8200]  }
0x2eb: {  	v12 =	vld [tilespmem:s16+$0x6200];
	v9 =	vadd.f32 v9, v11;
	v15 =	vadd.f32 v15, v13  }
0x2ec: {  	v11 =	vld [tilespmem:s16+$0x6500]  }
0x2ed: {  	s17 =	sor.u32 s15, s15;
	s18 =	simm.s32 $0x10;
	v13 =	vld [tilespmem:s16+$0x6380];
	v9 =	vadd.f32 v8, v9;
	v8 =	vadd.f32 v14, v15  }
.LBB2_12:
0x2ee: {  	p0 =	sne.s32 s18, $0x3F0  }
0x2ef: {  	v14 =	vld [tilespmem:s16+$0xA500];
	s15 =	sadd.s32 $0x80, s15;
	s19 =	smov.u32 s18;
	s18 =	sadd.s32 $0x10, s18  }
0x2f0: {  	s21 =	sor.u32 s15, s19;
	v15 =	vld [tilespmem:s16+$0x6280]  }
0x2f1: {  	v10 =	vadd.f32 v10, v12;
	v12 =	vld [tilespmem:s16+$0x6300]  }
0x2f2: {  	v16 =	vld [tilespmem:s16+$0xA280];
	v7 =	vadd.f32 v7, v11  }
0x2f3: {  	v3 =	vadd.f32 v3, v10;
	v10 =	vld [tilespmem:s16+$0xA300];
	v5 =	vadd.f32 v5, v13  }
0x2f4: {  	[tilespmem:s16+$0xC480] =	vst v9;
	v7 =	vadd.f32 v14, v7  }
0x2f5: {  	v6 =	vadd.f32 v6, v15;
	v2 =	vadd.f32 v2, v5;
	[tilespmem:s16+$0xC400] =	vst v8  }
0x2f6: {  	[tilespmem:s16+$0xC200] =	vst v3;
	v3 =	vadd.f32 v4, v12  }
0x2f7: {  	v4 =	vadd.f32 v16, v6;
	[tilespmem:s16+$0xC380] =	vst v2  }
0x2f8: {  	v2 =	vadd.f32 v10, v3;
	[tilespmem:s16+$0xC500] =	vst v7  }
0x2f9: {  	[tilespmem:s16+$0xC280] =	vst v4  }
0x2fa: {  	s22 =	sor.u32 $0x380, s17;
	s17 =	smov.u32 s21;
	[tilespmem:s16+$0xC300] =	vst v2  }
0x2fb: {  	v2 =	vld [tilespmem:s22+$0x6200]  }
0x2fc: {  	v3 =	vld [tilespmem:s22+$0x8200]  }
0x2fd: {  	v4 =	vld [tilespmem:s22+$0xA200];
	_ =	sdelay $0x3  }
0x2fe: {  	s16 =	sand.u32 $0x70, s19;
	s19 =	sand.u32 $0x1C00, s15;
	v2 =	vadd.f32 v3, v2  }
0x2ff: {  	s16 =	sor.u32 s16, s19  }
0x300: {  	v2 =	vadd.f32 v4, v2;
	_ =	sdelay $0x1  }
0x301: {  	[tilespmem:s22+$0xC200] =	vst v2  }
0x302: {  	v2 =	vld [tilespmem:s16+$0xA380]  }
0x303: {  	v8 =	vld [tilespmem:s16+$0xA480]  }
0x304: {  	v14 =	vld [tilespmem:s16+$0xA400]  }
0x305: {  	v3 =	vld [tilespmem:s16+$0xA200]  }
0x306: {  	v9 =	vld [tilespmem:s16+$0x8480]  }
0x307: {  	v5 =	vld [tilespmem:s16+$0x8380]  }
0x308: {  	v10 =	vld [tilespmem:s16+$0x6480]  }
0x309: {  	v11 =	vld [tilespmem:s16+$0x6400]  }
0x30a: {  	v13 =	vld [tilespmem:s16+$0x8400]  }
0x30b: {  	v7 =	vld [tilespmem:s16+$0x8500]  }
0x30c: {  	v4 =	vld [tilespmem:s16+$0x8300]  }
.Ltmp5:
0x30d: {  	v6 =	vld [tilespmem:s16+$0x8280];
	v9 =	vadd.f32 v9, v10;
	(pc) =	sbr.rel @p0 .LBB2_12-.Ltmp5, $4  }
0x30e: {  	v10 =	vld [tilespmem:s16+$0x8200]  }
0x30f: {  	v12 =	vld [tilespmem:s16+$0x6200];
	v15 =	vadd.f32 v13, v11;
	v9 =	vadd.f32 v8, v9  }
0x310: {  	v11 =	vld [tilespmem:s16+$0x6500]  }
0x311: {  	v13 =	vld [tilespmem:s16+$0x6380];
	v8 =	vadd.f32 v14, v15  }
0x312: {  	v14 =	vld [tilespmem:s16+$0xA500]  }
0x313: {  	v15 =	vld [tilespmem:s16+$0x6280]  }
0x314: {  	v16 =	vld [tilespmem:s16+$0x6300]  }
0x315: {  	v10 =	vadd.f32 v10, v12;
	v12 =	vld [tilespmem:s16+$0xA280]  }
0x316: {  	v5 =	vadd.f32 v5, v13;
	v13 =	vld [tilespmem:s16+$0xA300]  }
0x317: {  	[tilespmem:s16+$0xC480] =	vst v9;
	v7 =	vadd.f32 v7, v11;
	v3 =	vadd.f32 v3, v10  }
0x318: {  	[tilespmem:s16+$0xC400] =	vst v8;
	v6 =	vadd.f32 v6, v15;
	v2 =	vadd.f32 v2, v5  }
0x319: {  	v5 =	vadd.f32 v14, v7;
	[tilespmem:s16+$0xC200] =	vst v3;
	v3 =	vadd.f32 v4, v16  }
0x31a: {  	v4 =	vadd.f32 v12, v6;
	[tilespmem:s16+$0xC380] =	vst v2  }
0x31b: {  	[tilespmem:s16+$0xC500] =	vst v5;
	v2 =	vadd.f32 v13, v3  }
0x31c: {  	[tilespmem:s16+$0xC280] =	vst v4  }
0x31d: {  	s15 =	sor.u32 $0x380, s17;
	[tilespmem:s16+$0xC300] =	vst v2  }
0x31e: {  	v2 =	vld [tilespmem:s15+$0x6200]  }
0x31f: {  	v3 =	vld [tilespmem:s15+$0x8200];
	_ =	sdelay $0x1  }
0x320: {  	v4 =	vld [tilespmem:s15+$0xA200];
	_ =	sdelay $0x2  }
0x321: {  	v2 =	vadd.f32 v3, v2;
	_ =	sdelay $0x1  }
0x322: {  	v2 =	vadd.f32 v4, v2;
	_ =	sdelay $0x1  }
0x323: {  	s19 =	rddreg [dreg:$0x16];
	[tilespmem:s15+$0xC200] =	vst v2;
	s15 =	simm.s32 $0x0  }
0x324: {  	[hbm4b:s19+s15] =	stream.linear.scatter [tilespmem:s2], [sflag:$0x7], $0x2000, $0x38;
	[tilespmem:$0xE200] =	vst v63  }
0x325: {  	_ =	swait.ge [sflag:s10], $0x2000  }
0x326: {  	[sflag:s10] =	ssyncset.done $0x0  }
0x327: {  	s22 =	simm.s32 $0x6100;
	s21 =	rddreg [dreg:$0xf];
	[sflag:s10] =	ssyncadd.s32 $0xFFFFE000  }
0x328: {  	[tilespmem:s22], [sflag:$0x7] =	stream.linear.gather [hbm4b:s21+s15], $0x8, $0x38;
	[tilespmem:$0xE200] =	vst v63  }
0x329: {  	_ =	swait.ge [sflag:s10], $0x8  }
0x32a: {  	s18 =	sld [smem:$0x7FD]  }
0x32b: {  	[sflag:s10] =	ssyncset.done $0x0  }
0x32c: {  	[sflag:s10] =	ssyncadd.s32 $0xFFFFFFF8  }
0x32d: {  	[tilespmem:s23], [sflag:$0x7] =	stream.linear.gather [hbm4b:s18+s15], $0x8, $0x38;
	[tilespmem:$0xE200] =	vst v63  }
0x32e: {  	_ =	swait.ge [sflag:s10], $0x8  }
0x32f: {  	[sflag:s10] =	ssyncset.done $0x0  }
0x330: {  	[sflag:s10] =	ssyncadd.s32 $0xFFFFFFF8  }
0x331: {  	v2 =	vld.msk [tilespmem:$0x6100], $0xff;
	_ =	sdelay $0x4  }
0x332: {  	v3 =	vshll.u32 v2, $0x3  }
0x333: {  	v2 =	vand.u32 $0x7, v2;
	v3 =	vand.u32 $0xFFFFFFC0, v3  }
0x334: {  	v2 =	vor.u32 v2, v3  }
0x335: {  	v2 =	vperm.xlane v2, v0;
	_ =	sdelay $0x1  }
0x336: {  	v2 =	vadd.s32 v1, v2;
	_ =	sdelay $0x4  }
0x337: {  	[tilespmem:s24], [sflag:$0x4] =	stream.indirect_vreg.gather [hbm4b:s28+s15], $0x80, v2, vm0, $0xb8;
	[tilespmem:$0xE200] =	vst v63  }
0x338: {  	_ = 	snop  }
0x339: {  	[tilespmem:s25], [sflag:$0x4] =	stream.indirect_vreg.gather [hbm4b:s29+s15], $0x80, v2, vm0, $0xb8;
	[tilespmem:$0xE200] =	vst v63  }
0x33a: {  	_ = 	snop  }
0x33b: {  	[tilespmem:s26], [sflag:$0x4] =	stream.indirect_vreg.gather [hbm4b:s30+s15], $0x80, v2, vm0, $0xb8;
	[tilespmem:$0xE200] =	vst v63  }
0x33c: {  	_ = 	snop  }
0x33d: {  	[tilespmem:s20], [sflag:$0x4] =	stream.indirect_vreg.gather [hbm4b:s31+s15], $0x80, v2, vm0, $0xb8;
	[tilespmem:$0xE200] =	vst v63  }
0x33e: {  	v2 =	vld.msk [tilespmem:$0x6180], $0xff;
	_ =	sdelay $0x4  }
0x33f: {  	v3 =	vshll.u32 v2, $0x3  }
0x340: {  	v2 =	vand.u32 $0x7, v2;
	v3 =	vand.u32 $0xFFFFFFC0, v3  }
0x341: {  	v2 =	vor.u32 v2, v3  }
0x342: {  	v2 =	vperm.xlane v2, v0;
	_ =	sdelay $0x1  }
0x343: {  	v2 =	vadd.s32 v1, v2;
	_ =	sdelay $0x4  }
0x344: {  	[tilespmem:s0], [sflag:$0x5] =	stream.indirect_vreg.gather [hbm4b:s28+s15], $0x80, v2, vm0, $0xb8;
	[tilespmem:$0xE200] =	vst v63  }
0x345: {  	_ = 	snop  }
0x346: {  	[tilespmem:s3], [sflag:$0x5] =	stream.indirect_vreg.gather [hbm4b:s29+s15], $0x80, v2, vm0, $0xb8;
	[tilespmem:$0xE200] =	vst v63  }
0x347: {  	_ = 	snop  }
0x348: {  	[tilespmem:s4], [sflag:$0x5] =	stream.indirect_vreg.gather [hbm4b:s30+s15], $0x80, v2, vm0, $0xb8;
	[tilespmem:$0xE200] =	vst v63  }
0x349: {  	_ = 	snop  }
0x34a: {  	[tilespmem:s5], [sflag:$0x5] =	stream.indirect_vreg.gather [hbm4b:s31+s15], $0x80, v2, vm0, $0xb8;
	[tilespmem:$0xE200] =	vst v63  }
0x34b: {  	s19 =	rddreg [dreg:$0x18]  }
0x34c: {  	[tilespmem:s6], [sflag:$0x6] =	stream.linear.gather [hbm4b:s19+s15], $0x2000, $0x38;
	[tilespmem:$0xE200] =	vst v63  }
0x34d: {  	_ =	swait.ge [sflag:s7], $0x2000  }
0x34e: {  	[sflag:s7] =	ssyncset.done $0x0  }
0x34f: {  	[sflag:s7] =	ssyncadd.s32 $0xFFFFE000  }
0x350: {  	_ =	swait.ge [sflag:s8], $0x2000  }
0x351: {  	[sflag:s8] =	ssyncset.done $0x0  }
0x352: {  	[sflag:s8] =	ssyncadd.s32 $0xFFFFE000  }
0x353: {  	_ =	swait.ge [sflag:s9], $0x2000  }
0x354: {  	s21 =	sand.u32 $0x70, s15;
	s22 =	sand.u32 $0x1C00, s15;
	[sflag:s9] =	ssyncset.done $0x0  }
0x355: {  	s16 =	sor.u32 s21, s22;
	[sflag:s9] =	ssyncadd.s32 $0xFFFFE000  }
0x356: {  	v2 =	vld [tilespmem:s16+$0x4280]  }
0x357: {  	v8 =	vld [tilespmem:s16+$0x4380]  }
0x358: {  	v14 =	vld [tilespmem:s16+$0x4300]  }
0x359: {  	v3 =	vld [tilespmem:s16+$0x4100]  }
0x35a: {  	v9 =	vld [tilespmem:s16+$0x2380]  }
0x35b: {  	v5 =	vld [tilespmem:s16+$0x2280]  }
0x35c: {  	v11 =	vld [tilespmem:s16+$0x380]  }
0x35d: {  	v13 =	vld [tilespmem:s16+$0x300]  }
0x35e: {  	v15 =	vld [tilespmem:s16+$0x2300]  }
0x35f: {  	v7 =	vld [tilespmem:s16+$0x2400]  }
0x360: {  	v4 =	vld [tilespmem:s16+$0x2200]  }
0x361: {  	v6 =	vld [tilespmem:s16+$0x2180]  }
0x362: {  	v10 =	vld [tilespmem:s16+$0x2100]  }
0x363: {  	v12 =	vld [tilespmem:s16+$0x100];
	v9 =	vadd.f32 v9, v11;
	v15 =	vadd.f32 v15, v13  }
0x364: {  	v11 =	vld [tilespmem:s16+$0x400]  }
0x365: {  	s17 =	sor.u32 s15, s15;
	s18 =	simm.s32 $0x10;
	v13 =	vld [tilespmem:s16+$0x280];
	v9 =	vadd.f32 v8, v9;
	v8 =	vadd.f32 v14, v15  }
.LBB2_14:
0x366: {  	p0 =	sne.s32 s18, $0x3F0  }
0x367: {  	v14 =	vld [tilespmem:s16+$0x4400];
	s15 =	sadd.s32 $0x80, s15;
	s19 =	smov.u32 s18;
	s18 =	sadd.s32 $0x10, s18  }
0x368: {  	s21 =	sor.u32 s15, s19;
	v15 =	vld [tilespmem:s16+$0x180]  }
0x369: {  	v10 =	vadd.f32 v10, v12;
	v12 =	vld [tilespmem:s16+$0x200]  }
0x36a: {  	v16 =	vld [tilespmem:s16+$0x4180];
	v7 =	vadd.f32 v7, v11  }
0x36b: {  	v3 =	vadd.f32 v3, v10;
	v10 =	vld [tilespmem:s16+$0x4200];
	v5 =	vadd.f32 v5, v13  }
0x36c: {  	[tilespmem:s16+$0xC480] =	vst v9;
	v7 =	vadd.f32 v14, v7  }
0x36d: {  	v6 =	vadd.f32 v6, v15;
	v2 =	vadd.f32 v2, v5;
	[tilespmem:s16+$0xC400] =	vst v8  }
0x36e: {  	[tilespmem:s16+$0xC200] =	vst v3;
	v3 =	vadd.f32 v4, v12  }
0x36f: {  	v4 =	vadd.f32 v16, v6;
	[tilespmem:s16+$0xC380] =	vst v2  }
0x370: {  	v2 =	vadd.f32 v10, v3;
	[tilespmem:s16+$0xC500] =	vst v7  }
0x371: {  	[tilespmem:s16+$0xC280] =	vst v4  }
0x372: {  	s22 =	sor.u32 $0x380, s17;
	s17 =	smov.u32 s21;
	[tilespmem:s16+$0xC300] =	vst v2  }
0x373: {  	v2 =	vld [tilespmem:s22+$0x100]  }
0x374: {  	v3 =	vld [tilespmem:s22+$0x2100]  }
0x375: {  	v4 =	vld [tilespmem:s22+$0x4100];
	_ =	sdelay $0x3  }
0x376: {  	s16 =	sand.u32 $0x70, s19;
	s19 =	sand.u32 $0x1C00, s15;
	v2 =	vadd.f32 v3, v2  }
0x377: {  	s16 =	sor.u32 s16, s19  }
0x378: {  	v2 =	vadd.f32 v4, v2;
	_ =	sdelay $0x1  }
0x379: {  	[tilespmem:s22+$0xC200] =	vst v2  }
0x37a: {  	v2 =	vld [tilespmem:s16+$0x4280]  }
0x37b: {  	v8 =	vld [tilespmem:s16+$0x4380]  }
0x37c: {  	v14 =	vld [tilespmem:s16+$0x4300]  }
0x37d: {  	v3 =	vld [tilespmem:s16+$0x4100]  }
0x37e: {  	v9 =	vld [tilespmem:s16+$0x2380]  }
0x37f: {  	v5 =	vld [tilespmem:s16+$0x2280]  }
0x380: {  	v10 =	vld [tilespmem:s16+$0x380]  }
0x381: {  	v11 =	vld [tilespmem:s16+$0x300]  }
0x382: {  	v13 =	vld [tilespmem:s16+$0x2300]  }
0x383: {  	v7 =	vld [tilespmem:s16+$0x2400]  }
0x384: {  	v4 =	vld [tilespmem:s16+$0x2200]  }
.Ltmp6:
0x385: {  	v6 =	vld [tilespmem:s16+$0x2180];
	v9 =	vadd.f32 v9, v10;
	(pc) =	sbr.rel @p0 .LBB2_14-.Ltmp6, $4  }
0x386: {  	v10 =	vld [tilespmem:s16+$0x2100]  }
0x387: {  	v12 =	vld [tilespmem:s16+$0x100];
	v15 =	vadd.f32 v13, v11;
	v9 =	vadd.f32 v8, v9  }
0x388: {  	v11 =	vld [tilespmem:s16+$0x400]  }
0x389: {  	v13 =	vld [tilespmem:s16+$0x280];
	v8 =	vadd.f32 v14, v15  }
0x38a: {  	v14 =	vld [tilespmem:s16+$0x4400]  }
0x38b: {  	v15 =	vld [tilespmem:s16+$0x180]  }
0x38c: {  	v16 =	vld [tilespmem:s16+$0x200]  }
0x38d: {  	v10 =	vadd.f32 v10, v12;
	v12 =	vld [tilespmem:s16+$0x4180]  }
0x38e: {  	v5 =	vadd.f32 v5, v13;
	v13 =	vld [tilespmem:s16+$0x4200]  }
0x38f: {  	[tilespmem:s16+$0xC480] =	vst v9;
	v7 =	vadd.f32 v7, v11;
	v3 =	vadd.f32 v3, v10  }
0x390: {  	[tilespmem:s16+$0xC400] =	vst v8;
	v6 =	vadd.f32 v6, v15;
	v2 =	vadd.f32 v2, v5  }
0x391: {  	v5 =	vadd.f32 v14, v7;
	[tilespmem:s16+$0xC200] =	vst v3;
	v3 =	vadd.f32 v4, v16  }
0x392: {  	v4 =	vadd.f32 v12, v6;
	[tilespmem:s16+$0xC380] =	vst v2  }
0x393: {  	[tilespmem:s16+$0xC500] =	vst v5;
	v2 =	vadd.f32 v13, v3  }
0x394: {  	[tilespmem:s16+$0xC280] =	vst v4  }
0x395: {  	s15 =	sor.u32 $0x380, s17;
	[tilespmem:s16+$0xC300] =	vst v2  }
0x396: {  	v2 =	vld [tilespmem:s15+$0x100]  }
0x397: {  	v3 =	vld [tilespmem:s15+$0x2100];
	_ =	sdelay $0x1  }
0x398: {  	v4 =	vld [tilespmem:s15+$0x4100];
	_ =	sdelay $0x2  }
0x399: {  	v2 =	vadd.f32 v3, v2;
	_ =	sdelay $0x1  }
0x39a: {  	v2 =	vadd.f32 v4, v2;
	_ =	sdelay $0x1  }
0x39b: {  	s19 =	rddreg [dreg:$0x19];
	[tilespmem:s15+$0xC200] =	vst v2;
	s15 =	simm.s32 $0x0  }
0x39c: {  	[hbm4b:s19+s15] =	stream.linear.scatter [tilespmem:s2], [sflag:$0x7], $0x2000, $0x38;
	[tilespmem:$0xE200] =	vst v63  }
0x39d: {  	_ =	swait.ge [sflag:s10], $0x2000  }
0x39e: {  	[sflag:s10] =	ssyncset.done $0x0  }
0x39f: {  	[sflag:s10] =	ssyncadd.s32 $0xFFFFE000  }
0x3a0: {  	_ =	swait.ge [sflag:s11], $0x2000  }
0x3a1: {  	[sflag:s11] =	ssyncset.done $0x0  }
0x3a2: {  	[sflag:s11] =	ssyncadd.s32 $0xFFFFE000  }
0x3a3: {  	_ =	swait.ge [sflag:s12], $0x2000  }
0x3a4: {  	[sflag:s12] =	ssyncset.done $0x0  }
0x3a5: {  	[sflag:s12] =	ssyncadd.s32 $0xFFFFE000  }
0x3a6: {  	_ =	swait.ge [sflag:s13], $0x2000  }
0x3a7: {  	s21 =	sand.u32 $0x70, s15;
	s22 =	sand.u32 $0x1C00, s15;
	[sflag:s13] =	ssyncset.done $0x0  }
0x3a8: {  	s16 =	sor.u32 s21, s22;
	[sflag:s13] =	ssyncadd.s32 $0xFFFFE000  }
0x3a9: {  	v2 =	vld [tilespmem:s16+$0xA380]  }
0x3aa: {  	v8 =	vld [tilespmem:s16+$0xA480]  }
0x3ab: {  	v14 =	vld [tilespmem:s16+$0xA400]  }
0x3ac: {  	v3 =	vld [tilespmem:s16+$0xA200]  }
0x3ad: {  	v9 =	vld [tilespmem:s16+$0x8480]  }
0x3ae: {  	v5 =	vld [tilespmem:s16+$0x8380]  }
0x3af: {  	v11 =	vld [tilespmem:s16+$0x6480]  }
0x3b0: {  	v13 =	vld [tilespmem:s16+$0x6400]  }
0x3b1: {  	v15 =	vld [tilespmem:s16+$0x8400]  }
0x3b2: {  	v7 =	vld [tilespmem:s16+$0x8500]  }
0x3b3: {  	v4 =	vld [tilespmem:s16+$0x8300]  }
0x3b4: {  	v6 =	vld [tilespmem:s16+$0x8280]  }
0x3b5: {  	v10 =	vld [tilespmem:s16+$0x8200]  }
0x3b6: {  	v12 =	vld [tilespmem:s16+$0x6200];
	v9 =	vadd.f32 v9, v11;
	v15 =	vadd.f32 v15, v13  }
0x3b7: {  	v11 =	vld [tilespmem:s16+$0x6500]  }
0x3b8: {  	s18 =	simm.s32 $0x10;
	s17 =	sor.u32 s15, s15;
	v13 =	vld [tilespmem:s16+$0x6380];
	v9 =	vadd.f32 v8, v9;
	v8 =	vadd.f32 v14, v15  }
.LBB2_16:
0x3b9: {  	p0 =	sne.s32 s18, $0x3F0  }
0x3ba: {  	v14 =	vld [tilespmem:s16+$0xA500];
	s15 =	sadd.s32 $0x80, s15;
	s19 =	smov.u32 s18;
	s18 =	sadd.s32 $0x10, s18  }
0x3bb: {  	s21 =	sor.u32 s15, s19;
	v15 =	vld [tilespmem:s16+$0x6280]  }
0x3bc: {  	v10 =	vadd.f32 v10, v12;
	v12 =	vld [tilespmem:s16+$0x6300]  }
0x3bd: {  	v16 =	vld [tilespmem:s16+$0xA280];
	v7 =	vadd.f32 v7, v11  }
0x3be: {  	v3 =	vadd.f32 v3, v10;
	v10 =	vld [tilespmem:s16+$0xA300];
	v5 =	vadd.f32 v5, v13  }
0x3bf: {  	[tilespmem:s16+$0xC480] =	vst v9;
	v7 =	vadd.f32 v14, v7  }
0x3c0: {  	v6 =	vadd.f32 v6, v15;
	v2 =	vadd.f32 v2, v5;
	[tilespmem:s16+$0xC400] =	vst v8  }
0x3c1: {  	[tilespmem:s16+$0xC200] =	vst v3;
	v3 =	vadd.f32 v4, v12  }
0x3c2: {  	v4 =	vadd.f32 v16, v6;
	[tilespmem:s16+$0xC380] =	vst v2  }
0x3c3: {  	v2 =	vadd.f32 v10, v3;
	[tilespmem:s16+$0xC500] =	vst v7  }
0x3c4: {  	[tilespmem:s16+$0xC280] =	vst v4  }
0x3c5: {  	s22 =	sor.u32 $0x380, s17;
	s17 =	smov.u32 s21;
	[tilespmem:s16+$0xC300] =	vst v2  }
0x3c6: {  	v2 =	vld [tilespmem:s22+$0x6200]  }
0x3c7: {  	v3 =	vld [tilespmem:s22+$0x8200]  }
0x3c8: {  	v4 =	vld [tilespmem:s22+$0xA200];
	_ =	sdelay $0x3  }
0x3c9: {  	s16 =	sand.u32 $0x70, s19;
	s19 =	sand.u32 $0x1C00, s15;
	v2 =	vadd.f32 v3, v2  }
0x3ca: {  	s16 =	sor.u32 s16, s19  }
0x3cb: {  	v2 =	vadd.f32 v4, v2;
	_ =	sdelay $0x1  }
0x3cc: {  	[tilespmem:s22+$0xC200] =	vst v2  }
0x3cd: {  	v2 =	vld [tilespmem:s16+$0xA380]  }
0x3ce: {  	v8 =	vld [tilespmem:s16+$0xA480]  }
0x3cf: {  	v14 =	vld [tilespmem:s16+$0xA400]  }
0x3d0: {  	v3 =	vld [tilespmem:s16+$0xA200]  }
0x3d1: {  	v9 =	vld [tilespmem:s16+$0x8480]  }
0x3d2: {  	v5 =	vld [tilespmem:s16+$0x8380]  }
0x3d3: {  	v10 =	vld [tilespmem:s16+$0x6480]  }
0x3d4: {  	v11 =	vld [tilespmem:s16+$0x6400]  }
0x3d5: {  	v13 =	vld [tilespmem:s16+$0x8400]  }
0x3d6: {  	v7 =	vld [tilespmem:s16+$0x8500]  }
0x3d7: {  	v4 =	vld [tilespmem:s16+$0x8300]  }
.Ltmp7:
0x3d8: {  	v6 =	vld [tilespmem:s16+$0x8280];
	v9 =	vadd.f32 v9, v10;
	(pc) =	sbr.rel @p0 .LBB2_16-.Ltmp7, $4  }
0x3d9: {  	v10 =	vld [tilespmem:s16+$0x8200]  }
0x3da: {  	v12 =	vld [tilespmem:s16+$0x6200];
	v15 =	vadd.f32 v13, v11;
	v9 =	vadd.f32 v8, v9  }
0x3db: {  	v11 =	vld [tilespmem:s16+$0x6500]  }
0x3dc: {  	v13 =	vld [tilespmem:s16+$0x6380];
	v8 =	vadd.f32 v14, v15  }
0x3dd: {  	v14 =	vld [tilespmem:s16+$0xA500]  }
0x3de: {  	v15 =	vld [tilespmem:s16+$0x6280]  }
0x3df: {  	v16 =	vld [tilespmem:s16+$0x6300]  }
0x3e0: {  	v60 =	vld [tilespmem:s16+$0xA280];
	v10 =	vadd.f32 v10, v12  }
0x3e1: {  	v61 =	vld [tilespmem:s16+$0xA300];
	v7 =	vadd.f32 v7, v11  }
0x3e2: {  	[tilespmem:s16+$0xC480] =	vst v9;
	v5 =	vadd.f32 v5, v13;
	v3 =	vadd.f32 v3, v10  }
0x3e3: {  	[tilespmem:s16+$0xC400] =	vst v8;
	v6 =	vadd.f32 v6, v15;
	v62 =	vadd.f32 v14, v7  }
0x3e4: {  	v2 =	vadd.f32 v2, v5;
	[tilespmem:s16+$0xC200] =	vst v3;
	v3 =	vadd.f32 v4, v16  }
0x3e5: {  	v63 =	vadd.f32 v60, v6;
	[tilespmem:s16+$0xC500] =	vst v62  }
0x3e6: {  	[tilespmem:s16+$0xC380] =	vst v2;
	v2 =	vadd.f32 v61, v3  }
0x3e7: {  	[tilespmem:s16+$0xC280] =	vst v63  }
0x3e8: {  	s15 =	sor.u32 $0x380, s17;
	[tilespmem:s16+$0xC300] =	vst v2  }
0x3e9: {  	v2 =	vld [tilespmem:s15+$0x6200]  }
0x3ea: {  	v3 =	vld [tilespmem:s15+$0x8200];
	_ =	sdelay $0x1  }
0x3eb: {  	v4 =	vld [tilespmem:s15+$0xA200];
	_ =	sdelay $0x2  }
0x3ec: {  	v2 =	vadd.f32 v3, v2;
	_ =	sdelay $0x1  }
0x3ed: {  	v2 =	vadd.f32 v4, v2;
	_ =	sdelay $0x1  }
0x3ee: {  	s21 =	rddreg [dreg:$0x1a];
	[tilespmem:s15+$0xC200] =	vst v2  }
0x3ef: {  	[hbm4b:s21+s1] =	stream.linear.scatter [tilespmem:s2], [sflag:$0x7], $0x2000, $0x38;
	[tilespmem:$0xE200] =	vst v63  }
0x3f0: {  	_ =	swait.ge [sflag:s10], $0x2000  }
0x3f1: {  	s14 =	sadd.s32 $0x1, s14;
	s22 =	rddreg [dreg:$0x1b]  }
0x3f2: {  	p0 =	sne.s32 s14, s22  }
.Ltmp8:
0x3f3: {  	_ = 	snop;
	(pc) =	sbr.rel @p0 .LBB2_1-.Ltmp8, $3  }
0x3f4: {  	_ =	sdelay $0x1  }
0x3f5: {  	[sflag:s10] =	ssyncset.done $0x0  }
0x3f6: {  	[sflag:s10] =	ssyncadd.s32 $0xFFFFE000  }
0x3f7: {  	_ =	sfence.sel $0x180000  }
0x3f8: {  	[bflag:$0x0] =	sbarrier.arrive $0xFFFF  }
0x3f9: {  	_ =	strace $0x9000004A  }
0x3fa: {  	s0 =	stileid.u32;
	[bflag:$0x2] =	sbarrier.arrive $0xFFFF  }
0x3fb: {  	p0 =	sne.s32 s0, $0x0;
	s0 =	rddreg [dreg:$0x2]  }
0x3fc: {  	s0 =	sadd.s32 @!p0 $0x100000, s0  }
0x3fd: {  	[sflag:s0] =	ssyncadd.tile.s32 @!p0 $0x1;
	_ =	shalt  }
.Lfunc_end2:
_tile_overlayer_lowered:
.L_overlay_start_2:
0x3fe: {  	(tag) =	ssettag $0x2  }
0x3ff: {  	s0 =	rddreg [dreg:$0x0];
	s2 =	stileid.u32  }
0x400: {  	s1 =	rddreg [dreg:$0x1];
	p0 =	sne.s32 s2, $0x0  }
0x401: {  	s3 =	rddreg [dreg:$0x2];
	[bflag:$0x3] =	sbarrier.arrive $0xFFFF;
	s2 =	simm.s32 @!p0 $0x1C07  }
0x402: {  	[timem:s3], [sflag:s2] =	dma.local @!p0 [hbm:s0], s1  }
0x403: {  	s0 =	simm.s32 @!p0 $0x7  }
0x404: {  	_ =	swait.ge @!p0 [sflag:s0], s1  }
0x405: {  	s1 =	ssub.s32 @!p0 $0x0, s1;
	[sflag:s0] =	ssyncset.done @!p0 $0x0  }
0x406: {  	[sflag:s0] =	ssyncadd.s32 @!p0 s1  }
0x407: {  	[bflag:$0x3] =	sbarrier.arrive $0xFFFF  }
0x408: {  	_ =	shalt  }

</sc_bundles>
